<compile_context>
chip_gen: v7x
topology: tpu7x:2x2x1
jax: 0.10.2.dev20260603
libtpu: 0.0.44.dev20260713+nightly
codegen_flags: <defaults>
</compile_context>

<pallas_src>
import functools

import jax
import jax.numpy as jnp
from jax import lax
from jax.experimental import pallas as pl
from jax.experimental.pallas import tpu as pltpu
from jax.experimental.pallas import tpu_sc as plsc

_NC = 2
_NS = 16
_NW = _NC * _NS
_CHUNK = 125
_NBUF = 8


def _init_acc(init, acc, base, rpt):
  off = 0
  while off < rpt:
    sz = min(128, rpt - off)
    pltpu.sync_copy(init.at[pl.ds(0, sz)], acc.at[pl.ds(base + off, sz)])
    off += sz


def _ring_loop(gtab, srcv, dstv, rows, acc, gsem, ssem, cpw):
  for b in range(_NBUF):
    pltpu.async_copy(gtab.at[srcv.at[b]], rows.at[b], gsem[b])

  def round_body(i, carry):
    j0 = i * _NBUF
    for b in range(_NBUF):
      j = j0 + b
      pltpu.make_async_copy(gtab.at[srcv.at[j]], rows.at[b],
                            gsem[b]).wait()
      pltpu.async_copy(rows.at[b], acc.at[dstv.at[j]], ssem[b], add=True)
    for b in range(_NBUF):
      j = j0 + b
      pltpu.make_async_copy(rows.at[b], acc.at[dstv.at[j]],
                            ssem[b]).wait()

      @pl.when(j + _NBUF < cpw)
      def _():
        pltpu.async_copy(gtab.at[srcv.at[j + _NBUF]], rows.at[b],
                         gsem[b])

    return carry

  lax.fori_loop(0, cpw // _NBUF, round_body, 0)


def _edge_pass(npad, d, cpw, gather, ntab=0):
  rpt = npad // _NS
  assert cpw % _NBUF == 0 and (not gather or ntab % _NS == 0)
  tpr = ntab // _NS if gather else 0
  mesh = plsc.VectorSubcoreMesh(core_axis_name="c", subcore_axis_name="s")

  @functools.partial(
      pl.kernel,
      out_type=jax.ShapeDtypeStruct((_NC, npad, d), jnp.float32),
      mesh=mesh,
      compiler_params=pltpu.CompilerParams(use_tc_tiling_on_sc=False),
      scratch_types=[
          pltpu.VMEM((cpw, _CHUNK), jnp.int32),
          pltpu.VMEM((cpw, _CHUNK), jnp.int32),
          pltpu.VMEM((_NBUF, _CHUNK, d), jnp.float32),
          pltpu.VMEM_SHARED((npad, d), jnp.float32),
          pltpu.VMEM_SHARED((max(ntab, _NS), d), jnp.float32),
      ] + [pltpu.SemaphoreType.DMA] * (2 * _NBUF),
  )
  def k(table, srcs, dsts, init, out, srcv, dstv, rows, acc, gtab, *sems):
    gsem = sems[:_NBUF]
    ssem = sems[_NBUF:]
    cid = lax.axis_index("c")
    sid = lax.axis_index("s")
    wid = sid * _NC + cid
    if gather:
      pltpu.sync_copy(srcs.at[wid], srcv)
      pltpu.sync_copy(table.at[pl.ds(sid * tpr, tpr)],
                      gtab.at[pl.ds(sid * tpr, tpr)])
    else:
      pltpu.sync_copy(table.at[pl.ds(0, _CHUNK)], rows.at[0])
    pltpu.sync_copy(dsts.at[wid], dstv)
    _init_acc(init, acc, sid * rpt, rpt)
    plsc.subcore_barrier()

    if gather:
      _ring_loop(gtab, srcv, dstv, rows, acc, gsem, ssem, cpw)
    else:
      def round_body(i, carry):
        j0 = i * _NBUF
        for b in range(_NBUF):
          @pl.when(i > 0)
          def _():
            pltpu.make_async_copy(rows.at[0], acc.at[dstv.at[0]],
                                  ssem[b]).wait()
          pltpu.async_copy(rows.at[0], acc.at[dstv.at[j0 + b]], ssem[b],
                           add=True)
        return carry

      lax.fori_loop(0, cpw // _NBUF, round_body, 0)
      for b in range(_NBUF):
        pltpu.make_async_copy(rows.at[0], acc.at[dstv.at[0]],
                              ssem[b]).wait()

    plsc.subcore_barrier()
    pltpu.sync_copy(acc.at[pl.ds(sid * rpt, rpt)],
                    out.at[cid, pl.ds(sid * rpt, rpt)])

  return k


def _edge_pass_split(npad, dhalf, cpw, ntab):
  rpt = npad // _NS
  assert cpw % _NBUF == 0 and ntab % _NS == 0
  tpr = ntab // _NS
  mesh = plsc.VectorSubcoreMesh(core_axis_name="c", subcore_axis_name="s")

  @functools.partial(
      pl.kernel,
      out_type=jax.ShapeDtypeStruct((_NC, npad, dhalf), jnp.float32),
      mesh=mesh,
      compiler_params=pltpu.CompilerParams(use_tc_tiling_on_sc=False),
      scratch_types=[
          pltpu.VMEM((cpw, _CHUNK), jnp.int32),
          pltpu.VMEM((cpw, _CHUNK), jnp.int32),
          pltpu.VMEM((_NBUF, _CHUNK, dhalf), jnp.float32),
          pltpu.VMEM_SHARED((npad, dhalf), jnp.float32),
          pltpu.VMEM_SHARED((ntab, dhalf), jnp.float32),
      ] + [pltpu.SemaphoreType.DMA] * (2 * _NBUF),
  )
  def k(tab0, tab1, srcs, dsts, init, out, srcv, dstv, rows, acc, gtab,
        *sems):
    gsem = sems[:_NBUF]
    ssem = sems[_NBUF:]
    cid = lax.axis_index("c")
    sid = lax.axis_index("s")
    pltpu.sync_copy(srcs.at[sid], srcv)
    pltpu.sync_copy(dsts.at[sid], dstv)
    sl = pl.ds(sid * tpr, tpr)

    @pl.when(cid == 0)
    def _():
      pltpu.sync_copy(tab0.at[sl], gtab.at[sl])

    @pl.when(cid == 1)
    def _():
      pltpu.sync_copy(tab1.at[sl], gtab.at[sl])

    _init_acc(init, acc, sid * rpt, rpt)
    plsc.subcore_barrier()
    _ring_loop(gtab, srcv, dstv, rows, acc, gsem, ssem, cpw)
    plsc.subcore_barrier()
    pltpu.sync_copy(acc.at[pl.ds(sid * rpt, rpt)],
                    out.at[cid, pl.ds(sid * rpt, rpt)])

  return k


def _ka_body(x_ref, w_ref, dp_ref, ga_ref, gb_ref, di_ref):
  deg = dp_ref[0, :, 0:1] + dp_ref[1, :, 0:1] + 1.0
  dinv = lax.rsqrt(deg)
  di_ref[...] = dinv
  h = jnp.dot(x_ref[...], w_ref[...], preferred_element_type=jnp.float32)
  g = h * dinv
  half = g.shape[1] // 2
  ga_ref[...] = g[:, :half]
  gb_ref[...] = g[:, half:]


def _kb_body(p_ref, ga_ref, gb_ref, di_ref, b1_ref, w2_ref, s_ref, g2_ref):
  di = di_ref[...]
  conv = jnp.concatenate([p_ref[0] + ga_ref[...], p_ref[1] + gb_ref[...]],
                         axis=1)
  pre = di * conv + b1_ref[...]
  h2 = jnp.maximum(pre, 0.0) * s_ref[...]
  g2_ref[...] = di * jnp.dot(h2, w2_ref[...],
                             preferred_element_type=jnp.float32)


def _kc_body(p_ref, g2_ref, di_ref, b2_ref, o_ref):
  o = di_ref[...] * (p_ref[0] + p_ref[1] + g2_ref[...]) + b2_ref[...]
  m = jnp.max(o, axis=1, keepdims=True)
  lse = jnp.log(jnp.sum(jnp.exp(o - m), axis=1, keepdims=True)) + m
  o_ref[...] = o - lse


def kernel(x, edge_index, idx, W1, b1, W2, b2):
  n, d_in = x.shape
  dh = W1.shape[1]
  dc = W2.shape[1]
  e = edge_index.shape[1]

  npad = n
  assert e % (_NW * _CHUNK) == 0
  cpw = e // (_NW * _CHUNK)
  cps = _NC * cpw

  src32 = edge_index[0].reshape(_NW, cpw, _CHUNK)
  dst32 = edge_index[1].reshape(_NW, cpw, _CHUNK)
  src16 = edge_index[0].reshape(_NS, cps, _CHUNK)
  dst16 = edge_index[1].reshape(_NS, cps, _CHUNK)

  ones8 = jnp.ones((_CHUNK, 8), jnp.float32)
  zeros8 = jnp.zeros((_CHUNK, 8), jnp.float32)
  degp = _edge_pass(npad, 8, cpw, gather=False)(ones8, dst32, dst32, zeros8)

  bm = 2000
  grid = (n // bm,)
  half = dh // 2
  g1a, g1b, dinv = pl.pallas_call(
      _ka_body,
      grid=grid,
      in_specs=[
          pl.BlockSpec((bm, d_in), lambda i: (i, 0)),
          pl.BlockSpec((d_in, dh), lambda i: (0, 0)),
          pl.BlockSpec((2, bm, 8), lambda i: (0, i, 0)),
      ],
      out_specs=[
          pl.BlockSpec((bm, half), lambda i: (i, 0)),
          pl.BlockSpec((bm, half), lambda i: (i, 0)),
          pl.BlockSpec((bm, 1), lambda i: (i, 0)),
      ],
      out_shape=[
          jax.ShapeDtypeStruct((n, half), jnp.float32),
          jax.ShapeDtypeStruct((n, half), jnp.float32),
          jax.ShapeDtypeStruct((n, 1), jnp.float32),
      ],
  )(x, W1, degp)

  acc1 = _edge_pass_split(npad, half, cps, ntab=n)(
      g1a, g1b, src16, dst16, jnp.zeros((_CHUNK, half), jnp.float32))

  s = jnp.where(idx == 0, 1.0, -1.0).astype(jnp.float32).reshape(1, 1)
  g2 = pl.pallas_call(
      _kb_body,
      grid=grid,
      in_specs=[
          pl.BlockSpec((2, bm, half), lambda i: (0, i, 0)),
          pl.BlockSpec((bm, half), lambda i: (i, 0)),
          pl.BlockSpec((bm, half), lambda i: (i, 0)),
          pl.BlockSpec((bm, 1), lambda i: (i, 0)),
          pl.BlockSpec((1, dh), lambda i: (0, 0)),
          pl.BlockSpec((dh, dc), lambda i: (0, 0)),
          pl.BlockSpec((1, 1), lambda i: (0, 0)),
      ],
      out_specs=pl.BlockSpec((bm, dc), lambda i: (i, 0)),
      out_shape=jax.ShapeDtypeStruct((n, dc), jnp.float32),
  )(acc1, g1a, g1b, dinv, b1.reshape(1, dh), W2, s)

  acc2 = _edge_pass(npad, dc, cpw, gather=True, ntab=n)(
      g2, src32, dst32, jnp.zeros((_CHUNK, dc), jnp.float32))

  out = pl.pallas_call(
      _kc_body,
      grid=grid,
      in_specs=[
          pl.BlockSpec((2, bm, dc), lambda i: (0, i, 0)),
          pl.BlockSpec((bm, dc), lambda i: (i, 0)),
          pl.BlockSpec((bm, 1), lambda i: (i, 0)),
          pl.BlockSpec((1, dc), lambda i: (0, 0)),
      ],
      out_specs=pl.BlockSpec((bm, dc), lambda i: (i, 0)),
      out_shape=jax.ShapeDtypeStruct((n, dc), jnp.float32),
  )(acc2, g2, dinv, b2.reshape(1, dc))

  return out

# --- scband reference (transcript-rebuilt; emitter-appended) ---
"""Pipeline reference for scband-net-31078383354359 (READ-ONLY COPY).

The authoritative reference and input builder live on the scoring server;
editing this copy changes nothing except your own understanding.
"""

import jax, jax.numpy as jnp
import numpy as np

N = 10000
E = 320000
D_IN = 129
D_HID = 64
N_CLASSES = 16


def gcn_conv(x, edge_index, W, b):
    n = x.shape[0]
    loops = jnp.arange(n, dtype=edge_index.dtype)
    src = jnp.concatenate([edge_index[0], loops])
    dst = jnp.concatenate([edge_index[1], loops])
    deg = jax.ops.segment_sum(jnp.ones_like(src, dtype=jnp.float32), dst, num_segments=n)
    dinv = jnp.where(deg > 0, 1.0 / jnp.sqrt(deg), 0.0)
    norm = dinv[src] * dinv[dst]
    h = x @ W
    msg = h[src] * norm[:, None]
    out = jax.ops.segment_sum(msg, dst, num_segments=n)
    return out + b


def setup_inputs(seed: int = 0):
    key = jax.random.key(seed)
    k1, k2, k3, k4 = jax.random.split(key, 4)
    x = jax.random.normal(k1, (N, D_IN), dtype=jnp.float32)
    edge_index = jax.random.randint(k2, (2, E), 0, N, dtype=jnp.int32)
    W1 = jax.random.normal(k3, (D_IN, D_HID), dtype=jnp.float32) * (1.0 / np.sqrt(D_IN))
    b1 = jnp.zeros((D_HID,), dtype=jnp.float32)
    W2 = jax.random.normal(k4, (D_HID, N_CLASSES), dtype=jnp.float32) * (1.0 / np.sqrt(D_HID))
    b2 = jnp.zeros((N_CLASSES,), dtype=jnp.float32)
    return {"x": x, "edge_index": edge_index, "idx": 0, "W1": W1, "b1": b1, "W2": W2, "b2": b2}


def reference(x, edge_index, idx, W1, b1, W2, b2):
    # idx=0 and initial k_value=0 => no weight-mutation branch is taken in the torch code.
    h = jax.nn.relu(gcn_conv(x, edge_index, W1, b1))
    # F.dropout(p=0.7, training=self.training) is identity in eval mode.
    h_in = jnp.where(idx == 0, h, -h)
    out = gcn_conv(h_in, edge_index, W2, b2)
    return jax.nn.log_softmax(out, axis=1)

if __name__ == "__main__":
    import jax
    _d = setup_inputs()
    print(jax.jit(kernel)(*tuple(_d.values())))

</pallas_src>

<mosaic_0001>
#map = affine_map<(d0, d1) -> (0, 0)>
#map1 = affine_map<(d0, d1) -> (0, 0, 0)>
module attributes {stable_mosaic.version = 14 : i64} {
  func.func @k(%arg0: i32, %arg1: i32, %arg2: memref<125x8xf32, #tpu.memory_space<hbm>>, %arg3: memref<32x80x125xi32, #tpu.memory_space<hbm>>, %arg4: memref<32x80x125xi32, #tpu.memory_space<hbm>>, %arg5: memref<125x8xf32, #tpu.memory_space<hbm>>, %arg6: memref<2x10000x8xf32, #tpu.memory_space<hbm>>, %arg7: memref<80x125xi32, #tpu.memory_space<vmem>>, %arg8: memref<80x125xi32, #tpu.memory_space<vmem>>, %arg9: memref<8x125x8xf32, #tpu.memory_space<vmem>>, %arg10: memref<10000x8xf32, #tpu.memory_space<vmem_shared>>, %arg11: memref<16x8xf32, #tpu.memory_space<vmem_shared>>, %arg12: memref<!tpu.dma_semaphore, #tpu.memory_space<semaphore_mem>>, %arg13: memref<!tpu.dma_semaphore, #tpu.memory_space<semaphore_mem>>, %arg14: memref<!tpu.dma_semaphore, #tpu.memory_space<semaphore_mem>>, %arg15: memref<!tpu.dma_semaphore, #tpu.memory_space<semaphore_mem>>, %arg16: memref<!tpu.dma_semaphore, #tpu.memory_space<semaphore_mem>>, %arg17: memref<!tpu.dma_semaphore, #tpu.memory_space<semaphore_mem>>, %arg18: memref<!tpu.dma_semaphore, #tpu.memory_space<semaphore_mem>>, %arg19: memref<!tpu.dma_semaphore, #tpu.memory_space<semaphore_mem>>, %arg20: memref<!tpu.dma_semaphore, #tpu.memory_space<semaphore_mem>>, %arg21: memref<!tpu.dma_semaphore, #tpu.memory_space<semaphore_mem>>, %arg22: memref<!tpu.dma_semaphore, #tpu.memory_space<semaphore_mem>>, %arg23: memref<!tpu.dma_semaphore, #tpu.memory_space<semaphore_mem>>, %arg24: memref<!tpu.dma_semaphore, #tpu.memory_space<semaphore_mem>>, %arg25: memref<!tpu.dma_semaphore, #tpu.memory_space<semaphore_mem>>, %arg26: memref<!tpu.dma_semaphore, #tpu.memory_space<semaphore_mem>>, %arg27: memref<!tpu.dma_semaphore, #tpu.memory_space<semaphore_mem>>) attributes {dimension_semantics = [#tpu.dimension_semantics<core_parallel>, #tpu.dimension_semantics<subcore_parallel>], iteration_bounds = array<i64: 2, 16>, scalar_prefetch = 0 : i64, scratch_operands = 21 : i64, tpu.core_type = #tpu.core_type<sc_vector_subcore>, window_params = [{transform_indices = #map}, {transform_indices = #map1}, {transform_indices = #map1}, {transform_indices = #map}, {transform_indices = #map1}]} {
    %mul3A = arith.constant 2 : i32
    %mul3A_0 = arith.muli %arg1, %mul3A : i32
    %add3A = arith.addi %mul3A_0, %arg0 : i32
    %run_scoped3A = arith.constant 0 : i32
    "tpu.region"() ({
      %run_scoped3A_118 = tpu.sem_alloc : memref<!tpu.dma_semaphore, #tpu.memory_space<semaphore_mem>>
      %dma_start3A = arith.constant 0 : i32
      %dma_start3A_119 = arith.constant 0 : i32
      %dma_start3A_120 = tpu.memref_slice %arg9[%run_scoped3A, %dma_start3A, %dma_start3A_119] : memref<8x125x8xf32, #tpu.memory_space<vmem>> -> memref<1x125x8xf32, #tpu.memory_space<vmem>>
      %dma_start3A_121 = tpu.memref_squeeze %dma_start3A_120 : memref<1x125x8xf32, #tpu.memory_space<vmem>> -> memref<125x8xf32, #tpu.memory_space<vmem>>
      %dma_start3A_122 = arith.constant 0 : i32
      %dma_start3A_123 = arith.constant 0 : i32
      %dma_start3A_124 = tpu.memref_slice %arg2[%dma_start3A_122, %dma_start3A_123] : memref<125x8xf32, #tpu.memory_space<hbm>> -> memref<125x8xf32, #tpu.memory_space<hbm>>
      %dma_start3A_125 = arith.constant 0 : i32
      %dma_start3A_126 = arith.constant 0 : i32
      %dma_start3A_127 = tpu.memref_slice %arg9[%run_scoped3A, %dma_start3A_125, %dma_start3A_126] : memref<8x125x8xf32, #tpu.memory_space<vmem>> -> memref<1x125x8xf32, #tpu.memory_space<vmem>>
      %dma_start3A_128 = tpu.memref_squeeze %dma_start3A_127 : memref<1x125x8xf32, #tpu.memory_space<vmem>> -> memref<125x8xf32, #tpu.memory_space<vmem>>
      %dma_start3A_129 = arith.constant 0 : i32
      %dma_start3A_130 = arith.constant 0 : i32
      %dma_start3A_131 = tpu.memref_slice %arg2[%dma_start3A_129, %dma_start3A_130] : memref<125x8xf32, #tpu.memory_space<hbm>> -> memref<125x8xf32, #tpu.memory_space<hbm>>
      tpu.enqueue_dma source(%dma_start3A_131 : memref<125x8xf32, #tpu.memory_space<hbm>>) target(%dma_start3A_128 : memref<125x8xf32, #tpu.memory_space<vmem>>) target_semaphore(%run_scoped3A_118 : memref<!tpu.dma_semaphore, #tpu.memory_space<semaphore_mem>>)
      %dma_wait3A_132 = arith.constant 0 : i32
      %dma_wait3A_133 = arith.constant 0 : i32
      %dma_wait3A_134 = tpu.memref_slice %arg9[%run_scoped3A, %dma_wait3A_132, %dma_wait3A_133] : memref<8x125x8xf32, #tpu.memory_space<vmem>> -> memref<1x125x8xf32, #tpu.memory_space<vmem>>
      %dma_wait3A_135 = tpu.memref_squeeze %dma_wait3A_134 : memref<1x125x8xf32, #tpu.memory_space<vmem>> -> memref<125x8xf32, #tpu.memory_space<vmem>>
      %dma_wait3A_136 = arith.constant 0 : i32
      %dma_wait3A_137 = arith.constant 0 : i32
      %dma_wait3A_138 = tpu.memref_slice %arg2[%dma_wait3A_136, %dma_wait3A_137] : memref<125x8xf32, #tpu.memory_space<hbm>> -> memref<125x8xf32, #tpu.memory_space<hbm>>
      %dma_wait3A_139 = arith.constant 0 : i32
      %dma_wait3A_140 = arith.constant 0 : i32
      %dma_wait3A_141 = tpu.memref_slice %arg9[%run_scoped3A, %dma_wait3A_139, %dma_wait3A_140] : memref<8x125x8xf32, #tpu.memory_space<vmem>> -> memref<1x125x8xf32, #tpu.memory_space<vmem>>
      %dma_wait3A_142 = tpu.memref_squeeze %dma_wait3A_141 : memref<1x125x8xf32, #tpu.memory_space<vmem>> -> memref<125x8xf32, #tpu.memory_space<vmem>>
      %dma_wait3A_143 = arith.constant 0 : i32
      %dma_wait3A_144 = arith.constant 0 : i32
      %dma_wait3A_145 = tpu.memref_slice %arg2[%dma_wait3A_143, %dma_wait3A_144] : memref<125x8xf32, #tpu.memory_space<hbm>> -> memref<125x8xf32, #tpu.memory_space<hbm>>
      tpu.wait_dma2 semaphore(%run_scoped3A_118 : memref<!tpu.dma_semaphore, #tpu.memory_space<semaphore_mem>>) src(%dma_wait3A_145 : memref<125x8xf32, #tpu.memory_space<hbm>>) dst(%dma_wait3A_142 : memref<125x8xf32, #tpu.memory_space<vmem>>)
      tpu.yield
    }) : () -> ()
    "tpu.region"() ({
      %run_scoped3A_118 = tpu.sem_alloc : memref<!tpu.dma_semaphore, #tpu.memory_space<semaphore_mem>>
      %dma_start3A = arith.constant 0 : i32
      %dma_start3A_119 = arith.constant 0 : i32
      %dma_start3A_120 = tpu.memref_slice %arg4[%add3A, %dma_start3A, %dma_start3A_119] : memref<32x80x125xi32, #tpu.memory_space<hbm>> -> memref<1x80x125xi32, #tpu.memory_space<hbm>>
      %dma_start3A_121 = tpu.memref_squeeze %dma_start3A_120 : memref<1x80x125xi32, #tpu.memory_space<hbm>> -> memref<80x125xi32, #tpu.memory_space<hbm>>
      %dma_start3A_122 = arith.constant 0 : i32
      %dma_start3A_123 = arith.constant 0 : i32
      %dma_start3A_124 = tpu.memref_slice %arg4[%add3A, %dma_start3A_122, %dma_start3A_123] : memref<32x80x125xi32, #tpu.memory_space<hbm>> -> memref<1x80x125xi32, #tpu.memory_space<hbm>>
      %dma_start3A_125 = tpu.memref_squeeze %dma_start3A_124 : memref<1x80x125xi32, #tpu.memory_space<hbm>> -> memref<80x125xi32, #tpu.memory_space<hbm>>
      tpu.enqueue_dma source(%dma_start3A_125 : memref<80x125xi32, #tpu.memory_space<hbm>>) target(%arg8 : memref<80x125xi32, #tpu.memory_space<vmem>>) target_semaphore(%run_scoped3A_118 : memref<!tpu.dma_semaphore, #tpu.memory_space<semaphore_mem>>)
      %dma_wait3A_126 = arith.constant 0 : i32
      %dma_wait3A_127 = arith.constant 0 : i32
      %dma_wait3A_128 = tpu.memref_slice %arg4[%add3A, %dma_wait3A_126, %dma_wait3A_127] : memref<32x80x125xi32, #tpu.memory_space<hbm>> -> memref<1x80x125xi32, #tpu.memory_space<hbm>>
      %dma_wait3A_129 = tpu.memref_squeeze %dma_wait3A_128 : memref<1x80x125xi32, #tpu.memory_space<hbm>> -> memref<80x125xi32, #tpu.memory_space<hbm>>
      %dma_wait3A_130 = arith.constant 0 : i32
      %dma_wait3A_131 = arith.constant 0 : i32
      %dma_wait3A_132 = tpu.memref_slice %arg4[%add3A, %dma_wait3A_130, %dma_wait3A_131] : memref<32x80x125xi32, #tpu.memory_space<hbm>> -> memref<1x80x125xi32, #tpu.memory_space<hbm>>
      %dma_wait3A_133 = tpu.memref_squeeze %dma_wait3A_132 : memref<1x80x125xi32, #tpu.memory_space<hbm>> -> memref<80x125xi32, #tpu.memory_space<hbm>>
      tpu.wait_dma2 semaphore(%run_scoped3A_118 : memref<!tpu.dma_semaphore, #tpu.memory_space<semaphore_mem>>) src(%dma_wait3A_133 : memref<80x125xi32, #tpu.memory_space<hbm>>) dst(%arg8 : memref<80x125xi32, #tpu.memory_space<vmem>>)
      tpu.yield
    }) : () -> ()
    %mul3A_1 = arith.constant 625 : i32
    %mul3A_2 = arith.muli %arg1, %mul3A_1 : i32
    %add3A_3 = arith.constant 0 : i32
    %add3A_4 = arith.addi %mul3A_2, %add3A_3 : i32
    "tpu.region"() ({
      %run_scoped3A_118 = tpu.sem_alloc : memref<!tpu.dma_semaphore, #tpu.memory_space<semaphore_mem>>
      %dma_start3A = arith.constant 0 : i32
      %dma_start3A_119 = tpu.memref_slice %arg10[%add3A_4, %dma_start3A] : memref<10000x8xf32, #tpu.memory_space<vmem_shared>> -> memref<128x8xf32, #tpu.memory_space<vmem_shared>>
      %dma_start3A_120 = arith.constant 0 : i32
      %dma_start3A_121 = arith.constant 0 : i32
      %dma_start3A_122 = tpu.memref_slice %arg5[%dma_start3A_120, %dma_start3A_121] : memref<125x8xf32, #tpu.memory_space<hbm>> -> memref<128x8xf32, #tpu.memory_space<hbm>>
      tpu.enqueue_dma source(%dma_start3A_122 : memref<128x8xf32, #tpu.memory_space<hbm>>) target(%dma_start3A_119 : memref<128x8xf32, #tpu.memory_space<vmem_shared>>) target_semaphore(%run_scoped3A_118 : memref<!tpu.dma_semaphore, #tpu.memory_space<semaphore_mem>>)
      %dma_wait3A_123 = arith.constant 0 : i32
      %dma_wait3A_124 = tpu.memref_slice %arg10[%add3A_4, %dma_wait3A_123] : memref<10000x8xf32, #tpu.memory_space<vmem_shared>> -> memref<128x8xf32, #tpu.memory_space<vmem_shared>>
      %dma_wait3A_125 = arith.constant 0 : i32
      %dma_wait3A_126 = arith.constant 0 : i32
      %dma_wait3A_127 = tpu.memref_slice %arg5[%dma_wait3A_125, %dma_wait3A_126] : memref<125x8xf32, #tpu.memory_space<hbm>> -> memref<128x8xf32, #tpu.memory_space<hbm>>
      tpu.wait_dma2 semaphore(%run_scoped3A_118 : memref<!tpu.dma_semaphore, #tpu.memory_space<semaphore_mem>>) src(%dma_wait3A_127 : memref<128x8xf32, #tpu.memory_space<hbm>>) dst(%dma_wait3A_124 : memref<128x8xf32, #tpu.memory_space<vmem_shared>>)
      tpu.yield
    }) : () -> ()
    %add3A_5 = arith.constant 128 : i32
    %add3A_6 = arith.addi %mul3A_2, %add3A_5 : i32
    "tpu.region"() ({
      %run_scoped3A_118 = tpu.sem_alloc : memref<!tpu.dma_semaphore, #tpu.memory_space<semaphore_mem>>
      %dma_start3A = arith.constant 0 : i32
      %dma_start3A_119 = tpu.memref_slice %arg10[%add3A_6, %dma_start3A] : memref<10000x8xf32, #tpu.memory_space<vmem_shared>> -> memref<128x8xf32, #tpu.memory_space<vmem_shared>>
      %dma_start3A_120 = arith.constant 0 : i32
      %dma_start3A_121 = arith.constant 0 : i32
      %dma_start3A_122 = tpu.memref_slice %arg5[%dma_start3A_120, %dma_start3A_121] : memref<125x8xf32, #tpu.memory_space<hbm>> -> memref<128x8xf32, #tpu.memory_space<hbm>>
      tpu.enqueue_dma source(%dma_start3A_122 : memref<128x8xf32, #tpu.memory_space<hbm>>) target(%dma_start3A_119 : memref<128x8xf32, #tpu.memory_space<vmem_shared>>) target_semaphore(%run_scoped3A_118 : memref<!tpu.dma_semaphore, #tpu.memory_space<semaphore_mem>>)
      %dma_wait3A_123 = arith.constant 0 : i32
      %dma_wait3A_124 = tpu.memref_slice %arg10[%add3A_6, %dma_wait3A_123] : memref<10000x8xf32, #tpu.memory_space<vmem_shared>> -> memref<128x8xf32, #tpu.memory_space<vmem_shared>>
      %dma_wait3A_125 = arith.constant 0 : i32
      %dma_wait3A_126 = arith.constant 0 : i32
      %dma_wait3A_127 = tpu.memref_slice %arg5[%dma_wait3A_125, %dma_wait3A_126] : memref<125x8xf32, #tpu.memory_space<hbm>> -> memref<128x8xf32, #tpu.memory_space<hbm>>
      tpu.wait_dma2 semaphore(%run_scoped3A_118 : memref<!tpu.dma_semaphore, #tpu.memory_space<semaphore_mem>>) src(%dma_wait3A_127 : memref<128x8xf32, #tpu.memory_space<hbm>>) dst(%dma_wait3A_124 : memref<128x8xf32, #tpu.memory_space<vmem_shared>>)
      tpu.yield
    }) : () -> ()
    %add3A_7 = arith.constant 256 : i32
    %add3A_8 = arith.addi %mul3A_2, %add3A_7 : i32
    "tpu.region"() ({
      %run_scoped3A_118 = tpu.sem_alloc : memref<!tpu.dma_semaphore, #tpu.memory_space<semaphore_mem>>
      %dma_start3A = arith.constant 0 : i32
      %dma_start3A_119 = tpu.memref_slice %arg10[%add3A_8, %dma_start3A] : memref<10000x8xf32, #tpu.memory_space<vmem_shared>> -> memref<128x8xf32, #tpu.memory_space<vmem_shared>>
      %dma_start3A_120 = arith.constant 0 : i32
      %dma_start3A_121 = arith.constant 0 : i32
      %dma_start3A_122 = tpu.memref_slice %arg5[%dma_start3A_120, %dma_start3A_121] : memref<125x8xf32, #tpu.memory_space<hbm>> -> memref<128x8xf32, #tpu.memory_space<hbm>>
      tpu.enqueue_dma source(%dma_start3A_122 : memref<128x8xf32, #tpu.memory_space<hbm>>) target(%dma_start3A_119 : memref<128x8xf32, #tpu.memory_space<vmem_shared>>) target_semaphore(%run_scoped3A_118 : memref<!tpu.dma_semaphore, #tpu.memory_space<semaphore_mem>>)
      %dma_wait3A_123 = arith.constant 0 : i32
      %dma_wait3A_124 = tpu.memref_slice %arg10[%add3A_8, %dma_wait3A_123] : memref<10000x8xf32, #tpu.memory_space<vmem_shared>> -> memref<128x8xf32, #tpu.memory_space<vmem_shared>>
      %dma_wait3A_125 = arith.constant 0 : i32
      %dma_wait3A_126 = arith.constant 0 : i32
      %dma_wait3A_127 = tpu.memref_slice %arg5[%dma_wait3A_125, %dma_wait3A_126] : memref<125x8xf32, #tpu.memory_space<hbm>> -> memref<128x8xf32, #tpu.memory_space<hbm>>
      tpu.wait_dma2 semaphore(%run_scoped3A_118 : memref<!tpu.dma_semaphore, #tpu.memory_space<semaphore_mem>>) src(%dma_wait3A_127 : memref<128x8xf32, #tpu.memory_space<hbm>>) dst(%dma_wait3A_124 : memref<128x8xf32, #tpu.memory_space<vmem_shared>>)
      tpu.yield
    }) : () -> ()
    %add3A_9 = arith.constant 384 : i32
    %add3A_10 = arith.addi %mul3A_2, %add3A_9 : i32
    "tpu.region"() ({
      %run_scoped3A_118 = tpu.sem_alloc : memref<!tpu.dma_semaphore, #tpu.memory_space<semaphore_mem>>
      %dma_start3A = arith.constant 0 : i32
      %dma_start3A_119 = tpu.memref_slice %arg10[%add3A_10, %dma_start3A] : memref<10000x8xf32, #tpu.memory_space<vmem_shared>> -> memref<128x8xf32, #tpu.memory_space<vmem_shared>>
      %dma_start3A_120 = arith.constant 0 : i32
      %dma_start3A_121 = arith.constant 0 : i32
      %dma_start3A_122 = tpu.memref_slice %arg5[%dma_start3A_120, %dma_start3A_121] : memref<125x8xf32, #tpu.memory_space<hbm>> -> memref<128x8xf32, #tpu.memory_space<hbm>>
      tpu.enqueue_dma source(%dma_start3A_122 : memref<128x8xf32, #tpu.memory_space<hbm>>) target(%dma_start3A_119 : memref<128x8xf32, #tpu.memory_space<vmem_shared>>) target_semaphore(%run_scoped3A_118 : memref<!tpu.dma_semaphore, #tpu.memory_space<semaphore_mem>>)
      %dma_wait3A_123 = arith.constant 0 : i32
      %dma_wait3A_124 = tpu.memref_slice %arg10[%add3A_10, %dma_wait3A_123] : memref<10000x8xf32, #tpu.memory_space<vmem_shared>> -> memref<128x8xf32, #tpu.memory_space<vmem_shared>>
      %dma_wait3A_125 = arith.constant 0 : i32
      %dma_wait3A_126 = arith.constant 0 : i32
      %dma_wait3A_127 = tpu.memref_slice %arg5[%dma_wait3A_125, %dma_wait3A_126] : memref<125x8xf32, #tpu.memory_space<hbm>> -> memref<128x8xf32, #tpu.memory_space<hbm>>
      tpu.wait_dma2 semaphore(%run_scoped3A_118 : memref<!tpu.dma_semaphore, #tpu.memory_space<semaphore_mem>>) src(%dma_wait3A_127 : memref<128x8xf32, #tpu.memory_space<hbm>>) dst(%dma_wait3A_124 : memref<128x8xf32, #tpu.memory_space<vmem_shared>>)
      tpu.yield
    }) : () -> ()
    %add3A_11 = arith.constant 512 : i32
    %add3A_12 = arith.addi %mul3A_2, %add3A_11 : i32
    "tpu.region"() ({
      %run_scoped3A_118 = tpu.sem_alloc : memref<!tpu.dma_semaphore, #tpu.memory_space<semaphore_mem>>
      %dma_start3A = arith.constant 0 : i32
      %dma_start3A_119 = tpu.memref_slice %arg10[%add3A_12, %dma_start3A] : memref<10000x8xf32, #tpu.memory_space<vmem_shared>> -> memref<113x8xf32, #tpu.memory_space<vmem_shared>>
      %dma_start3A_120 = arith.constant 0 : i32
      %dma_start3A_121 = arith.constant 0 : i32
      %dma_start3A_122 = tpu.memref_slice %arg5[%dma_start3A_120, %dma_start3A_121] : memref<125x8xf32, #tpu.memory_space<hbm>> -> memref<113x8xf32, #tpu.memory_space<hbm>>
      tpu.enqueue_dma source(%dma_start3A_122 : memref<113x8xf32, #tpu.memory_space<hbm>>) target(%dma_start3A_119 : memref<113x8xf32, #tpu.memory_space<vmem_shared>>) target_semaphore(%run_scoped3A_118 : memref<!tpu.dma_semaphore, #tpu.memory_space<semaphore_mem>>)
      %dma_wait3A_123 = arith.constant 0 : i32
      %dma_wait3A_124 = tpu.memref_slice %arg10[%add3A_12, %dma_wait3A_123] : memref<10000x8xf32, #tpu.memory_space<vmem_shared>> -> memref<113x8xf32, #tpu.memory_space<vmem_shared>>
      %dma_wait3A_125 = arith.constant 0 : i32
      %dma_wait3A_126 = arith.constant 0 : i32
      %dma_wait3A_127 = tpu.memref_slice %arg5[%dma_wait3A_125, %dma_wait3A_126] : memref<125x8xf32, #tpu.memory_space<hbm>> -> memref<113x8xf32, #tpu.memory_space<hbm>>
      tpu.wait_dma2 semaphore(%run_scoped3A_118 : memref<!tpu.dma_semaphore, #tpu.memory_space<semaphore_mem>>) src(%dma_wait3A_127 : memref<113x8xf32, #tpu.memory_space<hbm>>) dst(%dma_wait3A_124 : memref<113x8xf32, #tpu.memory_space<vmem_shared>>)
      tpu.yield
    }) : () -> ()
    %barrier3A = arith.constant 0 : index
    tpu.barrier barrier_id(%barrier3A)
    %scan3A = arith.constant 0 : i32
    %scan3A_13 = arith.constant 0 : i32
    %scan3A_14 = arith.constant 10 : i32
    %scan3A_15 = arith.addi %scan3A_13, %scan3A_14 : i32
    %scan3A_16 = arith.constant 1 : i32
    scf.for %scan3A_118 = %scan3A_13 to %scan3A_15 step %scan3A_16  : i32 {
      %mul3A_119 = arith.constant 8 : i32
      %mul3A_120 = arith.muli %scan3A_118, %mul3A_119 : i32
      %gt3A = arith.constant 0 : i32
      %gt3A_121 = arith.cmpi sgt, %scan3A_118, %gt3A : i32
      %convert_element_type3A = arith.extui %gt3A_121 : i1 to i32
      %cond3A = arith.constant 0 : i32
      %cond3A_122 = arith.cmpi ne, %convert_element_type3A, %cond3A : i32
      scf.if %cond3A_122 {
        %dma_wait3A_261 = arith.constant 0 : i32
        %dma_wait3A_262 = arith.constant 0 : i32
        %dma_wait3A_263 = arith.constant 0 : i32
        %dma_wait3A_264 = arith.constant 0 : i32
        %dma_wait3A_265 = tpu.memref_slice %arg9[%dma_wait3A_261, %dma_wait3A_263, %dma_wait3A_264] : memref<8x125x8xf32, #tpu.memory_space<vmem>> -> memref<1x125x8xf32, #tpu.memory_space<vmem>>
        %dma_wait3A_266 = tpu.memref_squeeze %dma_wait3A_265 : memref<1x125x8xf32, #tpu.memory_space<vmem>> -> memref<125x8xf32, #tpu.memory_space<vmem>>
        %dma_wait3A_267 = arith.constant 0 : i32
        %dma_wait3A_268 = tpu.memref_slice %arg8[%dma_wait3A_262, %dma_wait3A_267] : memref<80x125xi32, #tpu.memory_space<vmem>> -> memref<1x125xi32, #tpu.memory_space<vmem>>
        %dma_wait3A_269 = tpu.memref_squeeze %dma_wait3A_268 : memref<1x125xi32, #tpu.memory_space<vmem>> -> memref<125xi32, #tpu.memory_space<vmem>>
        %dma_wait3A_270 = arith.constant 0 : i32
        %dma_wait3A_271 = arith.constant 0 : i32
        %dma_wait3A_272 = tpu.memref_slice %arg10[%dma_wait3A_270, %dma_wait3A_271] : memref<10000x8xf32, #tpu.memory_space<vmem_shared>> -> memref<10000x8xf32, #tpu.memory_space<vmem_shared>>
        tpu.wait_indirect_dma semaphore(%arg20 : memref<!tpu.dma_semaphore, #tpu.memory_space<semaphore_mem>>) src(%dma_wait3A_266 : memref<125x8xf32, #tpu.memory_space<vmem>>) dst(%dma_wait3A_272 : memref<10000x8xf32, #tpu.memory_space<vmem_shared>>)
      } else {
      }
      %add3A_123 = arith.constant 0 : i32
      %add3A_124 = arith.addi %mul3A_120, %add3A_123 : i32
      %dma_start3A = arith.constant 0 : i32
      %dma_start3A_125 = arith.constant 0 : i32
      %dma_start3A_126 = arith.constant 0 : i32
      %dma_start3A_127 = tpu.memref_slice %arg9[%dma_start3A, %dma_start3A_125, %dma_start3A_126] : memref<8x125x8xf32, #tpu.memory_space<vmem>> -> memref<1x125x8xf32, #tpu.memory_space<vmem>>
      %dma_start3A_128 = tpu.memref_squeeze %dma_start3A_127 : memref<1x125x8xf32, #tpu.memory_space<vmem>> -> memref<125x8xf32, #tpu.memory_space<vmem>>
      %dma_start3A_129 = arith.constant 0 : i32
      %dma_start3A_130 = tpu.memref_slice %arg8[%add3A_124, %dma_start3A_129] : memref<80x125xi32, #tpu.memory_space<vmem>> -> memref<1x125xi32, #tpu.memory_space<vmem>>
      %dma_start3A_131 = tpu.memref_squeeze %dma_start3A_130 : memref<1x125xi32, #tpu.memory_space<vmem>> -> memref<125xi32, #tpu.memory_space<vmem>>
      %dma_start3A_132 = arith.constant 0 : i32
      %dma_start3A_133 = arith.constant 0 : i32
      %dma_start3A_134 = tpu.memref_slice %arg10[%dma_start3A_132, %dma_start3A_133] : memref<10000x8xf32, #tpu.memory_space<vmem_shared>> -> memref<10000x8xf32, #tpu.memory_space<vmem_shared>>
      tpu.enqueue_indirect_dma source(%dma_start3A_128 : memref<125x8xf32, #tpu.memory_space<vmem>>) target(%dma_start3A_134 : memref<10000x8xf32, #tpu.memory_space<vmem_shared>>) offsets(%dma_start3A_131 : memref<125xi32, #tpu.memory_space<vmem>>) semaphore(%arg20 : memref<!tpu.dma_semaphore, #tpu.memory_space<semaphore_mem>>) {add = true}
      %gt3A_135 = arith.constant 0 : i32
      %gt3A_136 = arith.cmpi sgt, %scan3A_118, %gt3A_135 : i32
      %convert_element_type3A_137 = arith.extui %gt3A_136 : i1 to i32
      %cond3A_138 = arith.constant 0 : i32
      %cond3A_139 = arith.cmpi ne, %convert_element_type3A_137, %cond3A_138 : i32
      scf.if %cond3A_139 {
        %dma_wait3A_261 = arith.constant 0 : i32
        %dma_wait3A_262 = arith.constant 0 : i32
        %dma_wait3A_263 = arith.constant 0 : i32
        %dma_wait3A_264 = arith.constant 0 : i32
        %dma_wait3A_265 = tpu.memref_slice %arg9[%dma_wait3A_261, %dma_wait3A_263, %dma_wait3A_264] : memref<8x125x8xf32, #tpu.memory_space<vmem>> -> memref<1x125x8xf32, #tpu.memory_space<vmem>>
        %dma_wait3A_266 = tpu.memref_squeeze %dma_wait3A_265 : memref<1x125x8xf32, #tpu.memory_space<vmem>> -> memref<125x8xf32, #tpu.memory_space<vmem>>
        %dma_wait3A_267 = arith.constant 0 : i32
        %dma_wait3A_268 = tpu.memref_slice %arg8[%dma_wait3A_262, %dma_wait3A_267] : memref<80x125xi32, #tpu.memory_space<vmem>> -> memref<1x125xi32, #tpu.memory_space<vmem>>
        %dma_wait3A_269 = tpu.memref_squeeze %dma_wait3A_268 : memref<1x125xi32, #tpu.memory_space<vmem>> -> memref<125xi32, #tpu.memory_space<vmem>>
        %dma_wait3A_270 = arith.constant 0 : i32
        %dma_wait3A_271 = arith.constant 0 : i32
        %dma_wait3A_272 = tpu.memref_slice %arg10[%dma_wait3A_270, %dma_wait3A_271] : memref<10000x8xf32, #tpu.memory_space<vmem_shared>> -> memref<10000x8xf32, #tpu.memory_space<vmem_shared>>
        tpu.wait_indirect_dma semaphore(%arg21 : memref<!tpu.dma_semaphore, #tpu.memory_space<semaphore_mem>>) src(%dma_wait3A_266 : memref<125x8xf32, #tpu.memory_space<vmem>>) dst(%dma_wait3A_272 : memref<10000x8xf32, #tpu.memory_space<vmem_shared>>)
      } else {
      }
      %add3A_140 = arith.constant 1 : i32
      %add3A_141 = arith.addi %mul3A_120, %add3A_140 : i32
      %dma_start3A_142 = arith.constant 0 : i32
      %dma_start3A_143 = arith.constant 0 : i32
      %dma_start3A_144 = arith.constant 0 : i32
      %dma_start3A_145 = tpu.memref_slice %arg9[%dma_start3A_142, %dma_start3A_143, %dma_start3A_144] : memref<8x125x8xf32, #tpu.memory_space<vmem>> -> memref<1x125x8xf32, #tpu.memory_space<vmem>>
      %dma_start3A_146 = tpu.memref_squeeze %dma_start3A_145 : memref<1x125x8xf32, #tpu.memory_space<vmem>> -> memref<125x8xf32, #tpu.memory_space<vmem>>
      %dma_start3A_147 = arith.constant 0 : i32
      %dma_start3A_148 = tpu.memref_slice %arg8[%add3A_141, %dma_start3A_147] : memref<80x125xi32, #tpu.memory_space<vmem>> -> memref<1x125xi32, #tpu.memory_space<vmem>>
      %dma_start3A_149 = tpu.memref_squeeze %dma_start3A_148 : memref<1x125xi32, #tpu.memory_space<vmem>> -> memref<125xi32, #tpu.memory_space<vmem>>
      %dma_start3A_150 = arith.constant 0 : i32
      %dma_start3A_151 = arith.constant 0 : i32
      %dma_start3A_152 = tpu.memref_slice %arg10[%dma_start3A_150, %dma_start3A_151] : memref<10000x8xf32, #tpu.memory_space<vmem_shared>> -> memref<10000x8xf32, #tpu.memory_space<vmem_shared>>
      tpu.enqueue_indirect_dma source(%dma_start3A_146 : memref<125x8xf32, #tpu.memory_space<vmem>>) target(%dma_start3A_152 : memref<10000x8xf32, #tpu.memory_space<vmem_shared>>) offsets(%dma_start3A_149 : memref<125xi32, #tpu.memory_space<vmem>>) semaphore(%arg21 : memref<!tpu.dma_semaphore, #tpu.memory_space<semaphore_mem>>) {add = true}
      %gt3A_153 = arith.constant 0 : i32
      %gt3A_154 = arith.cmpi sgt, %scan3A_118, %gt3A_153 : i32
      %convert_element_type3A_155 = arith.extui %gt3A_154 : i1 to i32
      %cond3A_156 = arith.constant 0 : i32
      %cond3A_157 = arith.cmpi ne, %convert_element_type3A_155, %cond3A_156 : i32
      scf.if %cond3A_157 {
        %dma_wait3A_261 = arith.constant 0 : i32
        %dma_wait3A_262 = arith.constant 0 : i32
        %dma_wait3A_263 = arith.constant 0 : i32
        %dma_wait3A_264 = arith.constant 0 : i32
        %dma_wait3A_265 = tpu.memref_slice %arg9[%dma_wait3A_261, %dma_wait3A_263, %dma_wait3A_264] : memref<8x125x8xf32, #tpu.memory_space<vmem>> -> memref<1x125x8xf32, #tpu.memory_space<vmem>>
        %dma_wait3A_266 = tpu.memref_squeeze %dma_wait3A_265 : memref<1x125x8xf32, #tpu.memory_space<vmem>> -> memref<125x8xf32, #tpu.memory_space<vmem>>
        %dma_wait3A_267 = arith.constant 0 : i32
        %dma_wait3A_268 = tpu.memref_slice %arg8[%dma_wait3A_262, %dma_wait3A_267] : memref<80x125xi32, #tpu.memory_space<vmem>> -> memref<1x125xi32, #tpu.memory_space<vmem>>
        %dma_wait3A_269 = tpu.memref_squeeze %dma_wait3A_268 : memref<1x125xi32, #tpu.memory_space<vmem>> -> memref<125xi32, #tpu.memory_space<vmem>>
        %dma_wait3A_270 = arith.constant 0 : i32
        %dma_wait3A_271 = arith.constant 0 : i32
        %dma_wait3A_272 = tpu.memref_slice %arg10[%dma_wait3A_270, %dma_wait3A_271] : memref<10000x8xf32, #tpu.memory_space<vmem_shared>> -> memref<10000x8xf32, #tpu.memory_space<vmem_shared>>
        tpu.wait_indirect_dma semaphore(%arg22 : memref<!tpu.dma_semaphore, #tpu.memory_space<semaphore_mem>>) src(%dma_wait3A_266 : memref<125x8xf32, #tpu.memory_space<vmem>>) dst(%dma_wait3A_272 : memref<10000x8xf32, #tpu.memory_space<vmem_shared>>)
      } else {
      }
      %add3A_158 = arith.constant 2 : i32
      %add3A_159 = arith.addi %mul3A_120, %add3A_158 : i32
      %dma_start3A_160 = arith.constant 0 : i32
      %dma_start3A_161 = arith.constant 0 : i32
      %dma_start3A_162 = arith.constant 0 : i32
      %dma_start3A_163 = tpu.memref_slice %arg9[%dma_start3A_160, %dma_start3A_161, %dma_start3A_162] : memref<8x125x8xf32, #tpu.memory_space<vmem>> -> memref<1x125x8xf32, #tpu.memory_space<vmem>>
      %dma_start3A_164 = tpu.memref_squeeze %dma_start3A_163 : memref<1x125x8xf32, #tpu.memory_space<vmem>> -> memref<125x8xf32, #tpu.memory_space<vmem>>
      %dma_start3A_165 = arith.constant 0 : i32
      %dma_start3A_166 = tpu.memref_slice %arg8[%add3A_159, %dma_start3A_165] : memref<80x125xi32, #tpu.memory_space<vmem>> -> memref<1x125xi32, #tpu.memory_space<vmem>>
      %dma_start3A_167 = tpu.memref_squeeze %dma_start3A_166 : memref<1x125xi32, #tpu.memory_space<vmem>> -> memref<125xi32, #tpu.memory_space<vmem>>
      %dma_start3A_168 = arith.constant 0 : i32
      %dma_start3A_169 = arith.constant 0 : i32
      %dma_start3A_170 = tpu.memref_slice %arg10[%dma_start3A_168, %dma_start3A_169] : memref<10000x8xf32, #tpu.memory_space<vmem_shared>> -> memref<10000x8xf32, #tpu.memory_space<vmem_shared>>
      tpu.enqueue_indirect_dma source(%dma_start3A_164 : memref<125x8xf32, #tpu.memory_space<vmem>>) target(%dma_start3A_170 : memref<10000x8xf32, #tpu.memory_space<vmem_shared>>) offsets(%dma_start3A_167 : memref<125xi32, #tpu.memory_space<vmem>>) semaphore(%arg22 : memref<!tpu.dma_semaphore, #tpu.memory_space<semaphore_mem>>) {add = true}
      %gt3A_171 = arith.constant 0 : i32
      %gt3A_172 = arith.cmpi sgt, %scan3A_118, %gt3A_171 : i32
      %convert_element_type3A_173 = arith.extui %gt3A_172 : i1 to i32
      %cond3A_174 = arith.constant 0 : i32
      %cond3A_175 = arith.cmpi ne, %convert_element_type3A_173, %cond3A_174 : i32
      scf.if %cond3A_175 {
        %dma_wait3A_261 = arith.constant 0 : i32
        %dma_wait3A_262 = arith.constant 0 : i32
        %dma_wait3A_263 = arith.constant 0 : i32
        %dma_wait3A_264 = arith.constant 0 : i32
        %dma_wait3A_265 = tpu.memref_slice %arg9[%dma_wait3A_261, %dma_wait3A_263, %dma_wait3A_264] : memref<8x125x8xf32, #tpu.memory_space<vmem>> -> memref<1x125x8xf32, #tpu.memory_space<vmem>>
        %dma_wait3A_266 = tpu.memref_squeeze %dma_wait3A_265 : memref<1x125x8xf32, #tpu.memory_space<vmem>> -> memref<125x8xf32, #tpu.memory_space<vmem>>
        %dma_wait3A_267 = arith.constant 0 : i32
        %dma_wait3A_268 = tpu.memref_slice %arg8[%dma_wait3A_262, %dma_wait3A_267] : memref<80x125xi32, #tpu.memory_space<vmem>> -> memref<1x125xi32, #tpu.memory_space<vmem>>
        %dma_wait3A_269 = tpu.memref_squeeze %dma_wait3A_268 : memref<1x125xi32, #tpu.memory_space<vmem>> -> memref<125xi32, #tpu.memory_space<vmem>>
        %dma_wait3A_270 = arith.constant 0 : i32
        %dma_wait3A_271 = arith.constant 0 : i32
        %dma_wait3A_272 = tpu.memref_slice %arg10[%dma_wait3A_270, %dma_wait3A_271] : memref<10000x8xf32, #tpu.memory_space<vmem_shared>> -> memref<10000x8xf32, #tpu.memory_space<vmem_shared>>
        tpu.wait_indirect_dma semaphore(%arg23 : memref<!tpu.dma_semaphore, #tpu.memory_space<semaphore_mem>>) src(%dma_wait3A_266 : memref<125x8xf32, #tpu.memory_space<vmem>>) dst(%dma_wait3A_272 : memref<10000x8xf32, #tpu.memory_space<vmem_shared>>)
      } else {
      }
      %add3A_176 = arith.constant 3 : i32
      %add3A_177 = arith.addi %mul3A_120, %add3A_176 : i32
      %dma_start3A_178 = arith.constant 0 : i32
      %dma_start3A_179 = arith.constant 0 : i32
      %dma_start3A_180 = arith.constant 0 : i32
      %dma_start3A_181 = tpu.memref_slice %arg9[%dma_start3A_178, %dma_start3A_179, %dma_start3A_180] : memref<8x125x8xf32, #tpu.memory_space<vmem>> -> memref<1x125x8xf32, #tpu.memory_space<vmem>>
      %dma_start3A_182 = tpu.memref_squeeze %dma_start3A_181 : memref<1x125x8xf32, #tpu.memory_space<vmem>> -> memref<125x8xf32, #tpu.memory_space<vmem>>
      %dma_start3A_183 = arith.constant 0 : i32
      %dma_start3A_184 = tpu.memref_slice %arg8[%add3A_177, %dma_start3A_183] : memref<80x125xi32, #tpu.memory_space<vmem>> -> memref<1x125xi32, #tpu.memory_space<vmem>>
      %dma_start3A_185 = tpu.memref_squeeze %dma_start3A_184 : memref<1x125xi32, #tpu.memory_space<vmem>> -> memref<125xi32, #tpu.memory_space<vmem>>
      %dma_start3A_186 = arith.constant 0 : i32
      %dma_start3A_187 = arith.constant 0 : i32
      %dma_start3A_188 = tpu.memref_slice %arg10[%dma_start3A_186, %dma_start3A_187] : memref<10000x8xf32, #tpu.memory_space<vmem_shared>> -> memref<10000x8xf32, #tpu.memory_space<vmem_shared>>
      tpu.enqueue_indirect_dma source(%dma_start3A_182 : memref<125x8xf32, #tpu.memory_space<vmem>>) target(%dma_start3A_188 : memref<10000x8xf32, #tpu.memory_space<vmem_shared>>) offsets(%dma_start3A_185 : memref<125xi32, #tpu.memory_space<vmem>>) semaphore(%arg23 : memref<!tpu.dma_semaphore, #tpu.memory_space<semaphore_mem>>) {add = true}
      %gt3A_189 = arith.constant 0 : i32
      %gt3A_190 = arith.cmpi sgt, %scan3A_118, %gt3A_189 : i32
      %convert_element_type3A_191 = arith.extui %gt3A_190 : i1 to i32
      %cond3A_192 = arith.constant 0 : i32
      %cond3A_193 = arith.cmpi ne, %convert_element_type3A_191, %cond3A_192 : i32
      scf.if %cond3A_193 {
        %dma_wait3A_261 = arith.constant 0 : i32
        %dma_wait3A_262 = arith.constant 0 : i32
        %dma_wait3A_263 = arith.constant 0 : i32
        %dma_wait3A_264 = arith.constant 0 : i32
        %dma_wait3A_265 = tpu.memref_slice %arg9[%dma_wait3A_261, %dma_wait3A_263, %dma_wait3A_264] : memref<8x125x8xf32, #tpu.memory_space<vmem>> -> memref<1x125x8xf32, #tpu.memory_space<vmem>>
        %dma_wait3A_266 = tpu.memref_squeeze %dma_wait3A_265 : memref<1x125x8xf32, #tpu.memory_space<vmem>> -> memref<125x8xf32, #tpu.memory_space<vmem>>
        %dma_wait3A_267 = arith.constant 0 : i32
        %dma_wait3A_268 = tpu.memref_slice %arg8[%dma_wait3A_262, %dma_wait3A_267] : memref<80x125xi32, #tpu.memory_space<vmem>> -> memref<1x125xi32, #tpu.memory_space<vmem>>
        %dma_wait3A_269 = tpu.memref_squeeze %dma_wait3A_268 : memref<1x125xi32, #tpu.memory_space<vmem>> -> memref<125xi32, #tpu.memory_space<vmem>>
        %dma_wait3A_270 = arith.constant 0 : i32
        %dma_wait3A_271 = arith.constant 0 : i32
        %dma_wait3A_272 = tpu.memref_slice %arg10[%dma_wait3A_270, %dma_wait3A_271] : memref<10000x8xf32, #tpu.memory_space<vmem_shared>> -> memref<10000x8xf32, #tpu.memory_space<vmem_shared>>
        tpu.wait_indirect_dma semaphore(%arg24 : memref<!tpu.dma_semaphore, #tpu.memory_space<semaphore_mem>>) src(%dma_wait3A_266 : memref<125x8xf32, #tpu.memory_space<vmem>>) dst(%dma_wait3A_272 : memref<10000x8xf32, #tpu.memory_space<vmem_shared>>)
      } else {
      }
      %add3A_194 = arith.constant 4 : i32
      %add3A_195 = arith.addi %mul3A_120, %add3A_194 : i32
      %dma_start3A_196 = arith.constant 0 : i32
      %dma_start3A_197 = arith.constant 0 : i32
      %dma_start3A_198 = arith.constant 0 : i32
      %dma_start3A_199 = tpu.memref_slice %arg9[%dma_start3A_196, %dma_start3A_197, %dma_start3A_198] : memref<8x125x8xf32, #tpu.memory_space<vmem>> -> memref<1x125x8xf32, #tpu.memory_space<vmem>>
      %dma_start3A_200 = tpu.memref_squeeze %dma_start3A_199 : memref<1x125x8xf32, #tpu.memory_space<vmem>> -> memref<125x8xf32, #tpu.memory_space<vmem>>
      %dma_start3A_201 = arith.constant 0 : i32
      %dma_start3A_202 = tpu.memref_slice %arg8[%add3A_195, %dma_start3A_201] : memref<80x125xi32, #tpu.memory_space<vmem>> -> memref<1x125xi32, #tpu.memory_space<vmem>>
      %dma_start3A_203 = tpu.memref_squeeze %dma_start3A_202 : memref<1x125xi32, #tpu.memory_space<vmem>> -> memref<125xi32, #tpu.memory_space<vmem>>
      %dma_start3A_204 = arith.constant 0 : i32
      %dma_start3A_205 = arith.constant 0 : i32
      %dma_start3A_206 = tpu.memref_slice %arg10[%dma_start3A_204, %dma_start3A_205] : memref<10000x8xf32, #tpu.memory_space<vmem_shared>> -> memref<10000x8xf32, #tpu.memory_space<vmem_shared>>
      tpu.enqueue_indirect_dma source(%dma_start3A_200 : memref<125x8xf32, #tpu.memory_space<vmem>>) target(%dma_start3A_206 : memref<10000x8xf32, #tpu.memory_space<vmem_shared>>) offsets(%dma_start3A_203 : memref<125xi32, #tpu.memory_space<vmem>>) semaphore(%arg24 : memref<!tpu.dma_semaphore, #tpu.memory_space<semaphore_mem>>) {add = true}
      %gt3A_207 = arith.constant 0 : i32
      %gt3A_208 = arith.cmpi sgt, %scan3A_118, %gt3A_207 : i32
      %convert_element_type3A_209 = arith.extui %gt3A_208 : i1 to i32
      %cond3A_210 = arith.constant 0 : i32
      %cond3A_211 = arith.cmpi ne, %convert_element_type3A_209, %cond3A_210 : i32
      scf.if %cond3A_211 {
        %dma_wait3A_261 = arith.constant 0 : i32
        %dma_wait3A_262 = arith.constant 0 : i32
        %dma_wait3A_263 = arith.constant 0 : i32
        %dma_wait3A_264 = arith.constant 0 : i32
        %dma_wait3A_265 = tpu.memref_slice %arg9[%dma_wait3A_261, %dma_wait3A_263, %dma_wait3A_264] : memref<8x125x8xf32, #tpu.memory_space<vmem>> -> memref<1x125x8xf32, #tpu.memory_space<vmem>>
        %dma_wait3A_266 = tpu.memref_squeeze %dma_wait3A_265 : memref<1x125x8xf32, #tpu.memory_space<vmem>> -> memref<125x8xf32, #tpu.memory_space<vmem>>
        %dma_wait3A_267 = arith.constant 0 : i32
        %dma_wait3A_268 = tpu.memref_slice %arg8[%dma_wait3A_262, %dma_wait3A_267] : memref<80x125xi32, #tpu.memory_space<vmem>> -> memref<1x125xi32, #tpu.memory_space<vmem>>
        %dma_wait3A_269 = tpu.memref_squeeze %dma_wait3A_268 : memref<1x125xi32, #tpu.memory_space<vmem>> -> memref<125xi32, #tpu.memory_space<vmem>>
        %dma_wait3A_270 = arith.constant 0 : i32
        %dma_wait3A_271 = arith.constant 0 : i32
        %dma_wait3A_272 = tpu.memref_slice %arg10[%dma_wait3A_270, %dma_wait3A_271] : memref<10000x8xf32, #tpu.memory_space<vmem_shared>> -> memref<10000x8xf32, #tpu.memory_space<vmem_shared>>
        tpu.wait_indirect_dma semaphore(%arg25 : memref<!tpu.dma_semaphore, #tpu.memory_space<semaphore_mem>>) src(%dma_wait3A_266 : memref<125x8xf32, #tpu.memory_space<vmem>>) dst(%dma_wait3A_272 : memref<10000x8xf32, #tpu.memory_space<vmem_shared>>)
      } else {
      }
      %add3A_212 = arith.constant 5 : i32
      %add3A_213 = arith.addi %mul3A_120, %add3A_212 : i32
      %dma_start3A_214 = arith.constant 0 : i32
      %dma_start3A_215 = arith.constant 0 : i32
      %dma_start3A_216 = arith.constant 0 : i32
      %dma_start3A_217 = tpu.memref_slice %arg9[%dma_start3A_214, %dma_start3A_215, %dma_start3A_216] : memref<8x125x8xf32, #tpu.memory_space<vmem>> -> memref<1x125x8xf32, #tpu.memory_space<vmem>>
      %dma_start3A_218 = tpu.memref_squeeze %dma_start3A_217 : memref<1x125x8xf32, #tpu.memory_space<vmem>> -> memref<125x8xf32, #tpu.memory_space<vmem>>
      %dma_start3A_219 = arith.constant 0 : i32
      %dma_start3A_220 = tpu.memref_slice %arg8[%add3A_213, %dma_start3A_219] : memref<80x125xi32, #tpu.memory_space<vmem>> -> memref<1x125xi32, #tpu.memory_space<vmem>>
      %dma_start3A_221 = tpu.memref_squeeze %dma_start3A_220 : memref<1x125xi32, #tpu.memory_space<vmem>> -> memref<125xi32, #tpu.memory_space<vmem>>
      %dma_start3A_222 = arith.constant 0 : i32
      %dma_start3A_223 = arith.constant 0 : i32
      %dma_start3A_224 = tpu.memref_slice %arg10[%dma_start3A_222, %dma_start3A_223] : memref<10000x8xf32, #tpu.memory_space<vmem_shared>> -> memref<10000x8xf32, #tpu.memory_space<vmem_shared>>
      tpu.enqueue_indirect_dma source(%dma_start3A_218 : memref<125x8xf32, #tpu.memory_space<vmem>>) target(%dma_start3A_224 : memref<10000x8xf32, #tpu.memory_space<vmem_shared>>) offsets(%dma_start3A_221 : memref<125xi32, #tpu.memory_space<vmem>>) semaphore(%arg25 : memref<!tpu.dma_semaphore, #tpu.memory_space<semaphore_mem>>) {add = true}
      %gt3A_225 = arith.constant 0 : i32
      %gt3A_226 = arith.cmpi sgt, %scan3A_118, %gt3A_225 : i32
      %convert_element_type3A_227 = arith.extui %gt3A_226 : i1 to i32
      %cond3A_228 = arith.constant 0 : i32
      %cond3A_229 = arith.cmpi ne, %convert_element_type3A_227, %cond3A_228 : i32
      scf.if %cond3A_229 {
        %dma_wait3A_261 = arith.constant 0 : i32
        %dma_wait3A_262 = arith.constant 0 : i32
        %dma_wait3A_263 = arith.constant 0 : i32
        %dma_wait3A_264 = arith.constant 0 : i32
        %dma_wait3A_265 = tpu.memref_slice %arg9[%dma_wait3A_261, %dma_wait3A_263, %dma_wait3A_264] : memref<8x125x8xf32, #tpu.memory_space<vmem>> -> memref<1x125x8xf32, #tpu.memory_space<vmem>>
        %dma_wait3A_266 = tpu.memref_squeeze %dma_wait3A_265 : memref<1x125x8xf32, #tpu.memory_space<vmem>> -> memref<125x8xf32, #tpu.memory_space<vmem>>
        %dma_wait3A_267 = arith.constant 0 : i32
        %dma_wait3A_268 = tpu.memref_slice %arg8[%dma_wait3A_262, %dma_wait3A_267] : memref<80x125xi32, #tpu.memory_space<vmem>> -> memref<1x125xi32, #tpu.memory_space<vmem>>
        %dma_wait3A_269 = tpu.memref_squeeze %dma_wait3A_268 : memref<1x125xi32, #tpu.memory_space<vmem>> -> memref<125xi32, #tpu.memory_space<vmem>>
        %dma_wait3A_270 = arith.constant 0 : i32
        %dma_wait3A_271 = arith.constant 0 : i32
        %dma_wait3A_272 = tpu.memref_slice %arg10[%dma_wait3A_270, %dma_wait3A_271] : memref<10000x8xf32, #tpu.memory_space<vmem_shared>> -> memref<10000x8xf32, #tpu.memory_space<vmem_shared>>
        tpu.wait_indirect_dma semaphore(%arg26 : memref<!tpu.dma_semaphore, #tpu.memory_space<semaphore_mem>>) src(%dma_wait3A_266 : memref<125x8xf32, #tpu.memory_space<vmem>>) dst(%dma_wait3A_272 : memref<10000x8xf32, #tpu.memory_space<vmem_shared>>)
      } else {
      }
      %add3A_230 = arith.constant 6 : i32
      %add3A_231 = arith.addi %mul3A_120, %add3A_230 : i32
      %dma_start3A_232 = arith.constant 0 : i32
      %dma_start3A_233 = arith.constant 0 : i32
      %dma_start3A_234 = arith.constant 0 : i32
      %dma_start3A_235 = tpu.memref_slice %arg9[%dma_start3A_232, %dma_start3A_233, %dma_start3A_234] : memref<8x125x8xf32, #tpu.memory_space<vmem>> -> memref<1x125x8xf32, #tpu.memory_space<vmem>>
      %dma_start3A_236 = tpu.memref_squeeze %dma_start3A_235 : memref<1x125x8xf32, #tpu.memory_space<vmem>> -> memref<125x8xf32, #tpu.memory_space<vmem>>
      %dma_start3A_237 = arith.constant 0 : i32
      %dma_start3A_238 = tpu.memref_slice %arg8[%add3A_231, %dma_start3A_237] : memref<80x125xi32, #tpu.memory_space<vmem>> -> memref<1x125xi32, #tpu.memory_space<vmem>>
      %dma_start3A_239 = tpu.memref_squeeze %dma_start3A_238 : memref<1x125xi32, #tpu.memory_space<vmem>> -> memref<125xi32, #tpu.memory_space<vmem>>
      %dma_start3A_240 = arith.constant 0 : i32
      %dma_start3A_241 = arith.constant 0 : i32
      %dma_start3A_242 = tpu.memref_slice %arg10[%dma_start3A_240, %dma_start3A_241] : memref<10000x8xf32, #tpu.memory_space<vmem_shared>> -> memref<10000x8xf32, #tpu.memory_space<vmem_shared>>
      tpu.enqueue_indirect_dma source(%dma_start3A_236 : memref<125x8xf32, #tpu.memory_space<vmem>>) target(%dma_start3A_242 : memref<10000x8xf32, #tpu.memory_space<vmem_shared>>) offsets(%dma_start3A_239 : memref<125xi32, #tpu.memory_space<vmem>>) semaphore(%arg26 : memref<!tpu.dma_semaphore, #tpu.memory_space<semaphore_mem>>) {add = true}
      %gt3A_243 = arith.constant 0 : i32
      %gt3A_244 = arith.cmpi sgt, %scan3A_118, %gt3A_243 : i32
      %convert_element_type3A_245 = arith.extui %gt3A_244 : i1 to i32
      %cond3A_246 = arith.constant 0 : i32
      %cond3A_247 = arith.cmpi ne, %convert_element_type3A_245, %cond3A_246 : i32
      scf.if %cond3A_247 {
        %dma_wait3A_261 = arith.constant 0 : i32
        %dma_wait3A_262 = arith.constant 0 : i32
        %dma_wait3A_263 = arith.constant 0 : i32
        %dma_wait3A_264 = arith.constant 0 : i32
        %dma_wait3A_265 = tpu.memref_slice %arg9[%dma_wait3A_261, %dma_wait3A_263, %dma_wait3A_264] : memref<8x125x8xf32, #tpu.memory_space<vmem>> -> memref<1x125x8xf32, #tpu.memory_space<vmem>>
        %dma_wait3A_266 = tpu.memref_squeeze %dma_wait3A_265 : memref<1x125x8xf32, #tpu.memory_space<vmem>> -> memref<125x8xf32, #tpu.memory_space<vmem>>
        %dma_wait3A_267 = arith.constant 0 : i32
        %dma_wait3A_268 = tpu.memref_slice %arg8[%dma_wait3A_262, %dma_wait3A_267] : memref<80x125xi32, #tpu.memory_space<vmem>> -> memref<1x125xi32, #tpu.memory_space<vmem>>
        %dma_wait3A_269 = tpu.memref_squeeze %dma_wait3A_268 : memref<1x125xi32, #tpu.memory_space<vmem>> -> memref<125xi32, #tpu.memory_space<vmem>>
        %dma_wait3A_270 = arith.constant 0 : i32
        %dma_wait3A_271 = arith.constant 0 : i32
        %dma_wait3A_272 = tpu.memref_slice %arg10[%dma_wait3A_270, %dma_wait3A_271] : memref<10000x8xf32, #tpu.memory_space<vmem_shared>> -> memref<10000x8xf32, #tpu.memory_space<vmem_shared>>
        tpu.wait_indirect_dma semaphore(%arg27 : memref<!tpu.dma_semaphore, #tpu.memory_space<semaphore_mem>>) src(%dma_wait3A_266 : memref<125x8xf32, #tpu.memory_space<vmem>>) dst(%dma_wait3A_272 : memref<10000x8xf32, #tpu.memory_space<vmem_shared>>)
      } else {
      }
      %add3A_248 = arith.constant 7 : i32
      %add3A_249 = arith.addi %mul3A_120, %add3A_248 : i32
      %dma_start3A_250 = arith.constant 0 : i32
      %dma_start3A_251 = arith.constant 0 : i32
      %dma_start3A_252 = arith.constant 0 : i32
      %dma_start3A_253 = tpu.memref_slice %arg9[%dma_start3A_250, %dma_start3A_251, %dma_start3A_252] : memref<8x125x8xf32, #tpu.memory_space<vmem>> -> memref<1x125x8xf32, #tpu.memory_space<vmem>>
      %dma_start3A_254 = tpu.memref_squeeze %dma_start3A_253 : memref<1x125x8xf32, #tpu.memory_space<vmem>> -> memref<125x8xf32, #tpu.memory_space<vmem>>
      %dma_start3A_255 = arith.constant 0 : i32
      %dma_start3A_256 = tpu.memref_slice %arg8[%add3A_249, %dma_start3A_255] : memref<80x125xi32, #tpu.memory_space<vmem>> -> memref<1x125xi32, #tpu.memory_space<vmem>>
      %dma_start3A_257 = tpu.memref_squeeze %dma_start3A_256 : memref<1x125xi32, #tpu.memory_space<vmem>> -> memref<125xi32, #tpu.memory_space<vmem>>
      %dma_start3A_258 = arith.constant 0 : i32
      %dma_start3A_259 = arith.constant 0 : i32
      %dma_start3A_260 = tpu.memref_slice %arg10[%dma_start3A_258, %dma_start3A_259] : memref<10000x8xf32, #tpu.memory_space<vmem_shared>> -> memref<10000x8xf32, #tpu.memory_space<vmem_shared>>
      tpu.enqueue_indirect_dma source(%dma_start3A_254 : memref<125x8xf32, #tpu.memory_space<vmem>>) target(%dma_start3A_260 : memref<10000x8xf32, #tpu.memory_space<vmem_shared>>) offsets(%dma_start3A_257 : memref<125xi32, #tpu.memory_space<vmem>>) semaphore(%arg27 : memref<!tpu.dma_semaphore, #tpu.memory_space<semaphore_mem>>) {add = true}
    }
    %scan3A_17 = arith.constant 10 : i32
    %dma_wait3A = arith.constant 0 : i32
    %dma_wait3A_18 = arith.constant 0 : i32
    %dma_wait3A_19 = arith.constant 0 : i32
    %dma_wait3A_20 = arith.constant 0 : i32
    %dma_wait3A_21 = tpu.memref_slice %arg9[%dma_wait3A, %dma_wait3A_19, %dma_wait3A_20] : memref<8x125x8xf32, #tpu.memory_space<vmem>> -> memref<1x125x8xf32, #tpu.memory_space<vmem>>
    %dma_wait3A_22 = tpu.memref_squeeze %dma_wait3A_21 : memref<1x125x8xf32, #tpu.memory_space<vmem>> -> memref<125x8xf32, #tpu.memory_space<vmem>>
    %dma_wait3A_23 = arith.constant 0 : i32
    %dma_wait3A_24 = tpu.memref_slice %arg8[%dma_wait3A_18, %dma_wait3A_23] : memref<80x125xi32, #tpu.memory_space<vmem>> -> memref<1x125xi32, #tpu.memory_space<vmem>>
    %dma_wait3A_25 = tpu.memref_squeeze %dma_wait3A_24 : memref<1x125xi32, #tpu.memory_space<vmem>> -> memref<125xi32, #tpu.memory_space<vmem>>
    %dma_wait3A_26 = arith.constant 0 : i32
    %dma_wait3A_27 = arith.constant 0 : i32
    %dma_wait3A_28 = tpu.memref_slice %arg10[%dma_wait3A_26, %dma_wait3A_27] : memref<10000x8xf32, #tpu.memory_space<vmem_shared>> -> memref<10000x8xf32, #tpu.memory_space<vmem_shared>>
    tpu.wait_indirect_dma semaphore(%arg20 : memref<!tpu.dma_semaphore, #tpu.memory_space<semaphore_mem>>) src(%dma_wait3A_22 : memref<125x8xf32, #tpu.memory_space<vmem>>) dst(%dma_wait3A_28 : memref<10000x8xf32, #tpu.memory_space<vmem_shared>>)
    %dma_wait3A_29 = arith.constant 0 : i32
    %dma_wait3A_30 = arith.constant 0 : i32
    %dma_wait3A_31 = arith.constant 0 : i32
    %dma_wait3A_32 = arith.constant 0 : i32
    %dma_wait3A_33 = tpu.memref_slice %arg9[%dma_wait3A_29, %dma_wait3A_31, %dma_wait3A_32] : memref<8x125x8xf32, #tpu.memory_space<vmem>> -> memref<1x125x8xf32, #tpu.memory_space<vmem>>
    %dma_wait3A_34 = tpu.memref_squeeze %dma_wait3A_33 : memref<1x125x8xf32, #tpu.memory_space<vmem>> -> memref<125x8xf32, #tpu.memory_space<vmem>>
    %dma_wait3A_35 = arith.constant 0 : i32
    %dma_wait3A_36 = tpu.memref_slice %arg8[%dma_wait3A_30, %dma_wait3A_35] : memref<80x125xi32, #tpu.memory_space<vmem>> -> memref<1x125xi32, #tpu.memory_space<vmem>>
    %dma_wait3A_37 = tpu.memref_squeeze %dma_wait3A_36 : memref<1x125xi32, #tpu.memory_space<vmem>> -> memref<125xi32, #tpu.memory_space<vmem>>
    %dma_wait3A_38 = arith.constant 0 : i32
    %dma_wait3A_39 = arith.constant 0 : i32
    %dma_wait3A_40 = tpu.memref_slice %arg10[%dma_wait3A_38, %dma_wait3A_39] : memref<10000x8xf32, #tpu.memory_space<vmem_shared>> -> memref<10000x8xf32, #tpu.memory_space<vmem_shared>>
    tpu.wait_indirect_dma semaphore(%arg21 : memref<!tpu.dma_semaphore, #tpu.memory_space<semaphore_mem>>) src(%dma_wait3A_34 : memref<125x8xf32, #tpu.memory_space<vmem>>) dst(%dma_wait3A_40 : memref<10000x8xf32, #tpu.memory_space<vmem_shared>>)
    %dma_wait3A_41 = arith.constant 0 : i32
    %dma_wait3A_42 = arith.constant 0 : i32
    %dma_wait3A_43 = arith.constant 0 : i32
    %dma_wait3A_44 = arith.constant 0 : i32
    %dma_wait3A_45 = tpu.memref_slice %arg9[%dma_wait3A_41, %dma_wait3A_43, %dma_wait3A_44] : memref<8x125x8xf32, #tpu.memory_space<vmem>> -> memref<1x125x8xf32, #tpu.memory_space<vmem>>
    %dma_wait3A_46 = tpu.memref_squeeze %dma_wait3A_45 : memref<1x125x8xf32, #tpu.memory_space<vmem>> -> memref<125x8xf32, #tpu.memory_space<vmem>>
    %dma_wait3A_47 = arith.constant 0 : i32
    %dma_wait3A_48 = tpu.memref_slice %arg8[%dma_wait3A_42, %dma_wait3A_47] : memref<80x125xi32, #tpu.memory_space<vmem>> -> memref<1x125xi32, #tpu.memory_space<vmem>>
    %dma_wait3A_49 = tpu.memref_squeeze %dma_wait3A_48 : memref<1x125xi32, #tpu.memory_space<vmem>> -> memref<125xi32, #tpu.memory_space<vmem>>
    %dma_wait3A_50 = arith.constant 0 : i32
    %dma_wait3A_51 = arith.constant 0 : i32
    %dma_wait3A_52 = tpu.memref_slice %arg10[%dma_wait3A_50, %dma_wait3A_51] : memref<10000x8xf32, #tpu.memory_space<vmem_shared>> -> memref<10000x8xf32, #tpu.memory_space<vmem_shared>>
    tpu.wait_indirect_dma semaphore(%arg22 : memref<!tpu.dma_semaphore, #tpu.memory_space<semaphore_mem>>) src(%dma_wait3A_46 : memref<125x8xf32, #tpu.memory_space<vmem>>) dst(%dma_wait3A_52 : memref<10000x8xf32, #tpu.memory_space<vmem_shared>>)
    %dma_wait3A_53 = arith.constant 0 : i32
    %dma_wait3A_54 = arith.constant 0 : i32
    %dma_wait3A_55 = arith.constant 0 : i32
    %dma_wait3A_56 = arith.constant 0 : i32
    %dma_wait3A_57 = tpu.memref_slice %arg9[%dma_wait3A_53, %dma_wait3A_55, %dma_wait3A_56] : memref<8x125x8xf32, #tpu.memory_space<vmem>> -> memref<1x125x8xf32, #tpu.memory_space<vmem>>
    %dma_wait3A_58 = tpu.memref_squeeze %dma_wait3A_57 : memref<1x125x8xf32, #tpu.memory_space<vmem>> -> memref<125x8xf32, #tpu.memory_space<vmem>>
    %dma_wait3A_59 = arith.constant 0 : i32
    %dma_wait3A_60 = tpu.memref_slice %arg8[%dma_wait3A_54, %dma_wait3A_59] : memref<80x125xi32, #tpu.memory_space<vmem>> -> memref<1x125xi32, #tpu.memory_space<vmem>>
    %dma_wait3A_61 = tpu.memref_squeeze %dma_wait3A_60 : memref<1x125xi32, #tpu.memory_space<vmem>> -> memref<125xi32, #tpu.memory_space<vmem>>
    %dma_wait3A_62 = arith.constant 0 : i32
    %dma_wait3A_63 = arith.constant 0 : i32
    %dma_wait3A_64 = tpu.memref_slice %arg10[%dma_wait3A_62, %dma_wait3A_63] : memref<10000x8xf32, #tpu.memory_space<vmem_shared>> -> memref<10000x8xf32, #tpu.memory_space<vmem_shared>>
    tpu.wait_indirect_dma semaphore(%arg23 : memref<!tpu.dma_semaphore, #tpu.memory_space<semaphore_mem>>) src(%dma_wait3A_58 : memref<125x8xf32, #tpu.memory_space<vmem>>) dst(%dma_wait3A_64 : memref<10000x8xf32, #tpu.memory_space<vmem_shared>>)
    %dma_wait3A_65 = arith.constant 0 : i32
    %dma_wait3A_66 = arith.constant 0 : i32
    %dma_wait3A_67 = arith.constant 0 : i32
    %dma_wait3A_68 = arith.constant 0 : i32
    %dma_wait3A_69 = tpu.memref_slice %arg9[%dma_wait3A_65, %dma_wait3A_67, %dma_wait3A_68] : memref<8x125x8xf32, #tpu.memory_space<vmem>> -> memref<1x125x8xf32, #tpu.memory_space<vmem>>
    %dma_wait3A_70 = tpu.memref_squeeze %dma_wait3A_69 : memref<1x125x8xf32, #tpu.memory_space<vmem>> -> memref<125x8xf32, #tpu.memory_space<vmem>>
    %dma_wait3A_71 = arith.constant 0 : i32
    %dma_wait3A_72 = tpu.memref_slice %arg8[%dma_wait3A_66, %dma_wait3A_71] : memref<80x125xi32, #tpu.memory_space<vmem>> -> memref<1x125xi32, #tpu.memory_space<vmem>>
    %dma_wait3A_73 = tpu.memref_squeeze %dma_wait3A_72 : memref<1x125xi32, #tpu.memory_space<vmem>> -> memref<125xi32, #tpu.memory_space<vmem>>
    %dma_wait3A_74 = arith.constant 0 : i32
    %dma_wait3A_75 = arith.constant 0 : i32
    %dma_wait3A_76 = tpu.memref_slice %arg10[%dma_wait3A_74, %dma_wait3A_75] : memref<10000x8xf32, #tpu.memory_space<vmem_shared>> -> memref<10000x8xf32, #tpu.memory_space<vmem_shared>>
    tpu.wait_indirect_dma semaphore(%arg24 : memref<!tpu.dma_semaphore, #tpu.memory_space<semaphore_mem>>) src(%dma_wait3A_70 : memref<125x8xf32, #tpu.memory_space<vmem>>) dst(%dma_wait3A_76 : memref<10000x8xf32, #tpu.memory_space<vmem_shared>>)
    %dma_wait3A_77 = arith.constant 0 : i32
    %dma_wait3A_78 = arith.constant 0 : i32
    %dma_wait3A_79 = arith.constant 0 : i32
    %dma_wait3A_80 = arith.constant 0 : i32
    %dma_wait3A_81 = tpu.memref_slice %arg9[%dma_wait3A_77, %dma_wait3A_79, %dma_wait3A_80] : memref<8x125x8xf32, #tpu.memory_space<vmem>> -> memref<1x125x8xf32, #tpu.memory_space<vmem>>
    %dma_wait3A_82 = tpu.memref_squeeze %dma_wait3A_81 : memref<1x125x8xf32, #tpu.memory_space<vmem>> -> memref<125x8xf32, #tpu.memory_space<vmem>>
    %dma_wait3A_83 = arith.constant 0 : i32
    %dma_wait3A_84 = tpu.memref_slice %arg8[%dma_wait3A_78, %dma_wait3A_83] : memref<80x125xi32, #tpu.memory_space<vmem>> -> memref<1x125xi32, #tpu.memory_space<vmem>>
    %dma_wait3A_85 = tpu.memref_squeeze %dma_wait3A_84 : memref<1x125xi32, #tpu.memory_space<vmem>> -> memref<125xi32, #tpu.memory_space<vmem>>
    %dma_wait3A_86 = arith.constant 0 : i32
    %dma_wait3A_87 = arith.constant 0 : i32
    %dma_wait3A_88 = tpu.memref_slice %arg10[%dma_wait3A_86, %dma_wait3A_87] : memref<10000x8xf32, #tpu.memory_space<vmem_shared>> -> memref<10000x8xf32, #tpu.memory_space<vmem_shared>>
    tpu.wait_indirect_dma semaphore(%arg25 : memref<!tpu.dma_semaphore, #tpu.memory_space<semaphore_mem>>) src(%dma_wait3A_82 : memref<125x8xf32, #tpu.memory_space<vmem>>) dst(%dma_wait3A_88 : memref<10000x8xf32, #tpu.memory_space<vmem_shared>>)
    %dma_wait3A_89 = arith.constant 0 : i32
    %dma_wait3A_90 = arith.constant 0 : i32
    %dma_wait3A_91 = arith.constant 0 : i32
    %dma_wait3A_92 = arith.constant 0 : i32
    %dma_wait3A_93 = tpu.memref_slice %arg9[%dma_wait3A_89, %dma_wait3A_91, %dma_wait3A_92] : memref<8x125x8xf32, #tpu.memory_space<vmem>> -> memref<1x125x8xf32, #tpu.memory_space<vmem>>
    %dma_wait3A_94 = tpu.memref_squeeze %dma_wait3A_93 : memref<1x125x8xf32, #tpu.memory_space<vmem>> -> memref<125x8xf32, #tpu.memory_space<vmem>>
    %dma_wait3A_95 = arith.constant 0 : i32
    %dma_wait3A_96 = tpu.memref_slice %arg8[%dma_wait3A_90, %dma_wait3A_95] : memref<80x125xi32, #tpu.memory_space<vmem>> -> memref<1x125xi32, #tpu.memory_space<vmem>>
    %dma_wait3A_97 = tpu.memref_squeeze %dma_wait3A_96 : memref<1x125xi32, #tpu.memory_space<vmem>> -> memref<125xi32, #tpu.memory_space<vmem>>
    %dma_wait3A_98 = arith.constant 0 : i32
    %dma_wait3A_99 = arith.constant 0 : i32
    %dma_wait3A_100 = tpu.memref_slice %arg10[%dma_wait3A_98, %dma_wait3A_99] : memref<10000x8xf32, #tpu.memory_space<vmem_shared>> -> memref<10000x8xf32, #tpu.memory_space<vmem_shared>>
    tpu.wait_indirect_dma semaphore(%arg26 : memref<!tpu.dma_semaphore, #tpu.memory_space<semaphore_mem>>) src(%dma_wait3A_94 : memref<125x8xf32, #tpu.memory_space<vmem>>) dst(%dma_wait3A_100 : memref<10000x8xf32, #tpu.memory_space<vmem_shared>>)
    %dma_wait3A_101 = arith.constant 0 : i32
    %dma_wait3A_102 = arith.constant 0 : i32
    %dma_wait3A_103 = arith.constant 0 : i32
    %dma_wait3A_104 = arith.constant 0 : i32
    %dma_wait3A_105 = tpu.memref_slice %arg9[%dma_wait3A_101, %dma_wait3A_103, %dma_wait3A_104] : memref<8x125x8xf32, #tpu.memory_space<vmem>> -> memref<1x125x8xf32, #tpu.memory_space<vmem>>
    %dma_wait3A_106 = tpu.memref_squeeze %dma_wait3A_105 : memref<1x125x8xf32, #tpu.memory_space<vmem>> -> memref<125x8xf32, #tpu.memory_space<vmem>>
    %dma_wait3A_107 = arith.constant 0 : i32
    %dma_wait3A_108 = tpu.memref_slice %arg8[%dma_wait3A_102, %dma_wait3A_107] : memref<80x125xi32, #tpu.memory_space<vmem>> -> memref<1x125xi32, #tpu.memory_space<vmem>>
    %dma_wait3A_109 = tpu.memref_squeeze %dma_wait3A_108 : memref<1x125xi32, #tpu.memory_space<vmem>> -> memref<125xi32, #tpu.memory_space<vmem>>
    %dma_wait3A_110 = arith.constant 0 : i32
    %dma_wait3A_111 = arith.constant 0 : i32
    %dma_wait3A_112 = tpu.memref_slice %arg10[%dma_wait3A_110, %dma_wait3A_111] : memref<10000x8xf32, #tpu.memory_space<vmem_shared>> -> memref<10000x8xf32, #tpu.memory_space<vmem_shared>>
    tpu.wait_indirect_dma semaphore(%arg27 : memref<!tpu.dma_semaphore, #tpu.memory_space<semaphore_mem>>) src(%dma_wait3A_106 : memref<125x8xf32, #tpu.memory_space<vmem>>) dst(%dma_wait3A_112 : memref<10000x8xf32, #tpu.memory_space<vmem_shared>>)
    %barrier3A_113 = arith.constant 0 : index
    tpu.barrier barrier_id(%barrier3A_113)
    %mul3A_114 = arith.constant 625 : i32
    %mul3A_115 = arith.muli %arg1, %mul3A_114 : i32
    %mul3A_116 = arith.constant 625 : i32
    %mul3A_117 = arith.muli %arg1, %mul3A_116 : i32
    "tpu.region"() ({
      %run_scoped3A_118 = tpu.sem_alloc : memref<!tpu.dma_semaphore, #tpu.memory_space<semaphore_mem>>
      %dma_start3A = arith.constant 0 : i32
      %dma_start3A_119 = tpu.memref_slice %arg6[%arg0, %mul3A_117, %dma_start3A] : memref<2x10000x8xf32, #tpu.memory_space<hbm>> -> memref<1x625x8xf32, #tpu.memory_space<hbm>>
      %dma_start3A_120 = tpu.memref_squeeze %dma_start3A_119 : memref<1x625x8xf32, #tpu.memory_space<hbm>> -> memref<625x8xf32, #tpu.memory_space<hbm>>
      %dma_start3A_121 = arith.constant 0 : i32
      %dma_start3A_122 = tpu.memref_slice %arg10[%mul3A_115, %dma_start3A_121] : memref<10000x8xf32, #tpu.memory_space<vmem_shared>> -> memref<625x8xf32, #tpu.memory_space<vmem_shared>>
      tpu.enqueue_dma source(%dma_start3A_122 : memref<625x8xf32, #tpu.memory_space<vmem_shared>>) target(%dma_start3A_120 : memref<625x8xf32, #tpu.memory_space<hbm>>) target_semaphore(%run_scoped3A_118 : memref<!tpu.dma_semaphore, #tpu.memory_space<semaphore_mem>>)
      %dma_wait3A_123 = arith.constant 0 : i32
      %dma_wait3A_124 = tpu.memref_slice %arg6[%arg0, %mul3A_117, %dma_wait3A_123] : memref<2x10000x8xf32, #tpu.memory_space<hbm>> -> memref<1x625x8xf32, #tpu.memory_space<hbm>>
      %dma_wait3A_125 = tpu.memref_squeeze %dma_wait3A_124 : memref<1x625x8xf32, #tpu.memory_space<hbm>> -> memref<625x8xf32, #tpu.memory_space<hbm>>
      %dma_wait3A_126 = arith.constant 0 : i32
      %dma_wait3A_127 = tpu.memref_slice %arg10[%mul3A_115, %dma_wait3A_126] : memref<10000x8xf32, #tpu.memory_space<vmem_shared>> -> memref<625x8xf32, #tpu.memory_space<vmem_shared>>
      tpu.wait_dma2 semaphore(%run_scoped3A_118 : memref<!tpu.dma_semaphore, #tpu.memory_space<semaphore_mem>>) src(%dma_wait3A_127 : memref<625x8xf32, #tpu.memory_space<vmem_shared>>) dst(%dma_wait3A_125 : memref<625x8xf32, #tpu.memory_space<hbm>>)
      tpu.yield
    }) : () -> ()
    return
  }
}

#map = affine_map<(d0, d1) -> (0, 0)>
#map1 = affine_map<(d0, d1) -> (0, 0, 0)>
module attributes {stable_mosaic.version = 14 : i64} {
  func.func @k(%arg0: i32, %arg1: i32, %arg2: memref<10000x16xf32, #tpu.memory_space<hbm>>, %arg3: memref<32x80x125xi32, #tpu.memory_space<hbm>>, %arg4: memref<32x80x125xi32, #tpu.memory_space<hbm>>, %arg5: memref<125x16xf32, #tpu.memory_space<hbm>>, %arg6: memref<2x10000x16xf32, #tpu.memory_space<hbm>>, %arg7: memref<80x125xi32, #tpu.memory_space<vmem>>, %arg8: memref<80x125xi32, #tpu.memory_space<vmem>>, %arg9: memref<8x125x16xf32, #tpu.memory_space<vmem>>, %arg10: memref<10000x16xf32, #tpu.memory_space<vmem_shared>>, %arg11: memref<10000x16xf32, #tpu.memory_space<vmem_shared>>, %arg12: memref<!tpu.dma_semaphore, #tpu.memory_space<semaphore_mem>>, %arg13: memref<!tpu.dma_semaphore, #tpu.memory_space<semaphore_mem>>, %arg14: memref<!tpu.dma_semaphore, #tpu.memory_space<semaphore_mem>>, %arg15: memref<!tpu.dma_semaphore, #tpu.memory_space<semaphore_mem>>, %arg16: memref<!tpu.dma_semaphore, #tpu.memory_space<semaphore_mem>>, %arg17: memref<!tpu.dma_semaphore, #tpu.memory_space<semaphore_mem>>, %arg18: memref<!tpu.dma_semaphore, #tpu.memory_space<semaphore_mem>>, %arg19: memref<!tpu.dma_semaphore, #tpu.memory_space<semaphore_mem>>, %arg20: memref<!tpu.dma_semaphore, #tpu.memory_space<semaphore_mem>>, %arg21: memref<!tpu.dma_semaphore, #tpu.memory_space<semaphore_mem>>, %arg22: memref<!tpu.dma_semaphore, #tpu.memory_space<semaphore_mem>>, %arg23: memref<!tpu.dma_semaphore, #tpu.memory_space<semaphore_mem>>, %arg24: memref<!tpu.dma_semaphore, #tpu.memory_space<semaphore_mem>>, %arg25: memref<!tpu.dma_semaphore, #tpu.memory_space<semaphore_mem>>, %arg26: memref<!tpu.dma_semaphore, #tpu.memory_space<semaphore_mem>>, %arg27: memref<!tpu.dma_semaphore, #tpu.memory_space<semaphore_mem>>) attributes {dimension_semantics = [#tpu.dimension_semantics<core_parallel>, #tpu.dimension_semantics<subcore_parallel>], iteration_bounds = array<i64: 2, 16>, scalar_prefetch = 0 : i64, scratch_operands = 21 : i64, tpu.core_type = #tpu.core_type<sc_vector_subcore>, window_params = [{transform_indices = #map}, {transform_indices = #map1}, {transform_indices = #map1}, {transform_indices = #map}, {transform_indices = #map1}]} {
    %mul3A = arith.constant 2 : i32
    %mul3A_0 = arith.muli %arg1, %mul3A : i32
    %add3A = arith.addi %mul3A_0, %arg0 : i32
    "tpu.region"() ({
      %run_scoped3A = tpu.sem_alloc : memref<!tpu.dma_semaphore, #tpu.memory_space<semaphore_mem>>
      %dma_start3A_122 = arith.constant 0 : i32
      %dma_start3A_123 = arith.constant 0 : i32
      %dma_start3A_124 = tpu.memref_slice %arg3[%add3A, %dma_start3A_122, %dma_start3A_123] : memref<32x80x125xi32, #tpu.memory_space<hbm>> -> memref<1x80x125xi32, #tpu.memory_space<hbm>>
      %dma_start3A_125 = tpu.memref_squeeze %dma_start3A_124 : memref<1x80x125xi32, #tpu.memory_space<hbm>> -> memref<80x125xi32, #tpu.memory_space<hbm>>
      %dma_start3A_126 = arith.constant 0 : i32
      %dma_start3A_127 = arith.constant 0 : i32
      %dma_start3A_128 = tpu.memref_slice %arg3[%add3A, %dma_start3A_126, %dma_start3A_127] : memref<32x80x125xi32, #tpu.memory_space<hbm>> -> memref<1x80x125xi32, #tpu.memory_space<hbm>>
      %dma_start3A_129 = tpu.memref_squeeze %dma_start3A_128 : memref<1x80x125xi32, #tpu.memory_space<hbm>> -> memref<80x125xi32, #tpu.memory_space<hbm>>
      tpu.enqueue_dma source(%dma_start3A_129 : memref<80x125xi32, #tpu.memory_space<hbm>>) target(%arg7 : memref<80x125xi32, #tpu.memory_space<vmem>>) target_semaphore(%run_scoped3A : memref<!tpu.dma_semaphore, #tpu.memory_space<semaphore_mem>>)
      %dma_wait3A = arith.constant 0 : i32
      %dma_wait3A_130 = arith.constant 0 : i32
      %dma_wait3A_131 = tpu.memref_slice %arg3[%add3A, %dma_wait3A, %dma_wait3A_130] : memref<32x80x125xi32, #tpu.memory_space<hbm>> -> memref<1x80x125xi32, #tpu.memory_space<hbm>>
      %dma_wait3A_132 = tpu.memref_squeeze %dma_wait3A_131 : memref<1x80x125xi32, #tpu.memory_space<hbm>> -> memref<80x125xi32, #tpu.memory_space<hbm>>
      %dma_wait3A_133 = arith.constant 0 : i32
      %dma_wait3A_134 = arith.constant 0 : i32
      %dma_wait3A_135 = tpu.memref_slice %arg3[%add3A, %dma_wait3A_133, %dma_wait3A_134] : memref<32x80x125xi32, #tpu.memory_space<hbm>> -> memref<1x80x125xi32, #tpu.memory_space<hbm>>
      %dma_wait3A_136 = tpu.memref_squeeze %dma_wait3A_135 : memref<1x80x125xi32, #tpu.memory_space<hbm>> -> memref<80x125xi32, #tpu.memory_space<hbm>>
      tpu.wait_dma2 semaphore(%run_scoped3A : memref<!tpu.dma_semaphore, #tpu.memory_space<semaphore_mem>>) src(%dma_wait3A_136 : memref<80x125xi32, #tpu.memory_space<hbm>>) dst(%arg7 : memref<80x125xi32, #tpu.memory_space<vmem>>)
      tpu.yield
    }) : () -> ()
    %mul3A_1 = arith.constant 625 : i32
    %mul3A_2 = arith.muli %arg1, %mul3A_1 : i32
    %mul3A_3 = arith.constant 625 : i32
    %mul3A_4 = arith.muli %arg1, %mul3A_3 : i32
    "tpu.region"() ({
      %run_scoped3A = tpu.sem_alloc : memref<!tpu.dma_semaphore, #tpu.memory_space<semaphore_mem>>
      %dma_start3A_122 = arith.constant 0 : i32
      %dma_start3A_123 = tpu.memref_slice %arg11[%mul3A_4, %dma_start3A_122] : memref<10000x16xf32, #tpu.memory_space<vmem_shared>> -> memref<625x16xf32, #tpu.memory_space<vmem_shared>>
      %dma_start3A_124 = arith.constant 0 : i32
      %dma_start3A_125 = tpu.memref_slice %arg2[%mul3A_2, %dma_start3A_124] : memref<10000x16xf32, #tpu.memory_space<hbm>> -> memref<625x16xf32, #tpu.memory_space<hbm>>
      tpu.enqueue_dma source(%dma_start3A_125 : memref<625x16xf32, #tpu.memory_space<hbm>>) target(%dma_start3A_123 : memref<625x16xf32, #tpu.memory_space<vmem_shared>>) target_semaphore(%run_scoped3A : memref<!tpu.dma_semaphore, #tpu.memory_space<semaphore_mem>>)
      %dma_wait3A = arith.constant 0 : i32
      %dma_wait3A_126 = tpu.memref_slice %arg11[%mul3A_4, %dma_wait3A] : memref<10000x16xf32, #tpu.memory_space<vmem_shared>> -> memref<625x16xf32, #tpu.memory_space<vmem_shared>>
      %dma_wait3A_127 = arith.constant 0 : i32
      %dma_wait3A_128 = tpu.memref_slice %arg2[%mul3A_2, %dma_wait3A_127] : memref<10000x16xf32, #tpu.memory_space<hbm>> -> memref<625x16xf32, #tpu.memory_space<hbm>>
      tpu.wait_dma2 semaphore(%run_scoped3A : memref<!tpu.dma_semaphore, #tpu.memory_space<semaphore_mem>>) src(%dma_wait3A_128 : memref<625x16xf32, #tpu.memory_space<hbm>>) dst(%dma_wait3A_126 : memref<625x16xf32, #tpu.memory_space<vmem_shared>>)
      tpu.yield
    }) : () -> ()
    "tpu.region"() ({
      %run_scoped3A = tpu.sem_alloc : memref<!tpu.dma_semaphore, #tpu.memory_space<semaphore_mem>>
      %dma_start3A_122 = arith.constant 0 : i32
      %dma_start3A_123 = arith.constant 0 : i32
      %dma_start3A_124 = tpu.memref_slice %arg4[%add3A, %dma_start3A_122, %dma_start3A_123] : memref<32x80x125xi32, #tpu.memory_space<hbm>> -> memref<1x80x125xi32, #tpu.memory_space<hbm>>
      %dma_start3A_125 = tpu.memref_squeeze %dma_start3A_124 : memref<1x80x125xi32, #tpu.memory_space<hbm>> -> memref<80x125xi32, #tpu.memory_space<hbm>>
      %dma_start3A_126 = arith.constant 0 : i32
      %dma_start3A_127 = arith.constant 0 : i32
      %dma_start3A_128 = tpu.memref_slice %arg4[%add3A, %dma_start3A_126, %dma_start3A_127] : memref<32x80x125xi32, #tpu.memory_space<hbm>> -> memref<1x80x125xi32, #tpu.memory_space<hbm>>
      %dma_start3A_129 = tpu.memref_squeeze %dma_start3A_128 : memref<1x80x125xi32, #tpu.memory_space<hbm>> -> memref<80x125xi32, #tpu.memory_space<hbm>>
      tpu.enqueue_dma source(%dma_start3A_129 : memref<80x125xi32, #tpu.memory_space<hbm>>) target(%arg8 : memref<80x125xi32, #tpu.memory_space<vmem>>) target_semaphore(%run_scoped3A : memref<!tpu.dma_semaphore, #tpu.memory_space<semaphore_mem>>)
      %dma_wait3A = arith.constant 0 : i32
      %dma_wait3A_130 = arith.constant 0 : i32
      %dma_wait3A_131 = tpu.memref_slice %arg4[%add3A, %dma_wait3A, %dma_wait3A_130] : memref<32x80x125xi32, #tpu.memory_space<hbm>> -> memref<1x80x125xi32, #tpu.memory_space<hbm>>
      %dma_wait3A_132 = tpu.memref_squeeze %dma_wait3A_131 : memref<1x80x125xi32, #tpu.memory_space<hbm>> -> memref<80x125xi32, #tpu.memory_space<hbm>>
      %dma_wait3A_133 = arith.constant 0 : i32
      %dma_wait3A_134 = arith.constant 0 : i32
      %dma_wait3A_135 = tpu.memref_slice %arg4[%add3A, %dma_wait3A_133, %dma_wait3A_134] : memref<32x80x125xi32, #tpu.memory_space<hbm>> -> memref<1x80x125xi32, #tpu.memory_space<hbm>>
      %dma_wait3A_136 = tpu.memref_squeeze %dma_wait3A_135 : memref<1x80x125xi32, #tpu.memory_space<hbm>> -> memref<80x125xi32, #tpu.memory_space<hbm>>
      tpu.wait_dma2 semaphore(%run_scoped3A : memref<!tpu.dma_semaphore, #tpu.memory_space<semaphore_mem>>) src(%dma_wait3A_136 : memref<80x125xi32, #tpu.memory_space<hbm>>) dst(%arg8 : memref<80x125xi32, #tpu.memory_space<vmem>>)
      tpu.yield
    }) : () -> ()
    %mul3A_5 = arith.constant 625 : i32
    %mul3A_6 = arith.muli %arg1, %mul3A_5 : i32
    %add3A_7 = arith.constant 0 : i32
    %add3A_8 = arith.addi %mul3A_6, %add3A_7 : i32
    "tpu.region"() ({
      %run_scoped3A = tpu.sem_alloc : memref<!tpu.dma_semaphore, #tpu.memory_space<semaphore_mem>>
      %dma_start3A_122 = arith.constant 0 : i32
      %dma_start3A_123 = tpu.memref_slice %arg10[%add3A_8, %dma_start3A_122] : memref<10000x16xf32, #tpu.memory_space<vmem_shared>> -> memref<128x16xf32, #tpu.memory_space<vmem_shared>>
      %dma_start3A_124 = arith.constant 0 : i32
      %dma_start3A_125 = arith.constant 0 : i32
      %dma_start3A_126 = tpu.memref_slice %arg5[%dma_start3A_124, %dma_start3A_125] : memref<125x16xf32, #tpu.memory_space<hbm>> -> memref<128x16xf32, #tpu.memory_space<hbm>>
      tpu.enqueue_dma source(%dma_start3A_126 : memref<128x16xf32, #tpu.memory_space<hbm>>) target(%dma_start3A_123 : memref<128x16xf32, #tpu.memory_space<vmem_shared>>) target_semaphore(%run_scoped3A : memref<!tpu.dma_semaphore, #tpu.memory_space<semaphore_mem>>)
      %dma_wait3A = arith.constant 0 : i32
      %dma_wait3A_127 = tpu.memref_slice %arg10[%add3A_8, %dma_wait3A] : memref<10000x16xf32, #tpu.memory_space<vmem_shared>> -> memref<128x16xf32, #tpu.memory_space<vmem_shared>>
      %dma_wait3A_128 = arith.constant 0 : i32
      %dma_wait3A_129 = arith.constant 0 : i32
      %dma_wait3A_130 = tpu.memref_slice %arg5[%dma_wait3A_128, %dma_wait3A_129] : memref<125x16xf32, #tpu.memory_space<hbm>> -> memref<128x16xf32, #tpu.memory_space<hbm>>
      tpu.wait_dma2 semaphore(%run_scoped3A : memref<!tpu.dma_semaphore, #tpu.memory_space<semaphore_mem>>) src(%dma_wait3A_130 : memref<128x16xf32, #tpu.memory_space<hbm>>) dst(%dma_wait3A_127 : memref<128x16xf32, #tpu.memory_space<vmem_shared>>)
      tpu.yield
    }) : () -> ()
    %add3A_9 = arith.constant 128 : i32
    %add3A_10 = arith.addi %mul3A_6, %add3A_9 : i32
    "tpu.region"() ({
      %run_scoped3A = tpu.sem_alloc : memref<!tpu.dma_semaphore, #tpu.memory_space<semaphore_mem>>
      %dma_start3A_122 = arith.constant 0 : i32
      %dma_start3A_123 = tpu.memref_slice %arg10[%add3A_10, %dma_start3A_122] : memref<10000x16xf32, #tpu.memory_space<vmem_shared>> -> memref<128x16xf32, #tpu.memory_space<vmem_shared>>
      %dma_start3A_124 = arith.constant 0 : i32
      %dma_start3A_125 = arith.constant 0 : i32
      %dma_start3A_126 = tpu.memref_slice %arg5[%dma_start3A_124, %dma_start3A_125] : memref<125x16xf32, #tpu.memory_space<hbm>> -> memref<128x16xf32, #tpu.memory_space<hbm>>
      tpu.enqueue_dma source(%dma_start3A_126 : memref<128x16xf32, #tpu.memory_space<hbm>>) target(%dma_start3A_123 : memref<128x16xf32, #tpu.memory_space<vmem_shared>>) target_semaphore(%run_scoped3A : memref<!tpu.dma_semaphore, #tpu.memory_space<semaphore_mem>>)
      %dma_wait3A = arith.constant 0 : i32
      %dma_wait3A_127 = tpu.memref_slice %arg10[%add3A_10, %dma_wait3A] : memref<10000x16xf32, #tpu.memory_space<vmem_shared>> -> memref<128x16xf32, #tpu.memory_space<vmem_shared>>
      %dma_wait3A_128 = arith.constant 0 : i32
      %dma_wait3A_129 = arith.constant 0 : i32
      %dma_wait3A_130 = tpu.memref_slice %arg5[%dma_wait3A_128, %dma_wait3A_129] : memref<125x16xf32, #tpu.memory_space<hbm>> -> memref<128x16xf32, #tpu.memory_space<hbm>>
      tpu.wait_dma2 semaphore(%run_scoped3A : memref<!tpu.dma_semaphore, #tpu.memory_space<semaphore_mem>>) src(%dma_wait3A_130 : memref<128x16xf32, #tpu.memory_space<hbm>>) dst(%dma_wait3A_127 : memref<128x16xf32, #tpu.memory_space<vmem_shared>>)
      tpu.yield
    }) : () -> ()
    %add3A_11 = arith.constant 256 : i32
    %add3A_12 = arith.addi %mul3A_6, %add3A_11 : i32
    "tpu.region"() ({
      %run_scoped3A = tpu.sem_alloc : memref<!tpu.dma_semaphore, #tpu.memory_space<semaphore_mem>>
      %dma_start3A_122 = arith.constant 0 : i32
      %dma_start3A_123 = tpu.memref_slice %arg10[%add3A_12, %dma_start3A_122] : memref<10000x16xf32, #tpu.memory_space<vmem_shared>> -> memref<128x16xf32, #tpu.memory_space<vmem_shared>>
      %dma_start3A_124 = arith.constant 0 : i32
      %dma_start3A_125 = arith.constant 0 : i32
      %dma_start3A_126 = tpu.memref_slice %arg5[%dma_start3A_124, %dma_start3A_125] : memref<125x16xf32, #tpu.memory_space<hbm>> -> memref<128x16xf32, #tpu.memory_space<hbm>>
      tpu.enqueue_dma source(%dma_start3A_126 : memref<128x16xf32, #tpu.memory_space<hbm>>) target(%dma_start3A_123 : memref<128x16xf32, #tpu.memory_space<vmem_shared>>) target_semaphore(%run_scoped3A : memref<!tpu.dma_semaphore, #tpu.memory_space<semaphore_mem>>)
      %dma_wait3A = arith.constant 0 : i32
      %dma_wait3A_127 = tpu.memref_slice %arg10[%add3A_12, %dma_wait3A] : memref<10000x16xf32, #tpu.memory_space<vmem_shared>> -> memref<128x16xf32, #tpu.memory_space<vmem_shared>>
      %dma_wait3A_128 = arith.constant 0 : i32
      %dma_wait3A_129 = arith.constant 0 : i32
      %dma_wait3A_130 = tpu.memref_slice %arg5[%dma_wait3A_128, %dma_wait3A_129] : memref<125x16xf32, #tpu.memory_space<hbm>> -> memref<128x16xf32, #tpu.memory_space<hbm>>
      tpu.wait_dma2 semaphore(%run_scoped3A : memref<!tpu.dma_semaphore, #tpu.memory_space<semaphore_mem>>) src(%dma_wait3A_130 : memref<128x16xf32, #tpu.memory_space<hbm>>) dst(%dma_wait3A_127 : memref<128x16xf32, #tpu.memory_space<vmem_shared>>)
      tpu.yield
    }) : () -> ()
    %add3A_13 = arith.constant 384 : i32
    %add3A_14 = arith.addi %mul3A_6, %add3A_13 : i32
    "tpu.region"() ({
      %run_scoped3A = tpu.sem_alloc : memref<!tpu.dma_semaphore, #tpu.memory_space<semaphore_mem>>
      %dma_start3A_122 = arith.constant 0 : i32
      %dma_start3A_123 = tpu.memref_slice %arg10[%add3A_14, %dma_start3A_122] : memref<10000x16xf32, #tpu.memory_space<vmem_shared>> -> memref<128x16xf32, #tpu.memory_space<vmem_shared>>
      %dma_start3A_124 = arith.constant 0 : i32
      %dma_start3A_125 = arith.constant 0 : i32
      %dma_start3A_126 = tpu.memref_slice %arg5[%dma_start3A_124, %dma_start3A_125] : memref<125x16xf32, #tpu.memory_space<hbm>> -> memref<128x16xf32, #tpu.memory_space<hbm>>
      tpu.enqueue_dma source(%dma_start3A_126 : memref<128x16xf32, #tpu.memory_space<hbm>>) target(%dma_start3A_123 : memref<128x16xf32, #tpu.memory_space<vmem_shared>>) target_semaphore(%run_scoped3A : memref<!tpu.dma_semaphore, #tpu.memory_space<semaphore_mem>>)
      %dma_wait3A = arith.constant 0 : i32
      %dma_wait3A_127 = tpu.memref_slice %arg10[%add3A_14, %dma_wait3A] : memref<10000x16xf32, #tpu.memory_space<vmem_shared>> -> memref<128x16xf32, #tpu.memory_space<vmem_shared>>
      %dma_wait3A_128 = arith.constant 0 : i32
      %dma_wait3A_129 = arith.constant 0 : i32
      %dma_wait3A_130 = tpu.memref_slice %arg5[%dma_wait3A_128, %dma_wait3A_129] : memref<125x16xf32, #tpu.memory_space<hbm>> -> memref<128x16xf32, #tpu.memory_space<hbm>>
      tpu.wait_dma2 semaphore(%run_scoped3A : memref<!tpu.dma_semaphore, #tpu.memory_space<semaphore_mem>>) src(%dma_wait3A_130 : memref<128x16xf32, #tpu.memory_space<hbm>>) dst(%dma_wait3A_127 : memref<128x16xf32, #tpu.memory_space<vmem_shared>>)
      tpu.yield
    }) : () -> ()
    %add3A_15 = arith.constant 512 : i32
    %add3A_16 = arith.addi %mul3A_6, %add3A_15 : i32
    "tpu.region"() ({
      %run_scoped3A = tpu.sem_alloc : memref<!tpu.dma_semaphore, #tpu.memory_space<semaphore_mem>>
      %dma_start3A_122 = arith.constant 0 : i32
      %dma_start3A_123 = tpu.memref_slice %arg10[%add3A_16, %dma_start3A_122] : memref<10000x16xf32, #tpu.memory_space<vmem_shared>> -> memref<113x16xf32, #tpu.memory_space<vmem_shared>>
      %dma_start3A_124 = arith.constant 0 : i32
      %dma_start3A_125 = arith.constant 0 : i32
      %dma_start3A_126 = tpu.memref_slice %arg5[%dma_start3A_124, %dma_start3A_125] : memref<125x16xf32, #tpu.memory_space<hbm>> -> memref<113x16xf32, #tpu.memory_space<hbm>>
      tpu.enqueue_dma source(%dma_start3A_126 : memref<113x16xf32, #tpu.memory_space<hbm>>) target(%dma_start3A_123 : memref<113x16xf32, #tpu.memory_space<vmem_shared>>) target_semaphore(%run_scoped3A : memref<!tpu.dma_semaphore, #tpu.memory_space<semaphore_mem>>)
      %dma_wait3A = arith.constant 0 : i32
      %dma_wait3A_127 = tpu.memref_slice %arg10[%add3A_16, %dma_wait3A] : memref<10000x16xf32, #tpu.memory_space<vmem_shared>> -> memref<113x16xf32, #tpu.memory_space<vmem_shared>>
      %dma_wait3A_128 = arith.constant 0 : i32
      %dma_wait3A_129 = arith.constant 0 : i32
      %dma_wait3A_130 = tpu.memref_slice %arg5[%dma_wait3A_128, %dma_wait3A_129] : memref<125x16xf32, #tpu.memory_space<hbm>> -> memref<113x16xf32, #tpu.memory_space<hbm>>
      tpu.wait_dma2 semaphore(%run_scoped3A : memref<!tpu.dma_semaphore, #tpu.memory_space<semaphore_mem>>) src(%dma_wait3A_130 : memref<113x16xf32, #tpu.memory_space<hbm>>) dst(%dma_wait3A_127 : memref<113x16xf32, #tpu.memory_space<vmem_shared>>)
      tpu.yield
    }) : () -> ()
    %barrier3A = arith.constant 0 : index
    tpu.barrier barrier_id(%barrier3A)
    %dma_start3A = arith.constant 0 : i32
    %dma_start3A_17 = arith.constant 0 : i32
    %dma_start3A_18 = arith.constant 0 : i32
    %dma_start3A_19 = arith.constant 0 : i32
    %dma_start3A_20 = tpu.memref_slice %arg9[%dma_start3A_17, %dma_start3A_18, %dma_start3A_19] : memref<8x125x16xf32, #tpu.memory_space<vmem>> -> memref<1x125x16xf32, #tpu.memory_space<vmem>>
    %dma_start3A_21 = tpu.memref_squeeze %dma_start3A_20 : memref<1x125x16xf32, #tpu.memory_space<vmem>> -> memref<125x16xf32, #tpu.memory_space<vmem>>
    %dma_start3A_22 = arith.constant 0 : i32
    %dma_start3A_23 = tpu.memref_slice %arg7[%dma_start3A, %dma_start3A_22] : memref<80x125xi32, #tpu.memory_space<vmem>> -> memref<1x125xi32, #tpu.memory_space<vmem>>
    %dma_start3A_24 = tpu.memref_squeeze %dma_start3A_23 : memref<1x125xi32, #tpu.memory_space<vmem>> -> memref<125xi32, #tpu.memory_space<vmem>>
    %dma_start3A_25 = arith.constant 0 : i32
    %dma_start3A_26 = arith.constant 0 : i32
    %dma_start3A_27 = tpu.memref_slice %arg11[%dma_start3A_25, %dma_start3A_26] : memref<10000x16xf32, #tpu.memory_space<vmem_shared>> -> memref<10000x16xf32, #tpu.memory_space<vmem_shared>>
    tpu.enqueue_indirect_dma source(%dma_start3A_27 : memref<10000x16xf32, #tpu.memory_space<vmem_shared>>) target(%dma_start3A_21 : memref<125x16xf32, #tpu.memory_space<vmem>>) offsets(%dma_start3A_24 : memref<125xi32, #tpu.memory_space<vmem>>) semaphore(%arg12 : memref<!tpu.dma_semaphore, #tpu.memory_space<semaphore_mem>>)
    %dma_start3A_28 = arith.constant 1 : i32
    %dma_start3A_29 = arith.constant 1 : i32
    %dma_start3A_30 = arith.constant 0 : i32
    %dma_start3A_31 = arith.constant 0 : i32
    %dma_start3A_32 = tpu.memref_slice %arg9[%dma_start3A_29, %dma_start3A_30, %dma_start3A_31] : memref<8x125x16xf32, #tpu.memory_space<vmem>> -> memref<1x125x16xf32, #tpu.memory_space<vmem>>
    %dma_start3A_33 = tpu.memref_squeeze %dma_start3A_32 : memref<1x125x16xf32, #tpu.memory_space<vmem>> -> memref<125x16xf32, #tpu.memory_space<vmem>>
    %dma_start3A_34 = arith.constant 0 : i32
    %dma_start3A_35 = tpu.memref_slice %arg7[%dma_start3A_28, %dma_start3A_34] : memref<80x125xi32, #tpu.memory_space<vmem>> -> memref<1x125xi32, #tpu.memory_space<vmem>>
    %dma_start3A_36 = tpu.memref_squeeze %dma_start3A_35 : memref<1x125xi32, #tpu.memory_space<vmem>> -> memref<125xi32, #tpu.memory_space<vmem>>
    %dma_start3A_37 = arith.constant 0 : i32
    %dma_start3A_38 = arith.constant 0 : i32
    %dma_start3A_39 = tpu.memref_slice %arg11[%dma_start3A_37, %dma_start3A_38] : memref<10000x16xf32, #tpu.memory_space<vmem_shared>> -> memref<10000x16xf32, #tpu.memory_space<vmem_shared>>
    tpu.enqueue_indirect_dma source(%dma_start3A_39 : memref<10000x16xf32, #tpu.memory_space<vmem_shared>>) target(%dma_start3A_33 : memref<125x16xf32, #tpu.memory_space<vmem>>) offsets(%dma_start3A_36 : memref<125xi32, #tpu.memory_space<vmem>>) semaphore(%arg13 : memref<!tpu.dma_semaphore, #tpu.memory_space<semaphore_mem>>)
    %dma_start3A_40 = arith.constant 2 : i32
    %dma_start3A_41 = arith.constant 2 : i32
    %dma_start3A_42 = arith.constant 0 : i32
    %dma_start3A_43 = arith.constant 0 : i32
    %dma_start3A_44 = tpu.memref_slice %arg9[%dma_start3A_41, %dma_start3A_42, %dma_start3A_43] : memref<8x125x16xf32, #tpu.memory_space<vmem>> -> memref<1x125x16xf32, #tpu.memory_space<vmem>>
    %dma_start3A_45 = tpu.memref_squeeze %dma_start3A_44 : memref<1x125x16xf32, #tpu.memory_space<vmem>> -> memref<125x16xf32, #tpu.memory_space<vmem>>
    %dma_start3A_46 = arith.constant 0 : i32
    %dma_start3A_47 = tpu.memref_slice %arg7[%dma_start3A_40, %dma_start3A_46] : memref<80x125xi32, #tpu.memory_space<vmem>> -> memref<1x125xi32, #tpu.memory_space<vmem>>
    %dma_start3A_48 = tpu.memref_squeeze %dma_start3A_47 : memref<1x125xi32, #tpu.memory_space<vmem>> -> memref<125xi32, #tpu.memory_space<vmem>>
    %dma_start3A_49 = arith.constant 0 : i32
    %dma_start3A_50 = arith.constant 0 : i32
    %dma_start3A_51 = tpu.memref_slice %arg11[%dma_start3A_49, %dma_start3A_50] : memref<10000x16xf32, #tpu.memory_space<vmem_shared>> -> memref<10000x16xf32, #tpu.memory_space<vmem_shared>>
    tpu.enqueue_indirect_dma source(%dma_start3A_51 : memref<10000x16xf32, #tpu.memory_space<vmem_shared>>) target(%dma_start3A_45 : memref<125x16xf32, #tpu.memory_space<vmem>>) offsets(%dma_start3A_48 : memref<125xi32, #tpu.memory_space<vmem>>) semaphore(%arg14 : memref<!tpu.dma_semaphore, #tpu.memory_space<semaphore_mem>>)
    %dma_start3A_52 = arith.constant 3 : i32
    %dma_start3A_53 = arith.constant 3 : i32
    %dma_start3A_54 = arith.constant 0 : i32
    %dma_start3A_55 = arith.constant 0 : i32
    %dma_start3A_56 = tpu.memref_slice %arg9[%dma_start3A_53, %dma_start3A_54, %dma_start3A_55] : memref<8x125x16xf32, #tpu.memory_space<vmem>> -> memref<1x125x16xf32, #tpu.memory_space<vmem>>
    %dma_start3A_57 = tpu.memref_squeeze %dma_start3A_56 : memref<1x125x16xf32, #tpu.memory_space<vmem>> -> memref<125x16xf32, #tpu.memory_space<vmem>>
    %dma_start3A_58 = arith.constant 0 : i32
    %dma_start3A_59 = tpu.memref_slice %arg7[%dma_start3A_52, %dma_start3A_58] : memref<80x125xi32, #tpu.memory_space<vmem>> -> memref<1x125xi32, #tpu.memory_space<vmem>>
    %dma_start3A_60 = tpu.memref_squeeze %dma_start3A_59 : memref<1x125xi32, #tpu.memory_space<vmem>> -> memref<125xi32, #tpu.memory_space<vmem>>
    %dma_start3A_61 = arith.constant 0 : i32
    %dma_start3A_62 = arith.constant 0 : i32
    %dma_start3A_63 = tpu.memref_slice %arg11[%dma_start3A_61, %dma_start3A_62] : memref<10000x16xf32, #tpu.memory_space<vmem_shared>> -> memref<10000x16xf32, #tpu.memory_space<vmem_shared>>
    tpu.enqueue_indirect_dma source(%dma_start3A_63 : memref<10000x16xf32, #tpu.memory_space<vmem_shared>>) target(%dma_start3A_57 : memref<125x16xf32, #tpu.memory_space<vmem>>) offsets(%dma_start3A_60 : memref<125xi32, #tpu.memory_space<vmem>>) semaphore(%arg15 : memref<!tpu.dma_semaphore, #tpu.memory_space<semaphore_mem>>)
    %dma_start3A_64 = arith.constant 4 : i32
    %dma_start3A_65 = arith.constant 4 : i32
    %dma_start3A_66 = arith.constant 0 : i32
    %dma_start3A_67 = arith.constant 0 : i32
    %dma_start3A_68 = tpu.memref_slice %arg9[%dma_start3A_65, %dma_start3A_66, %dma_start3A_67] : memref<8x125x16xf32, #tpu.memory_space<vmem>> -> memref<1x125x16xf32, #tpu.memory_space<vmem>>
    %dma_start3A_69 = tpu.memref_squeeze %dma_start3A_68 : memref<1x125x16xf32, #tpu.memory_space<vmem>> -> memref<125x16xf32, #tpu.memory_space<vmem>>
    %dma_start3A_70 = arith.constant 0 : i32
    %dma_start3A_71 = tpu.memref_slice %arg7[%dma_start3A_64, %dma_start3A_70] : memref<80x125xi32, #tpu.memory_space<vmem>> -> memref<1x125xi32, #tpu.memory_space<vmem>>
    %dma_start3A_72 = tpu.memref_squeeze %dma_start3A_71 : memref<1x125xi32, #tpu.memory_space<vmem>> -> memref<125xi32, #tpu.memory_space<vmem>>
    %dma_start3A_73 = arith.constant 0 : i32
    %dma_start3A_74 = arith.constant 0 : i32
    %dma_start3A_75 = tpu.memref_slice %arg11[%dma_start3A_73, %dma_start3A_74] : memref<10000x16xf32, #tpu.memory_space<vmem_shared>> -> memref<10000x16xf32, #tpu.memory_space<vmem_shared>>
    tpu.enqueue_indirect_dma source(%dma_start3A_75 : memref<10000x16xf32, #tpu.memory_space<vmem_shared>>) target(%dma_start3A_69 : memref<125x16xf32, #tpu.memory_space<vmem>>) offsets(%dma_start3A_72 : memref<125xi32, #tpu.memory_space<vmem>>) semaphore(%arg16 : memref<!tpu.dma_semaphore, #tpu.memory_space<semaphore_mem>>)
    %dma_start3A_76 = arith.constant 5 : i32
    %dma_start3A_77 = arith.constant 5 : i32
    %dma_start3A_78 = arith.constant 0 : i32
    %dma_start3A_79 = arith.constant 0 : i32
    %dma_start3A_80 = tpu.memref_slice %arg9[%dma_start3A_77, %dma_start3A_78, %dma_start3A_79] : memref<8x125x16xf32, #tpu.memory_space<vmem>> -> memref<1x125x16xf32, #tpu.memory_space<vmem>>
    %dma_start3A_81 = tpu.memref_squeeze %dma_start3A_80 : memref<1x125x16xf32, #tpu.memory_space<vmem>> -> memref<125x16xf32, #tpu.memory_space<vmem>>
    %dma_start3A_82 = arith.constant 0 : i32
    %dma_start3A_83 = tpu.memref_slice %arg7[%dma_start3A_76, %dma_start3A_82] : memref<80x125xi32, #tpu.memory_space<vmem>> -> memref<1x125xi32, #tpu.memory_space<vmem>>
    %dma_start3A_84 = tpu.memref_squeeze %dma_start3A_83 : memref<1x125xi32, #tpu.memory_space<vmem>> -> memref<125xi32, #tpu.memory_space<vmem>>
    %dma_start3A_85 = arith.constant 0 : i32
    %dma_start3A_86 = arith.constant 0 : i32
    %dma_start3A_87 = tpu.memref_slice %arg11[%dma_start3A_85, %dma_start3A_86] : memref<10000x16xf32, #tpu.memory_space<vmem_shared>> -> memref<10000x16xf32, #tpu.memory_space<vmem_shared>>
    tpu.enqueue_indirect_dma source(%dma_start3A_87 : memref<10000x16xf32, #tpu.memory_space<vmem_shared>>) target(%dma_start3A_81 : memref<125x16xf32, #tpu.memory_space<vmem>>) offsets(%dma_start3A_84 : memref<125xi32, #tpu.memory_space<vmem>>) semaphore(%arg17 : memref<!tpu.dma_semaphore, #tpu.memory_space<semaphore_mem>>)
    %dma_start3A_88 = arith.constant 6 : i32
    %dma_start3A_89 = arith.constant 6 : i32
    %dma_start3A_90 = arith.constant 0 : i32
    %dma_start3A_91 = arith.constant 0 : i32
    %dma_start3A_92 = tpu.memref_slice %arg9[%dma_start3A_89, %dma_start3A_90, %dma_start3A_91] : memref<8x125x16xf32, #tpu.memory_space<vmem>> -> memref<1x125x16xf32, #tpu.memory_space<vmem>>
    %dma_start3A_93 = tpu.memref_squeeze %dma_start3A_92 : memref<1x125x16xf32, #tpu.memory_space<vmem>> -> memref<125x16xf32, #tpu.memory_space<vmem>>
    %dma_start3A_94 = arith.constant 0 : i32
    %dma_start3A_95 = tpu.memref_slice %arg7[%dma_start3A_88, %dma_start3A_94] : memref<80x125xi32, #tpu.memory_space<vmem>> -> memref<1x125xi32, #tpu.memory_space<vmem>>
    %dma_start3A_96 = tpu.memref_squeeze %dma_start3A_95 : memref<1x125xi32, #tpu.memory_space<vmem>> -> memref<125xi32, #tpu.memory_space<vmem>>
    %dma_start3A_97 = arith.constant 0 : i32
    %dma_start3A_98 = arith.constant 0 : i32
    %dma_start3A_99 = tpu.memref_slice %arg11[%dma_start3A_97, %dma_start3A_98] : memref<10000x16xf32, #tpu.memory_space<vmem_shared>> -> memref<10000x16xf32, #tpu.memory_space<vmem_shared>>
    tpu.enqueue_indirect_dma source(%dma_start3A_99 : memref<10000x16xf32, #tpu.memory_space<vmem_shared>>) target(%dma_start3A_93 : memref<125x16xf32, #tpu.memory_space<vmem>>) offsets(%dma_start3A_96 : memref<125xi32, #tpu.memory_space<vmem>>) semaphore(%arg18 : memref<!tpu.dma_semaphore, #tpu.memory_space<semaphore_mem>>)
    %dma_start3A_100 = arith.constant 7 : i32
    %dma_start3A_101 = arith.constant 7 : i32
    %dma_start3A_102 = arith.constant 0 : i32
    %dma_start3A_103 = arith.constant 0 : i32
    %dma_start3A_104 = tpu.memref_slice %arg9[%dma_start3A_101, %dma_start3A_102, %dma_start3A_103] : memref<8x125x16xf32, #tpu.memory_space<vmem>> -> memref<1x125x16xf32, #tpu.memory_space<vmem>>
    %dma_start3A_105 = tpu.memref_squeeze %dma_start3A_104 : memref<1x125x16xf32, #tpu.memory_space<vmem>> -> memref<125x16xf32, #tpu.memory_space<vmem>>
    %dma_start3A_106 = arith.constant 0 : i32
    %dma_start3A_107 = tpu.memref_slice %arg7[%dma_start3A_100, %dma_start3A_106] : memref<80x125xi32, #tpu.memory_space<vmem>> -> memref<1x125xi32, #tpu.memory_space<vmem>>
    %dma_start3A_108 = tpu.memref_squeeze %dma_start3A_107 : memref<1x125xi32, #tpu.memory_space<vmem>> -> memref<125xi32, #tpu.memory_space<vmem>>
    %dma_start3A_109 = arith.constant 0 : i32
    %dma_start3A_110 = arith.constant 0 : i32
    %dma_start3A_111 = tpu.memref_slice %arg11[%dma_start3A_109, %dma_start3A_110] : memref<10000x16xf32, #tpu.memory_space<vmem_shared>> -> memref<10000x16xf32, #tpu.memory_space<vmem_shared>>
    tpu.enqueue_indirect_dma source(%dma_start3A_111 : memref<10000x16xf32, #tpu.memory_space<vmem_shared>>) target(%dma_start3A_105 : memref<125x16xf32, #tpu.memory_space<vmem>>) offsets(%dma_start3A_108 : memref<125xi32, #tpu.memory_space<vmem>>) semaphore(%arg19 : memref<!tpu.dma_semaphore, #tpu.memory_space<semaphore_mem>>)
    %scan3A = arith.constant 0 : i32
    %scan3A_112 = arith.constant 0 : i32
    %scan3A_113 = arith.constant 10 : i32
    %scan3A_114 = arith.addi %scan3A_112, %scan3A_113 : i32
    %scan3A_115 = arith.constant 1 : i32
    scf.for %scan3A_122 = %scan3A_112 to %scan3A_114 step %scan3A_115  : i32 {
      %mul3A_123 = arith.constant 8 : i32
      %mul3A_124 = arith.muli %scan3A_122, %mul3A_123 : i32
      %add3A_125 = arith.constant 0 : i32
      %add3A_126 = arith.addi %mul3A_124, %add3A_125 : i32
      %dma_wait3A = arith.constant 0 : i32
      %dma_wait3A_127 = arith.constant 0 : i32
      %dma_wait3A_128 = arith.constant 0 : i32
      %dma_wait3A_129 = tpu.memref_slice %arg9[%dma_wait3A, %dma_wait3A_127, %dma_wait3A_128] : memref<8x125x16xf32, #tpu.memory_space<vmem>> -> memref<1x125x16xf32, #tpu.memory_space<vmem>>
      %dma_wait3A_130 = tpu.memref_squeeze %dma_wait3A_129 : memref<1x125x16xf32, #tpu.memory_space<vmem>> -> memref<125x16xf32, #tpu.memory_space<vmem>>
      %dma_wait3A_131 = arith.constant 0 : i32
      %dma_wait3A_132 = tpu.memref_slice %arg7[%add3A_126, %dma_wait3A_131] : memref<80x125xi32, #tpu.memory_space<vmem>> -> memref<1x125xi32, #tpu.memory_space<vmem>>
      %dma_wait3A_133 = tpu.memref_squeeze %dma_wait3A_132 : memref<1x125xi32, #tpu.memory_space<vmem>> -> memref<125xi32, #tpu.memory_space<vmem>>
      %dma_wait3A_134 = arith.constant 0 : i32
      %dma_wait3A_135 = arith.constant 0 : i32
      %dma_wait3A_136 = tpu.memref_slice %arg11[%dma_wait3A_134, %dma_wait3A_135] : memref<10000x16xf32, #tpu.memory_space<vmem_shared>> -> memref<10000x16xf32, #tpu.memory_space<vmem_shared>>
      tpu.wait_indirect_dma semaphore(%arg12 : memref<!tpu.dma_semaphore, #tpu.memory_space<semaphore_mem>>) src(%dma_wait3A_136 : memref<10000x16xf32, #tpu.memory_space<vmem_shared>>) dst(%dma_wait3A_130 : memref<125x16xf32, #tpu.memory_space<vmem>>)
      %dma_start3A_137 = arith.constant 0 : i32
      %dma_start3A_138 = arith.constant 0 : i32
      %dma_start3A_139 = arith.constant 0 : i32
      %dma_start3A_140 = tpu.memref_slice %arg9[%dma_start3A_137, %dma_start3A_138, %dma_start3A_139] : memref<8x125x16xf32, #tpu.memory_space<vmem>> -> memref<1x125x16xf32, #tpu.memory_space<vmem>>
      %dma_start3A_141 = tpu.memref_squeeze %dma_start3A_140 : memref<1x125x16xf32, #tpu.memory_space<vmem>> -> memref<125x16xf32, #tpu.memory_space<vmem>>
      %dma_start3A_142 = arith.constant 0 : i32
      %dma_start3A_143 = tpu.memref_slice %arg8[%add3A_126, %dma_start3A_142] : memref<80x125xi32, #tpu.memory_space<vmem>> -> memref<1x125xi32, #tpu.memory_space<vmem>>
      %dma_start3A_144 = tpu.memref_squeeze %dma_start3A_143 : memref<1x125xi32, #tpu.memory_space<vmem>> -> memref<125xi32, #tpu.memory_space<vmem>>
      %dma_start3A_145 = arith.constant 0 : i32
      %dma_start3A_146 = arith.constant 0 : i32
      %dma_start3A_147 = tpu.memref_slice %arg10[%dma_start3A_145, %dma_start3A_146] : memref<10000x16xf32, #tpu.memory_space<vmem_shared>> -> memref<10000x16xf32, #tpu.memory_space<vmem_shared>>
      tpu.enqueue_indirect_dma source(%dma_start3A_141 : memref<125x16xf32, #tpu.memory_space<vmem>>) target(%dma_start3A_147 : memref<10000x16xf32, #tpu.memory_space<vmem_shared>>) offsets(%dma_start3A_144 : memref<125xi32, #tpu.memory_space<vmem>>) semaphore(%arg20 : memref<!tpu.dma_semaphore, #tpu.memory_space<semaphore_mem>>) {add = true}
      %add3A_148 = arith.constant 1 : i32
      %add3A_149 = arith.addi %mul3A_124, %add3A_148 : i32
      %dma_wait3A_150 = arith.constant 1 : i32
      %dma_wait3A_151 = arith.constant 0 : i32
      %dma_wait3A_152 = arith.constant 0 : i32
      %dma_wait3A_153 = tpu.memref_slice %arg9[%dma_wait3A_150, %dma_wait3A_151, %dma_wait3A_152] : memref<8x125x16xf32, #tpu.memory_space<vmem>> -> memref<1x125x16xf32, #tpu.memory_space<vmem>>
      %dma_wait3A_154 = tpu.memref_squeeze %dma_wait3A_153 : memref<1x125x16xf32, #tpu.memory_space<vmem>> -> memref<125x16xf32, #tpu.memory_space<vmem>>
      %dma_wait3A_155 = arith.constant 0 : i32
      %dma_wait3A_156 = tpu.memref_slice %arg7[%add3A_149, %dma_wait3A_155] : memref<80x125xi32, #tpu.memory_space<vmem>> -> memref<1x125xi32, #tpu.memory_space<vmem>>
      %dma_wait3A_157 = tpu.memref_squeeze %dma_wait3A_156 : memref<1x125xi32, #tpu.memory_space<vmem>> -> memref<125xi32, #tpu.memory_space<vmem>>
      %dma_wait3A_158 = arith.constant 0 : i32
      %dma_wait3A_159 = arith.constant 0 : i32
      %dma_wait3A_160 = tpu.memref_slice %arg11[%dma_wait3A_158, %dma_wait3A_159] : memref<10000x16xf32, #tpu.memory_space<vmem_shared>> -> memref<10000x16xf32, #tpu.memory_space<vmem_shared>>
      tpu.wait_indirect_dma semaphore(%arg13 : memref<!tpu.dma_semaphore, #tpu.memory_space<semaphore_mem>>) src(%dma_wait3A_160 : memref<10000x16xf32, #tpu.memory_space<vmem_shared>>) dst(%dma_wait3A_154 : memref<125x16xf32, #tpu.memory_space<vmem>>)
      %dma_start3A_161 = arith.constant 1 : i32
      %dma_start3A_162 = arith.constant 0 : i32
      %dma_start3A_163 = arith.constant 0 : i32
      %dma_start3A_164 = tpu.memref_slice %arg9[%dma_start3A_161, %dma_start3A_162, %dma_start3A_163] : memref<8x125x16xf32, #tpu.memory_space<vmem>> -> memref<1x125x16xf32, #tpu.memory_space<vmem>>
      %dma_start3A_165 = tpu.memref_squeeze %dma_start3A_164 : memref<1x125x16xf32, #tpu.memory_space<vmem>> -> memref<125x16xf32, #tpu.memory_space<vmem>>
      %dma_start3A_166 = arith.constant 0 : i32
      %dma_start3A_167 = tpu.memref_slice %arg8[%add3A_149, %dma_start3A_166] : memref<80x125xi32, #tpu.memory_space<vmem>> -> memref<1x125xi32, #tpu.memory_space<vmem>>
      %dma_start3A_168 = tpu.memref_squeeze %dma_start3A_167 : memref<1x125xi32, #tpu.memory_space<vmem>> -> memref<125xi32, #tpu.memory_space<vmem>>
      %dma_start3A_169 = arith.constant 0 : i32
      %dma_start3A_170 = arith.constant 0 : i32
      %dma_start3A_171 = tpu.memref_slice %arg10[%dma_start3A_169, %dma_start3A_170] : memref<10000x16xf32, #tpu.memory_space<vmem_shared>> -> memref<10000x16xf32, #tpu.memory_space<vmem_shared>>
      tpu.enqueue_indirect_dma source(%dma_start3A_165 : memref<125x16xf32, #tpu.memory_space<vmem>>) target(%dma_start3A_171 : memref<10000x16xf32, #tpu.memory_space<vmem_shared>>) offsets(%dma_start3A_168 : memref<125xi32, #tpu.memory_space<vmem>>) semaphore(%arg21 : memref<!tpu.dma_semaphore, #tpu.memory_space<semaphore_mem>>) {add = true}
      %add3A_172 = arith.constant 2 : i32
      %add3A_173 = arith.addi %mul3A_124, %add3A_172 : i32
      %dma_wait3A_174 = arith.constant 2 : i32
      %dma_wait3A_175 = arith.constant 0 : i32
      %dma_wait3A_176 = arith.constant 0 : i32
      %dma_wait3A_177 = tpu.memref_slice %arg9[%dma_wait3A_174, %dma_wait3A_175, %dma_wait3A_176] : memref<8x125x16xf32, #tpu.memory_space<vmem>> -> memref<1x125x16xf32, #tpu.memory_space<vmem>>
      %dma_wait3A_178 = tpu.memref_squeeze %dma_wait3A_177 : memref<1x125x16xf32, #tpu.memory_space<vmem>> -> memref<125x16xf32, #tpu.memory_space<vmem>>
      %dma_wait3A_179 = arith.constant 0 : i32
      %dma_wait3A_180 = tpu.memref_slice %arg7[%add3A_173, %dma_wait3A_179] : memref<80x125xi32, #tpu.memory_space<vmem>> -> memref<1x125xi32, #tpu.memory_space<vmem>>
      %dma_wait3A_181 = tpu.memref_squeeze %dma_wait3A_180 : memref<1x125xi32, #tpu.memory_space<vmem>> -> memref<125xi32, #tpu.memory_space<vmem>>
      %dma_wait3A_182 = arith.constant 0 : i32
      %dma_wait3A_183 = arith.constant 0 : i32
      %dma_wait3A_184 = tpu.memref_slice %arg11[%dma_wait3A_182, %dma_wait3A_183] : memref<10000x16xf32, #tpu.memory_space<vmem_shared>> -> memref<10000x16xf32, #tpu.memory_space<vmem_shared>>
      tpu.wait_indirect_dma semaphore(%arg14 : memref<!tpu.dma_semaphore, #tpu.memory_space<semaphore_mem>>) src(%dma_wait3A_184 : memref<10000x16xf32, #tpu.memory_space<vmem_shared>>) dst(%dma_wait3A_178 : memref<125x16xf32, #tpu.memory_space<vmem>>)
      %dma_start3A_185 = arith.constant 2 : i32
      %dma_start3A_186 = arith.constant 0 : i32
      %dma_start3A_187 = arith.constant 0 : i32
      %dma_start3A_188 = tpu.memref_slice %arg9[%dma_start3A_185, %dma_start3A_186, %dma_start3A_187] : memref<8x125x16xf32, #tpu.memory_space<vmem>> -> memref<1x125x16xf32, #tpu.memory_space<vmem>>
      %dma_start3A_189 = tpu.memref_squeeze %dma_start3A_188 : memref<1x125x16xf32, #tpu.memory_space<vmem>> -> memref<125x16xf32, #tpu.memory_space<vmem>>
      %dma_start3A_190 = arith.constant 0 : i32
      %dma_start3A_191 = tpu.memref_slice %arg8[%add3A_173, %dma_start3A_190] : memref<80x125xi32, #tpu.memory_space<vmem>> -> memref<1x125xi32, #tpu.memory_space<vmem>>
      %dma_start3A_192 = tpu.memref_squeeze %dma_start3A_191 : memref<1x125xi32, #tpu.memory_space<vmem>> -> memref<125xi32, #tpu.memory_space<vmem>>
      %dma_start3A_193 = arith.constant 0 : i32
      %dma_start3A_194 = arith.constant 0 : i32
      %dma_start3A_195 = tpu.memref_slice %arg10[%dma_start3A_193, %dma_start3A_194] : memref<10000x16xf32, #tpu.memory_space<vmem_shared>> -> memref<10000x16xf32, #tpu.memory_space<vmem_shared>>
      tpu.enqueue_indirect_dma source(%dma_start3A_189 : memref<125x16xf32, #tpu.memory_space<vmem>>) target(%dma_start3A_195 : memref<10000x16xf32, #tpu.memory_space<vmem_shared>>) offsets(%dma_start3A_192 : memref<125xi32, #tpu.memory_space<vmem>>) semaphore(%arg22 : memref<!tpu.dma_semaphore, #tpu.memory_space<semaphore_mem>>) {add = true}
      %add3A_196 = arith.constant 3 : i32
      %add3A_197 = arith.addi %mul3A_124, %add3A_196 : i32
      %dma_wait3A_198 = arith.constant 3 : i32
      %dma_wait3A_199 = arith.constant 0 : i32
      %dma_wait3A_200 = arith.constant 0 : i32
      %dma_wait3A_201 = tpu.memref_slice %arg9[%dma_wait3A_198, %dma_wait3A_199, %dma_wait3A_200] : memref<8x125x16xf32, #tpu.memory_space<vmem>> -> memref<1x125x16xf32, #tpu.memory_space<vmem>>
      %dma_wait3A_202 = tpu.memref_squeeze %dma_wait3A_201 : memref<1x125x16xf32, #tpu.memory_space<vmem>> -> memref<125x16xf32, #tpu.memory_space<vmem>>
      %dma_wait3A_203 = arith.constant 0 : i32
      %dma_wait3A_204 = tpu.memref_slice %arg7[%add3A_197, %dma_wait3A_203] : memref<80x125xi32, #tpu.memory_space<vmem>> -> memref<1x125xi32, #tpu.memory_space<vmem>>
      %dma_wait3A_205 = tpu.memref_squeeze %dma_wait3A_204 : memref<1x125xi32, #tpu.memory_space<vmem>> -> memref<125xi32, #tpu.memory_space<vmem>>
      %dma_wait3A_206 = arith.constant 0 : i32
      %dma_wait3A_207 = arith.constant 0 : i32
      %dma_wait3A_208 = tpu.memref_slice %arg11[%dma_wait3A_206, %dma_wait3A_207] : memref<10000x16xf32, #tpu.memory_space<vmem_shared>> -> memref<10000x16xf32, #tpu.memory_space<vmem_shared>>
      tpu.wait_indirect_dma semaphore(%arg15 : memref<!tpu.dma_semaphore, #tpu.memory_space<semaphore_mem>>) src(%dma_wait3A_208 : memref<10000x16xf32, #tpu.memory_space<vmem_shared>>) dst(%dma_wait3A_202 : memref<125x16xf32, #tpu.memory_space<vmem>>)
      %dma_start3A_209 = arith.constant 3 : i32
      %dma_start3A_210 = arith.constant 0 : i32
      %dma_start3A_211 = arith.constant 0 : i32
      %dma_start3A_212 = tpu.memref_slice %arg9[%dma_start3A_209, %dma_start3A_210, %dma_start3A_211] : memref<8x125x16xf32, #tpu.memory_space<vmem>> -> memref<1x125x16xf32, #tpu.memory_space<vmem>>
      %dma_start3A_213 = tpu.memref_squeeze %dma_start3A_212 : memref<1x125x16xf32, #tpu.memory_space<vmem>> -> memref<125x16xf32, #tpu.memory_space<vmem>>
      %dma_start3A_214 = arith.constant 0 : i32
      %dma_start3A_215 = tpu.memref_slice %arg8[%add3A_197, %dma_start3A_214] : memref<80x125xi32, #tpu.memory_space<vmem>> -> memref<1x125xi32, #tpu.memory_space<vmem>>
      %dma_start3A_216 = tpu.memref_squeeze %dma_start3A_215 : memref<1x125xi32, #tpu.memory_space<vmem>> -> memref<125xi32, #tpu.memory_space<vmem>>
      %dma_start3A_217 = arith.constant 0 : i32
      %dma_start3A_218 = arith.constant 0 : i32
      %dma_start3A_219 = tpu.memref_slice %arg10[%dma_start3A_217, %dma_start3A_218] : memref<10000x16xf32, #tpu.memory_space<vmem_shared>> -> memref<10000x16xf32, #tpu.memory_space<vmem_shared>>
      tpu.enqueue_indirect_dma source(%dma_start3A_213 : memref<125x16xf32, #tpu.memory_space<vmem>>) target(%dma_start3A_219 : memref<10000x16xf32, #tpu.memory_space<vmem_shared>>) offsets(%dma_start3A_216 : memref<125xi32, #tpu.memory_space<vmem>>) semaphore(%arg23 : memref<!tpu.dma_semaphore, #tpu.memory_space<semaphore_mem>>) {add = true}
      %add3A_220 = arith.constant 4 : i32
      %add3A_221 = arith.addi %mul3A_124, %add3A_220 : i32
      %dma_wait3A_222 = arith.constant 4 : i32
      %dma_wait3A_223 = arith.constant 0 : i32
      %dma_wait3A_224 = arith.constant 0 : i32
      %dma_wait3A_225 = tpu.memref_slice %arg9[%dma_wait3A_222, %dma_wait3A_223, %dma_wait3A_224] : memref<8x125x16xf32, #tpu.memory_space<vmem>> -> memref<1x125x16xf32, #tpu.memory_space<vmem>>
      %dma_wait3A_226 = tpu.memref_squeeze %dma_wait3A_225 : memref<1x125x16xf32, #tpu.memory_space<vmem>> -> memref<125x16xf32, #tpu.memory_space<vmem>>
      %dma_wait3A_227 = arith.constant 0 : i32
      %dma_wait3A_228 = tpu.memref_slice %arg7[%add3A_221, %dma_wait3A_227] : memref<80x125xi32, #tpu.memory_space<vmem>> -> memref<1x125xi32, #tpu.memory_space<vmem>>
      %dma_wait3A_229 = tpu.memref_squeeze %dma_wait3A_228 : memref<1x125xi32, #tpu.memory_space<vmem>> -> memref<125xi32, #tpu.memory_space<vmem>>
      %dma_wait3A_230 = arith.constant 0 : i32
      %dma_wait3A_231 = arith.constant 0 : i32
      %dma_wait3A_232 = tpu.memref_slice %arg11[%dma_wait3A_230, %dma_wait3A_231] : memref<10000x16xf32, #tpu.memory_space<vmem_shared>> -> memref<10000x16xf32, #tpu.memory_space<vmem_shared>>
      tpu.wait_indirect_dma semaphore(%arg16 : memref<!tpu.dma_semaphore, #tpu.memory_space<semaphore_mem>>) src(%dma_wait3A_232 : memref<10000x16xf32, #tpu.memory_space<vmem_shared>>) dst(%dma_wait3A_226 : memref<125x16xf32, #tpu.memory_space<vmem>>)
      %dma_start3A_233 = arith.constant 4 : i32
      %dma_start3A_234 = arith.constant 0 : i32
      %dma_start3A_235 = arith.constant 0 : i32
      %dma_start3A_236 = tpu.memref_slice %arg9[%dma_start3A_233, %dma_start3A_234, %dma_start3A_235] : memref<8x125x16xf32, #tpu.memory_space<vmem>> -> memref<1x125x16xf32, #tpu.memory_space<vmem>>
      %dma_start3A_237 = tpu.memref_squeeze %dma_start3A_236 : memref<1x125x16xf32, #tpu.memory_space<vmem>> -> memref<125x16xf32, #tpu.memory_space<vmem>>
      %dma_start3A_238 = arith.constant 0 : i32
      %dma_start3A_239 = tpu.memref_slice %arg8[%add3A_221, %dma_start3A_238] : memref<80x125xi32, #tpu.memory_space<vmem>> -> memref<1x125xi32, #tpu.memory_space<vmem>>
      %dma_start3A_240 = tpu.memref_squeeze %dma_start3A_239 : memref<1x125xi32, #tpu.memory_space<vmem>> -> memref<125xi32, #tpu.memory_space<vmem>>
      %dma_start3A_241 = arith.constant 0 : i32
      %dma_start3A_242 = arith.constant 0 : i32
      %dma_start3A_243 = tpu.memref_slice %arg10[%dma_start3A_241, %dma_start3A_242] : memref<10000x16xf32, #tpu.memory_space<vmem_shared>> -> memref<10000x16xf32, #tpu.memory_space<vmem_shared>>
      tpu.enqueue_indirect_dma source(%dma_start3A_237 : memref<125x16xf32, #tpu.memory_space<vmem>>) target(%dma_start3A_243 : memref<10000x16xf32, #tpu.memory_space<vmem_shared>>) offsets(%dma_start3A_240 : memref<125xi32, #tpu.memory_space<vmem>>) semaphore(%arg24 : memref<!tpu.dma_semaphore, #tpu.memory_space<semaphore_mem>>) {add = true}
      %add3A_244 = arith.constant 5 : i32
      %add3A_245 = arith.addi %mul3A_124, %add3A_244 : i32
      %dma_wait3A_246 = arith.constant 5 : i32
      %dma_wait3A_247 = arith.constant 0 : i32
      %dma_wait3A_248 = arith.constant 0 : i32
      %dma_wait3A_249 = tpu.memref_slice %arg9[%dma_wait3A_246, %dma_wait3A_247, %dma_wait3A_248] : memref<8x125x16xf32, #tpu.memory_space<vmem>> -> memref<1x125x16xf32, #tpu.memory_space<vmem>>
      %dma_wait3A_250 = tpu.memref_squeeze %dma_wait3A_249 : memref<1x125x16xf32, #tpu.memory_space<vmem>> -> memref<125x16xf32, #tpu.memory_space<vmem>>
      %dma_wait3A_251 = arith.constant 0 : i32
      %dma_wait3A_252 = tpu.memref_slice %arg7[%add3A_245, %dma_wait3A_251] : memref<80x125xi32, #tpu.memory_space<vmem>> -> memref<1x125xi32, #tpu.memory_space<vmem>>
      %dma_wait3A_253 = tpu.memref_squeeze %dma_wait3A_252 : memref<1x125xi32, #tpu.memory_space<vmem>> -> memref<125xi32, #tpu.memory_space<vmem>>
      %dma_wait3A_254 = arith.constant 0 : i32
      %dma_wait3A_255 = arith.constant 0 : i32
      %dma_wait3A_256 = tpu.memref_slice %arg11[%dma_wait3A_254, %dma_wait3A_255] : memref<10000x16xf32, #tpu.memory_space<vmem_shared>> -> memref<10000x16xf32, #tpu.memory_space<vmem_shared>>
      tpu.wait_indirect_dma semaphore(%arg17 : memref<!tpu.dma_semaphore, #tpu.memory_space<semaphore_mem>>) src(%dma_wait3A_256 : memref<10000x16xf32, #tpu.memory_space<vmem_shared>>) dst(%dma_wait3A_250 : memref<125x16xf32, #tpu.memory_space<vmem>>)
      %dma_start3A_257 = arith.constant 5 : i32
      %dma_start3A_258 = arith.constant 0 : i32
      %dma_start3A_259 = arith.constant 0 : i32
      %dma_start3A_260 = tpu.memref_slice %arg9[%dma_start3A_257, %dma_start3A_258, %dma_start3A_259] : memref<8x125x16xf32, #tpu.memory_space<vmem>> -> memref<1x125x16xf32, #tpu.memory_space<vmem>>
      %dma_start3A_261 = tpu.memref_squeeze %dma_start3A_260 : memref<1x125x16xf32, #tpu.memory_space<vmem>> -> memref<125x16xf32, #tpu.memory_space<vmem>>
      %dma_start3A_262 = arith.constant 0 : i32
      %dma_start3A_263 = tpu.memref_slice %arg8[%add3A_245, %dma_start3A_262] : memref<80x125xi32, #tpu.memory_space<vmem>> -> memref<1x125xi32, #tpu.memory_space<vmem>>
      %dma_start3A_264 = tpu.memref_squeeze %dma_start3A_263 : memref<1x125xi32, #tpu.memory_space<vmem>> -> memref<125xi32, #tpu.memory_space<vmem>>
      %dma_start3A_265 = arith.constant 0 : i32
      %dma_start3A_266 = arith.constant 0 : i32
      %dma_start3A_267 = tpu.memref_slice %arg10[%dma_start3A_265, %dma_start3A_266] : memref<10000x16xf32, #tpu.memory_space<vmem_shared>> -> memref<10000x16xf32, #tpu.memory_space<vmem_shared>>
      tpu.enqueue_indirect_dma source(%dma_start3A_261 : memref<125x16xf32, #tpu.memory_space<vmem>>) target(%dma_start3A_267 : memref<10000x16xf32, #tpu.memory_space<vmem_shared>>) offsets(%dma_start3A_264 : memref<125xi32, #tpu.memory_space<vmem>>) semaphore(%arg25 : memref<!tpu.dma_semaphore, #tpu.memory_space<semaphore_mem>>) {add = true}
      %add3A_268 = arith.constant 6 : i32
      %add3A_269 = arith.addi %mul3A_124, %add3A_268 : i32
      %dma_wait3A_270 = arith.constant 6 : i32
      %dma_wait3A_271 = arith.constant 0 : i32
      %dma_wait3A_272 = arith.constant 0 : i32
      %dma_wait3A_273 = tpu.memref_slice %arg9[%dma_wait3A_270, %dma_wait3A_271, %dma_wait3A_272] : memref<8x125x16xf32, #tpu.memory_space<vmem>> -> memref<1x125x16xf32, #tpu.memory_space<vmem>>
      %dma_wait3A_274 = tpu.memref_squeeze %dma_wait3A_273 : memref<1x125x16xf32, #tpu.memory_space<vmem>> -> memref<125x16xf32, #tpu.memory_space<vmem>>
      %dma_wait3A_275 = arith.constant 0 : i32
      %dma_wait3A_276 = tpu.memref_slice %arg7[%add3A_269, %dma_wait3A_275] : memref<80x125xi32, #tpu.memory_space<vmem>> -> memref<1x125xi32, #tpu.memory_space<vmem>>
      %dma_wait3A_277 = tpu.memref_squeeze %dma_wait3A_276 : memref<1x125xi32, #tpu.memory_space<vmem>> -> memref<125xi32, #tpu.memory_space<vmem>>
      %dma_wait3A_278 = arith.constant 0 : i32
      %dma_wait3A_279 = arith.constant 0 : i32
      %dma_wait3A_280 = tpu.memref_slice %arg11[%dma_wait3A_278, %dma_wait3A_279] : memref<10000x16xf32, #tpu.memory_space<vmem_shared>> -> memref<10000x16xf32, #tpu.memory_space<vmem_shared>>
      tpu.wait_indirect_dma semaphore(%arg18 : memref<!tpu.dma_semaphore, #tpu.memory_space<semaphore_mem>>) src(%dma_wait3A_280 : memref<10000x16xf32, #tpu.memory_space<vmem_shared>>) dst(%dma_wait3A_274 : memref<125x16xf32, #tpu.memory_space<vmem>>)
      %dma_start3A_281 = arith.constant 6 : i32
      %dma_start3A_282 = arith.constant 0 : i32
      %dma_start3A_283 = arith.constant 0 : i32
      %dma_start3A_284 = tpu.memref_slice %arg9[%dma_start3A_281, %dma_start3A_282, %dma_start3A_283] : memref<8x125x16xf32, #tpu.memory_space<vmem>> -> memref<1x125x16xf32, #tpu.memory_space<vmem>>
      %dma_start3A_285 = tpu.memref_squeeze %dma_start3A_284 : memref<1x125x16xf32, #tpu.memory_space<vmem>> -> memref<125x16xf32, #tpu.memory_space<vmem>>
      %dma_start3A_286 = arith.constant 0 : i32
      %dma_start3A_287 = tpu.memref_slice %arg8[%add3A_269, %dma_start3A_286] : memref<80x125xi32, #tpu.memory_space<vmem>> -> memref<1x125xi32, #tpu.memory_space<vmem>>
      %dma_start3A_288 = tpu.memref_squeeze %dma_start3A_287 : memref<1x125xi32, #tpu.memory_space<vmem>> -> memref<125xi32, #tpu.memory_space<vmem>>
      %dma_start3A_289 = arith.constant 0 : i32
      %dma_start3A_290 = arith.constant 0 : i32
      %dma_start3A_291 = tpu.memref_slice %arg10[%dma_start3A_289, %dma_start3A_290] : memref<10000x16xf32, #tpu.memory_space<vmem_shared>> -> memref<10000x16xf32, #tpu.memory_space<vmem_shared>>
      tpu.enqueue_indirect_dma source(%dma_start3A_285 : memref<125x16xf32, #tpu.memory_space<vmem>>) target(%dma_start3A_291 : memref<10000x16xf32, #tpu.memory_space<vmem_shared>>) offsets(%dma_start3A_288 : memref<125xi32, #tpu.memory_space<vmem>>) semaphore(%arg26 : memref<!tpu.dma_semaphore, #tpu.memory_space<semaphore_mem>>) {add = true}
      %add3A_292 = arith.constant 7 : i32
      %add3A_293 = arith.addi %mul3A_124, %add3A_292 : i32
      %dma_wait3A_294 = arith.constant 7 : i32
      %dma_wait3A_295 = arith.constant 0 : i32
      %dma_wait3A_296 = arith.constant 0 : i32
      %dma_wait3A_297 = tpu.memref_slice %arg9[%dma_wait3A_294, %dma_wait3A_295, %dma_wait3A_296] : memref<8x125x16xf32, #tpu.memory_space<vmem>> -> memref<1x125x16xf32, #tpu.memory_space<vmem>>
      %dma_wait3A_298 = tpu.memref_squeeze %dma_wait3A_297 : memref<1x125x16xf32, #tpu.memory_space<vmem>> -> memref<125x16xf32, #tpu.memory_space<vmem>>
      %dma_wait3A_299 = arith.constant 0 : i32
      %dma_wait3A_300 = tpu.memref_slice %arg7[%add3A_293, %dma_wait3A_299] : memref<80x125xi32, #tpu.memory_space<vmem>> -> memref<1x125xi32, #tpu.memory_space<vmem>>
      %dma_wait3A_301 = tpu.memref_squeeze %dma_wait3A_300 : memref<1x125xi32, #tpu.memory_space<vmem>> -> memref<125xi32, #tpu.memory_space<vmem>>
      %dma_wait3A_302 = arith.constant 0 : i32
      %dma_wait3A_303 = arith.constant 0 : i32
      %dma_wait3A_304 = tpu.memref_slice %arg11[%dma_wait3A_302, %dma_wait3A_303] : memref<10000x16xf32, #tpu.memory_space<vmem_shared>> -> memref<10000x16xf32, #tpu.memory_space<vmem_shared>>
      tpu.wait_indirect_dma semaphore(%arg19 : memref<!tpu.dma_semaphore, #tpu.memory_space<semaphore_mem>>) src(%dma_wait3A_304 : memref<10000x16xf32, #tpu.memory_space<vmem_shared>>) dst(%dma_wait3A_298 : memref<125x16xf32, #tpu.memory_space<vmem>>)
      %dma_start3A_305 = arith.constant 7 : i32
      %dma_start3A_306 = arith.constant 0 : i32
      %dma_start3A_307 = arith.constant 0 : i32
      %dma_start3A_308 = tpu.memref_slice %arg9[%dma_start3A_305, %dma_start3A_306, %dma_start3A_307] : memref<8x125x16xf32, #tpu.memory_space<vmem>> -> memref<1x125x16xf32, #tpu.memory_space<vmem>>
      %dma_start3A_309 = tpu.memref_squeeze %dma_start3A_308 : memref<1x125x16xf32, #tpu.memory_space<vmem>> -> memref<125x16xf32, #tpu.memory_space<vmem>>
      %dma_start3A_310 = arith.constant 0 : i32
      %dma_start3A_311 = tpu.memref_slice %arg8[%add3A_293, %dma_start3A_310] : memref<80x125xi32, #tpu.memory_space<vmem>> -> memref<1x125xi32, #tpu.memory_space<vmem>>
      %dma_start3A_312 = tpu.memref_squeeze %dma_start3A_311 : memref<1x125xi32, #tpu.memory_space<vmem>> -> memref<125xi32, #tpu.memory_space<vmem>>
      %dma_start3A_313 = arith.constant 0 : i32
      %dma_start3A_314 = arith.constant 0 : i32
      %dma_start3A_315 = tpu.memref_slice %arg10[%dma_start3A_313, %dma_start3A_314] : memref<10000x16xf32, #tpu.memory_space<vmem_shared>> -> memref<10000x16xf32, #tpu.memory_space<vmem_shared>>
      tpu.enqueue_indirect_dma source(%dma_start3A_309 : memref<125x16xf32, #tpu.memory_space<vmem>>) target(%dma_start3A_315 : memref<10000x16xf32, #tpu.memory_space<vmem_shared>>) offsets(%dma_start3A_312 : memref<125xi32, #tpu.memory_space<vmem>>) semaphore(%arg27 : memref<!tpu.dma_semaphore, #tpu.memory_space<semaphore_mem>>) {add = true}
      %add3A_316 = arith.constant 0 : i32
      %add3A_317 = arith.addi %mul3A_124, %add3A_316 : i32
      %dma_wait3A_318 = arith.constant 0 : i32
      %dma_wait3A_319 = arith.constant 0 : i32
      %dma_wait3A_320 = arith.constant 0 : i32
      %dma_wait3A_321 = tpu.memref_slice %arg9[%dma_wait3A_318, %dma_wait3A_319, %dma_wait3A_320] : memref<8x125x16xf32, #tpu.memory_space<vmem>> -> memref<1x125x16xf32, #tpu.memory_space<vmem>>
      %dma_wait3A_322 = tpu.memref_squeeze %dma_wait3A_321 : memref<1x125x16xf32, #tpu.memory_space<vmem>> -> memref<125x16xf32, #tpu.memory_space<vmem>>
      %dma_wait3A_323 = arith.constant 0 : i32
      %dma_wait3A_324 = tpu.memref_slice %arg8[%add3A_317, %dma_wait3A_323] : memref<80x125xi32, #tpu.memory_space<vmem>> -> memref<1x125xi32, #tpu.memory_space<vmem>>
      %dma_wait3A_325 = tpu.memref_squeeze %dma_wait3A_324 : memref<1x125xi32, #tpu.memory_space<vmem>> -> memref<125xi32, #tpu.memory_space<vmem>>
      %dma_wait3A_326 = arith.constant 0 : i32
      %dma_wait3A_327 = arith.constant 0 : i32
      %dma_wait3A_328 = tpu.memref_slice %arg10[%dma_wait3A_326, %dma_wait3A_327] : memref<10000x16xf32, #tpu.memory_space<vmem_shared>> -> memref<10000x16xf32, #tpu.memory_space<vmem_shared>>
      tpu.wait_indirect_dma semaphore(%arg20 : memref<!tpu.dma_semaphore, #tpu.memory_space<semaphore_mem>>) src(%dma_wait3A_322 : memref<125x16xf32, #tpu.memory_space<vmem>>) dst(%dma_wait3A_328 : memref<10000x16xf32, #tpu.memory_space<vmem_shared>>)
      %add3A_329 = arith.constant 8 : i32
      %add3A_330 = arith.addi %add3A_317, %add3A_329 : i32
      %lt3A = arith.constant 80 : i32
      %lt3A_331 = arith.cmpi slt, %add3A_330, %lt3A : i32
      %convert_element_type3A = arith.extui %lt3A_331 : i1 to i32
      %cond3A = arith.constant 0 : i32
      %cond3A_332 = arith.cmpi ne, %convert_element_type3A, %cond3A : i32
      scf.if %cond3A_332 {
        %add3A_473 = arith.constant 8 : i32
        %add3A_474 = arith.addi %add3A_317, %add3A_473 : i32
        %dma_start3A_475 = arith.constant 0 : i32
        %dma_start3A_476 = arith.constant 0 : i32
        %dma_start3A_477 = arith.constant 0 : i32
        %dma_start3A_478 = tpu.memref_slice %arg9[%dma_start3A_475, %dma_start3A_476, %dma_start3A_477] : memref<8x125x16xf32, #tpu.memory_space<vmem>> -> memref<1x125x16xf32, #tpu.memory_space<vmem>>
        %dma_start3A_479 = tpu.memref_squeeze %dma_start3A_478 : memref<1x125x16xf32, #tpu.memory_space<vmem>> -> memref<125x16xf32, #tpu.memory_space<vmem>>
        %dma_start3A_480 = arith.constant 0 : i32
        %dma_start3A_481 = tpu.memref_slice %arg7[%add3A_474, %dma_start3A_480] : memref<80x125xi32, #tpu.memory_space<vmem>> -> memref<1x125xi32, #tpu.memory_space<vmem>>
        %dma_start3A_482 = tpu.memref_squeeze %dma_start3A_481 : memref<1x125xi32, #tpu.memory_space<vmem>> -> memref<125xi32, #tpu.memory_space<vmem>>
        %dma_start3A_483 = arith.constant 0 : i32
        %dma_start3A_484 = arith.constant 0 : i32
        %dma_start3A_485 = tpu.memref_slice %arg11[%dma_start3A_483, %dma_start3A_484] : memref<10000x16xf32, #tpu.memory_space<vmem_shared>> -> memref<10000x16xf32, #tpu.memory_space<vmem_shared>>
        tpu.enqueue_indirect_dma source(%dma_start3A_485 : memref<10000x16xf32, #tpu.memory_space<vmem_shared>>) target(%dma_start3A_479 : memref<125x16xf32, #tpu.memory_space<vmem>>) offsets(%dma_start3A_482 : memref<125xi32, #tpu.memory_space<vmem>>) semaphore(%arg12 : memref<!tpu.dma_semaphore, #tpu.memory_space<semaphore_mem>>)
      } else {
      }
      %add3A_333 = arith.constant 1 : i32
      %add3A_334 = arith.addi %mul3A_124, %add3A_333 : i32
      %dma_wait3A_335 = arith.constant 1 : i32
      %dma_wait3A_336 = arith.constant 0 : i32
      %dma_wait3A_337 = arith.constant 0 : i32
      %dma_wait3A_338 = tpu.memref_slice %arg9[%dma_wait3A_335, %dma_wait3A_336, %dma_wait3A_337] : memref<8x125x16xf32, #tpu.memory_space<vmem>> -> memref<1x125x16xf32, #tpu.memory_space<vmem>>
      %dma_wait3A_339 = tpu.memref_squeeze %dma_wait3A_338 : memref<1x125x16xf32, #tpu.memory_space<vmem>> -> memref<125x16xf32, #tpu.memory_space<vmem>>
      %dma_wait3A_340 = arith.constant 0 : i32
      %dma_wait3A_341 = tpu.memref_slice %arg8[%add3A_334, %dma_wait3A_340] : memref<80x125xi32, #tpu.memory_space<vmem>> -> memref<1x125xi32, #tpu.memory_space<vmem>>
      %dma_wait3A_342 = tpu.memref_squeeze %dma_wait3A_341 : memref<1x125xi32, #tpu.memory_space<vmem>> -> memref<125xi32, #tpu.memory_space<vmem>>
      %dma_wait3A_343 = arith.constant 0 : i32
      %dma_wait3A_344 = arith.constant 0 : i32
      %dma_wait3A_345 = tpu.memref_slice %arg10[%dma_wait3A_343, %dma_wait3A_344] : memref<10000x16xf32, #tpu.memory_space<vmem_shared>> -> memref<10000x16xf32, #tpu.memory_space<vmem_shared>>
      tpu.wait_indirect_dma semaphore(%arg21 : memref<!tpu.dma_semaphore, #tpu.memory_space<semaphore_mem>>) src(%dma_wait3A_339 : memref<125x16xf32, #tpu.memory_space<vmem>>) dst(%dma_wait3A_345 : memref<10000x16xf32, #tpu.memory_space<vmem_shared>>)
      %add3A_346 = arith.constant 8 : i32
      %add3A_347 = arith.addi %add3A_334, %add3A_346 : i32
      %lt3A_348 = arith.constant 80 : i32
      %lt3A_349 = arith.cmpi slt, %add3A_347, %lt3A_348 : i32
      %convert_element_type3A_350 = arith.extui %lt3A_349 : i1 to i32
      %cond3A_351 = arith.constant 0 : i32
      %cond3A_352 = arith.cmpi ne, %convert_element_type3A_350, %cond3A_351 : i32
      scf.if %cond3A_352 {
        %add3A_473 = arith.constant 8 : i32
        %add3A_474 = arith.addi %add3A_334, %add3A_473 : i32
        %dma_start3A_475 = arith.constant 1 : i32
        %dma_start3A_476 = arith.constant 0 : i32
        %dma_start3A_477 = arith.constant 0 : i32
        %dma_start3A_478 = tpu.memref_slice %arg9[%dma_start3A_475, %dma_start3A_476, %dma_start3A_477] : memref<8x125x16xf32, #tpu.memory_space<vmem>> -> memref<1x125x16xf32, #tpu.memory_space<vmem>>
        %dma_start3A_479 = tpu.memref_squeeze %dma_start3A_478 : memref<1x125x16xf32, #tpu.memory_space<vmem>> -> memref<125x16xf32, #tpu.memory_space<vmem>>
        %dma_start3A_480 = arith.constant 0 : i32
        %dma_start3A_481 = tpu.memref_slice %arg7[%add3A_474, %dma_start3A_480] : memref<80x125xi32, #tpu.memory_space<vmem>> -> memref<1x125xi32, #tpu.memory_space<vmem>>
        %dma_start3A_482 = tpu.memref_squeeze %dma_start3A_481 : memref<1x125xi32, #tpu.memory_space<vmem>> -> memref<125xi32, #tpu.memory_space<vmem>>
        %dma_start3A_483 = arith.constant 0 : i32
        %dma_start3A_484 = arith.constant 0 : i32
        %dma_start3A_485 = tpu.memref_slice %arg11[%dma_start3A_483, %dma_start3A_484] : memref<10000x16xf32, #tpu.memory_space<vmem_shared>> -> memref<10000x16xf32, #tpu.memory_space<vmem_shared>>
        tpu.enqueue_indirect_dma source(%dma_start3A_485 : memref<10000x16xf32, #tpu.memory_space<vmem_shared>>) target(%dma_start3A_479 : memref<125x16xf32, #tpu.memory_space<vmem>>) offsets(%dma_start3A_482 : memref<125xi32, #tpu.memory_space<vmem>>) semaphore(%arg13 : memref<!tpu.dma_semaphore, #tpu.memory_space<semaphore_mem>>)
      } else {
      }
      %add3A_353 = arith.constant 2 : i32
      %add3A_354 = arith.addi %mul3A_124, %add3A_353 : i32
      %dma_wait3A_355 = arith.constant 2 : i32
      %dma_wait3A_356 = arith.constant 0 : i32
      %dma_wait3A_357 = arith.constant 0 : i32
      %dma_wait3A_358 = tpu.memref_slice %arg9[%dma_wait3A_355, %dma_wait3A_356, %dma_wait3A_357] : memref<8x125x16xf32, #tpu.memory_space<vmem>> -> memref<1x125x16xf32, #tpu.memory_space<vmem>>
      %dma_wait3A_359 = tpu.memref_squeeze %dma_wait3A_358 : memref<1x125x16xf32, #tpu.memory_space<vmem>> -> memref<125x16xf32, #tpu.memory_space<vmem>>
      %dma_wait3A_360 = arith.constant 0 : i32
      %dma_wait3A_361 = tpu.memref_slice %arg8[%add3A_354, %dma_wait3A_360] : memref<80x125xi32, #tpu.memory_space<vmem>> -> memref<1x125xi32, #tpu.memory_space<vmem>>
      %dma_wait3A_362 = tpu.memref_squeeze %dma_wait3A_361 : memref<1x125xi32, #tpu.memory_space<vmem>> -> memref<125xi32, #tpu.memory_space<vmem>>
      %dma_wait3A_363 = arith.constant 0 : i32
      %dma_wait3A_364 = arith.constant 0 : i32
      %dma_wait3A_365 = tpu.memref_slice %arg10[%dma_wait3A_363, %dma_wait3A_364] : memref<10000x16xf32, #tpu.memory_space<vmem_shared>> -> memref<10000x16xf32, #tpu.memory_space<vmem_shared>>
      tpu.wait_indirect_dma semaphore(%arg22 : memref<!tpu.dma_semaphore, #tpu.memory_space<semaphore_mem>>) src(%dma_wait3A_359 : memref<125x16xf32, #tpu.memory_space<vmem>>) dst(%dma_wait3A_365 : memref<10000x16xf32, #tpu.memory_space<vmem_shared>>)
      %add3A_366 = arith.constant 8 : i32
      %add3A_367 = arith.addi %add3A_354, %add3A_366 : i32
      %lt3A_368 = arith.constant 80 : i32
      %lt3A_369 = arith.cmpi slt, %add3A_367, %lt3A_368 : i32
      %convert_element_type3A_370 = arith.extui %lt3A_369 : i1 to i32
      %cond3A_371 = arith.constant 0 : i32
      %cond3A_372 = arith.cmpi ne, %convert_element_type3A_370, %cond3A_371 : i32
      scf.if %cond3A_372 {
        %add3A_473 = arith.constant 8 : i32
        %add3A_474 = arith.addi %add3A_354, %add3A_473 : i32
        %dma_start3A_475 = arith.constant 2 : i32
        %dma_start3A_476 = arith.constant 0 : i32
        %dma_start3A_477 = arith.constant 0 : i32
        %dma_start3A_478 = tpu.memref_slice %arg9[%dma_start3A_475, %dma_start3A_476, %dma_start3A_477] : memref<8x125x16xf32, #tpu.memory_space<vmem>> -> memref<1x125x16xf32, #tpu.memory_space<vmem>>
        %dma_start3A_479 = tpu.memref_squeeze %dma_start3A_478 : memref<1x125x16xf32, #tpu.memory_space<vmem>> -> memref<125x16xf32, #tpu.memory_space<vmem>>
        %dma_start3A_480 = arith.constant 0 : i32
        %dma_start3A_481 = tpu.memref_slice %arg7[%add3A_474, %dma_start3A_480] : memref<80x125xi32, #tpu.memory_space<vmem>> -> memref<1x125xi32, #tpu.memory_space<vmem>>
        %dma_start3A_482 = tpu.memref_squeeze %dma_start3A_481 : memref<1x125xi32, #tpu.memory_space<vmem>> -> memref<125xi32, #tpu.memory_space<vmem>>
        %dma_start3A_483 = arith.constant 0 : i32
        %dma_start3A_484 = arith.constant 0 : i32
        %dma_start3A_485 = tpu.memref_slice %arg11[%dma_start3A_483, %dma_start3A_484] : memref<10000x16xf32, #tpu.memory_space<vmem_shared>> -> memref<10000x16xf32, #tpu.memory_space<vmem_shared>>
        tpu.enqueue_indirect_dma source(%dma_start3A_485 : memref<10000x16xf32, #tpu.memory_space<vmem_shared>>) target(%dma_start3A_479 : memref<125x16xf32, #tpu.memory_space<vmem>>) offsets(%dma_start3A_482 : memref<125xi32, #tpu.memory_space<vmem>>) semaphore(%arg14 : memref<!tpu.dma_semaphore, #tpu.memory_space<semaphore_mem>>)
      } else {
      }
      %add3A_373 = arith.constant 3 : i32
      %add3A_374 = arith.addi %mul3A_124, %add3A_373 : i32
      %dma_wait3A_375 = arith.constant 3 : i32
      %dma_wait3A_376 = arith.constant 0 : i32
      %dma_wait3A_377 = arith.constant 0 : i32
      %dma_wait3A_378 = tpu.memref_slice %arg9[%dma_wait3A_375, %dma_wait3A_376, %dma_wait3A_377] : memref<8x125x16xf32, #tpu.memory_space<vmem>> -> memref<1x125x16xf32, #tpu.memory_space<vmem>>
      %dma_wait3A_379 = tpu.memref_squeeze %dma_wait3A_378 : memref<1x125x16xf32, #tpu.memory_space<vmem>> -> memref<125x16xf32, #tpu.memory_space<vmem>>
      %dma_wait3A_380 = arith.constant 0 : i32
      %dma_wait3A_381 = tpu.memref_slice %arg8[%add3A_374, %dma_wait3A_380] : memref<80x125xi32, #tpu.memory_space<vmem>> -> memref<1x125xi32, #tpu.memory_space<vmem>>
      %dma_wait3A_382 = tpu.memref_squeeze %dma_wait3A_381 : memref<1x125xi32, #tpu.memory_space<vmem>> -> memref<125xi32, #tpu.memory_space<vmem>>
      %dma_wait3A_383 = arith.constant 0 : i32
      %dma_wait3A_384 = arith.constant 0 : i32
      %dma_wait3A_385 = tpu.memref_slice %arg10[%dma_wait3A_383, %dma_wait3A_384] : memref<10000x16xf32, #tpu.memory_space<vmem_shared>> -> memref<10000x16xf32, #tpu.memory_space<vmem_shared>>
      tpu.wait_indirect_dma semaphore(%arg23 : memref<!tpu.dma_semaphore, #tpu.memory_space<semaphore_mem>>) src(%dma_wait3A_379 : memref<125x16xf32, #tpu.memory_space<vmem>>) dst(%dma_wait3A_385 : memref<10000x16xf32, #tpu.memory_space<vmem_shared>>)
      %add3A_386 = arith.constant 8 : i32
      %add3A_387 = arith.addi %add3A_374, %add3A_386 : i32
      %lt3A_388 = arith.constant 80 : i32
      %lt3A_389 = arith.cmpi slt, %add3A_387, %lt3A_388 : i32
      %convert_element_type3A_390 = arith.extui %lt3A_389 : i1 to i32
      %cond3A_391 = arith.constant 0 : i32
      %cond3A_392 = arith.cmpi ne, %convert_element_type3A_390, %cond3A_391 : i32
      scf.if %cond3A_392 {
        %add3A_473 = arith.constant 8 : i32
        %add3A_474 = arith.addi %add3A_374, %add3A_473 : i32
        %dma_start3A_475 = arith.constant 3 : i32
        %dma_start3A_476 = arith.constant 0 : i32
        %dma_start3A_477 = arith.constant 0 : i32
        %dma_start3A_478 = tpu.memref_slice %arg9[%dma_start3A_475, %dma_start3A_476, %dma_start3A_477] : memref<8x125x16xf32, #tpu.memory_space<vmem>> -> memref<1x125x16xf32, #tpu.memory_space<vmem>>
        %dma_start3A_479 = tpu.memref_squeeze %dma_start3A_478 : memref<1x125x16xf32, #tpu.memory_space<vmem>> -> memref<125x16xf32, #tpu.memory_space<vmem>>
        %dma_start3A_480 = arith.constant 0 : i32
        %dma_start3A_481 = tpu.memref_slice %arg7[%add3A_474, %dma_start3A_480] : memref<80x125xi32, #tpu.memory_space<vmem>> -> memref<1x125xi32, #tpu.memory_space<vmem>>
        %dma_start3A_482 = tpu.memref_squeeze %dma_start3A_481 : memref<1x125xi32, #tpu.memory_space<vmem>> -> memref<125xi32, #tpu.memory_space<vmem>>
        %dma_start3A_483 = arith.constant 0 : i32
        %dma_start3A_484 = arith.constant 0 : i32
        %dma_start3A_485 = tpu.memref_slice %arg11[%dma_start3A_483, %dma_start3A_484] : memref<10000x16xf32, #tpu.memory_space<vmem_shared>> -> memref<10000x16xf32, #tpu.memory_space<vmem_shared>>
        tpu.enqueue_indirect_dma source(%dma_start3A_485 : memref<10000x16xf32, #tpu.memory_space<vmem_shared>>) target(%dma_start3A_479 : memref<125x16xf32, #tpu.memory_space<vmem>>) offsets(%dma_start3A_482 : memref<125xi32, #tpu.memory_space<vmem>>) semaphore(%arg15 : memref<!tpu.dma_semaphore, #tpu.memory_space<semaphore_mem>>)
      } else {
      }
      %add3A_393 = arith.constant 4 : i32
      %add3A_394 = arith.addi %mul3A_124, %add3A_393 : i32
      %dma_wait3A_395 = arith.constant 4 : i32
      %dma_wait3A_396 = arith.constant 0 : i32
      %dma_wait3A_397 = arith.constant 0 : i32
      %dma_wait3A_398 = tpu.memref_slice %arg9[%dma_wait3A_395, %dma_wait3A_396, %dma_wait3A_397] : memref<8x125x16xf32, #tpu.memory_space<vmem>> -> memref<1x125x16xf32, #tpu.memory_space<vmem>>
      %dma_wait3A_399 = tpu.memref_squeeze %dma_wait3A_398 : memref<1x125x16xf32, #tpu.memory_space<vmem>> -> memref<125x16xf32, #tpu.memory_space<vmem>>
      %dma_wait3A_400 = arith.constant 0 : i32
      %dma_wait3A_401 = tpu.memref_slice %arg8[%add3A_394, %dma_wait3A_400] : memref<80x125xi32, #tpu.memory_space<vmem>> -> memref<1x125xi32, #tpu.memory_space<vmem>>
      %dma_wait3A_402 = tpu.memref_squeeze %dma_wait3A_401 : memref<1x125xi32, #tpu.memory_space<vmem>> -> memref<125xi32, #tpu.memory_space<vmem>>
      %dma_wait3A_403 = arith.constant 0 : i32
      %dma_wait3A_404 = arith.constant 0 : i32
      %dma_wait3A_405 = tpu.memref_slice %arg10[%dma_wait3A_403, %dma_wait3A_404] : memref<10000x16xf32, #tpu.memory_space<vmem_shared>> -> memref<10000x16xf32, #tpu.memory_space<vmem_shared>>
      tpu.wait_indirect_dma semaphore(%arg24 : memref<!tpu.dma_semaphore, #tpu.memory_space<semaphore_mem>>) src(%dma_wait3A_399 : memref<125x16xf32, #tpu.memory_space<vmem>>) dst(%dma_wait3A_405 : memref<10000x16xf32, #tpu.memory_space<vmem_shared>>)
      %add3A_406 = arith.constant 8 : i32
      %add3A_407 = arith.addi %add3A_394, %add3A_406 : i32
      %lt3A_408 = arith.constant 80 : i32
      %lt3A_409 = arith.cmpi slt, %add3A_407, %lt3A_408 : i32
      %convert_element_type3A_410 = arith.extui %lt3A_409 : i1 to i32
      %cond3A_411 = arith.constant 0 : i32
      %cond3A_412 = arith.cmpi ne, %convert_element_type3A_410, %cond3A_411 : i32
      scf.if %cond3A_412 {
        %add3A_473 = arith.constant 8 : i32
        %add3A_474 = arith.addi %add3A_394, %add3A_473 : i32
        %dma_start3A_475 = arith.constant 4 : i32
        %dma_start3A_476 = arith.constant 0 : i32
        %dma_start3A_477 = arith.constant 0 : i32
        %dma_start3A_478 = tpu.memref_slice %arg9[%dma_start3A_475, %dma_start3A_476, %dma_start3A_477] : memref<8x125x16xf32, #tpu.memory_space<vmem>> -> memref<1x125x16xf32, #tpu.memory_space<vmem>>
        %dma_start3A_479 = tpu.memref_squeeze %dma_start3A_478 : memref<1x125x16xf32, #tpu.memory_space<vmem>> -> memref<125x16xf32, #tpu.memory_space<vmem>>
        %dma_start3A_480 = arith.constant 0 : i32
        %dma_start3A_481 = tpu.memref_slice %arg7[%add3A_474, %dma_start3A_480] : memref<80x125xi32, #tpu.memory_space<vmem>> -> memref<1x125xi32, #tpu.memory_space<vmem>>
        %dma_start3A_482 = tpu.memref_squeeze %dma_start3A_481 : memref<1x125xi32, #tpu.memory_space<vmem>> -> memref<125xi32, #tpu.memory_space<vmem>>
        %dma_start3A_483 = arith.constant 0 : i32
        %dma_start3A_484 = arith.constant 0 : i32
        %dma_start3A_485 = tpu.memref_slice %arg11[%dma_start3A_483, %dma_start3A_484] : memref<10000x16xf32, #tpu.memory_space<vmem_shared>> -> memref<10000x16xf32, #tpu.memory_space<vmem_shared>>
        tpu.enqueue_indirect_dma source(%dma_start3A_485 : memref<10000x16xf32, #tpu.memory_space<vmem_shared>>) target(%dma_start3A_479 : memref<125x16xf32, #tpu.memory_space<vmem>>) offsets(%dma_start3A_482 : memref<125xi32, #tpu.memory_space<vmem>>) semaphore(%arg16 : memref<!tpu.dma_semaphore, #tpu.memory_space<semaphore_mem>>)
      } else {
      }
      %add3A_413 = arith.constant 5 : i32
      %add3A_414 = arith.addi %mul3A_124, %add3A_413 : i32
      %dma_wait3A_415 = arith.constant 5 : i32
      %dma_wait3A_416 = arith.constant 0 : i32
      %dma_wait3A_417 = arith.constant 0 : i32
      %dma_wait3A_418 = tpu.memref_slice %arg9[%dma_wait3A_415, %dma_wait3A_416, %dma_wait3A_417] : memref<8x125x16xf32, #tpu.memory_space<vmem>> -> memref<1x125x16xf32, #tpu.memory_space<vmem>>
      %dma_wait3A_419 = tpu.memref_squeeze %dma_wait3A_418 : memref<1x125x16xf32, #tpu.memory_space<vmem>> -> memref<125x16xf32, #tpu.memory_space<vmem>>
      %dma_wait3A_420 = arith.constant 0 : i32
      %dma_wait3A_421 = tpu.memref_slice %arg8[%add3A_414, %dma_wait3A_420] : memref<80x125xi32, #tpu.memory_space<vmem>> -> memref<1x125xi32, #tpu.memory_space<vmem>>
      %dma_wait3A_422 = tpu.memref_squeeze %dma_wait3A_421 : memref<1x125xi32, #tpu.memory_space<vmem>> -> memref<125xi32, #tpu.memory_space<vmem>>
      %dma_wait3A_423 = arith.constant 0 : i32
      %dma_wait3A_424 = arith.constant 0 : i32
      %dma_wait3A_425 = tpu.memref_slice %arg10[%dma_wait3A_423, %dma_wait3A_424] : memref<10000x16xf32, #tpu.memory_space<vmem_shared>> -> memref<10000x16xf32, #tpu.memory_space<vmem_shared>>
      tpu.wait_indirect_dma semaphore(%arg25 : memref<!tpu.dma_semaphore, #tpu.memory_space<semaphore_mem>>) src(%dma_wait3A_419 : memref<125x16xf32, #tpu.memory_space<vmem>>) dst(%dma_wait3A_425 : memref<10000x16xf32, #tpu.memory_space<vmem_shared>>)
      %add3A_426 = arith.constant 8 : i32
      %add3A_427 = arith.addi %add3A_414, %add3A_426 : i32
      %lt3A_428 = arith.constant 80 : i32
      %lt3A_429 = arith.cmpi slt, %add3A_427, %lt3A_428 : i32
      %convert_element_type3A_430 = arith.extui %lt3A_429 : i1 to i32
      %cond3A_431 = arith.constant 0 : i32
      %cond3A_432 = arith.cmpi ne, %convert_element_type3A_430, %cond3A_431 : i32
      scf.if %cond3A_432 {
        %add3A_473 = arith.constant 8 : i32
        %add3A_474 = arith.addi %add3A_414, %add3A_473 : i32
        %dma_start3A_475 = arith.constant 5 : i32
        %dma_start3A_476 = arith.constant 0 : i32
        %dma_start3A_477 = arith.constant 0 : i32
        %dma_start3A_478 = tpu.memref_slice %arg9[%dma_start3A_475, %dma_start3A_476, %dma_start3A_477] : memref<8x125x16xf32, #tpu.memory_space<vmem>> -> memref<1x125x16xf32, #tpu.memory_space<vmem>>
        %dma_start3A_479 = tpu.memref_squeeze %dma_start3A_478 : memref<1x125x16xf32, #tpu.memory_space<vmem>> -> memref<125x16xf32, #tpu.memory_space<vmem>>
        %dma_start3A_480 = arith.constant 0 : i32
        %dma_start3A_481 = tpu.memref_slice %arg7[%add3A_474, %dma_start3A_480] : memref<80x125xi32, #tpu.memory_space<vmem>> -> memref<1x125xi32, #tpu.memory_space<vmem>>
        %dma_start3A_482 = tpu.memref_squeeze %dma_start3A_481 : memref<1x125xi32, #tpu.memory_space<vmem>> -> memref<125xi32, #tpu.memory_space<vmem>>
        %dma_start3A_483 = arith.constant 0 : i32
        %dma_start3A_484 = arith.constant 0 : i32
        %dma_start3A_485 = tpu.memref_slice %arg11[%dma_start3A_483, %dma_start3A_484] : memref<10000x16xf32, #tpu.memory_space<vmem_shared>> -> memref<10000x16xf32, #tpu.memory_space<vmem_shared>>
        tpu.enqueue_indirect_dma source(%dma_start3A_485 : memref<10000x16xf32, #tpu.memory_space<vmem_shared>>) target(%dma_start3A_479 : memref<125x16xf32, #tpu.memory_space<vmem>>) offsets(%dma_start3A_482 : memref<125xi32, #tpu.memory_space<vmem>>) semaphore(%arg17 : memref<!tpu.dma_semaphore, #tpu.memory_space<semaphore_mem>>)
      } else {
      }
      %add3A_433 = arith.constant 6 : i32
      %add3A_434 = arith.addi %mul3A_124, %add3A_433 : i32
      %dma_wait3A_435 = arith.constant 6 : i32
      %dma_wait3A_436 = arith.constant 0 : i32
      %dma_wait3A_437 = arith.constant 0 : i32
      %dma_wait3A_438 = tpu.memref_slice %arg9[%dma_wait3A_435, %dma_wait3A_436, %dma_wait3A_437] : memref<8x125x16xf32, #tpu.memory_space<vmem>> -> memref<1x125x16xf32, #tpu.memory_space<vmem>>
      %dma_wait3A_439 = tpu.memref_squeeze %dma_wait3A_438 : memref<1x125x16xf32, #tpu.memory_space<vmem>> -> memref<125x16xf32, #tpu.memory_space<vmem>>
      %dma_wait3A_440 = arith.constant 0 : i32
      %dma_wait3A_441 = tpu.memref_slice %arg8[%add3A_434, %dma_wait3A_440] : memref<80x125xi32, #tpu.memory_space<vmem>> -> memref<1x125xi32, #tpu.memory_space<vmem>>
      %dma_wait3A_442 = tpu.memref_squeeze %dma_wait3A_441 : memref<1x125xi32, #tpu.memory_space<vmem>> -> memref<125xi32, #tpu.memory_space<vmem>>
      %dma_wait3A_443 = arith.constant 0 : i32
      %dma_wait3A_444 = arith.constant 0 : i32
      %dma_wait3A_445 = tpu.memref_slice %arg10[%dma_wait3A_443, %dma_wait3A_444] : memref<10000x16xf32, #tpu.memory_space<vmem_shared>> -> memref<10000x16xf32, #tpu.memory_space<vmem_shared>>
      tpu.wait_indirect_dma semaphore(%arg26 : memref<!tpu.dma_semaphore, #tpu.memory_space<semaphore_mem>>) src(%dma_wait3A_439 : memref<125x16xf32, #tpu.memory_space<vmem>>) dst(%dma_wait3A_445 : memref<10000x16xf32, #tpu.memory_space<vmem_shared>>)
      %add3A_446 = arith.constant 8 : i32
      %add3A_447 = arith.addi %add3A_434, %add3A_446 : i32
      %lt3A_448 = arith.constant 80 : i32
      %lt3A_449 = arith.cmpi slt, %add3A_447, %lt3A_448 : i32
      %convert_element_type3A_450 = arith.extui %lt3A_449 : i1 to i32
      %cond3A_451 = arith.constant 0 : i32
      %cond3A_452 = arith.cmpi ne, %convert_element_type3A_450, %cond3A_451 : i32
      scf.if %cond3A_452 {
        %add3A_473 = arith.constant 8 : i32
        %add3A_474 = arith.addi %add3A_434, %add3A_473 : i32
        %dma_start3A_475 = arith.constant 6 : i32
        %dma_start3A_476 = arith.constant 0 : i32
        %dma_start3A_477 = arith.constant 0 : i32
        %dma_start3A_478 = tpu.memref_slice %arg9[%dma_start3A_475, %dma_start3A_476, %dma_start3A_477] : memref<8x125x16xf32, #tpu.memory_space<vmem>> -> memref<1x125x16xf32, #tpu.memory_space<vmem>>
        %dma_start3A_479 = tpu.memref_squeeze %dma_start3A_478 : memref<1x125x16xf32, #tpu.memory_space<vmem>> -> memref<125x16xf32, #tpu.memory_space<vmem>>
        %dma_start3A_480 = arith.constant 0 : i32
        %dma_start3A_481 = tpu.memref_slice %arg7[%add3A_474, %dma_start3A_480] : memref<80x125xi32, #tpu.memory_space<vmem>> -> memref<1x125xi32, #tpu.memory_space<vmem>>
        %dma_start3A_482 = tpu.memref_squeeze %dma_start3A_481 : memref<1x125xi32, #tpu.memory_space<vmem>> -> memref<125xi32, #tpu.memory_space<vmem>>
        %dma_start3A_483 = arith.constant 0 : i32
        %dma_start3A_484 = arith.constant 0 : i32
        %dma_start3A_485 = tpu.memref_slice %arg11[%dma_start3A_483, %dma_start3A_484] : memref<10000x16xf32, #tpu.memory_space<vmem_shared>> -> memref<10000x16xf32, #tpu.memory_space<vmem_shared>>
        tpu.enqueue_indirect_dma source(%dma_start3A_485 : memref<10000x16xf32, #tpu.memory_space<vmem_shared>>) target(%dma_start3A_479 : memref<125x16xf32, #tpu.memory_space<vmem>>) offsets(%dma_start3A_482 : memref<125xi32, #tpu.memory_space<vmem>>) semaphore(%arg18 : memref<!tpu.dma_semaphore, #tpu.memory_space<semaphore_mem>>)
      } else {
      }
      %add3A_453 = arith.constant 7 : i32
      %add3A_454 = arith.addi %mul3A_124, %add3A_453 : i32
      %dma_wait3A_455 = arith.constant 7 : i32
      %dma_wait3A_456 = arith.constant 0 : i32
      %dma_wait3A_457 = arith.constant 0 : i32
      %dma_wait3A_458 = tpu.memref_slice %arg9[%dma_wait3A_455, %dma_wait3A_456, %dma_wait3A_457] : memref<8x125x16xf32, #tpu.memory_space<vmem>> -> memref<1x125x16xf32, #tpu.memory_space<vmem>>
      %dma_wait3A_459 = tpu.memref_squeeze %dma_wait3A_458 : memref<1x125x16xf32, #tpu.memory_space<vmem>> -> memref<125x16xf32, #tpu.memory_space<vmem>>
      %dma_wait3A_460 = arith.constant 0 : i32
      %dma_wait3A_461 = tpu.memref_slice %arg8[%add3A_454, %dma_wait3A_460] : memref<80x125xi32, #tpu.memory_space<vmem>> -> memref<1x125xi32, #tpu.memory_space<vmem>>
      %dma_wait3A_462 = tpu.memref_squeeze %dma_wait3A_461 : memref<1x125xi32, #tpu.memory_space<vmem>> -> memref<125xi32, #tpu.memory_space<vmem>>
      %dma_wait3A_463 = arith.constant 0 : i32
      %dma_wait3A_464 = arith.constant 0 : i32
      %dma_wait3A_465 = tpu.memref_slice %arg10[%dma_wait3A_463, %dma_wait3A_464] : memref<10000x16xf32, #tpu.memory_space<vmem_shared>> -> memref<10000x16xf32, #tpu.memory_space<vmem_shared>>
      tpu.wait_indirect_dma semaphore(%arg27 : memref<!tpu.dma_semaphore, #tpu.memory_space<semaphore_mem>>) src(%dma_wait3A_459 : memref<125x16xf32, #tpu.memory_space<vmem>>) dst(%dma_wait3A_465 : memref<10000x16xf32, #tpu.memory_space<vmem_shared>>)
      %add3A_466 = arith.constant 8 : i32
      %add3A_467 = arith.addi %add3A_454, %add3A_466 : i32
      %lt3A_468 = arith.constant 80 : i32
      %lt3A_469 = arith.cmpi slt, %add3A_467, %lt3A_468 : i32
      %convert_element_type3A_470 = arith.extui %lt3A_469 : i1 to i32
      %cond3A_471 = arith.constant 0 : i32
      %cond3A_472 = arith.cmpi ne, %convert_element_type3A_470, %cond3A_471 : i32
      scf.if %cond3A_472 {
        %add3A_473 = arith.constant 8 : i32
        %add3A_474 = arith.addi %add3A_454, %add3A_473 : i32
        %dma_start3A_475 = arith.constant 7 : i32
        %dma_start3A_476 = arith.constant 0 : i32
        %dma_start3A_477 = arith.constant 0 : i32
        %dma_start3A_478 = tpu.memref_slice %arg9[%dma_start3A_475, %dma_start3A_476, %dma_start3A_477] : memref<8x125x16xf32, #tpu.memory_space<vmem>> -> memref<1x125x16xf32, #tpu.memory_space<vmem>>
        %dma_start3A_479 = tpu.memref_squeeze %dma_start3A_478 : memref<1x125x16xf32, #tpu.memory_space<vmem>> -> memref<125x16xf32, #tpu.memory_space<vmem>>
        %dma_start3A_480 = arith.constant 0 : i32
        %dma_start3A_481 = tpu.memref_slice %arg7[%add3A_474, %dma_start3A_480] : memref<80x125xi32, #tpu.memory_space<vmem>> -> memref<1x125xi32, #tpu.memory_space<vmem>>
        %dma_start3A_482 = tpu.memref_squeeze %dma_start3A_481 : memref<1x125xi32, #tpu.memory_space<vmem>> -> memref<125xi32, #tpu.memory_space<vmem>>
        %dma_start3A_483 = arith.constant 0 : i32
        %dma_start3A_484 = arith.constant 0 : i32
        %dma_start3A_485 = tpu.memref_slice %arg11[%dma_start3A_483, %dma_start3A_484] : memref<10000x16xf32, #tpu.memory_space<vmem_shared>> -> memref<10000x16xf32, #tpu.memory_space<vmem_shared>>
        tpu.enqueue_indirect_dma source(%dma_start3A_485 : memref<10000x16xf32, #tpu.memory_space<vmem_shared>>) target(%dma_start3A_479 : memref<125x16xf32, #tpu.memory_space<vmem>>) offsets(%dma_start3A_482 : memref<125xi32, #tpu.memory_space<vmem>>) semaphore(%arg19 : memref<!tpu.dma_semaphore, #tpu.memory_space<semaphore_mem>>)
      } else {
      }
    }
    %scan3A_116 = arith.constant 10 : i32
    %barrier3A_117 = arith.constant 0 : index
    tpu.barrier barrier_id(%barrier3A_117)
    %mul3A_118 = arith.constant 625 : i32
    %mul3A_119 = arith.muli %arg1, %mul3A_118 : i32
    %mul3A_120 = arith.constant 625 : i32
    %mul3A_121 = arith.muli %arg1, %mul3A_120 : i32
    "tpu.region"() ({
      %run_scoped3A = tpu.sem_alloc : memref<!tpu.dma_semaphore, #tpu.memory_space<semaphore_mem>>
      %dma_start3A_122 = arith.constant 0 : i32
      %dma_start3A_123 = tpu.memref_slice %arg6[%arg0, %mul3A_121, %dma_start3A_122] : memref<2x10000x16xf32, #tpu.memory_space<hbm>> -> memref<1x625x16xf32, #tpu.memory_space<hbm>>
      %dma_start3A_124 = tpu.memref_squeeze %dma_start3A_123 : memref<1x625x16xf32, #tpu.memory_space<hbm>> -> memref<625x16xf32, #tpu.memory_space<hbm>>
      %dma_start3A_125 = arith.constant 0 : i32
      %dma_start3A_126 = tpu.memref_slice %arg10[%mul3A_119, %dma_start3A_125] : memref<10000x16xf32, #tpu.memory_space<vmem_shared>> -> memref<625x16xf32, #tpu.memory_space<vmem_shared>>
      tpu.enqueue_dma source(%dma_start3A_126 : memref<625x16xf32, #tpu.memory_space<vmem_shared>>) target(%dma_start3A_124 : memref<625x16xf32, #tpu.memory_space<hbm>>) target_semaphore(%run_scoped3A : memref<!tpu.dma_semaphore, #tpu.memory_space<semaphore_mem>>)
      %dma_wait3A = arith.constant 0 : i32
      %dma_wait3A_127 = tpu.memref_slice %arg6[%arg0, %mul3A_121, %dma_wait3A] : memref<2x10000x16xf32, #tpu.memory_space<hbm>> -> memref<1x625x16xf32, #tpu.memory_space<hbm>>
      %dma_wait3A_128 = tpu.memref_squeeze %dma_wait3A_127 : memref<1x625x16xf32, #tpu.memory_space<hbm>> -> memref<625x16xf32, #tpu.memory_space<hbm>>
      %dma_wait3A_129 = arith.constant 0 : i32
      %dma_wait3A_130 = tpu.memref_slice %arg10[%mul3A_119, %dma_wait3A_129] : memref<10000x16xf32, #tpu.memory_space<vmem_shared>> -> memref<625x16xf32, #tpu.memory_space<vmem_shared>>
      tpu.wait_dma2 semaphore(%run_scoped3A : memref<!tpu.dma_semaphore, #tpu.memory_space<semaphore_mem>>) src(%dma_wait3A_130 : memref<625x16xf32, #tpu.memory_space<vmem_shared>>) dst(%dma_wait3A_128 : memref<625x16xf32, #tpu.memory_space<hbm>>)
      tpu.yield
    }) : () -> ()
    return
  }
}

#map = affine_map<(d0, d1) -> (0, 0)>
#map1 = affine_map<(d0, d1) -> (0, 0, 0)>
module attributes {stable_mosaic.version = 14 : i64} {
  func.func @k(%arg0: i32, %arg1: i32, %arg2: memref<10000x32xf32, #tpu.memory_space<hbm>>, %arg3: memref<10000x32xf32, #tpu.memory_space<hbm>>, %arg4: memref<16x160x125xi32, #tpu.memory_space<hbm>>, %arg5: memref<16x160x125xi32, #tpu.memory_space<hbm>>, %arg6: memref<125x32xf32, #tpu.memory_space<hbm>>, %arg7: memref<2x10000x32xf32, #tpu.memory_space<hbm>>, %arg8: memref<160x125xi32, #tpu.memory_space<vmem>>, %arg9: memref<160x125xi32, #tpu.memory_space<vmem>>, %arg10: memref<8x125x32xf32, #tpu.memory_space<vmem>>, %arg11: memref<10000x32xf32, #tpu.memory_space<vmem_shared>>, %arg12: memref<10000x32xf32, #tpu.memory_space<vmem_shared>>, %arg13: memref<!tpu.dma_semaphore, #tpu.memory_space<semaphore_mem>>, %arg14: memref<!tpu.dma_semaphore, #tpu.memory_space<semaphore_mem>>, %arg15: memref<!tpu.dma_semaphore, #tpu.memory_space<semaphore_mem>>, %arg16: memref<!tpu.dma_semaphore, #tpu.memory_space<semaphore_mem>>, %arg17: memref<!tpu.dma_semaphore, #tpu.memory_space<semaphore_mem>>, %arg18: memref<!tpu.dma_semaphore, #tpu.memory_space<semaphore_mem>>, %arg19: memref<!tpu.dma_semaphore, #tpu.memory_space<semaphore_mem>>, %arg20: memref<!tpu.dma_semaphore, #tpu.memory_space<semaphore_mem>>, %arg21: memref<!tpu.dma_semaphore, #tpu.memory_space<semaphore_mem>>, %arg22: memref<!tpu.dma_semaphore, #tpu.memory_space<semaphore_mem>>, %arg23: memref<!tpu.dma_semaphore, #tpu.memory_space<semaphore_mem>>, %arg24: memref<!tpu.dma_semaphore, #tpu.memory_space<semaphore_mem>>, %arg25: memref<!tpu.dma_semaphore, #tpu.memory_space<semaphore_mem>>, %arg26: memref<!tpu.dma_semaphore, #tpu.memory_space<semaphore_mem>>, %arg27: memref<!tpu.dma_semaphore, #tpu.memory_space<semaphore_mem>>, %arg28: memref<!tpu.dma_semaphore, #tpu.memory_space<semaphore_mem>>) attributes {dimension_semantics = [#tpu.dimension_semantics<core_parallel>, #tpu.dimension_semantics<subcore_parallel>], iteration_bounds = array<i64: 2, 16>, scalar_prefetch = 0 : i64, scratch_operands = 21 : i64, tpu.core_type = #tpu.core_type<sc_vector_subcore>, window_params = [{transform_indices = #map}, {transform_indices = #map}, {transform_indices = #map1}, {transform_indices = #map1}, {transform_indices = #map}, {transform_indices = #map1}]} {
    "tpu.region"() ({
      %run_scoped3A = tpu.sem_alloc : memref<!tpu.dma_semaphore, #tpu.memory_space<semaphore_mem>>
      %dma_start3A_124 = arith.constant 0 : i32
      %dma_start3A_125 = arith.constant 0 : i32
      %dma_start3A_126 = tpu.memref_slice %arg4[%arg1, %dma_start3A_124, %dma_start3A_125] : memref<16x160x125xi32, #tpu.memory_space<hbm>> -> memref<1x160x125xi32, #tpu.memory_space<hbm>>
      %dma_start3A_127 = tpu.memref_squeeze %dma_start3A_126 : memref<1x160x125xi32, #tpu.memory_space<hbm>> -> memref<160x125xi32, #tpu.memory_space<hbm>>
      %dma_start3A_128 = arith.constant 0 : i32
      %dma_start3A_129 = arith.constant 0 : i32
      %dma_start3A_130 = tpu.memref_slice %arg4[%arg1, %dma_start3A_128, %dma_start3A_129] : memref<16x160x125xi32, #tpu.memory_space<hbm>> -> memref<1x160x125xi32, #tpu.memory_space<hbm>>
      %dma_start3A_131 = tpu.memref_squeeze %dma_start3A_130 : memref<1x160x125xi32, #tpu.memory_space<hbm>> -> memref<160x125xi32, #tpu.memory_space<hbm>>
      tpu.enqueue_dma source(%dma_start3A_131 : memref<160x125xi32, #tpu.memory_space<hbm>>) target(%arg8 : memref<160x125xi32, #tpu.memory_space<vmem>>) target_semaphore(%run_scoped3A : memref<!tpu.dma_semaphore, #tpu.memory_space<semaphore_mem>>)
      %dma_wait3A = arith.constant 0 : i32
      %dma_wait3A_132 = arith.constant 0 : i32
      %dma_wait3A_133 = tpu.memref_slice %arg4[%arg1, %dma_wait3A, %dma_wait3A_132] : memref<16x160x125xi32, #tpu.memory_space<hbm>> -> memref<1x160x125xi32, #tpu.memory_space<hbm>>
      %dma_wait3A_134 = tpu.memref_squeeze %dma_wait3A_133 : memref<1x160x125xi32, #tpu.memory_space<hbm>> -> memref<160x125xi32, #tpu.memory_space<hbm>>
      %dma_wait3A_135 = arith.constant 0 : i32
      %dma_wait3A_136 = arith.constant 0 : i32
      %dma_wait3A_137 = tpu.memref_slice %arg4[%arg1, %dma_wait3A_135, %dma_wait3A_136] : memref<16x160x125xi32, #tpu.memory_space<hbm>> -> memref<1x160x125xi32, #tpu.memory_space<hbm>>
      %dma_wait3A_138 = tpu.memref_squeeze %dma_wait3A_137 : memref<1x160x125xi32, #tpu.memory_space<hbm>> -> memref<160x125xi32, #tpu.memory_space<hbm>>
      tpu.wait_dma2 semaphore(%run_scoped3A : memref<!tpu.dma_semaphore, #tpu.memory_space<semaphore_mem>>) src(%dma_wait3A_138 : memref<160x125xi32, #tpu.memory_space<hbm>>) dst(%arg8 : memref<160x125xi32, #tpu.memory_space<vmem>>)
      tpu.yield
    }) : () -> ()
    "tpu.region"() ({
      %run_scoped3A = tpu.sem_alloc : memref<!tpu.dma_semaphore, #tpu.memory_space<semaphore_mem>>
      %dma_start3A_124 = arith.constant 0 : i32
      %dma_start3A_125 = arith.constant 0 : i32
      %dma_start3A_126 = tpu.memref_slice %arg5[%arg1, %dma_start3A_124, %dma_start3A_125] : memref<16x160x125xi32, #tpu.memory_space<hbm>> -> memref<1x160x125xi32, #tpu.memory_space<hbm>>
      %dma_start3A_127 = tpu.memref_squeeze %dma_start3A_126 : memref<1x160x125xi32, #tpu.memory_space<hbm>> -> memref<160x125xi32, #tpu.memory_space<hbm>>
      %dma_start3A_128 = arith.constant 0 : i32
      %dma_start3A_129 = arith.constant 0 : i32
      %dma_start3A_130 = tpu.memref_slice %arg5[%arg1, %dma_start3A_128, %dma_start3A_129] : memref<16x160x125xi32, #tpu.memory_space<hbm>> -> memref<1x160x125xi32, #tpu.memory_space<hbm>>
      %dma_start3A_131 = tpu.memref_squeeze %dma_start3A_130 : memref<1x160x125xi32, #tpu.memory_space<hbm>> -> memref<160x125xi32, #tpu.memory_space<hbm>>
      tpu.enqueue_dma source(%dma_start3A_131 : memref<160x125xi32, #tpu.memory_space<hbm>>) target(%arg9 : memref<160x125xi32, #tpu.memory_space<vmem>>) target_semaphore(%run_scoped3A : memref<!tpu.dma_semaphore, #tpu.memory_space<semaphore_mem>>)
      %dma_wait3A = arith.constant 0 : i32
      %dma_wait3A_132 = arith.constant 0 : i32
      %dma_wait3A_133 = tpu.memref_slice %arg5[%arg1, %dma_wait3A, %dma_wait3A_132] : memref<16x160x125xi32, #tpu.memory_space<hbm>> -> memref<1x160x125xi32, #tpu.memory_space<hbm>>
      %dma_wait3A_134 = tpu.memref_squeeze %dma_wait3A_133 : memref<1x160x125xi32, #tpu.memory_space<hbm>> -> memref<160x125xi32, #tpu.memory_space<hbm>>
      %dma_wait3A_135 = arith.constant 0 : i32
      %dma_wait3A_136 = arith.constant 0 : i32
      %dma_wait3A_137 = tpu.memref_slice %arg5[%arg1, %dma_wait3A_135, %dma_wait3A_136] : memref<16x160x125xi32, #tpu.memory_space<hbm>> -> memref<1x160x125xi32, #tpu.memory_space<hbm>>
      %dma_wait3A_138 = tpu.memref_squeeze %dma_wait3A_137 : memref<1x160x125xi32, #tpu.memory_space<hbm>> -> memref<160x125xi32, #tpu.memory_space<hbm>>
      tpu.wait_dma2 semaphore(%run_scoped3A : memref<!tpu.dma_semaphore, #tpu.memory_space<semaphore_mem>>) src(%dma_wait3A_138 : memref<160x125xi32, #tpu.memory_space<hbm>>) dst(%arg9 : memref<160x125xi32, #tpu.memory_space<vmem>>)
      tpu.yield
    }) : () -> ()
    %mul3A = arith.constant 625 : i32
    %mul3A_0 = arith.muli %arg1, %mul3A : i32
    %eq3A = arith.constant 0 : i32
    %eq3A_1 = arith.cmpi eq, %arg0, %eq3A : i32
    %convert_element_type3A = arith.extui %eq3A_1 : i1 to i32
    %cond3A = arith.constant 0 : i32
    %cond3A_2 = arith.cmpi ne, %convert_element_type3A, %cond3A : i32
    scf.if %cond3A_2 {
      "tpu.region"() ({
        %run_scoped3A = tpu.sem_alloc : memref<!tpu.dma_semaphore, #tpu.memory_space<semaphore_mem>>
        %dma_start3A_124 = arith.constant 0 : i32
        %dma_start3A_125 = tpu.memref_slice %arg12[%mul3A_0, %dma_start3A_124] : memref<10000x32xf32, #tpu.memory_space<vmem_shared>> -> memref<625x32xf32, #tpu.memory_space<vmem_shared>>
        %dma_start3A_126 = arith.constant 0 : i32
        %dma_start3A_127 = tpu.memref_slice %arg2[%mul3A_0, %dma_start3A_126] : memref<10000x32xf32, #tpu.memory_space<hbm>> -> memref<625x32xf32, #tpu.memory_space<hbm>>
        tpu.enqueue_dma source(%dma_start3A_127 : memref<625x32xf32, #tpu.memory_space<hbm>>) target(%dma_start3A_125 : memref<625x32xf32, #tpu.memory_space<vmem_shared>>) target_semaphore(%run_scoped3A : memref<!tpu.dma_semaphore, #tpu.memory_space<semaphore_mem>>)
        %dma_wait3A = arith.constant 0 : i32
        %dma_wait3A_128 = tpu.memref_slice %arg12[%mul3A_0, %dma_wait3A] : memref<10000x32xf32, #tpu.memory_space<vmem_shared>> -> memref<625x32xf32, #tpu.memory_space<vmem_shared>>
        %dma_wait3A_129 = arith.constant 0 : i32
        %dma_wait3A_130 = tpu.memref_slice %arg2[%mul3A_0, %dma_wait3A_129] : memref<10000x32xf32, #tpu.memory_space<hbm>> -> memref<625x32xf32, #tpu.memory_space<hbm>>
        tpu.wait_dma2 semaphore(%run_scoped3A : memref<!tpu.dma_semaphore, #tpu.memory_space<semaphore_mem>>) src(%dma_wait3A_130 : memref<625x32xf32, #tpu.memory_space<hbm>>) dst(%dma_wait3A_128 : memref<625x32xf32, #tpu.memory_space<vmem_shared>>)
        tpu.yield
      }) : () -> ()
    } else {
    }
    %eq3A_3 = arith.constant 1 : i32
    %eq3A_4 = arith.cmpi eq, %arg0, %eq3A_3 : i32
    %convert_element_type3A_5 = arith.extui %eq3A_4 : i1 to i32
    %cond3A_6 = arith.constant 0 : i32
    %cond3A_7 = arith.cmpi ne, %convert_element_type3A_5, %cond3A_6 : i32
    scf.if %cond3A_7 {
      "tpu.region"() ({
        %run_scoped3A = tpu.sem_alloc : memref<!tpu.dma_semaphore, #tpu.memory_space<semaphore_mem>>
        %dma_start3A_124 = arith.constant 0 : i32
        %dma_start3A_125 = tpu.memref_slice %arg12[%mul3A_0, %dma_start3A_124] : memref<10000x32xf32, #tpu.memory_space<vmem_shared>> -> memref<625x32xf32, #tpu.memory_space<vmem_shared>>
        %dma_start3A_126 = arith.constant 0 : i32
        %dma_start3A_127 = tpu.memref_slice %arg3[%mul3A_0, %dma_start3A_126] : memref<10000x32xf32, #tpu.memory_space<hbm>> -> memref<625x32xf32, #tpu.memory_space<hbm>>
        tpu.enqueue_dma source(%dma_start3A_127 : memref<625x32xf32, #tpu.memory_space<hbm>>) target(%dma_start3A_125 : memref<625x32xf32, #tpu.memory_space<vmem_shared>>) target_semaphore(%run_scoped3A : memref<!tpu.dma_semaphore, #tpu.memory_space<semaphore_mem>>)
        %dma_wait3A = arith.constant 0 : i32
        %dma_wait3A_128 = tpu.memref_slice %arg12[%mul3A_0, %dma_wait3A] : memref<10000x32xf32, #tpu.memory_space<vmem_shared>> -> memref<625x32xf32, #tpu.memory_space<vmem_shared>>
        %dma_wait3A_129 = arith.constant 0 : i32
        %dma_wait3A_130 = tpu.memref_slice %arg3[%mul3A_0, %dma_wait3A_129] : memref<10000x32xf32, #tpu.memory_space<hbm>> -> memref<625x32xf32, #tpu.memory_space<hbm>>
        tpu.wait_dma2 semaphore(%run_scoped3A : memref<!tpu.dma_semaphore, #tpu.memory_space<semaphore_mem>>) src(%dma_wait3A_130 : memref<625x32xf32, #tpu.memory_space<hbm>>) dst(%dma_wait3A_128 : memref<625x32xf32, #tpu.memory_space<vmem_shared>>)
        tpu.yield
      }) : () -> ()
    } else {
    }
    %mul3A_8 = arith.constant 625 : i32
    %mul3A_9 = arith.muli %arg1, %mul3A_8 : i32
    %add3A = arith.constant 0 : i32
    %add3A_10 = arith.addi %mul3A_9, %add3A : i32
    "tpu.region"() ({
      %run_scoped3A = tpu.sem_alloc : memref<!tpu.dma_semaphore, #tpu.memory_space<semaphore_mem>>
      %dma_start3A_124 = arith.constant 0 : i32
      %dma_start3A_125 = tpu.memref_slice %arg11[%add3A_10, %dma_start3A_124] : memref<10000x32xf32, #tpu.memory_space<vmem_shared>> -> memref<128x32xf32, #tpu.memory_space<vmem_shared>>
      %dma_start3A_126 = arith.constant 0 : i32
      %dma_start3A_127 = arith.constant 0 : i32
      %dma_start3A_128 = tpu.memref_slice %arg6[%dma_start3A_126, %dma_start3A_127] : memref<125x32xf32, #tpu.memory_space<hbm>> -> memref<128x32xf32, #tpu.memory_space<hbm>>
      tpu.enqueue_dma source(%dma_start3A_128 : memref<128x32xf32, #tpu.memory_space<hbm>>) target(%dma_start3A_125 : memref<128x32xf32, #tpu.memory_space<vmem_shared>>) target_semaphore(%run_scoped3A : memref<!tpu.dma_semaphore, #tpu.memory_space<semaphore_mem>>)
      %dma_wait3A = arith.constant 0 : i32
      %dma_wait3A_129 = tpu.memref_slice %arg11[%add3A_10, %dma_wait3A] : memref<10000x32xf32, #tpu.memory_space<vmem_shared>> -> memref<128x32xf32, #tpu.memory_space<vmem_shared>>
      %dma_wait3A_130 = arith.constant 0 : i32
      %dma_wait3A_131 = arith.constant 0 : i32
      %dma_wait3A_132 = tpu.memref_slice %arg6[%dma_wait3A_130, %dma_wait3A_131] : memref<125x32xf32, #tpu.memory_space<hbm>> -> memref<128x32xf32, #tpu.memory_space<hbm>>
      tpu.wait_dma2 semaphore(%run_scoped3A : memref<!tpu.dma_semaphore, #tpu.memory_space<semaphore_mem>>) src(%dma_wait3A_132 : memref<128x32xf32, #tpu.memory_space<hbm>>) dst(%dma_wait3A_129 : memref<128x32xf32, #tpu.memory_space<vmem_shared>>)
      tpu.yield
    }) : () -> ()
    %add3A_11 = arith.constant 128 : i32
    %add3A_12 = arith.addi %mul3A_9, %add3A_11 : i32
    "tpu.region"() ({
      %run_scoped3A = tpu.sem_alloc : memref<!tpu.dma_semaphore, #tpu.memory_space<semaphore_mem>>
      %dma_start3A_124 = arith.constant 0 : i32
      %dma_start3A_125 = tpu.memref_slice %arg11[%add3A_12, %dma_start3A_124] : memref<10000x32xf32, #tpu.memory_space<vmem_shared>> -> memref<128x32xf32, #tpu.memory_space<vmem_shared>>
      %dma_start3A_126 = arith.constant 0 : i32
      %dma_start3A_127 = arith.constant 0 : i32
      %dma_start3A_128 = tpu.memref_slice %arg6[%dma_start3A_126, %dma_start3A_127] : memref<125x32xf32, #tpu.memory_space<hbm>> -> memref<128x32xf32, #tpu.memory_space<hbm>>
      tpu.enqueue_dma source(%dma_start3A_128 : memref<128x32xf32, #tpu.memory_space<hbm>>) target(%dma_start3A_125 : memref<128x32xf32, #tpu.memory_space<vmem_shared>>) target_semaphore(%run_scoped3A : memref<!tpu.dma_semaphore, #tpu.memory_space<semaphore_mem>>)
      %dma_wait3A = arith.constant 0 : i32
      %dma_wait3A_129 = tpu.memref_slice %arg11[%add3A_12, %dma_wait3A] : memref<10000x32xf32, #tpu.memory_space<vmem_shared>> -> memref<128x32xf32, #tpu.memory_space<vmem_shared>>
      %dma_wait3A_130 = arith.constant 0 : i32
      %dma_wait3A_131 = arith.constant 0 : i32
      %dma_wait3A_132 = tpu.memref_slice %arg6[%dma_wait3A_130, %dma_wait3A_131] : memref<125x32xf32, #tpu.memory_space<hbm>> -> memref<128x32xf32, #tpu.memory_space<hbm>>
      tpu.wait_dma2 semaphore(%run_scoped3A : memref<!tpu.dma_semaphore, #tpu.memory_space<semaphore_mem>>) src(%dma_wait3A_132 : memref<128x32xf32, #tpu.memory_space<hbm>>) dst(%dma_wait3A_129 : memref<128x32xf32, #tpu.memory_space<vmem_shared>>)
      tpu.yield
    }) : () -> ()
    %add3A_13 = arith.constant 256 : i32
    %add3A_14 = arith.addi %mul3A_9, %add3A_13 : i32
    "tpu.region"() ({
      %run_scoped3A = tpu.sem_alloc : memref<!tpu.dma_semaphore, #tpu.memory_space<semaphore_mem>>
      %dma_start3A_124 = arith.constant 0 : i32
      %dma_start3A_125 = tpu.memref_slice %arg11[%add3A_14, %dma_start3A_124] : memref<10000x32xf32, #tpu.memory_space<vmem_shared>> -> memref<128x32xf32, #tpu.memory_space<vmem_shared>>
      %dma_start3A_126 = arith.constant 0 : i32
      %dma_start3A_127 = arith.constant 0 : i32
      %dma_start3A_128 = tpu.memref_slice %arg6[%dma_start3A_126, %dma_start3A_127] : memref<125x32xf32, #tpu.memory_space<hbm>> -> memref<128x32xf32, #tpu.memory_space<hbm>>
      tpu.enqueue_dma source(%dma_start3A_128 : memref<128x32xf32, #tpu.memory_space<hbm>>) target(%dma_start3A_125 : memref<128x32xf32, #tpu.memory_space<vmem_shared>>) target_semaphore(%run_scoped3A : memref<!tpu.dma_semaphore, #tpu.memory_space<semaphore_mem>>)
      %dma_wait3A = arith.constant 0 : i32
      %dma_wait3A_129 = tpu.memref_slice %arg11[%add3A_14, %dma_wait3A] : memref<10000x32xf32, #tpu.memory_space<vmem_shared>> -> memref<128x32xf32, #tpu.memory_space<vmem_shared>>
      %dma_wait3A_130 = arith.constant 0 : i32
      %dma_wait3A_131 = arith.constant 0 : i32
      %dma_wait3A_132 = tpu.memref_slice %arg6[%dma_wait3A_130, %dma_wait3A_131] : memref<125x32xf32, #tpu.memory_space<hbm>> -> memref<128x32xf32, #tpu.memory_space<hbm>>
      tpu.wait_dma2 semaphore(%run_scoped3A : memref<!tpu.dma_semaphore, #tpu.memory_space<semaphore_mem>>) src(%dma_wait3A_132 : memref<128x32xf32, #tpu.memory_space<hbm>>) dst(%dma_wait3A_129 : memref<128x32xf32, #tpu.memory_space<vmem_shared>>)
      tpu.yield
    }) : () -> ()
    %add3A_15 = arith.constant 384 : i32
    %add3A_16 = arith.addi %mul3A_9, %add3A_15 : i32
    "tpu.region"() ({
      %run_scoped3A = tpu.sem_alloc : memref<!tpu.dma_semaphore, #tpu.memory_space<semaphore_mem>>
      %dma_start3A_124 = arith.constant 0 : i32
      %dma_start3A_125 = tpu.memref_slice %arg11[%add3A_16, %dma_start3A_124] : memref<10000x32xf32, #tpu.memory_space<vmem_shared>> -> memref<128x32xf32, #tpu.memory_space<vmem_shared>>
      %dma_start3A_126 = arith.constant 0 : i32
      %dma_start3A_127 = arith.constant 0 : i32
      %dma_start3A_128 = tpu.memref_slice %arg6[%dma_start3A_126, %dma_start3A_127] : memref<125x32xf32, #tpu.memory_space<hbm>> -> memref<128x32xf32, #tpu.memory_space<hbm>>
      tpu.enqueue_dma source(%dma_start3A_128 : memref<128x32xf32, #tpu.memory_space<hbm>>) target(%dma_start3A_125 : memref<128x32xf32, #tpu.memory_space<vmem_shared>>) target_semaphore(%run_scoped3A : memref<!tpu.dma_semaphore, #tpu.memory_space<semaphore_mem>>)
      %dma_wait3A = arith.constant 0 : i32
      %dma_wait3A_129 = tpu.memref_slice %arg11[%add3A_16, %dma_wait3A] : memref<10000x32xf32, #tpu.memory_space<vmem_shared>> -> memref<128x32xf32, #tpu.memory_space<vmem_shared>>
      %dma_wait3A_130 = arith.constant 0 : i32
      %dma_wait3A_131 = arith.constant 0 : i32
      %dma_wait3A_132 = tpu.memref_slice %arg6[%dma_wait3A_130, %dma_wait3A_131] : memref<125x32xf32, #tpu.memory_space<hbm>> -> memref<128x32xf32, #tpu.memory_space<hbm>>
      tpu.wait_dma2 semaphore(%run_scoped3A : memref<!tpu.dma_semaphore, #tpu.memory_space<semaphore_mem>>) src(%dma_wait3A_132 : memref<128x32xf32, #tpu.memory_space<hbm>>) dst(%dma_wait3A_129 : memref<128x32xf32, #tpu.memory_space<vmem_shared>>)
      tpu.yield
    }) : () -> ()
    %add3A_17 = arith.constant 512 : i32
    %add3A_18 = arith.addi %mul3A_9, %add3A_17 : i32
    "tpu.region"() ({
      %run_scoped3A = tpu.sem_alloc : memref<!tpu.dma_semaphore, #tpu.memory_space<semaphore_mem>>
      %dma_start3A_124 = arith.constant 0 : i32
      %dma_start3A_125 = tpu.memref_slice %arg11[%add3A_18, %dma_start3A_124] : memref<10000x32xf32, #tpu.memory_space<vmem_shared>> -> memref<113x32xf32, #tpu.memory_space<vmem_shared>>
      %dma_start3A_126 = arith.constant 0 : i32
      %dma_start3A_127 = arith.constant 0 : i32
      %dma_start3A_128 = tpu.memref_slice %arg6[%dma_start3A_126, %dma_start3A_127] : memref<125x32xf32, #tpu.memory_space<hbm>> -> memref<113x32xf32, #tpu.memory_space<hbm>>
      tpu.enqueue_dma source(%dma_start3A_128 : memref<113x32xf32, #tpu.memory_space<hbm>>) target(%dma_start3A_125 : memref<113x32xf32, #tpu.memory_space<vmem_shared>>) target_semaphore(%run_scoped3A : memref<!tpu.dma_semaphore, #tpu.memory_space<semaphore_mem>>)
      %dma_wait3A = arith.constant 0 : i32
      %dma_wait3A_129 = tpu.memref_slice %arg11[%add3A_18, %dma_wait3A] : memref<10000x32xf32, #tpu.memory_space<vmem_shared>> -> memref<113x32xf32, #tpu.memory_space<vmem_shared>>
      %dma_wait3A_130 = arith.constant 0 : i32
      %dma_wait3A_131 = arith.constant 0 : i32
      %dma_wait3A_132 = tpu.memref_slice %arg6[%dma_wait3A_130, %dma_wait3A_131] : memref<125x32xf32, #tpu.memory_space<hbm>> -> memref<113x32xf32, #tpu.memory_space<hbm>>
      tpu.wait_dma2 semaphore(%run_scoped3A : memref<!tpu.dma_semaphore, #tpu.memory_space<semaphore_mem>>) src(%dma_wait3A_132 : memref<113x32xf32, #tpu.memory_space<hbm>>) dst(%dma_wait3A_129 : memref<113x32xf32, #tpu.memory_space<vmem_shared>>)
      tpu.yield
    }) : () -> ()
    %barrier3A = arith.constant 0 : index
    tpu.barrier barrier_id(%barrier3A)
    %dma_start3A = arith.constant 0 : i32
    %dma_start3A_19 = arith.constant 0 : i32
    %dma_start3A_20 = arith.constant 0 : i32
    %dma_start3A_21 = arith.constant 0 : i32
    %dma_start3A_22 = tpu.memref_slice %arg10[%dma_start3A_19, %dma_start3A_20, %dma_start3A_21] : memref<8x125x32xf32, #tpu.memory_space<vmem>> -> memref<1x125x32xf32, #tpu.memory_space<vmem>>
    %dma_start3A_23 = tpu.memref_squeeze %dma_start3A_22 : memref<1x125x32xf32, #tpu.memory_space<vmem>> -> memref<125x32xf32, #tpu.memory_space<vmem>>
    %dma_start3A_24 = arith.constant 0 : i32
    %dma_start3A_25 = tpu.memref_slice %arg8[%dma_start3A, %dma_start3A_24] : memref<160x125xi32, #tpu.memory_space<vmem>> -> memref<1x125xi32, #tpu.memory_space<vmem>>
    %dma_start3A_26 = tpu.memref_squeeze %dma_start3A_25 : memref<1x125xi32, #tpu.memory_space<vmem>> -> memref<125xi32, #tpu.memory_space<vmem>>
    %dma_start3A_27 = arith.constant 0 : i32
    %dma_start3A_28 = arith.constant 0 : i32
    %dma_start3A_29 = tpu.memref_slice %arg12[%dma_start3A_27, %dma_start3A_28] : memref<10000x32xf32, #tpu.memory_space<vmem_shared>> -> memref<10000x32xf32, #tpu.memory_space<vmem_shared>>
    tpu.enqueue_indirect_dma source(%dma_start3A_29 : memref<10000x32xf32, #tpu.memory_space<vmem_shared>>) target(%dma_start3A_23 : memref<125x32xf32, #tpu.memory_space<vmem>>) offsets(%dma_start3A_26 : memref<125xi32, #tpu.memory_space<vmem>>) semaphore(%arg13 : memref<!tpu.dma_semaphore, #tpu.memory_space<semaphore_mem>>)
    %dma_start3A_30 = arith.constant 1 : i32
    %dma_start3A_31 = arith.constant 1 : i32
    %dma_start3A_32 = arith.constant 0 : i32
    %dma_start3A_33 = arith.constant 0 : i32
    %dma_start3A_34 = tpu.memref_slice %arg10[%dma_start3A_31, %dma_start3A_32, %dma_start3A_33] : memref<8x125x32xf32, #tpu.memory_space<vmem>> -> memref<1x125x32xf32, #tpu.memory_space<vmem>>
    %dma_start3A_35 = tpu.memref_squeeze %dma_start3A_34 : memref<1x125x32xf32, #tpu.memory_space<vmem>> -> memref<125x32xf32, #tpu.memory_space<vmem>>
    %dma_start3A_36 = arith.constant 0 : i32
    %dma_start3A_37 = tpu.memref_slice %arg8[%dma_start3A_30, %dma_start3A_36] : memref<160x125xi32, #tpu.memory_space<vmem>> -> memref<1x125xi32, #tpu.memory_space<vmem>>
    %dma_start3A_38 = tpu.memref_squeeze %dma_start3A_37 : memref<1x125xi32, #tpu.memory_space<vmem>> -> memref<125xi32, #tpu.memory_space<vmem>>
    %dma_start3A_39 = arith.constant 0 : i32
    %dma_start3A_40 = arith.constant 0 : i32
    %dma_start3A_41 = tpu.memref_slice %arg12[%dma_start3A_39, %dma_start3A_40] : memref<10000x32xf32, #tpu.memory_space<vmem_shared>> -> memref<10000x32xf32, #tpu.memory_space<vmem_shared>>
    tpu.enqueue_indirect_dma source(%dma_start3A_41 : memref<10000x32xf32, #tpu.memory_space<vmem_shared>>) target(%dma_start3A_35 : memref<125x32xf32, #tpu.memory_space<vmem>>) offsets(%dma_start3A_38 : memref<125xi32, #tpu.memory_space<vmem>>) semaphore(%arg14 : memref<!tpu.dma_semaphore, #tpu.memory_space<semaphore_mem>>)
    %dma_start3A_42 = arith.constant 2 : i32
    %dma_start3A_43 = arith.constant 2 : i32
    %dma_start3A_44 = arith.constant 0 : i32
    %dma_start3A_45 = arith.constant 0 : i32
    %dma_start3A_46 = tpu.memref_slice %arg10[%dma_start3A_43, %dma_start3A_44, %dma_start3A_45] : memref<8x125x32xf32, #tpu.memory_space<vmem>> -> memref<1x125x32xf32, #tpu.memory_space<vmem>>
    %dma_start3A_47 = tpu.memref_squeeze %dma_start3A_46 : memref<1x125x32xf32, #tpu.memory_space<vmem>> -> memref<125x32xf32, #tpu.memory_space<vmem>>
    %dma_start3A_48 = arith.constant 0 : i32
    %dma_start3A_49 = tpu.memref_slice %arg8[%dma_start3A_42, %dma_start3A_48] : memref<160x125xi32, #tpu.memory_space<vmem>> -> memref<1x125xi32, #tpu.memory_space<vmem>>
    %dma_start3A_50 = tpu.memref_squeeze %dma_start3A_49 : memref<1x125xi32, #tpu.memory_space<vmem>> -> memref<125xi32, #tpu.memory_space<vmem>>
    %dma_start3A_51 = arith.constant 0 : i32
    %dma_start3A_52 = arith.constant 0 : i32
    %dma_start3A_53 = tpu.memref_slice %arg12[%dma_start3A_51, %dma_start3A_52] : memref<10000x32xf32, #tpu.memory_space<vmem_shared>> -> memref<10000x32xf32, #tpu.memory_space<vmem_shared>>
    tpu.enqueue_indirect_dma source(%dma_start3A_53 : memref<10000x32xf32, #tpu.memory_space<vmem_shared>>) target(%dma_start3A_47 : memref<125x32xf32, #tpu.memory_space<vmem>>) offsets(%dma_start3A_50 : memref<125xi32, #tpu.memory_space<vmem>>) semaphore(%arg15 : memref<!tpu.dma_semaphore, #tpu.memory_space<semaphore_mem>>)
    %dma_start3A_54 = arith.constant 3 : i32
    %dma_start3A_55 = arith.constant 3 : i32
    %dma_start3A_56 = arith.constant 0 : i32
    %dma_start3A_57 = arith.constant 0 : i32
    %dma_start3A_58 = tpu.memref_slice %arg10[%dma_start3A_55, %dma_start3A_56, %dma_start3A_57] : memref<8x125x32xf32, #tpu.memory_space<vmem>> -> memref<1x125x32xf32, #tpu.memory_space<vmem>>
    %dma_start3A_59 = tpu.memref_squeeze %dma_start3A_58 : memref<1x125x32xf32, #tpu.memory_space<vmem>> -> memref<125x32xf32, #tpu.memory_space<vmem>>
    %dma_start3A_60 = arith.constant 0 : i32
    %dma_start3A_61 = tpu.memref_slice %arg8[%dma_start3A_54, %dma_start3A_60] : memref<160x125xi32, #tpu.memory_space<vmem>> -> memref<1x125xi32, #tpu.memory_space<vmem>>
    %dma_start3A_62 = tpu.memref_squeeze %dma_start3A_61 : memref<1x125xi32, #tpu.memory_space<vmem>> -> memref<125xi32, #tpu.memory_space<vmem>>
    %dma_start3A_63 = arith.constant 0 : i32
    %dma_start3A_64 = arith.constant 0 : i32
    %dma_start3A_65 = tpu.memref_slice %arg12[%dma_start3A_63, %dma_start3A_64] : memref<10000x32xf32, #tpu.memory_space<vmem_shared>> -> memref<10000x32xf32, #tpu.memory_space<vmem_shared>>
    tpu.enqueue_indirect_dma source(%dma_start3A_65 : memref<10000x32xf32, #tpu.memory_space<vmem_shared>>) target(%dma_start3A_59 : memref<125x32xf32, #tpu.memory_space<vmem>>) offsets(%dma_start3A_62 : memref<125xi32, #tpu.memory_space<vmem>>) semaphore(%arg16 : memref<!tpu.dma_semaphore, #tpu.memory_space<semaphore_mem>>)
    %dma_start3A_66 = arith.constant 4 : i32
    %dma_start3A_67 = arith.constant 4 : i32
    %dma_start3A_68 = arith.constant 0 : i32
    %dma_start3A_69 = arith.constant 0 : i32
    %dma_start3A_70 = tpu.memref_slice %arg10[%dma_start3A_67, %dma_start3A_68, %dma_start3A_69] : memref<8x125x32xf32, #tpu.memory_space<vmem>> -> memref<1x125x32xf32, #tpu.memory_space<vmem>>
    %dma_start3A_71 = tpu.memref_squeeze %dma_start3A_70 : memref<1x125x32xf32, #tpu.memory_space<vmem>> -> memref<125x32xf32, #tpu.memory_space<vmem>>
    %dma_start3A_72 = arith.constant 0 : i32
    %dma_start3A_73 = tpu.memref_slice %arg8[%dma_start3A_66, %dma_start3A_72] : memref<160x125xi32, #tpu.memory_space<vmem>> -> memref<1x125xi32, #tpu.memory_space<vmem>>
    %dma_start3A_74 = tpu.memref_squeeze %dma_start3A_73 : memref<1x125xi32, #tpu.memory_space<vmem>> -> memref<125xi32, #tpu.memory_space<vmem>>
    %dma_start3A_75 = arith.constant 0 : i32
    %dma_start3A_76 = arith.constant 0 : i32
    %dma_start3A_77 = tpu.memref_slice %arg12[%dma_start3A_75, %dma_start3A_76] : memref<10000x32xf32, #tpu.memory_space<vmem_shared>> -> memref<10000x32xf32, #tpu.memory_space<vmem_shared>>
    tpu.enqueue_indirect_dma source(%dma_start3A_77 : memref<10000x32xf32, #tpu.memory_space<vmem_shared>>) target(%dma_start3A_71 : memref<125x32xf32, #tpu.memory_space<vmem>>) offsets(%dma_start3A_74 : memref<125xi32, #tpu.memory_space<vmem>>) semaphore(%arg17 : memref<!tpu.dma_semaphore, #tpu.memory_space<semaphore_mem>>)
    %dma_start3A_78 = arith.constant 5 : i32
    %dma_start3A_79 = arith.constant 5 : i32
    %dma_start3A_80 = arith.constant 0 : i32
    %dma_start3A_81 = arith.constant 0 : i32
    %dma_start3A_82 = tpu.memref_slice %arg10[%dma_start3A_79, %dma_start3A_80, %dma_start3A_81] : memref<8x125x32xf32, #tpu.memory_space<vmem>> -> memref<1x125x32xf32, #tpu.memory_space<vmem>>
    %dma_start3A_83 = tpu.memref_squeeze %dma_start3A_82 : memref<1x125x32xf32, #tpu.memory_space<vmem>> -> memref<125x32xf32, #tpu.memory_space<vmem>>
    %dma_start3A_84 = arith.constant 0 : i32
    %dma_start3A_85 = tpu.memref_slice %arg8[%dma_start3A_78, %dma_start3A_84] : memref<160x125xi32, #tpu.memory_space<vmem>> -> memref<1x125xi32, #tpu.memory_space<vmem>>
    %dma_start3A_86 = tpu.memref_squeeze %dma_start3A_85 : memref<1x125xi32, #tpu.memory_space<vmem>> -> memref<125xi32, #tpu.memory_space<vmem>>
    %dma_start3A_87 = arith.constant 0 : i32
    %dma_start3A_88 = arith.constant 0 : i32
    %dma_start3A_89 = tpu.memref_slice %arg12[%dma_start3A_87, %dma_start3A_88] : memref<10000x32xf32, #tpu.memory_space<vmem_shared>> -> memref<10000x32xf32, #tpu.memory_space<vmem_shared>>
    tpu.enqueue_indirect_dma source(%dma_start3A_89 : memref<10000x32xf32, #tpu.memory_space<vmem_shared>>) target(%dma_start3A_83 : memref<125x32xf32, #tpu.memory_space<vmem>>) offsets(%dma_start3A_86 : memref<125xi32, #tpu.memory_space<vmem>>) semaphore(%arg18 : memref<!tpu.dma_semaphore, #tpu.memory_space<semaphore_mem>>)
    %dma_start3A_90 = arith.constant 6 : i32
    %dma_start3A_91 = arith.constant 6 : i32
    %dma_start3A_92 = arith.constant 0 : i32
    %dma_start3A_93 = arith.constant 0 : i32
    %dma_start3A_94 = tpu.memref_slice %arg10[%dma_start3A_91, %dma_start3A_92, %dma_start3A_93] : memref<8x125x32xf32, #tpu.memory_space<vmem>> -> memref<1x125x32xf32, #tpu.memory_space<vmem>>
    %dma_start3A_95 = tpu.memref_squeeze %dma_start3A_94 : memref<1x125x32xf32, #tpu.memory_space<vmem>> -> memref<125x32xf32, #tpu.memory_space<vmem>>
    %dma_start3A_96 = arith.constant 0 : i32
    %dma_start3A_97 = tpu.memref_slice %arg8[%dma_start3A_90, %dma_start3A_96] : memref<160x125xi32, #tpu.memory_space<vmem>> -> memref<1x125xi32, #tpu.memory_space<vmem>>
    %dma_start3A_98 = tpu.memref_squeeze %dma_start3A_97 : memref<1x125xi32, #tpu.memory_space<vmem>> -> memref<125xi32, #tpu.memory_space<vmem>>
    %dma_start3A_99 = arith.constant 0 : i32
    %dma_start3A_100 = arith.constant 0 : i32
    %dma_start3A_101 = tpu.memref_slice %arg12[%dma_start3A_99, %dma_start3A_100] : memref<10000x32xf32, #tpu.memory_space<vmem_shared>> -> memref<10000x32xf32, #tpu.memory_space<vmem_shared>>
    tpu.enqueue_indirect_dma source(%dma_start3A_101 : memref<10000x32xf32, #tpu.memory_space<vmem_shared>>) target(%dma_start3A_95 : memref<125x32xf32, #tpu.memory_space<vmem>>) offsets(%dma_start3A_98 : memref<125xi32, #tpu.memory_space<vmem>>) semaphore(%arg19 : memref<!tpu.dma_semaphore, #tpu.memory_space<semaphore_mem>>)
    %dma_start3A_102 = arith.constant 7 : i32
    %dma_start3A_103 = arith.constant 7 : i32
    %dma_start3A_104 = arith.constant 0 : i32
    %dma_start3A_105 = arith.constant 0 : i32
    %dma_start3A_106 = tpu.memref_slice %arg10[%dma_start3A_103, %dma_start3A_104, %dma_start3A_105] : memref<8x125x32xf32, #tpu.memory_space<vmem>> -> memref<1x125x32xf32, #tpu.memory_space<vmem>>
    %dma_start3A_107 = tpu.memref_squeeze %dma_start3A_106 : memref<1x125x32xf32, #tpu.memory_space<vmem>> -> memref<125x32xf32, #tpu.memory_space<vmem>>
    %dma_start3A_108 = arith.constant 0 : i32
    %dma_start3A_109 = tpu.memref_slice %arg8[%dma_start3A_102, %dma_start3A_108] : memref<160x125xi32, #tpu.memory_space<vmem>> -> memref<1x125xi32, #tpu.memory_space<vmem>>
    %dma_start3A_110 = tpu.memref_squeeze %dma_start3A_109 : memref<1x125xi32, #tpu.memory_space<vmem>> -> memref<125xi32, #tpu.memory_space<vmem>>
    %dma_start3A_111 = arith.constant 0 : i32
    %dma_start3A_112 = arith.constant 0 : i32
    %dma_start3A_113 = tpu.memref_slice %arg12[%dma_start3A_111, %dma_start3A_112] : memref<10000x32xf32, #tpu.memory_space<vmem_shared>> -> memref<10000x32xf32, #tpu.memory_space<vmem_shared>>
    tpu.enqueue_indirect_dma source(%dma_start3A_113 : memref<10000x32xf32, #tpu.memory_space<vmem_shared>>) target(%dma_start3A_107 : memref<125x32xf32, #tpu.memory_space<vmem>>) offsets(%dma_start3A_110 : memref<125xi32, #tpu.memory_space<vmem>>) semaphore(%arg20 : memref<!tpu.dma_semaphore, #tpu.memory_space<semaphore_mem>>)
    %scan3A = arith.constant 0 : i32
    %scan3A_114 = arith.constant 0 : i32
    %scan3A_115 = arith.constant 20 : i32
    %scan3A_116 = arith.addi %scan3A_114, %scan3A_115 : i32
    %scan3A_117 = arith.constant 1 : i32
    scf.for %scan3A_124 = %scan3A_114 to %scan3A_116 step %scan3A_117  : i32 {
      %mul3A_125 = arith.constant 8 : i32
      %mul3A_126 = arith.muli %scan3A_124, %mul3A_125 : i32
      %add3A_127 = arith.constant 0 : i32
      %add3A_128 = arith.addi %mul3A_126, %add3A_127 : i32
      %dma_wait3A = arith.constant 0 : i32
      %dma_wait3A_129 = arith.constant 0 : i32
      %dma_wait3A_130 = arith.constant 0 : i32
      %dma_wait3A_131 = tpu.memref_slice %arg10[%dma_wait3A, %dma_wait3A_129, %dma_wait3A_130] : memref<8x125x32xf32, #tpu.memory_space<vmem>> -> memref<1x125x32xf32, #tpu.memory_space<vmem>>
      %dma_wait3A_132 = tpu.memref_squeeze %dma_wait3A_131 : memref<1x125x32xf32, #tpu.memory_space<vmem>> -> memref<125x32xf32, #tpu.memory_space<vmem>>
      %dma_wait3A_133 = arith.constant 0 : i32
      %dma_wait3A_134 = tpu.memref_slice %arg8[%add3A_128, %dma_wait3A_133] : memref<160x125xi32, #tpu.memory_space<vmem>> -> memref<1x125xi32, #tpu.memory_space<vmem>>
      %dma_wait3A_135 = tpu.memref_squeeze %dma_wait3A_134 : memref<1x125xi32, #tpu.memory_space<vmem>> -> memref<125xi32, #tpu.memory_space<vmem>>
      %dma_wait3A_136 = arith.constant 0 : i32
      %dma_wait3A_137 = arith.constant 0 : i32
      %dma_wait3A_138 = tpu.memref_slice %arg12[%dma_wait3A_136, %dma_wait3A_137] : memref<10000x32xf32, #tpu.memory_space<vmem_shared>> -> memref<10000x32xf32, #tpu.memory_space<vmem_shared>>
      tpu.wait_indirect_dma semaphore(%arg13 : memref<!tpu.dma_semaphore, #tpu.memory_space<semaphore_mem>>) src(%dma_wait3A_138 : memref<10000x32xf32, #tpu.memory_space<vmem_shared>>) dst(%dma_wait3A_132 : memref<125x32xf32, #tpu.memory_space<vmem>>)
      %dma_start3A_139 = arith.constant 0 : i32
      %dma_start3A_140 = arith.constant 0 : i32
      %dma_start3A_141 = arith.constant 0 : i32
      %dma_start3A_142 = tpu.memref_slice %arg10[%dma_start3A_139, %dma_start3A_140, %dma_start3A_141] : memref<8x125x32xf32, #tpu.memory_space<vmem>> -> memref<1x125x32xf32, #tpu.memory_space<vmem>>
      %dma_start3A_143 = tpu.memref_squeeze %dma_start3A_142 : memref<1x125x32xf32, #tpu.memory_space<vmem>> -> memref<125x32xf32, #tpu.memory_space<vmem>>
      %dma_start3A_144 = arith.constant 0 : i32
      %dma_start3A_145 = tpu.memref_slice %arg9[%add3A_128, %dma_start3A_144] : memref<160x125xi32, #tpu.memory_space<vmem>> -> memref<1x125xi32, #tpu.memory_space<vmem>>
      %dma_start3A_146 = tpu.memref_squeeze %dma_start3A_145 : memref<1x125xi32, #tpu.memory_space<vmem>> -> memref<125xi32, #tpu.memory_space<vmem>>
      %dma_start3A_147 = arith.constant 0 : i32
      %dma_start3A_148 = arith.constant 0 : i32
      %dma_start3A_149 = tpu.memref_slice %arg11[%dma_start3A_147, %dma_start3A_148] : memref<10000x32xf32, #tpu.memory_space<vmem_shared>> -> memref<10000x32xf32, #tpu.memory_space<vmem_shared>>
      tpu.enqueue_indirect_dma source(%dma_start3A_143 : memref<125x32xf32, #tpu.memory_space<vmem>>) target(%dma_start3A_149 : memref<10000x32xf32, #tpu.memory_space<vmem_shared>>) offsets(%dma_start3A_146 : memref<125xi32, #tpu.memory_space<vmem>>) semaphore(%arg21 : memref<!tpu.dma_semaphore, #tpu.memory_space<semaphore_mem>>) {add = true}
      %add3A_150 = arith.constant 1 : i32
      %add3A_151 = arith.addi %mul3A_126, %add3A_150 : i32
      %dma_wait3A_152 = arith.constant 1 : i32
      %dma_wait3A_153 = arith.constant 0 : i32
      %dma_wait3A_154 = arith.constant 0 : i32
      %dma_wait3A_155 = tpu.memref_slice %arg10[%dma_wait3A_152, %dma_wait3A_153, %dma_wait3A_154] : memref<8x125x32xf32, #tpu.memory_space<vmem>> -> memref<1x125x32xf32, #tpu.memory_space<vmem>>
      %dma_wait3A_156 = tpu.memref_squeeze %dma_wait3A_155 : memref<1x125x32xf32, #tpu.memory_space<vmem>> -> memref<125x32xf32, #tpu.memory_space<vmem>>
      %dma_wait3A_157 = arith.constant 0 : i32
      %dma_wait3A_158 = tpu.memref_slice %arg8[%add3A_151, %dma_wait3A_157] : memref<160x125xi32, #tpu.memory_space<vmem>> -> memref<1x125xi32, #tpu.memory_space<vmem>>
      %dma_wait3A_159 = tpu.memref_squeeze %dma_wait3A_158 : memref<1x125xi32, #tpu.memory_space<vmem>> -> memref<125xi32, #tpu.memory_space<vmem>>
      %dma_wait3A_160 = arith.constant 0 : i32
      %dma_wait3A_161 = arith.constant 0 : i32
      %dma_wait3A_162 = tpu.memref_slice %arg12[%dma_wait3A_160, %dma_wait3A_161] : memref<10000x32xf32, #tpu.memory_space<vmem_shared>> -> memref<10000x32xf32, #tpu.memory_space<vmem_shared>>
      tpu.wait_indirect_dma semaphore(%arg14 : memref<!tpu.dma_semaphore, #tpu.memory_space<semaphore_mem>>) src(%dma_wait3A_162 : memref<10000x32xf32, #tpu.memory_space<vmem_shared>>) dst(%dma_wait3A_156 : memref<125x32xf32, #tpu.memory_space<vmem>>)
      %dma_start3A_163 = arith.constant 1 : i32
      %dma_start3A_164 = arith.constant 0 : i32
      %dma_start3A_165 = arith.constant 0 : i32
      %dma_start3A_166 = tpu.memref_slice %arg10[%dma_start3A_163, %dma_start3A_164, %dma_start3A_165] : memref<8x125x32xf32, #tpu.memory_space<vmem>> -> memref<1x125x32xf32, #tpu.memory_space<vmem>>
      %dma_start3A_167 = tpu.memref_squeeze %dma_start3A_166 : memref<1x125x32xf32, #tpu.memory_space<vmem>> -> memref<125x32xf32, #tpu.memory_space<vmem>>
      %dma_start3A_168 = arith.constant 0 : i32
      %dma_start3A_169 = tpu.memref_slice %arg9[%add3A_151, %dma_start3A_168] : memref<160x125xi32, #tpu.memory_space<vmem>> -> memref<1x125xi32, #tpu.memory_space<vmem>>
      %dma_start3A_170 = tpu.memref_squeeze %dma_start3A_169 : memref<1x125xi32, #tpu.memory_space<vmem>> -> memref<125xi32, #tpu.memory_space<vmem>>
      %dma_start3A_171 = arith.constant 0 : i32
      %dma_start3A_172 = arith.constant 0 : i32
      %dma_start3A_173 = tpu.memref_slice %arg11[%dma_start3A_171, %dma_start3A_172] : memref<10000x32xf32, #tpu.memory_space<vmem_shared>> -> memref<10000x32xf32, #tpu.memory_space<vmem_shared>>
      tpu.enqueue_indirect_dma source(%dma_start3A_167 : memref<125x32xf32, #tpu.memory_space<vmem>>) target(%dma_start3A_173 : memref<10000x32xf32, #tpu.memory_space<vmem_shared>>) offsets(%dma_start3A_170 : memref<125xi32, #tpu.memory_space<vmem>>) semaphore(%arg22 : memref<!tpu.dma_semaphore, #tpu.memory_space<semaphore_mem>>) {add = true}
      %add3A_174 = arith.constant 2 : i32
      %add3A_175 = arith.addi %mul3A_126, %add3A_174 : i32
      %dma_wait3A_176 = arith.constant 2 : i32
      %dma_wait3A_177 = arith.constant 0 : i32
      %dma_wait3A_178 = arith.constant 0 : i32
      %dma_wait3A_179 = tpu.memref_slice %arg10[%dma_wait3A_176, %dma_wait3A_177, %dma_wait3A_178] : memref<8x125x32xf32, #tpu.memory_space<vmem>> -> memref<1x125x32xf32, #tpu.memory_space<vmem>>
      %dma_wait3A_180 = tpu.memref_squeeze %dma_wait3A_179 : memref<1x125x32xf32, #tpu.memory_space<vmem>> -> memref<125x32xf32, #tpu.memory_space<vmem>>
      %dma_wait3A_181 = arith.constant 0 : i32
      %dma_wait3A_182 = tpu.memref_slice %arg8[%add3A_175, %dma_wait3A_181] : memref<160x125xi32, #tpu.memory_space<vmem>> -> memref<1x125xi32, #tpu.memory_space<vmem>>
      %dma_wait3A_183 = tpu.memref_squeeze %dma_wait3A_182 : memref<1x125xi32, #tpu.memory_space<vmem>> -> memref<125xi32, #tpu.memory_space<vmem>>
      %dma_wait3A_184 = arith.constant 0 : i32
      %dma_wait3A_185 = arith.constant 0 : i32
      %dma_wait3A_186 = tpu.memref_slice %arg12[%dma_wait3A_184, %dma_wait3A_185] : memref<10000x32xf32, #tpu.memory_space<vmem_shared>> -> memref<10000x32xf32, #tpu.memory_space<vmem_shared>>
      tpu.wait_indirect_dma semaphore(%arg15 : memref<!tpu.dma_semaphore, #tpu.memory_space<semaphore_mem>>) src(%dma_wait3A_186 : memref<10000x32xf32, #tpu.memory_space<vmem_shared>>) dst(%dma_wait3A_180 : memref<125x32xf32, #tpu.memory_space<vmem>>)
      %dma_start3A_187 = arith.constant 2 : i32
      %dma_start3A_188 = arith.constant 0 : i32
      %dma_start3A_189 = arith.constant 0 : i32
      %dma_start3A_190 = tpu.memref_slice %arg10[%dma_start3A_187, %dma_start3A_188, %dma_start3A_189] : memref<8x125x32xf32, #tpu.memory_space<vmem>> -> memref<1x125x32xf32, #tpu.memory_space<vmem>>
      %dma_start3A_191 = tpu.memref_squeeze %dma_start3A_190 : memref<1x125x32xf32, #tpu.memory_space<vmem>> -> memref<125x32xf32, #tpu.memory_space<vmem>>
      %dma_start3A_192 = arith.constant 0 : i32
      %dma_start3A_193 = tpu.memref_slice %arg9[%add3A_175, %dma_start3A_192] : memref<160x125xi32, #tpu.memory_space<vmem>> -> memref<1x125xi32, #tpu.memory_space<vmem>>
      %dma_start3A_194 = tpu.memref_squeeze %dma_start3A_193 : memref<1x125xi32, #tpu.memory_space<vmem>> -> memref<125xi32, #tpu.memory_space<vmem>>
      %dma_start3A_195 = arith.constant 0 : i32
      %dma_start3A_196 = arith.constant 0 : i32
      %dma_start3A_197 = tpu.memref_slice %arg11[%dma_start3A_195, %dma_start3A_196] : memref<10000x32xf32, #tpu.memory_space<vmem_shared>> -> memref<10000x32xf32, #tpu.memory_space<vmem_shared>>
      tpu.enqueue_indirect_dma source(%dma_start3A_191 : memref<125x32xf32, #tpu.memory_space<vmem>>) target(%dma_start3A_197 : memref<10000x32xf32, #tpu.memory_space<vmem_shared>>) offsets(%dma_start3A_194 : memref<125xi32, #tpu.memory_space<vmem>>) semaphore(%arg23 : memref<!tpu.dma_semaphore, #tpu.memory_space<semaphore_mem>>) {add = true}
      %add3A_198 = arith.constant 3 : i32
      %add3A_199 = arith.addi %mul3A_126, %add3A_198 : i32
      %dma_wait3A_200 = arith.constant 3 : i32
      %dma_wait3A_201 = arith.constant 0 : i32
      %dma_wait3A_202 = arith.constant 0 : i32
      %dma_wait3A_203 = tpu.memref_slice %arg10[%dma_wait3A_200, %dma_wait3A_201, %dma_wait3A_202] : memref<8x125x32xf32, #tpu.memory_space<vmem>> -> memref<1x125x32xf32, #tpu.memory_space<vmem>>
      %dma_wait3A_204 = tpu.memref_squeeze %dma_wait3A_203 : memref<1x125x32xf32, #tpu.memory_space<vmem>> -> memref<125x32xf32, #tpu.memory_space<vmem>>
      %dma_wait3A_205 = arith.constant 0 : i32
      %dma_wait3A_206 = tpu.memref_slice %arg8[%add3A_199, %dma_wait3A_205] : memref<160x125xi32, #tpu.memory_space<vmem>> -> memref<1x125xi32, #tpu.memory_space<vmem>>
      %dma_wait3A_207 = tpu.memref_squeeze %dma_wait3A_206 : memref<1x125xi32, #tpu.memory_space<vmem>> -> memref<125xi32, #tpu.memory_space<vmem>>
      %dma_wait3A_208 = arith.constant 0 : i32
      %dma_wait3A_209 = arith.constant 0 : i32
      %dma_wait3A_210 = tpu.memref_slice %arg12[%dma_wait3A_208, %dma_wait3A_209] : memref<10000x32xf32, #tpu.memory_space<vmem_shared>> -> memref<10000x32xf32, #tpu.memory_space<vmem_shared>>
      tpu.wait_indirect_dma semaphore(%arg16 : memref<!tpu.dma_semaphore, #tpu.memory_space<semaphore_mem>>) src(%dma_wait3A_210 : memref<10000x32xf32, #tpu.memory_space<vmem_shared>>) dst(%dma_wait3A_204 : memref<125x32xf32, #tpu.memory_space<vmem>>)
      %dma_start3A_211 = arith.constant 3 : i32
      %dma_start3A_212 = arith.constant 0 : i32
      %dma_start3A_213 = arith.constant 0 : i32
      %dma_start3A_214 = tpu.memref_slice %arg10[%dma_start3A_211, %dma_start3A_212, %dma_start3A_213] : memref<8x125x32xf32, #tpu.memory_space<vmem>> -> memref<1x125x32xf32, #tpu.memory_space<vmem>>
      %dma_start3A_215 = tpu.memref_squeeze %dma_start3A_214 : memref<1x125x32xf32, #tpu.memory_space<vmem>> -> memref<125x32xf32, #tpu.memory_space<vmem>>
      %dma_start3A_216 = arith.constant 0 : i32
      %dma_start3A_217 = tpu.memref_slice %arg9[%add3A_199, %dma_start3A_216] : memref<160x125xi32, #tpu.memory_space<vmem>> -> memref<1x125xi32, #tpu.memory_space<vmem>>
      %dma_start3A_218 = tpu.memref_squeeze %dma_start3A_217 : memref<1x125xi32, #tpu.memory_space<vmem>> -> memref<125xi32, #tpu.memory_space<vmem>>
      %dma_start3A_219 = arith.constant 0 : i32
      %dma_start3A_220 = arith.constant 0 : i32
      %dma_start3A_221 = tpu.memref_slice %arg11[%dma_start3A_219, %dma_start3A_220] : memref<10000x32xf32, #tpu.memory_space<vmem_shared>> -> memref<10000x32xf32, #tpu.memory_space<vmem_shared>>
      tpu.enqueue_indirect_dma source(%dma_start3A_215 : memref<125x32xf32, #tpu.memory_space<vmem>>) target(%dma_start3A_221 : memref<10000x32xf32, #tpu.memory_space<vmem_shared>>) offsets(%dma_start3A_218 : memref<125xi32, #tpu.memory_space<vmem>>) semaphore(%arg24 : memref<!tpu.dma_semaphore, #tpu.memory_space<semaphore_mem>>) {add = true}
      %add3A_222 = arith.constant 4 : i32
      %add3A_223 = arith.addi %mul3A_126, %add3A_222 : i32
      %dma_wait3A_224 = arith.constant 4 : i32
      %dma_wait3A_225 = arith.constant 0 : i32
      %dma_wait3A_226 = arith.constant 0 : i32
      %dma_wait3A_227 = tpu.memref_slice %arg10[%dma_wait3A_224, %dma_wait3A_225, %dma_wait3A_226] : memref<8x125x32xf32, #tpu.memory_space<vmem>> -> memref<1x125x32xf32, #tpu.memory_space<vmem>>
      %dma_wait3A_228 = tpu.memref_squeeze %dma_wait3A_227 : memref<1x125x32xf32, #tpu.memory_space<vmem>> -> memref<125x32xf32, #tpu.memory_space<vmem>>
      %dma_wait3A_229 = arith.constant 0 : i32
      %dma_wait3A_230 = tpu.memref_slice %arg8[%add3A_223, %dma_wait3A_229] : memref<160x125xi32, #tpu.memory_space<vmem>> -> memref<1x125xi32, #tpu.memory_space<vmem>>
      %dma_wait3A_231 = tpu.memref_squeeze %dma_wait3A_230 : memref<1x125xi32, #tpu.memory_space<vmem>> -> memref<125xi32, #tpu.memory_space<vmem>>
      %dma_wait3A_232 = arith.constant 0 : i32
      %dma_wait3A_233 = arith.constant 0 : i32
      %dma_wait3A_234 = tpu.memref_slice %arg12[%dma_wait3A_232, %dma_wait3A_233] : memref<10000x32xf32, #tpu.memory_space<vmem_shared>> -> memref<10000x32xf32, #tpu.memory_space<vmem_shared>>
      tpu.wait_indirect_dma semaphore(%arg17 : memref<!tpu.dma_semaphore, #tpu.memory_space<semaphore_mem>>) src(%dma_wait3A_234 : memref<10000x32xf32, #tpu.memory_space<vmem_shared>>) dst(%dma_wait3A_228 : memref<125x32xf32, #tpu.memory_space<vmem>>)
      %dma_start3A_235 = arith.constant 4 : i32
      %dma_start3A_236 = arith.constant 0 : i32
      %dma_start3A_237 = arith.constant 0 : i32
      %dma_start3A_238 = tpu.memref_slice %arg10[%dma_start3A_235, %dma_start3A_236, %dma_start3A_237] : memref<8x125x32xf32, #tpu.memory_space<vmem>> -> memref<1x125x32xf32, #tpu.memory_space<vmem>>
      %dma_start3A_239 = tpu.memref_squeeze %dma_start3A_238 : memref<1x125x32xf32, #tpu.memory_space<vmem>> -> memref<125x32xf32, #tpu.memory_space<vmem>>
      %dma_start3A_240 = arith.constant 0 : i32
      %dma_start3A_241 = tpu.memref_slice %arg9[%add3A_223, %dma_start3A_240] : memref<160x125xi32, #tpu.memory_space<vmem>> -> memref<1x125xi32, #tpu.memory_space<vmem>>
      %dma_start3A_242 = tpu.memref_squeeze %dma_start3A_241 : memref<1x125xi32, #tpu.memory_space<vmem>> -> memref<125xi32, #tpu.memory_space<vmem>>
      %dma_start3A_243 = arith.constant 0 : i32
      %dma_start3A_244 = arith.constant 0 : i32
      %dma_start3A_245 = tpu.memref_slice %arg11[%dma_start3A_243, %dma_start3A_244] : memref<10000x32xf32, #tpu.memory_space<vmem_shared>> -> memref<10000x32xf32, #tpu.memory_space<vmem_shared>>
      tpu.enqueue_indirect_dma source(%dma_start3A_239 : memref<125x32xf32, #tpu.memory_space<vmem>>) target(%dma_start3A_245 : memref<10000x32xf32, #tpu.memory_space<vmem_shared>>) offsets(%dma_start3A_242 : memref<125xi32, #tpu.memory_space<vmem>>) semaphore(%arg25 : memref<!tpu.dma_semaphore, #tpu.memory_space<semaphore_mem>>) {add = true}
      %add3A_246 = arith.constant 5 : i32
      %add3A_247 = arith.addi %mul3A_126, %add3A_246 : i32
      %dma_wait3A_248 = arith.constant 5 : i32
      %dma_wait3A_249 = arith.constant 0 : i32
      %dma_wait3A_250 = arith.constant 0 : i32
      %dma_wait3A_251 = tpu.memref_slice %arg10[%dma_wait3A_248, %dma_wait3A_249, %dma_wait3A_250] : memref<8x125x32xf32, #tpu.memory_space<vmem>> -> memref<1x125x32xf32, #tpu.memory_space<vmem>>
      %dma_wait3A_252 = tpu.memref_squeeze %dma_wait3A_251 : memref<1x125x32xf32, #tpu.memory_space<vmem>> -> memref<125x32xf32, #tpu.memory_space<vmem>>
      %dma_wait3A_253 = arith.constant 0 : i32
      %dma_wait3A_254 = tpu.memref_slice %arg8[%add3A_247, %dma_wait3A_253] : memref<160x125xi32, #tpu.memory_space<vmem>> -> memref<1x125xi32, #tpu.memory_space<vmem>>
      %dma_wait3A_255 = tpu.memref_squeeze %dma_wait3A_254 : memref<1x125xi32, #tpu.memory_space<vmem>> -> memref<125xi32, #tpu.memory_space<vmem>>
      %dma_wait3A_256 = arith.constant 0 : i32
      %dma_wait3A_257 = arith.constant 0 : i32
      %dma_wait3A_258 = tpu.memref_slice %arg12[%dma_wait3A_256, %dma_wait3A_257] : memref<10000x32xf32, #tpu.memory_space<vmem_shared>> -> memref<10000x32xf32, #tpu.memory_space<vmem_shared>>
      tpu.wait_indirect_dma semaphore(%arg18 : memref<!tpu.dma_semaphore, #tpu.memory_space<semaphore_mem>>) src(%dma_wait3A_258 : memref<10000x32xf32, #tpu.memory_space<vmem_shared>>) dst(%dma_wait3A_252 : memref<125x32xf32, #tpu.memory_space<vmem>>)
      %dma_start3A_259 = arith.constant 5 : i32
      %dma_start3A_260 = arith.constant 0 : i32
      %dma_start3A_261 = arith.constant 0 : i32
      %dma_start3A_262 = tpu.memref_slice %arg10[%dma_start3A_259, %dma_start3A_260, %dma_start3A_261] : memref<8x125x32xf32, #tpu.memory_space<vmem>> -> memref<1x125x32xf32, #tpu.memory_space<vmem>>
      %dma_start3A_263 = tpu.memref_squeeze %dma_start3A_262 : memref<1x125x32xf32, #tpu.memory_space<vmem>> -> memref<125x32xf32, #tpu.memory_space<vmem>>
      %dma_start3A_264 = arith.constant 0 : i32
      %dma_start3A_265 = tpu.memref_slice %arg9[%add3A_247, %dma_start3A_264] : memref<160x125xi32, #tpu.memory_space<vmem>> -> memref<1x125xi32, #tpu.memory_space<vmem>>
      %dma_start3A_266 = tpu.memref_squeeze %dma_start3A_265 : memref<1x125xi32, #tpu.memory_space<vmem>> -> memref<125xi32, #tpu.memory_space<vmem>>
      %dma_start3A_267 = arith.constant 0 : i32
      %dma_start3A_268 = arith.constant 0 : i32
      %dma_start3A_269 = tpu.memref_slice %arg11[%dma_start3A_267, %dma_start3A_268] : memref<10000x32xf32, #tpu.memory_space<vmem_shared>> -> memref<10000x32xf32, #tpu.memory_space<vmem_shared>>
      tpu.enqueue_indirect_dma source(%dma_start3A_263 : memref<125x32xf32, #tpu.memory_space<vmem>>) target(%dma_start3A_269 : memref<10000x32xf32, #tpu.memory_space<vmem_shared>>) offsets(%dma_start3A_266 : memref<125xi32, #tpu.memory_space<vmem>>) semaphore(%arg26 : memref<!tpu.dma_semaphore, #tpu.memory_space<semaphore_mem>>) {add = true}
      %add3A_270 = arith.constant 6 : i32
      %add3A_271 = arith.addi %mul3A_126, %add3A_270 : i32
      %dma_wait3A_272 = arith.constant 6 : i32
      %dma_wait3A_273 = arith.constant 0 : i32
      %dma_wait3A_274 = arith.constant 0 : i32
      %dma_wait3A_275 = tpu.memref_slice %arg10[%dma_wait3A_272, %dma_wait3A_273, %dma_wait3A_274] : memref<8x125x32xf32, #tpu.memory_space<vmem>> -> memref<1x125x32xf32, #tpu.memory_space<vmem>>
      %dma_wait3A_276 = tpu.memref_squeeze %dma_wait3A_275 : memref<1x125x32xf32, #tpu.memory_space<vmem>> -> memref<125x32xf32, #tpu.memory_space<vmem>>
      %dma_wait3A_277 = arith.constant 0 : i32
      %dma_wait3A_278 = tpu.memref_slice %arg8[%add3A_271, %dma_wait3A_277] : memref<160x125xi32, #tpu.memory_space<vmem>> -> memref<1x125xi32, #tpu.memory_space<vmem>>
      %dma_wait3A_279 = tpu.memref_squeeze %dma_wait3A_278 : memref<1x125xi32, #tpu.memory_space<vmem>> -> memref<125xi32, #tpu.memory_space<vmem>>
      %dma_wait3A_280 = arith.constant 0 : i32
      %dma_wait3A_281 = arith.constant 0 : i32
      %dma_wait3A_282 = tpu.memref_slice %arg12[%dma_wait3A_280, %dma_wait3A_281] : memref<10000x32xf32, #tpu.memory_space<vmem_shared>> -> memref<10000x32xf32, #tpu.memory_space<vmem_shared>>
      tpu.wait_indirect_dma semaphore(%arg19 : memref<!tpu.dma_semaphore, #tpu.memory_space<semaphore_mem>>) src(%dma_wait3A_282 : memref<10000x32xf32, #tpu.memory_space<vmem_shared>>) dst(%dma_wait3A_276 : memref<125x32xf32, #tpu.memory_space<vmem>>)
      %dma_start3A_283 = arith.constant 6 : i32
      %dma_start3A_284 = arith.constant 0 : i32
      %dma_start3A_285 = arith.constant 0 : i32
      %dma_start3A_286 = tpu.memref_slice %arg10[%dma_start3A_283, %dma_start3A_284, %dma_start3A_285] : memref<8x125x32xf32, #tpu.memory_space<vmem>> -> memref<1x125x32xf32, #tpu.memory_space<vmem>>
      %dma_start3A_287 = tpu.memref_squeeze %dma_start3A_286 : memref<1x125x32xf32, #tpu.memory_space<vmem>> -> memref<125x32xf32, #tpu.memory_space<vmem>>
      %dma_start3A_288 = arith.constant 0 : i32
      %dma_start3A_289 = tpu.memref_slice %arg9[%add3A_271, %dma_start3A_288] : memref<160x125xi32, #tpu.memory_space<vmem>> -> memref<1x125xi32, #tpu.memory_space<vmem>>
      %dma_start3A_290 = tpu.memref_squeeze %dma_start3A_289 : memref<1x125xi32, #tpu.memory_space<vmem>> -> memref<125xi32, #tpu.memory_space<vmem>>
      %dma_start3A_291 = arith.constant 0 : i32
      %dma_start3A_292 = arith.constant 0 : i32
      %dma_start3A_293 = tpu.memref_slice %arg11[%dma_start3A_291, %dma_start3A_292] : memref<10000x32xf32, #tpu.memory_space<vmem_shared>> -> memref<10000x32xf32, #tpu.memory_space<vmem_shared>>
      tpu.enqueue_indirect_dma source(%dma_start3A_287 : memref<125x32xf32, #tpu.memory_space<vmem>>) target(%dma_start3A_293 : memref<10000x32xf32, #tpu.memory_space<vmem_shared>>) offsets(%dma_start3A_290 : memref<125xi32, #tpu.memory_space<vmem>>) semaphore(%arg27 : memref<!tpu.dma_semaphore, #tpu.memory_space<semaphore_mem>>) {add = true}
      %add3A_294 = arith.constant 7 : i32
      %add3A_295 = arith.addi %mul3A_126, %add3A_294 : i32
      %dma_wait3A_296 = arith.constant 7 : i32
      %dma_wait3A_297 = arith.constant 0 : i32
      %dma_wait3A_298 = arith.constant 0 : i32
      %dma_wait3A_299 = tpu.memref_slice %arg10[%dma_wait3A_296, %dma_wait3A_297, %dma_wait3A_298] : memref<8x125x32xf32, #tpu.memory_space<vmem>> -> memref<1x125x32xf32, #tpu.memory_space<vmem>>
      %dma_wait3A_300 = tpu.memref_squeeze %dma_wait3A_299 : memref<1x125x32xf32, #tpu.memory_space<vmem>> -> memref<125x32xf32, #tpu.memory_space<vmem>>
      %dma_wait3A_301 = arith.constant 0 : i32
      %dma_wait3A_302 = tpu.memref_slice %arg8[%add3A_295, %dma_wait3A_301] : memref<160x125xi32, #tpu.memory_space<vmem>> -> memref<1x125xi32, #tpu.memory_space<vmem>>
      %dma_wait3A_303 = tpu.memref_squeeze %dma_wait3A_302 : memref<1x125xi32, #tpu.memory_space<vmem>> -> memref<125xi32, #tpu.memory_space<vmem>>
      %dma_wait3A_304 = arith.constant 0 : i32
      %dma_wait3A_305 = arith.constant 0 : i32
      %dma_wait3A_306 = tpu.memref_slice %arg12[%dma_wait3A_304, %dma_wait3A_305] : memref<10000x32xf32, #tpu.memory_space<vmem_shared>> -> memref<10000x32xf32, #tpu.memory_space<vmem_shared>>
      tpu.wait_indirect_dma semaphore(%arg20 : memref<!tpu.dma_semaphore, #tpu.memory_space<semaphore_mem>>) src(%dma_wait3A_306 : memref<10000x32xf32, #tpu.memory_space<vmem_shared>>) dst(%dma_wait3A_300 : memref<125x32xf32, #tpu.memory_space<vmem>>)
      %dma_start3A_307 = arith.constant 7 : i32
      %dma_start3A_308 = arith.constant 0 : i32
      %dma_start3A_309 = arith.constant 0 : i32
      %dma_start3A_310 = tpu.memref_slice %arg10[%dma_start3A_307, %dma_start3A_308, %dma_start3A_309] : memref<8x125x32xf32, #tpu.memory_space<vmem>> -> memref<1x125x32xf32, #tpu.memory_space<vmem>>
      %dma_start3A_311 = tpu.memref_squeeze %dma_start3A_310 : memref<1x125x32xf32, #tpu.memory_space<vmem>> -> memref<125x32xf32, #tpu.memory_space<vmem>>
      %dma_start3A_312 = arith.constant 0 : i32
      %dma_start3A_313 = tpu.memref_slice %arg9[%add3A_295, %dma_start3A_312] : memref<160x125xi32, #tpu.memory_space<vmem>> -> memref<1x125xi32, #tpu.memory_space<vmem>>
      %dma_start3A_314 = tpu.memref_squeeze %dma_start3A_313 : memref<1x125xi32, #tpu.memory_space<vmem>> -> memref<125xi32, #tpu.memory_space<vmem>>
      %dma_start3A_315 = arith.constant 0 : i32
      %dma_start3A_316 = arith.constant 0 : i32
      %dma_start3A_317 = tpu.memref_slice %arg11[%dma_start3A_315, %dma_start3A_316] : memref<10000x32xf32, #tpu.memory_space<vmem_shared>> -> memref<10000x32xf32, #tpu.memory_space<vmem_shared>>
      tpu.enqueue_indirect_dma source(%dma_start3A_311 : memref<125x32xf32, #tpu.memory_space<vmem>>) target(%dma_start3A_317 : memref<10000x32xf32, #tpu.memory_space<vmem_shared>>) offsets(%dma_start3A_314 : memref<125xi32, #tpu.memory_space<vmem>>) semaphore(%arg28 : memref<!tpu.dma_semaphore, #tpu.memory_space<semaphore_mem>>) {add = true}
      %add3A_318 = arith.constant 0 : i32
      %add3A_319 = arith.addi %mul3A_126, %add3A_318 : i32
      %dma_wait3A_320 = arith.constant 0 : i32
      %dma_wait3A_321 = arith.constant 0 : i32
      %dma_wait3A_322 = arith.constant 0 : i32
      %dma_wait3A_323 = tpu.memref_slice %arg10[%dma_wait3A_320, %dma_wait3A_321, %dma_wait3A_322] : memref<8x125x32xf32, #tpu.memory_space<vmem>> -> memref<1x125x32xf32, #tpu.memory_space<vmem>>
      %dma_wait3A_324 = tpu.memref_squeeze %dma_wait3A_323 : memref<1x125x32xf32, #tpu.memory_space<vmem>> -> memref<125x32xf32, #tpu.memory_space<vmem>>
      %dma_wait3A_325 = arith.constant 0 : i32
      %dma_wait3A_326 = tpu.memref_slice %arg9[%add3A_319, %dma_wait3A_325] : memref<160x125xi32, #tpu.memory_space<vmem>> -> memref<1x125xi32, #tpu.memory_space<vmem>>
      %dma_wait3A_327 = tpu.memref_squeeze %dma_wait3A_326 : memref<1x125xi32, #tpu.memory_space<vmem>> -> memref<125xi32, #tpu.memory_space<vmem>>
      %dma_wait3A_328 = arith.constant 0 : i32
      %dma_wait3A_329 = arith.constant 0 : i32
      %dma_wait3A_330 = tpu.memref_slice %arg11[%dma_wait3A_328, %dma_wait3A_329] : memref<10000x32xf32, #tpu.memory_space<vmem_shared>> -> memref<10000x32xf32, #tpu.memory_space<vmem_shared>>
      tpu.wait_indirect_dma semaphore(%arg21 : memref<!tpu.dma_semaphore, #tpu.memory_space<semaphore_mem>>) src(%dma_wait3A_324 : memref<125x32xf32, #tpu.memory_space<vmem>>) dst(%dma_wait3A_330 : memref<10000x32xf32, #tpu.memory_space<vmem_shared>>)
      %add3A_331 = arith.constant 8 : i32
      %add3A_332 = arith.addi %add3A_319, %add3A_331 : i32
      %lt3A = arith.constant 160 : i32
      %lt3A_333 = arith.cmpi slt, %add3A_332, %lt3A : i32
      %convert_element_type3A_334 = arith.extui %lt3A_333 : i1 to i32
      %cond3A_335 = arith.constant 0 : i32
      %cond3A_336 = arith.cmpi ne, %convert_element_type3A_334, %cond3A_335 : i32
      scf.if %cond3A_336 {
        %add3A_477 = arith.constant 8 : i32
        %add3A_478 = arith.addi %add3A_319, %add3A_477 : i32
        %dma_start3A_479 = arith.constant 0 : i32
        %dma_start3A_480 = arith.constant 0 : i32
        %dma_start3A_481 = arith.constant 0 : i32
        %dma_start3A_482 = tpu.memref_slice %arg10[%dma_start3A_479, %dma_start3A_480, %dma_start3A_481] : memref<8x125x32xf32, #tpu.memory_space<vmem>> -> memref<1x125x32xf32, #tpu.memory_space<vmem>>
        %dma_start3A_483 = tpu.memref_squeeze %dma_start3A_482 : memref<1x125x32xf32, #tpu.memory_space<vmem>> -> memref<125x32xf32, #tpu.memory_space<vmem>>
        %dma_start3A_484 = arith.constant 0 : i32
        %dma_start3A_485 = tpu.memref_slice %arg8[%add3A_478, %dma_start3A_484] : memref<160x125xi32, #tpu.memory_space<vmem>> -> memref<1x125xi32, #tpu.memory_space<vmem>>
        %dma_start3A_486 = tpu.memref_squeeze %dma_start3A_485 : memref<1x125xi32, #tpu.memory_space<vmem>> -> memref<125xi32, #tpu.memory_space<vmem>>
        %dma_start3A_487 = arith.constant 0 : i32
        %dma_start3A_488 = arith.constant 0 : i32
        %dma_start3A_489 = tpu.memref_slice %arg12[%dma_start3A_487, %dma_start3A_488] : memref<10000x32xf32, #tpu.memory_space<vmem_shared>> -> memref<10000x32xf32, #tpu.memory_space<vmem_shared>>
        tpu.enqueue_indirect_dma source(%dma_start3A_489 : memref<10000x32xf32, #tpu.memory_space<vmem_shared>>) target(%dma_start3A_483 : memref<125x32xf32, #tpu.memory_space<vmem>>) offsets(%dma_start3A_486 : memref<125xi32, #tpu.memory_space<vmem>>) semaphore(%arg13 : memref<!tpu.dma_semaphore, #tpu.memory_space<semaphore_mem>>)
      } else {
      }
      %add3A_337 = arith.constant 1 : i32
      %add3A_338 = arith.addi %mul3A_126, %add3A_337 : i32
      %dma_wait3A_339 = arith.constant 1 : i32
      %dma_wait3A_340 = arith.constant 0 : i32
      %dma_wait3A_341 = arith.constant 0 : i32
      %dma_wait3A_342 = tpu.memref_slice %arg10[%dma_wait3A_339, %dma_wait3A_340, %dma_wait3A_341] : memref<8x125x32xf32, #tpu.memory_space<vmem>> -> memref<1x125x32xf32, #tpu.memory_space<vmem>>
      %dma_wait3A_343 = tpu.memref_squeeze %dma_wait3A_342 : memref<1x125x32xf32, #tpu.memory_space<vmem>> -> memref<125x32xf32, #tpu.memory_space<vmem>>
      %dma_wait3A_344 = arith.constant 0 : i32
      %dma_wait3A_345 = tpu.memref_slice %arg9[%add3A_338, %dma_wait3A_344] : memref<160x125xi32, #tpu.memory_space<vmem>> -> memref<1x125xi32, #tpu.memory_space<vmem>>
      %dma_wait3A_346 = tpu.memref_squeeze %dma_wait3A_345 : memref<1x125xi32, #tpu.memory_space<vmem>> -> memref<125xi32, #tpu.memory_space<vmem>>
      %dma_wait3A_347 = arith.constant 0 : i32
      %dma_wait3A_348 = arith.constant 0 : i32
      %dma_wait3A_349 = tpu.memref_slice %arg11[%dma_wait3A_347, %dma_wait3A_348] : memref<10000x32xf32, #tpu.memory_space<vmem_shared>> -> memref<10000x32xf32, #tpu.memory_space<vmem_shared>>
      tpu.wait_indirect_dma semaphore(%arg22 : memref<!tpu.dma_semaphore, #tpu.memory_space<semaphore_mem>>) src(%dma_wait3A_343 : memref<125x32xf32, #tpu.memory_space<vmem>>) dst(%dma_wait3A_349 : memref<10000x32xf32, #tpu.memory_space<vmem_shared>>)
      %add3A_350 = arith.constant 8 : i32
      %add3A_351 = arith.addi %add3A_338, %add3A_350 : i32
      %lt3A_352 = arith.constant 160 : i32
      %lt3A_353 = arith.cmpi slt, %add3A_351, %lt3A_352 : i32
      %convert_element_type3A_354 = arith.extui %lt3A_353 : i1 to i32
      %cond3A_355 = arith.constant 0 : i32
      %cond3A_356 = arith.cmpi ne, %convert_element_type3A_354, %cond3A_355 : i32
      scf.if %cond3A_356 {
        %add3A_477 = arith.constant 8 : i32
        %add3A_478 = arith.addi %add3A_338, %add3A_477 : i32
        %dma_start3A_479 = arith.constant 1 : i32
        %dma_start3A_480 = arith.constant 0 : i32
        %dma_start3A_481 = arith.constant 0 : i32
        %dma_start3A_482 = tpu.memref_slice %arg10[%dma_start3A_479, %dma_start3A_480, %dma_start3A_481] : memref<8x125x32xf32, #tpu.memory_space<vmem>> -> memref<1x125x32xf32, #tpu.memory_space<vmem>>
        %dma_start3A_483 = tpu.memref_squeeze %dma_start3A_482 : memref<1x125x32xf32, #tpu.memory_space<vmem>> -> memref<125x32xf32, #tpu.memory_space<vmem>>
        %dma_start3A_484 = arith.constant 0 : i32
        %dma_start3A_485 = tpu.memref_slice %arg8[%add3A_478, %dma_start3A_484] : memref<160x125xi32, #tpu.memory_space<vmem>> -> memref<1x125xi32, #tpu.memory_space<vmem>>
        %dma_start3A_486 = tpu.memref_squeeze %dma_start3A_485 : memref<1x125xi32, #tpu.memory_space<vmem>> -> memref<125xi32, #tpu.memory_space<vmem>>
        %dma_start3A_487 = arith.constant 0 : i32
        %dma_start3A_488 = arith.constant 0 : i32
        %dma_start3A_489 = tpu.memref_slice %arg12[%dma_start3A_487, %dma_start3A_488] : memref<10000x32xf32, #tpu.memory_space<vmem_shared>> -> memref<10000x32xf32, #tpu.memory_space<vmem_shared>>
        tpu.enqueue_indirect_dma source(%dma_start3A_489 : memref<10000x32xf32, #tpu.memory_space<vmem_shared>>) target(%dma_start3A_483 : memref<125x32xf32, #tpu.memory_space<vmem>>) offsets(%dma_start3A_486 : memref<125xi32, #tpu.memory_space<vmem>>) semaphore(%arg14 : memref<!tpu.dma_semaphore, #tpu.memory_space<semaphore_mem>>)
      } else {
      }
      %add3A_357 = arith.constant 2 : i32
      %add3A_358 = arith.addi %mul3A_126, %add3A_357 : i32
      %dma_wait3A_359 = arith.constant 2 : i32
      %dma_wait3A_360 = arith.constant 0 : i32
      %dma_wait3A_361 = arith.constant 0 : i32
      %dma_wait3A_362 = tpu.memref_slice %arg10[%dma_wait3A_359, %dma_wait3A_360, %dma_wait3A_361] : memref<8x125x32xf32, #tpu.memory_space<vmem>> -> memref<1x125x32xf32, #tpu.memory_space<vmem>>
      %dma_wait3A_363 = tpu.memref_squeeze %dma_wait3A_362 : memref<1x125x32xf32, #tpu.memory_space<vmem>> -> memref<125x32xf32, #tpu.memory_space<vmem>>
      %dma_wait3A_364 = arith.constant 0 : i32
      %dma_wait3A_365 = tpu.memref_slice %arg9[%add3A_358, %dma_wait3A_364] : memref<160x125xi32, #tpu.memory_space<vmem>> -> memref<1x125xi32, #tpu.memory_space<vmem>>
      %dma_wait3A_366 = tpu.memref_squeeze %dma_wait3A_365 : memref<1x125xi32, #tpu.memory_space<vmem>> -> memref<125xi32, #tpu.memory_space<vmem>>
      %dma_wait3A_367 = arith.constant 0 : i32
      %dma_wait3A_368 = arith.constant 0 : i32
      %dma_wait3A_369 = tpu.memref_slice %arg11[%dma_wait3A_367, %dma_wait3A_368] : memref<10000x32xf32, #tpu.memory_space<vmem_shared>> -> memref<10000x32xf32, #tpu.memory_space<vmem_shared>>
      tpu.wait_indirect_dma semaphore(%arg23 : memref<!tpu.dma_semaphore, #tpu.memory_space<semaphore_mem>>) src(%dma_wait3A_363 : memref<125x32xf32, #tpu.memory_space<vmem>>) dst(%dma_wait3A_369 : memref<10000x32xf32, #tpu.memory_space<vmem_shared>>)
      %add3A_370 = arith.constant 8 : i32
      %add3A_371 = arith.addi %add3A_358, %add3A_370 : i32
      %lt3A_372 = arith.constant 160 : i32
      %lt3A_373 = arith.cmpi slt, %add3A_371, %lt3A_372 : i32
      %convert_element_type3A_374 = arith.extui %lt3A_373 : i1 to i32
      %cond3A_375 = arith.constant 0 : i32
      %cond3A_376 = arith.cmpi ne, %convert_element_type3A_374, %cond3A_375 : i32
      scf.if %cond3A_376 {
        %add3A_477 = arith.constant 8 : i32
        %add3A_478 = arith.addi %add3A_358, %add3A_477 : i32
        %dma_start3A_479 = arith.constant 2 : i32
        %dma_start3A_480 = arith.constant 0 : i32
        %dma_start3A_481 = arith.constant 0 : i32
        %dma_start3A_482 = tpu.memref_slice %arg10[%dma_start3A_479, %dma_start3A_480, %dma_start3A_481] : memref<8x125x32xf32, #tpu.memory_space<vmem>> -> memref<1x125x32xf32, #tpu.memory_space<vmem>>
        %dma_start3A_483 = tpu.memref_squeeze %dma_start3A_482 : memref<1x125x32xf32, #tpu.memory_space<vmem>> -> memref<125x32xf32, #tpu.memory_space<vmem>>
        %dma_start3A_484 = arith.constant 0 : i32
        %dma_start3A_485 = tpu.memref_slice %arg8[%add3A_478, %dma_start3A_484] : memref<160x125xi32, #tpu.memory_space<vmem>> -> memref<1x125xi32, #tpu.memory_space<vmem>>
        %dma_start3A_486 = tpu.memref_squeeze %dma_start3A_485 : memref<1x125xi32, #tpu.memory_space<vmem>> -> memref<125xi32, #tpu.memory_space<vmem>>
        %dma_start3A_487 = arith.constant 0 : i32
        %dma_start3A_488 = arith.constant 0 : i32
        %dma_start3A_489 = tpu.memref_slice %arg12[%dma_start3A_487, %dma_start3A_488] : memref<10000x32xf32, #tpu.memory_space<vmem_shared>> -> memref<10000x32xf32, #tpu.memory_space<vmem_shared>>
        tpu.enqueue_indirect_dma source(%dma_start3A_489 : memref<10000x32xf32, #tpu.memory_space<vmem_shared>>) target(%dma_start3A_483 : memref<125x32xf32, #tpu.memory_space<vmem>>) offsets(%dma_start3A_486 : memref<125xi32, #tpu.memory_space<vmem>>) semaphore(%arg15 : memref<!tpu.dma_semaphore, #tpu.memory_space<semaphore_mem>>)
      } else {
      }
      %add3A_377 = arith.constant 3 : i32
      %add3A_378 = arith.addi %mul3A_126, %add3A_377 : i32
      %dma_wait3A_379 = arith.constant 3 : i32
      %dma_wait3A_380 = arith.constant 0 : i32
      %dma_wait3A_381 = arith.constant 0 : i32
      %dma_wait3A_382 = tpu.memref_slice %arg10[%dma_wait3A_379, %dma_wait3A_380, %dma_wait3A_381] : memref<8x125x32xf32, #tpu.memory_space<vmem>> -> memref<1x125x32xf32, #tpu.memory_space<vmem>>
      %dma_wait3A_383 = tpu.memref_squeeze %dma_wait3A_382 : memref<1x125x32xf32, #tpu.memory_space<vmem>> -> memref<125x32xf32, #tpu.memory_space<vmem>>
      %dma_wait3A_384 = arith.constant 0 : i32
      %dma_wait3A_385 = tpu.memref_slice %arg9[%add3A_378, %dma_wait3A_384] : memref<160x125xi32, #tpu.memory_space<vmem>> -> memref<1x125xi32, #tpu.memory_space<vmem>>
      %dma_wait3A_386 = tpu.memref_squeeze %dma_wait3A_385 : memref<1x125xi32, #tpu.memory_space<vmem>> -> memref<125xi32, #tpu.memory_space<vmem>>
      %dma_wait3A_387 = arith.constant 0 : i32
      %dma_wait3A_388 = arith.constant 0 : i32
      %dma_wait3A_389 = tpu.memref_slice %arg11[%dma_wait3A_387, %dma_wait3A_388] : memref<10000x32xf32, #tpu.memory_space<vmem_shared>> -> memref<10000x32xf32, #tpu.memory_space<vmem_shared>>
      tpu.wait_indirect_dma semaphore(%arg24 : memref<!tpu.dma_semaphore, #tpu.memory_space<semaphore_mem>>) src(%dma_wait3A_383 : memref<125x32xf32, #tpu.memory_space<vmem>>) dst(%dma_wait3A_389 : memref<10000x32xf32, #tpu.memory_space<vmem_shared>>)
      %add3A_390 = arith.constant 8 : i32
      %add3A_391 = arith.addi %add3A_378, %add3A_390 : i32
      %lt3A_392 = arith.constant 160 : i32
      %lt3A_393 = arith.cmpi slt, %add3A_391, %lt3A_392 : i32
      %convert_element_type3A_394 = arith.extui %lt3A_393 : i1 to i32
      %cond3A_395 = arith.constant 0 : i32
      %cond3A_396 = arith.cmpi ne, %convert_element_type3A_394, %cond3A_395 : i32
      scf.if %cond3A_396 {
        %add3A_477 = arith.constant 8 : i32
        %add3A_478 = arith.addi %add3A_378, %add3A_477 : i32
        %dma_start3A_479 = arith.constant 3 : i32
        %dma_start3A_480 = arith.constant 0 : i32
        %dma_start3A_481 = arith.constant 0 : i32
        %dma_start3A_482 = tpu.memref_slice %arg10[%dma_start3A_479, %dma_start3A_480, %dma_start3A_481] : memref<8x125x32xf32, #tpu.memory_space<vmem>> -> memref<1x125x32xf32, #tpu.memory_space<vmem>>
        %dma_start3A_483 = tpu.memref_squeeze %dma_start3A_482 : memref<1x125x32xf32, #tpu.memory_space<vmem>> -> memref<125x32xf32, #tpu.memory_space<vmem>>
        %dma_start3A_484 = arith.constant 0 : i32
        %dma_start3A_485 = tpu.memref_slice %arg8[%add3A_478, %dma_start3A_484] : memref<160x125xi32, #tpu.memory_space<vmem>> -> memref<1x125xi32, #tpu.memory_space<vmem>>
        %dma_start3A_486 = tpu.memref_squeeze %dma_start3A_485 : memref<1x125xi32, #tpu.memory_space<vmem>> -> memref<125xi32, #tpu.memory_space<vmem>>
        %dma_start3A_487 = arith.constant 0 : i32
        %dma_start3A_488 = arith.constant 0 : i32
        %dma_start3A_489 = tpu.memref_slice %arg12[%dma_start3A_487, %dma_start3A_488] : memref<10000x32xf32, #tpu.memory_space<vmem_shared>> -> memref<10000x32xf32, #tpu.memory_space<vmem_shared>>
        tpu.enqueue_indirect_dma source(%dma_start3A_489 : memref<10000x32xf32, #tpu.memory_space<vmem_shared>>) target(%dma_start3A_483 : memref<125x32xf32, #tpu.memory_space<vmem>>) offsets(%dma_start3A_486 : memref<125xi32, #tpu.memory_space<vmem>>) semaphore(%arg16 : memref<!tpu.dma_semaphore, #tpu.memory_space<semaphore_mem>>)
      } else {
      }
      %add3A_397 = arith.constant 4 : i32
      %add3A_398 = arith.addi %mul3A_126, %add3A_397 : i32
      %dma_wait3A_399 = arith.constant 4 : i32
      %dma_wait3A_400 = arith.constant 0 : i32
      %dma_wait3A_401 = arith.constant 0 : i32
      %dma_wait3A_402 = tpu.memref_slice %arg10[%dma_wait3A_399, %dma_wait3A_400, %dma_wait3A_401] : memref<8x125x32xf32, #tpu.memory_space<vmem>> -> memref<1x125x32xf32, #tpu.memory_space<vmem>>
      %dma_wait3A_403 = tpu.memref_squeeze %dma_wait3A_402 : memref<1x125x32xf32, #tpu.memory_space<vmem>> -> memref<125x32xf32, #tpu.memory_space<vmem>>
      %dma_wait3A_404 = arith.constant 0 : i32
      %dma_wait3A_405 = tpu.memref_slice %arg9[%add3A_398, %dma_wait3A_404] : memref<160x125xi32, #tpu.memory_space<vmem>> -> memref<1x125xi32, #tpu.memory_space<vmem>>
      %dma_wait3A_406 = tpu.memref_squeeze %dma_wait3A_405 : memref<1x125xi32, #tpu.memory_space<vmem>> -> memref<125xi32, #tpu.memory_space<vmem>>
      %dma_wait3A_407 = arith.constant 0 : i32
      %dma_wait3A_408 = arith.constant 0 : i32
      %dma_wait3A_409 = tpu.memref_slice %arg11[%dma_wait3A_407, %dma_wait3A_408] : memref<10000x32xf32, #tpu.memory_space<vmem_shared>> -> memref<10000x32xf32, #tpu.memory_space<vmem_shared>>
      tpu.wait_indirect_dma semaphore(%arg25 : memref<!tpu.dma_semaphore, #tpu.memory_space<semaphore_mem>>) src(%dma_wait3A_403 : memref<125x32xf32, #tpu.memory_space<vmem>>) dst(%dma_wait3A_409 : memref<10000x32xf32, #tpu.memory_space<vmem_shared>>)
      %add3A_410 = arith.constant 8 : i32
      %add3A_411 = arith.addi %add3A_398, %add3A_410 : i32
      %lt3A_412 = arith.constant 160 : i32
      %lt3A_413 = arith.cmpi slt, %add3A_411, %lt3A_412 : i32
      %convert_element_type3A_414 = arith.extui %lt3A_413 : i1 to i32
      %cond3A_415 = arith.constant 0 : i32
      %cond3A_416 = arith.cmpi ne, %convert_element_type3A_414, %cond3A_415 : i32
      scf.if %cond3A_416 {
        %add3A_477 = arith.constant 8 : i32
        %add3A_478 = arith.addi %add3A_398, %add3A_477 : i32
        %dma_start3A_479 = arith.constant 4 : i32
        %dma_start3A_480 = arith.constant 0 : i32
        %dma_start3A_481 = arith.constant 0 : i32
        %dma_start3A_482 = tpu.memref_slice %arg10[%dma_start3A_479, %dma_start3A_480, %dma_start3A_481] : memref<8x125x32xf32, #tpu.memory_space<vmem>> -> memref<1x125x32xf32, #tpu.memory_space<vmem>>
        %dma_start3A_483 = tpu.memref_squeeze %dma_start3A_482 : memref<1x125x32xf32, #tpu.memory_space<vmem>> -> memref<125x32xf32, #tpu.memory_space<vmem>>
        %dma_start3A_484 = arith.constant 0 : i32
        %dma_start3A_485 = tpu.memref_slice %arg8[%add3A_478, %dma_start3A_484] : memref<160x125xi32, #tpu.memory_space<vmem>> -> memref<1x125xi32, #tpu.memory_space<vmem>>
        %dma_start3A_486 = tpu.memref_squeeze %dma_start3A_485 : memref<1x125xi32, #tpu.memory_space<vmem>> -> memref<125xi32, #tpu.memory_space<vmem>>
        %dma_start3A_487 = arith.constant 0 : i32
        %dma_start3A_488 = arith.constant 0 : i32
        %dma_start3A_489 = tpu.memref_slice %arg12[%dma_start3A_487, %dma_start3A_488] : memref<10000x32xf32, #tpu.memory_space<vmem_shared>> -> memref<10000x32xf32, #tpu.memory_space<vmem_shared>>
        tpu.enqueue_indirect_dma source(%dma_start3A_489 : memref<10000x32xf32, #tpu.memory_space<vmem_shared>>) target(%dma_start3A_483 : memref<125x32xf32, #tpu.memory_space<vmem>>) offsets(%dma_start3A_486 : memref<125xi32, #tpu.memory_space<vmem>>) semaphore(%arg17 : memref<!tpu.dma_semaphore, #tpu.memory_space<semaphore_mem>>)
      } else {
      }
      %add3A_417 = arith.constant 5 : i32
      %add3A_418 = arith.addi %mul3A_126, %add3A_417 : i32
      %dma_wait3A_419 = arith.constant 5 : i32
      %dma_wait3A_420 = arith.constant 0 : i32
      %dma_wait3A_421 = arith.constant 0 : i32
      %dma_wait3A_422 = tpu.memref_slice %arg10[%dma_wait3A_419, %dma_wait3A_420, %dma_wait3A_421] : memref<8x125x32xf32, #tpu.memory_space<vmem>> -> memref<1x125x32xf32, #tpu.memory_space<vmem>>
      %dma_wait3A_423 = tpu.memref_squeeze %dma_wait3A_422 : memref<1x125x32xf32, #tpu.memory_space<vmem>> -> memref<125x32xf32, #tpu.memory_space<vmem>>
      %dma_wait3A_424 = arith.constant 0 : i32
      %dma_wait3A_425 = tpu.memref_slice %arg9[%add3A_418, %dma_wait3A_424] : memref<160x125xi32, #tpu.memory_space<vmem>> -> memref<1x125xi32, #tpu.memory_space<vmem>>
      %dma_wait3A_426 = tpu.memref_squeeze %dma_wait3A_425 : memref<1x125xi32, #tpu.memory_space<vmem>> -> memref<125xi32, #tpu.memory_space<vmem>>
      %dma_wait3A_427 = arith.constant 0 : i32
      %dma_wait3A_428 = arith.constant 0 : i32
      %dma_wait3A_429 = tpu.memref_slice %arg11[%dma_wait3A_427, %dma_wait3A_428] : memref<10000x32xf32, #tpu.memory_space<vmem_shared>> -> memref<10000x32xf32, #tpu.memory_space<vmem_shared>>
      tpu.wait_indirect_dma semaphore(%arg26 : memref<!tpu.dma_semaphore, #tpu.memory_space<semaphore_mem>>) src(%dma_wait3A_423 : memref<125x32xf32, #tpu.memory_space<vmem>>) dst(%dma_wait3A_429 : memref<10000x32xf32, #tpu.memory_space<vmem_shared>>)
      %add3A_430 = arith.constant 8 : i32
      %add3A_431 = arith.addi %add3A_418, %add3A_430 : i32
      %lt3A_432 = arith.constant 160 : i32
      %lt3A_433 = arith.cmpi slt, %add3A_431, %lt3A_432 : i32
      %convert_element_type3A_434 = arith.extui %lt3A_433 : i1 to i32
      %cond3A_435 = arith.constant 0 : i32
      %cond3A_436 = arith.cmpi ne, %convert_element_type3A_434, %cond3A_435 : i32
      scf.if %cond3A_436 {
        %add3A_477 = arith.constant 8 : i32
        %add3A_478 = arith.addi %add3A_418, %add3A_477 : i32
        %dma_start3A_479 = arith.constant 5 : i32
        %dma_start3A_480 = arith.constant 0 : i32
        %dma_start3A_481 = arith.constant 0 : i32
        %dma_start3A_482 = tpu.memref_slice %arg10[%dma_start3A_479, %dma_start3A_480, %dma_start3A_481] : memref<8x125x32xf32, #tpu.memory_space<vmem>> -> memref<1x125x32xf32, #tpu.memory_space<vmem>>
        %dma_start3A_483 = tpu.memref_squeeze %dma_start3A_482 : memref<1x125x32xf32, #tpu.memory_space<vmem>> -> memref<125x32xf32, #tpu.memory_space<vmem>>
        %dma_start3A_484 = arith.constant 0 : i32
        %dma_start3A_485 = tpu.memref_slice %arg8[%add3A_478, %dma_start3A_484] : memref<160x125xi32, #tpu.memory_space<vmem>> -> memref<1x125xi32, #tpu.memory_space<vmem>>
        %dma_start3A_486 = tpu.memref_squeeze %dma_start3A_485 : memref<1x125xi32, #tpu.memory_space<vmem>> -> memref<125xi32, #tpu.memory_space<vmem>>
        %dma_start3A_487 = arith.constant 0 : i32
        %dma_start3A_488 = arith.constant 0 : i32
        %dma_start3A_489 = tpu.memref_slice %arg12[%dma_start3A_487, %dma_start3A_488] : memref<10000x32xf32, #tpu.memory_space<vmem_shared>> -> memref<10000x32xf32, #tpu.memory_space<vmem_shared>>
        tpu.enqueue_indirect_dma source(%dma_start3A_489 : memref<10000x32xf32, #tpu.memory_space<vmem_shared>>) target(%dma_start3A_483 : memref<125x32xf32, #tpu.memory_space<vmem>>) offsets(%dma_start3A_486 : memref<125xi32, #tpu.memory_space<vmem>>) semaphore(%arg18 : memref<!tpu.dma_semaphore, #tpu.memory_space<semaphore_mem>>)
      } else {
      }
      %add3A_437 = arith.constant 6 : i32
      %add3A_438 = arith.addi %mul3A_126, %add3A_437 : i32
      %dma_wait3A_439 = arith.constant 6 : i32
      %dma_wait3A_440 = arith.constant 0 : i32
      %dma_wait3A_441 = arith.constant 0 : i32
      %dma_wait3A_442 = tpu.memref_slice %arg10[%dma_wait3A_439, %dma_wait3A_440, %dma_wait3A_441] : memref<8x125x32xf32, #tpu.memory_space<vmem>> -> memref<1x125x32xf32, #tpu.memory_space<vmem>>
      %dma_wait3A_443 = tpu.memref_squeeze %dma_wait3A_442 : memref<1x125x32xf32, #tpu.memory_space<vmem>> -> memref<125x32xf32, #tpu.memory_space<vmem>>
      %dma_wait3A_444 = arith.constant 0 : i32
      %dma_wait3A_445 = tpu.memref_slice %arg9[%add3A_438, %dma_wait3A_444] : memref<160x125xi32, #tpu.memory_space<vmem>> -> memref<1x125xi32, #tpu.memory_space<vmem>>
      %dma_wait3A_446 = tpu.memref_squeeze %dma_wait3A_445 : memref<1x125xi32, #tpu.memory_space<vmem>> -> memref<125xi32, #tpu.memory_space<vmem>>
      %dma_wait3A_447 = arith.constant 0 : i32
      %dma_wait3A_448 = arith.constant 0 : i32
      %dma_wait3A_449 = tpu.memref_slice %arg11[%dma_wait3A_447, %dma_wait3A_448] : memref<10000x32xf32, #tpu.memory_space<vmem_shared>> -> memref<10000x32xf32, #tpu.memory_space<vmem_shared>>
      tpu.wait_indirect_dma semaphore(%arg27 : memref<!tpu.dma_semaphore, #tpu.memory_space<semaphore_mem>>) src(%dma_wait3A_443 : memref<125x32xf32, #tpu.memory_space<vmem>>) dst(%dma_wait3A_449 : memref<10000x32xf32, #tpu.memory_space<vmem_shared>>)
      %add3A_450 = arith.constant 8 : i32
      %add3A_451 = arith.addi %add3A_438, %add3A_450 : i32
      %lt3A_452 = arith.constant 160 : i32
      %lt3A_453 = arith.cmpi slt, %add3A_451, %lt3A_452 : i32
      %convert_element_type3A_454 = arith.extui %lt3A_453 : i1 to i32
      %cond3A_455 = arith.constant 0 : i32
      %cond3A_456 = arith.cmpi ne, %convert_element_type3A_454, %cond3A_455 : i32
      scf.if %cond3A_456 {
        %add3A_477 = arith.constant 8 : i32
        %add3A_478 = arith.addi %add3A_438, %add3A_477 : i32
        %dma_start3A_479 = arith.constant 6 : i32
        %dma_start3A_480 = arith.constant 0 : i32
        %dma_start3A_481 = arith.constant 0 : i32
        %dma_start3A_482 = tpu.memref_slice %arg10[%dma_start3A_479, %dma_start3A_480, %dma_start3A_481] : memref<8x125x32xf32, #tpu.memory_space<vmem>> -> memref<1x125x32xf32, #tpu.memory_space<vmem>>
        %dma_start3A_483 = tpu.memref_squeeze %dma_start3A_482 : memref<1x125x32xf32, #tpu.memory_space<vmem>> -> memref<125x32xf32, #tpu.memory_space<vmem>>
        %dma_start3A_484 = arith.constant 0 : i32
        %dma_start3A_485 = tpu.memref_slice %arg8[%add3A_478, %dma_start3A_484] : memref<160x125xi32, #tpu.memory_space<vmem>> -> memref<1x125xi32, #tpu.memory_space<vmem>>
        %dma_start3A_486 = tpu.memref_squeeze %dma_start3A_485 : memref<1x125xi32, #tpu.memory_space<vmem>> -> memref<125xi32, #tpu.memory_space<vmem>>
        %dma_start3A_487 = arith.constant 0 : i32
        %dma_start3A_488 = arith.constant 0 : i32
        %dma_start3A_489 = tpu.memref_slice %arg12[%dma_start3A_487, %dma_start3A_488] : memref<10000x32xf32, #tpu.memory_space<vmem_shared>> -> memref<10000x32xf32, #tpu.memory_space<vmem_shared>>
        tpu.enqueue_indirect_dma source(%dma_start3A_489 : memref<10000x32xf32, #tpu.memory_space<vmem_shared>>) target(%dma_start3A_483 : memref<125x32xf32, #tpu.memory_space<vmem>>) offsets(%dma_start3A_486 : memref<125xi32, #tpu.memory_space<vmem>>) semaphore(%arg19 : memref<!tpu.dma_semaphore, #tpu.memory_space<semaphore_mem>>)
      } else {
      }
      %add3A_457 = arith.constant 7 : i32
      %add3A_458 = arith.addi %mul3A_126, %add3A_457 : i32
      %dma_wait3A_459 = arith.constant 7 : i32
      %dma_wait3A_460 = arith.constant 0 : i32
      %dma_wait3A_461 = arith.constant 0 : i32
      %dma_wait3A_462 = tpu.memref_slice %arg10[%dma_wait3A_459, %dma_wait3A_460, %dma_wait3A_461] : memref<8x125x32xf32, #tpu.memory_space<vmem>> -> memref<1x125x32xf32, #tpu.memory_space<vmem>>
      %dma_wait3A_463 = tpu.memref_squeeze %dma_wait3A_462 : memref<1x125x32xf32, #tpu.memory_space<vmem>> -> memref<125x32xf32, #tpu.memory_space<vmem>>
      %dma_wait3A_464 = arith.constant 0 : i32
      %dma_wait3A_465 = tpu.memref_slice %arg9[%add3A_458, %dma_wait3A_464] : memref<160x125xi32, #tpu.memory_space<vmem>> -> memref<1x125xi32, #tpu.memory_space<vmem>>
      %dma_wait3A_466 = tpu.memref_squeeze %dma_wait3A_465 : memref<1x125xi32, #tpu.memory_space<vmem>> -> memref<125xi32, #tpu.memory_space<vmem>>
      %dma_wait3A_467 = arith.constant 0 : i32
      %dma_wait3A_468 = arith.constant 0 : i32
      %dma_wait3A_469 = tpu.memref_slice %arg11[%dma_wait3A_467, %dma_wait3A_468] : memref<10000x32xf32, #tpu.memory_space<vmem_shared>> -> memref<10000x32xf32, #tpu.memory_space<vmem_shared>>
      tpu.wait_indirect_dma semaphore(%arg28 : memref<!tpu.dma_semaphore, #tpu.memory_space<semaphore_mem>>) src(%dma_wait3A_463 : memref<125x32xf32, #tpu.memory_space<vmem>>) dst(%dma_wait3A_469 : memref<10000x32xf32, #tpu.memory_space<vmem_shared>>)
      %add3A_470 = arith.constant 8 : i32
      %add3A_471 = arith.addi %add3A_458, %add3A_470 : i32
      %lt3A_472 = arith.constant 160 : i32
      %lt3A_473 = arith.cmpi slt, %add3A_471, %lt3A_472 : i32
      %convert_element_type3A_474 = arith.extui %lt3A_473 : i1 to i32
      %cond3A_475 = arith.constant 0 : i32
      %cond3A_476 = arith.cmpi ne, %convert_element_type3A_474, %cond3A_475 : i32
      scf.if %cond3A_476 {
        %add3A_477 = arith.constant 8 : i32
        %add3A_478 = arith.addi %add3A_458, %add3A_477 : i32
        %dma_start3A_479 = arith.constant 7 : i32
        %dma_start3A_480 = arith.constant 0 : i32
        %dma_start3A_481 = arith.constant 0 : i32
        %dma_start3A_482 = tpu.memref_slice %arg10[%dma_start3A_479, %dma_start3A_480, %dma_start3A_481] : memref<8x125x32xf32, #tpu.memory_space<vmem>> -> memref<1x125x32xf32, #tpu.memory_space<vmem>>
        %dma_start3A_483 = tpu.memref_squeeze %dma_start3A_482 : memref<1x125x32xf32, #tpu.memory_space<vmem>> -> memref<125x32xf32, #tpu.memory_space<vmem>>
        %dma_start3A_484 = arith.constant 0 : i32
        %dma_start3A_485 = tpu.memref_slice %arg8[%add3A_478, %dma_start3A_484] : memref<160x125xi32, #tpu.memory_space<vmem>> -> memref<1x125xi32, #tpu.memory_space<vmem>>
        %dma_start3A_486 = tpu.memref_squeeze %dma_start3A_485 : memref<1x125xi32, #tpu.memory_space<vmem>> -> memref<125xi32, #tpu.memory_space<vmem>>
        %dma_start3A_487 = arith.constant 0 : i32
        %dma_start3A_488 = arith.constant 0 : i32
        %dma_start3A_489 = tpu.memref_slice %arg12[%dma_start3A_487, %dma_start3A_488] : memref<10000x32xf32, #tpu.memory_space<vmem_shared>> -> memref<10000x32xf32, #tpu.memory_space<vmem_shared>>
        tpu.enqueue_indirect_dma source(%dma_start3A_489 : memref<10000x32xf32, #tpu.memory_space<vmem_shared>>) target(%dma_start3A_483 : memref<125x32xf32, #tpu.memory_space<vmem>>) offsets(%dma_start3A_486 : memref<125xi32, #tpu.memory_space<vmem>>) semaphore(%arg20 : memref<!tpu.dma_semaphore, #tpu.memory_space<semaphore_mem>>)
      } else {
      }
    }
    %scan3A_118 = arith.constant 20 : i32
    %barrier3A_119 = arith.constant 0 : index
    tpu.barrier barrier_id(%barrier3A_119)
    %mul3A_120 = arith.constant 625 : i32
    %mul3A_121 = arith.muli %arg1, %mul3A_120 : i32
    %mul3A_122 = arith.constant 625 : i32
    %mul3A_123 = arith.muli %arg1, %mul3A_122 : i32
    "tpu.region"() ({
      %run_scoped3A = tpu.sem_alloc : memref<!tpu.dma_semaphore, #tpu.memory_space<semaphore_mem>>
      %dma_start3A_124 = arith.constant 0 : i32
      %dma_start3A_125 = tpu.memref_slice %arg7[%arg0, %mul3A_123, %dma_start3A_124] : memref<2x10000x32xf32, #tpu.memory_space<hbm>> -> memref<1x625x32xf32, #tpu.memory_space<hbm>>
      %dma_start3A_126 = tpu.memref_squeeze %dma_start3A_125 : memref<1x625x32xf32, #tpu.memory_space<hbm>> -> memref<625x32xf32, #tpu.memory_space<hbm>>
      %dma_start3A_127 = arith.constant 0 : i32
      %dma_start3A_128 = tpu.memref_slice %arg11[%mul3A_121, %dma_start3A_127] : memref<10000x32xf32, #tpu.memory_space<vmem_shared>> -> memref<625x32xf32, #tpu.memory_space<vmem_shared>>
      tpu.enqueue_dma source(%dma_start3A_128 : memref<625x32xf32, #tpu.memory_space<vmem_shared>>) target(%dma_start3A_126 : memref<625x32xf32, #tpu.memory_space<hbm>>) target_semaphore(%run_scoped3A : memref<!tpu.dma_semaphore, #tpu.memory_space<semaphore_mem>>)
      %dma_wait3A = arith.constant 0 : i32
      %dma_wait3A_129 = tpu.memref_slice %arg7[%arg0, %mul3A_123, %dma_wait3A] : memref<2x10000x32xf32, #tpu.memory_space<hbm>> -> memref<1x625x32xf32, #tpu.memory_space<hbm>>
      %dma_wait3A_130 = tpu.memref_squeeze %dma_wait3A_129 : memref<1x625x32xf32, #tpu.memory_space<hbm>> -> memref<625x32xf32, #tpu.memory_space<hbm>>
      %dma_wait3A_131 = arith.constant 0 : i32
      %dma_wait3A_132 = tpu.memref_slice %arg11[%mul3A_121, %dma_wait3A_131] : memref<10000x32xf32, #tpu.memory_space<vmem_shared>> -> memref<625x32xf32, #tpu.memory_space<vmem_shared>>
      tpu.wait_dma2 semaphore(%run_scoped3A : memref<!tpu.dma_semaphore, #tpu.memory_space<semaphore_mem>>) src(%dma_wait3A_132 : memref<625x32xf32, #tpu.memory_space<vmem_shared>>) dst(%dma_wait3A_130 : memref<625x32xf32, #tpu.memory_space<hbm>>)
      tpu.yield
    }) : () -> ()
    return
  }
}

module attributes {stable_mosaic.version = 14 : i64} {
  func.func @_ka_body(%arg0: i32, %arg1: memref<2000x129xf32, #tpu.memory_space<vmem>>, %arg2: memref<129x64xf32, #tpu.memory_space<vmem>>, %arg3: memref<2x2000x8xf32, #tpu.memory_space<vmem>>, %arg4: memref<2000x32xf32, #tpu.memory_space<vmem>>, %arg5: memref<2000x32xf32, #tpu.memory_space<vmem>>, %arg6: memref<2000x1xf32, #tpu.memory_space<vmem>>) attributes {dimension_semantics = [#tpu.dimension_semantics<arbitrary>], iteration_bounds = array<i64: 5>, scalar_prefetch = 0 : i64, scratch_operands = 0 : i64, tpu.core_type = #tpu.core_type<tc>, window_params = [{transform_indices = @transform_0, window_bounds = array<i64: 2000, 129>}, {pipeline_mode = #tpu.pipeline_mode<synchronous>, transform_indices = @transform_1, window_bounds = array<i64: 129, 64>}, {transform_indices = @transform_2, window_bounds = array<i64: 2, 2000, 8>}, {transform_indices = @transform_3, window_bounds = array<i64: 2000, 32>}, {transform_indices = @transform_4, window_bounds = array<i64: 2000, 32>}, {transform_indices = @transform_5, window_bounds = array<i64: 2000, 1>}]} {
    %get3A = arith.constant 0 : index
    %get3A_0 = arith.constant 0 : index
    %get3A_1 = arith.constant 0 : index
    %get3A_2 = vector.load %arg3[%get3A, %get3A_0, %get3A_1] : memref<2x2000x8xf32, #tpu.memory_space<vmem>>, vector<1x2000x1xf32>
    %get3A_3 = vector.shape_cast %get3A_2 : vector<1x2000x1xf32> to vector<2000x1xf32>
    %get3A_4 = arith.constant 1 : index
    %get3A_5 = arith.constant 0 : index
    %get3A_6 = arith.constant 0 : index
    %get3A_7 = vector.load %arg3[%get3A_4, %get3A_5, %get3A_6] : memref<2x2000x8xf32, #tpu.memory_space<vmem>>, vector<1x2000x1xf32>
    %get3A_8 = vector.shape_cast %get3A_7 : vector<1x2000x1xf32> to vector<2000x1xf32>
    %add3A = arith.addf %get3A_3, %get3A_8 : vector<2000x1xf32>
    %add3A_9 = arith.constant 1.000000e+00 : f32
    %add3A_10 = vector.broadcast %add3A_9 : f32 to vector<2000x1xf32>
    %add3A_11 = arith.addf %add3A, %add3A_10 : vector<2000x1xf32>
    %rsqrt3A = math.rsqrt %add3A_11 : vector<2000x1xf32>
    %swap3A = arith.constant 0 : index
    %swap3A_12 = arith.constant 0 : index
    %swap3A_13 = vector.load %arg6[%swap3A, %swap3A_12] : memref<2000x1xf32, #tpu.memory_space<vmem>>, vector<2000x1xf32>
    tpu.vector_store %arg6[%swap3A, %swap3A_12], %rsqrt3A {strides = array<i32>} : memref<2000x1xf32, #tpu.memory_space<vmem>>, vector<2000x1xf32>,
    %get3A_14 = arith.constant 0 : index
    %get3A_15 = arith.constant 0 : index
    %get3A_16 = vector.load %arg1[%get3A_14, %get3A_15] : memref<2000x129xf32, #tpu.memory_space<vmem>>, vector<2000x129xf32>
    %get3A_17 = arith.constant 0 : index
    %get3A_18 = arith.constant 0 : index
    %get3A_19 = vector.load %arg2[%get3A_17, %get3A_18] : memref<129x64xf32, #tpu.memory_space<vmem>>, vector<129x64xf32>
    %dot_general3A = arith.constant dense<0.000000e+00> : vector<2000x64xf32>
    %dot_general3A_20 = tpu.matmul %get3A_16, %get3A_19, %dot_general3A {dimension_numbers = #tpu.dot_dimension_numbers<[1], [0], [0], [1], [0, 0, 1, 1], [], []>, transpose_lhs_hint = false} : vector<2000x129xf32>, vector<129x64xf32>, vector<2000x64xf32> -> vector<2000x64xf32>
    %mul3A = vector.broadcast %rsqrt3A : vector<2000x1xf32> to vector<2000x64xf32>
    %mul3A_21 = arith.mulf %dot_general3A_20, %mul3A : vector<2000x64xf32>
    %slice3A = vector.extract_strided_slice %mul3A_21 {offsets = [0, 0], sizes = [2000, 32], strides = [1, 1]} : vector<2000x64xf32> to vector<2000x32xf32>
    %swap3A_22 = arith.constant 0 : index
    %swap3A_23 = arith.constant 0 : index
    %swap3A_24 = vector.load %arg4[%swap3A_22, %swap3A_23] : memref<2000x32xf32, #tpu.memory_space<vmem>>, vector<2000x32xf32>
    tpu.vector_store %arg4[%swap3A_22, %swap3A_23], %slice3A {strides = array<i32>} : memref<2000x32xf32, #tpu.memory_space<vmem>>, vector<2000x32xf32>,
    %slice3A_25 = vector.extract_strided_slice %mul3A_21 {offsets = [0, 32], sizes = [2000, 32], strides = [1, 1]} : vector<2000x64xf32> to vector<2000x32xf32>
    %swap3A_26 = arith.constant 0 : index
    %swap3A_27 = arith.constant 0 : index
    %swap3A_28 = vector.load %arg5[%swap3A_26, %swap3A_27] : memref<2000x32xf32, #tpu.memory_space<vmem>>, vector<2000x32xf32>
    tpu.vector_store %arg5[%swap3A_26, %swap3A_27], %slice3A_25 {strides = array<i32>} : memref<2000x32xf32, #tpu.memory_space<vmem>>, vector<2000x32xf32>,
    return
  }
  func.func @transform_0(%arg0: i32) -> (i32, i32) {
    %c0_i32 = arith.constant 0 : i32
    %c0_i32_0 = arith.constant 0 : i32
    return %arg0, %c0_i32 : i32, i32
  }
  func.func @transform_1(%arg0: i32) -> (i32, i32) {
    %c0_i32 = arith.constant 0 : i32
    %c0_i32_0 = arith.constant 0 : i32
    %c0_i32_1 = arith.constant 0 : i32
    return %c0_i32, %c0_i32_0 : i32, i32
  }
  func.func @transform_2(%arg0: i32) -> (i32, i32, i32) {
    %c0_i32 = arith.constant 0 : i32
    %c0_i32_0 = arith.constant 0 : i32
    %c0_i32_1 = arith.constant 0 : i32
    return %c0_i32, %arg0, %c0_i32_0 : i32, i32, i32
  }
  func.func @transform_3(%arg0: i32) -> (i32, i32) {
    %c0_i32 = arith.constant 0 : i32
    %c0_i32_0 = arith.constant 0 : i32
    return %arg0, %c0_i32 : i32, i32
  }
  func.func @transform_4(%arg0: i32) -> (i32, i32) {
    %c0_i32 = arith.constant 0 : i32
    %c0_i32_0 = arith.constant 0 : i32
    return %arg0, %c0_i32 : i32, i32
  }
  func.func @transform_5(%arg0: i32) -> (i32, i32) {
    %c0_i32 = arith.constant 0 : i32
    %c0_i32_0 = arith.constant 0 : i32
    return %arg0, %c0_i32 : i32, i32
  }
}

module attributes {stable_mosaic.version = 14 : i64} {
  func.func @_kb_body(%arg0: i32, %arg1: memref<2x2000x32xf32, #tpu.memory_space<vmem>>, %arg2: memref<2000x32xf32, #tpu.memory_space<vmem>>, %arg3: memref<2000x32xf32, #tpu.memory_space<vmem>>, %arg4: memref<2000x1xf32, #tpu.memory_space<vmem>>, %arg5: memref<1x64xf32, #tpu.memory_space<vmem>>, %arg6: memref<64x16xf32, #tpu.memory_space<vmem>>, %arg7: memref<1x1xf32, #tpu.memory_space<vmem>>, %arg8: memref<2000x16xf32, #tpu.memory_space<vmem>>) attributes {dimension_semantics = [#tpu.dimension_semantics<arbitrary>], iteration_bounds = array<i64: 5>, scalar_prefetch = 0 : i64, scratch_operands = 0 : i64, tpu.core_type = #tpu.core_type<tc>, window_params = [{transform_indices = @transform_0, window_bounds = array<i64: 2, 2000, 32>}, {transform_indices = @transform_1, window_bounds = array<i64: 2000, 32>}, {transform_indices = @transform_2, window_bounds = array<i64: 2000, 32>}, {transform_indices = @transform_3, window_bounds = array<i64: 2000, 1>}, {pipeline_mode = #tpu.pipeline_mode<synchronous>, transform_indices = @transform_4, window_bounds = array<i64: 1, 64>}, {pipeline_mode = #tpu.pipeline_mode<synchronous>, transform_indices = @transform_5, window_bounds = array<i64: 64, 16>}, {pipeline_mode = #tpu.pipeline_mode<synchronous>, transform_indices = @transform_6, window_bounds = array<i64: 1, 1>}, {transform_indices = @transform_7, window_bounds = array<i64: 2000, 16>}]} {
    %get3A = arith.constant 0 : index
    %get3A_0 = arith.constant 0 : index
    %get3A_1 = vector.load %arg4[%get3A, %get3A_0] : memref<2000x1xf32, #tpu.memory_space<vmem>>, vector<2000x1xf32>
    %get3A_2 = arith.constant 0 : index
    %get3A_3 = arith.constant 0 : index
    %get3A_4 = arith.constant 0 : index
    %get3A_5 = vector.load %arg1[%get3A_2, %get3A_3, %get3A_4] : memref<2x2000x32xf32, #tpu.memory_space<vmem>>, vector<1x2000x32xf32>
    %get3A_6 = vector.shape_cast %get3A_5 : vector<1x2000x32xf32> to vector<2000x32xf32>
    %get3A_7 = arith.constant 0 : index
    %get3A_8 = arith.constant 0 : index
    %get3A_9 = vector.load %arg2[%get3A_7, %get3A_8] : memref<2000x32xf32, #tpu.memory_space<vmem>>, vector<2000x32xf32>
    %add3A = arith.addf %get3A_6, %get3A_9 : vector<2000x32xf32>
    %get3A_10 = arith.constant 1 : index
    %get3A_11 = arith.constant 0 : index
    %get3A_12 = arith.constant 0 : index
    %get3A_13 = vector.load %arg1[%get3A_10, %get3A_11, %get3A_12] : memref<2x2000x32xf32, #tpu.memory_space<vmem>>, vector<1x2000x32xf32>
    %get3A_14 = vector.shape_cast %get3A_13 : vector<1x2000x32xf32> to vector<2000x32xf32>
    %get3A_15 = arith.constant 0 : index
    %get3A_16 = arith.constant 0 : index
    %get3A_17 = vector.load %arg3[%get3A_15, %get3A_16] : memref<2000x32xf32, #tpu.memory_space<vmem>>, vector<2000x32xf32>
    %add3A_18 = arith.addf %get3A_14, %get3A_17 : vector<2000x32xf32>
    %concatenate3A = tpu.concatenate %add3A, %add3A_18 in 1 : vector<2000x32xf32>, vector<2000x32xf32> -> vector<2000x64xf32>
    %mul3A = vector.broadcast %get3A_1 : vector<2000x1xf32> to vector<2000x64xf32>
    %mul3A_19 = arith.mulf %mul3A, %concatenate3A : vector<2000x64xf32>
    %get3A_20 = arith.constant 0 : index
    %get3A_21 = arith.constant 0 : index
    %get3A_22 = vector.load %arg5[%get3A_20, %get3A_21] : memref<1x64xf32, #tpu.memory_space<vmem>>, vector<1x64xf32>
    %add3A_23 = vector.broadcast %get3A_22 : vector<1x64xf32> to vector<2000x64xf32>
    %add3A_24 = arith.addf %mul3A_19, %add3A_23 : vector<2000x64xf32>
    %max3A = arith.constant 0.000000e+00 : f32
    %max3A_25 = vector.broadcast %max3A : f32 to vector<2000x64xf32>
    %max3A_26 = arith.maximumf %add3A_24, %max3A_25 : vector<2000x64xf32>
    %get3A_27 = arith.constant 0 : index
    %get3A_28 = arith.constant 0 : index
    %get3A_29 = vector.load %arg7[%get3A_27, %get3A_28] : memref<1x1xf32, #tpu.memory_space<vmem>>, vector<1x1xf32>
    %mul3A_30 = vector.broadcast %get3A_29 : vector<1x1xf32> to vector<2000x64xf32>
    %mul3A_31 = arith.mulf %max3A_26, %mul3A_30 : vector<2000x64xf32>
    %get3A_32 = arith.constant 0 : index
    %get3A_33 = arith.constant 0 : index
    %get3A_34 = vector.load %arg6[%get3A_32, %get3A_33] : memref<64x16xf32, #tpu.memory_space<vmem>>, vector<64x16xf32>
    %dot_general3A = arith.constant dense<0.000000e+00> : vector<2000x16xf32>
    %dot_general3A_35 = tpu.matmul %mul3A_31, %get3A_34, %dot_general3A {dimension_numbers = #tpu.dot_dimension_numbers<[1], [0], [0], [1], [0, 0, 1, 1], [], []>, transpose_lhs_hint = false} : vector<2000x64xf32>, vector<64x16xf32>, vector<2000x16xf32> -> vector<2000x16xf32>
    %mul3A_36 = vector.broadcast %get3A_1 : vector<2000x1xf32> to vector<2000x16xf32>
    %mul3A_37 = arith.mulf %mul3A_36, %dot_general3A_35 : vector<2000x16xf32>
    %swap3A = arith.constant 0 : index
    %swap3A_38 = arith.constant 0 : index
    %swap3A_39 = vector.load %arg8[%swap3A, %swap3A_38] : memref<2000x16xf32, #tpu.memory_space<vmem>>, vector<2000x16xf32>
    tpu.vector_store %arg8[%swap3A, %swap3A_38], %mul3A_37 {strides = array<i32>} : memref<2000x16xf32, #tpu.memory_space<vmem>>, vector<2000x16xf32>,
    return
  }
  func.func @transform_0(%arg0: i32) -> (i32, i32, i32) {
    %c0_i32 = arith.constant 0 : i32
    %c0_i32_0 = arith.constant 0 : i32
    %c0_i32_1 = arith.constant 0 : i32
    return %c0_i32, %arg0, %c0_i32_0 : i32, i32, i32
  }
  func.func @transform_1(%arg0: i32) -> (i32, i32) {
    %c0_i32 = arith.constant 0 : i32
    %c0_i32_0 = arith.constant 0 : i32
    return %arg0, %c0_i32 : i32, i32
  }
  func.func @transform_2(%arg0: i32) -> (i32, i32) {
    %c0_i32 = arith.constant 0 : i32
    %c0_i32_0 = arith.constant 0 : i32
    return %arg0, %c0_i32 : i32, i32
  }
  func.func @transform_3(%arg0: i32) -> (i32, i32) {
    %c0_i32 = arith.constant 0 : i32
    %c0_i32_0 = arith.constant 0 : i32
    return %arg0, %c0_i32 : i32, i32
  }
  func.func @transform_4(%arg0: i32) -> (i32, i32) {
    %c0_i32 = arith.constant 0 : i32
    %c0_i32_0 = arith.constant 0 : i32
    %c0_i32_1 = arith.constant 0 : i32
    return %c0_i32, %c0_i32_0 : i32, i32
  }
  func.func @transform_5(%arg0: i32) -> (i32, i32) {
    %c0_i32 = arith.constant 0 : i32
    %c0_i32_0 = arith.constant 0 : i32
    %c0_i32_1 = arith.constant 0 : i32
    return %c0_i32, %c0_i32_0 : i32, i32
  }
  func.func @transform_6(%arg0: i32) -> (i32, i32) {
    %c0_i32 = arith.constant 0 : i32
    %c0_i32_0 = arith.constant 0 : i32
    %c0_i32_1 = arith.constant 0 : i32
    return %c0_i32, %c0_i32_0 : i32, i32
  }
  func.func @transform_7(%arg0: i32) -> (i32, i32) {
    %c0_i32 = arith.constant 0 : i32
    %c0_i32_0 = arith.constant 0 : i32
    return %arg0, %c0_i32 : i32, i32
  }
}

module attributes {stable_mosaic.version = 14 : i64} {
  func.func @_kc_body(%arg0: i32, %arg1: memref<2x2000x16xf32, #tpu.memory_space<vmem>>, %arg2: memref<2000x16xf32, #tpu.memory_space<vmem>>, %arg3: memref<2000x1xf32, #tpu.memory_space<vmem>>, %arg4: memref<1x16xf32, #tpu.memory_space<vmem>>, %arg5: memref<2000x16xf32, #tpu.memory_space<vmem>>) attributes {dimension_semantics = [#tpu.dimension_semantics<arbitrary>], iteration_bounds = array<i64: 5>, scalar_prefetch = 0 : i64, scratch_operands = 0 : i64, tpu.core_type = #tpu.core_type<tc>, window_params = [{transform_indices = @transform_0, window_bounds = array<i64: 2, 2000, 16>}, {transform_indices = @transform_1, window_bounds = array<i64: 2000, 16>}, {transform_indices = @transform_2, window_bounds = array<i64: 2000, 1>}, {pipeline_mode = #tpu.pipeline_mode<synchronous>, transform_indices = @transform_3, window_bounds = array<i64: 1, 16>}, {transform_indices = @transform_4, window_bounds = array<i64: 2000, 16>}]} {
    %get3A = arith.constant 0 : index
    %get3A_0 = arith.constant 0 : index
    %get3A_1 = vector.load %arg3[%get3A, %get3A_0] : memref<2000x1xf32, #tpu.memory_space<vmem>>, vector<2000x1xf32>
    %get3A_2 = arith.constant 0 : index
    %get3A_3 = arith.constant 0 : index
    %get3A_4 = arith.constant 0 : index
    %get3A_5 = vector.load %arg1[%get3A_2, %get3A_3, %get3A_4] : memref<2x2000x16xf32, #tpu.memory_space<vmem>>, vector<1x2000x16xf32>
    %get3A_6 = vector.shape_cast %get3A_5 : vector<1x2000x16xf32> to vector<2000x16xf32>
    %get3A_7 = arith.constant 1 : index
    %get3A_8 = arith.constant 0 : index
    %get3A_9 = arith.constant 0 : index
    %get3A_10 = vector.load %arg1[%get3A_7, %get3A_8, %get3A_9] : memref<2x2000x16xf32, #tpu.memory_space<vmem>>, vector<1x2000x16xf32>
    %get3A_11 = vector.shape_cast %get3A_10 : vector<1x2000x16xf32> to vector<2000x16xf32>
    %add3A = arith.addf %get3A_6, %get3A_11 : vector<2000x16xf32>
    %get3A_12 = arith.constant 0 : index
    %get3A_13 = arith.constant 0 : index
    %get3A_14 = vector.load %arg2[%get3A_12, %get3A_13] : memref<2000x16xf32, #tpu.memory_space<vmem>>, vector<2000x16xf32>
    %add3A_15 = arith.addf %add3A, %get3A_14 : vector<2000x16xf32>
    %mul3A = vector.broadcast %get3A_1 : vector<2000x1xf32> to vector<2000x16xf32>
    %mul3A_16 = arith.mulf %mul3A, %add3A_15 : vector<2000x16xf32>
    %get3A_17 = arith.constant 0 : index
    %get3A_18 = arith.constant 0 : index
    %get3A_19 = vector.load %arg4[%get3A_17, %get3A_18] : memref<1x16xf32, #tpu.memory_space<vmem>>, vector<1x16xf32>
    %add3A_20 = vector.broadcast %get3A_19 : vector<1x16xf32> to vector<2000x16xf32>
    %add3A_21 = arith.addf %mul3A_16, %add3A_20 : vector<2000x16xf32>
    %reduce_max3A = arith.constant dense<0xFF800000> : vector<2000xf32>
    %reduce_max3A_22 = vector.multi_reduction <maximumf>, %add3A_21, %reduce_max3A [1] : vector<2000x16xf32> to vector<2000xf32>
    %broadcast_in_dim3A = vector.shape_cast %reduce_max3A_22 : vector<2000xf32> to vector<2000x1xf32>
    %sub3A = vector.broadcast %broadcast_in_dim3A : vector<2000x1xf32> to vector<2000x16xf32>
    %sub3A_23 = arith.subf %add3A_21, %sub3A : vector<2000x16xf32>
    %exp3A = math.exp %sub3A_23 : vector<2000x16xf32>
    %reduce_sum3A = arith.constant dense<0.000000e+00> : vector<2000xf32>
    %reduce_sum3A_24 = vector.multi_reduction <add>, %exp3A, %reduce_sum3A [1] : vector<2000x16xf32> to vector<2000xf32>
    %broadcast_in_dim3A_25 = vector.shape_cast %reduce_sum3A_24 : vector<2000xf32> to vector<2000x1xf32>
    %log3A = math.log %broadcast_in_dim3A_25 : vector<2000x1xf32>
    %add3A_26 = arith.addf %log3A, %broadcast_in_dim3A : vector<2000x1xf32>
    %sub3A_27 = vector.broadcast %add3A_26 : vector<2000x1xf32> to vector<2000x16xf32>
    %sub3A_28 = arith.subf %add3A_21, %sub3A_27 : vector<2000x16xf32>
    %swap3A = arith.constant 0 : index
    %swap3A_29 = arith.constant 0 : index
    %swap3A_30 = vector.load %arg5[%swap3A, %swap3A_29] : memref<2000x16xf32, #tpu.memory_space<vmem>>, vector<2000x16xf32>
    tpu.vector_store %arg5[%swap3A, %swap3A_29], %sub3A_28 {strides = array<i32>} : memref<2000x16xf32, #tpu.memory_space<vmem>>, vector<2000x16xf32>,
    return
  }
  func.func @transform_0(%arg0: i32) -> (i32, i32, i32) {
    %c0_i32 = arith.constant 0 : i32
    %c0_i32_0 = arith.constant 0 : i32
    %c0_i32_1 = arith.constant 0 : i32
    return %c0_i32, %arg0, %c0_i32_0 : i32, i32, i32
  }
  func.func @transform_1(%arg0: i32) -> (i32, i32) {
    %c0_i32 = arith.constant 0 : i32
    %c0_i32_0 = arith.constant 0 : i32
    return %arg0, %c0_i32 : i32, i32
  }
  func.func @transform_2(%arg0: i32) -> (i32, i32) {
    %c0_i32 = arith.constant 0 : i32
    %c0_i32_0 = arith.constant 0 : i32
    return %arg0, %c0_i32 : i32, i32
  }
  func.func @transform_3(%arg0: i32) -> (i32, i32) {
    %c0_i32 = arith.constant 0 : i32
    %c0_i32_0 = arith.constant 0 : i32
    %c0_i32_1 = arith.constant 0 : i32
    return %c0_i32, %c0_i32_0 : i32, i32
  }
  func.func @transform_4(%arg0: i32) -> (i32, i32) {
    %c0_i32 = arith.constant 0 : i32
    %c0_i32_0 = arith.constant 0 : i32
    return %arg0, %c0_i32 : i32, i32
  }
}

</mosaic_0001>

<sc_bundles>
// kernel: kernel.11.cloned.1.call-start
scs
__scs_entry_jumppad:
0x0: {  	(pc) =	sbr.rel $0x88, $3  }
0x1: {  	(tag) =	ssettag $0x0;
	lr =	simm.s32 $0x1  }
0x2: {  	[smem:$0x3F9A] =	sst lr;
	_ =	strace $0xD0000000  }
0x3: {  	_ = 	snop  }
0x4: {  	_ = 	snop  }
0x5: {  	_ = 	snop  }
0x6: {  	_ = 	snop  }
0x7: {  	_ = 	snop  }
__scs_overlays_trampoline_lowered:
0x8: {  	[smem:$0x3FA9] =	sst s0  }
0x9: {  	[smem:$0x3FAA] =	sst s1  }
0xa: {  	[smem:$0x3FAB] =	sst s2  }
0xb: {  	[smem:$0x3FAC] =	sst s3  }
0xc: {  	[smem:$0x3FAD] =	sst s4  }
0xd: {  	[smem:$0x3FAE] =	sst s5  }
0xe: {  	[smem:$0x3FAF] =	sst s6  }
0xf: {  	[smem:$0x3FB0] =	sst s7  }
0x10: {  	[smem:$0x3FB1] =	sst s8  }
0x11: {  	[smem:$0x3FB2] =	sst s9;
	s0 =	simm.s32 @!p0 $0x0  }
0x12: {  	s1 =	sld [smem:$0x3F98];
	s0 =	simm.s32 @p0 $0x1  }
0x13: {  	[smem:$0x3FB3] =	sst s0;
	s0 =	simm.s32 @!p1 $0x0  }
0x14: {  	s2 =	sld [smem:$0x3F97];
	s0 =	simm.s32 @p1 $0x1  }
0x15: {  	[smem:$0x3FB4] =	sst s0;
	s0 =	simm.s32 @!p2 $0x0  }
0x16: {  	s3 =	sld [smem:$0x3FDB];
	s0 =	simm.s32 @p2 $0x1  }
0x17: {  	s4 =	simm.s32 $0x1BF5;
	[smem:$0x3FB6] =	sst s0  }
0x18: {  	s0 =	sld [smem:$0x3F99];
	_ =	swait.ge [sflag:s4], $0x0  }
0x19: {  	s7 =	sld [smem:$0x3F9A]  }
0x1a: {  	s8 =	sadd.s32 $0xFFFFE003, lr  }
0x1b: {  	s9 =	sadd.s32 $0xFFFFFEF7, lr;
	s5 =	simm.s32 $0xFFFFFFFF;
	p2 =	slt.u32 s8, $0xFFFFF086  }
0x1c: {  	p1 =	slt.u32 s9, $0xF7A;
	s5 =	simm.s32 @!p2 $0x0  }
0x1d: {  	s5 =	simm.s32 @p1 $0x1;
	p0 =	seq.s32 s7, s2  }
0x1e: {  	s7 =	smul.u32 @!p0 $0xF7A, s2;
	p2 =	seq.s32 @!p0 s5, $0x0  }
0x1f: {  	s9 =	smul.u32 $0xF7A, s1;
	s8 =	simm.s32 @!p0 $0x1BF5;
	p2 =	por !p2, p0  }
0x20: {  	[sflag:s8] =	ssyncset.s32 @!p0 $0xFFFFF086;
	s6 =	sadd.s32 @!p0 s3, s7;
	s7 =	simm.s32 @!p0 $0x108  }
0x21: {  	s3 =	sadd.s32 s3, s9;
	s6 =	sadd.s32 @!p0 $0x88, s6;
	s7 =	simm.s32 @p2 $0x1082  }
0x22: {  	[simem:s7], [sflag:s8] =	dma.local @!p0 [hbm:s6], $0xF7A  }
0x23: {  	s9 =	sor.u32 $0xD0000000, s2;
	s6 =	simm.s32 $0x108;
	_ =	swait.ge @!p0 [sflag:s8], $0x0  }
0x24: {  	s3 =	sadd.s32 $0x88, s3;
	s6 =	simm.s32 @!p1 $0x1082;
	[sflag:s4] =	ssyncset.s32 $0xFFFFF086  }
0x25: {  	[simem:s6], [sflag:s4] =	dma.local [hbm:s3], $0xF7A  }
0x26: {  	[smem:$0x3F9A] =	sst s1;
	(tag) =	ssettag s2;
	_ =	strace s9  }
0x27: {  	s1 =	sld [smem:$0x3FAA]  }
0x28: {  	s2 =	sld [smem:$0x3FAB]  }
0x29: {  	s4 =	sld [smem:$0x3FAD]  }
0x2a: {  	p0 =	seq.s32 s5, $0x0;
	s5 =	sld [smem:$0x3FAE]  }
0x2b: {  	s6 =	sld [smem:$0x3FAF]  }
0x2c: {  	s7 =	sld [smem:$0x3FB0]  }
0x2d: {  	s3 =	simm.s32 $0x108;
	s8 =	sld [smem:$0x3FB1]  }
0x2e: {  	s3 =	simm.s32 @!p0 $0x1082;
	s9 =	sld [smem:$0x3FB2]  }
0x2f: {  	lr =	sadd.s32 s0, s3;
	s0 =	sld [smem:$0x3FA9]  }
0x30: {  	s3 =	sld [smem:$0x3FAC]  }
0x31: {  	[smem:$0x3FB5] =	sst s10  }
0x32: {  	s10 =	sld [smem:$0x3FB3];
	_ =	sdelay $0x3  }
0x33: {  	p0 =	seq.s32 s10, $0x1;
	s10 =	sld [smem:$0x3FB5];
	_ =	sdelay $0x3  }
0x34: {  	[smem:$0x3FB5] =	sst s10  }
0x35: {  	s10 =	sld [smem:$0x3FB4];
	_ =	sdelay $0x3  }
0x36: {  	p1 =	seq.s32 s10, $0x1;
	s10 =	sld [smem:$0x3FB5];
	_ =	sdelay $0x3  }
0x37: {  	[smem:$0x3FB5] =	sst s10  }
0x38: {  	s10 =	sld [smem:$0x3FB6]  }
0x39: {  	_ = 	snop;
	(pc) =	sbr.ind lr, $3  }
0x3a: {  	_ = 	snop  }
0x3b: {  	_ = 	snop  }
0x3c: {  	p2 =	seq.s32 s10, $0x1;
	s10 =	sld [smem:$0x3FB5]  }
0x3d: {  	_ =	shalt  }
0x3e: {  	_ =	shalt  }
0x3f: {  	_ =	shalt  }
0x40: {  	_ =	shalt  }
0x41: {  	_ =	shalt  }
0x42: {  	_ =	shalt  }
0x43: {  	_ =	shalt  }
0x44: {  	_ =	shalt  }
0x45: {  	_ =	shalt  }
0x46: {  	_ =	shalt  }
0x47: {  	_ =	shalt  }
0x48: {  	_ =	shalt  }
0x49: {  	_ =	shalt  }
0x4a: {  	_ =	shalt  }
0x4b: {  	_ =	shalt  }
0x4c: {  	_ =	shalt  }
0x4d: {  	_ =	shalt  }
0x4e: {  	_ =	shalt  }
0x4f: {  	_ =	shalt  }
0x50: {  	_ =	shalt  }
0x51: {  	_ =	shalt  }
0x52: {  	_ =	shalt  }
0x53: {  	_ =	shalt  }
0x54: {  	_ =	shalt  }
0x55: {  	_ =	shalt  }
0x56: {  	_ =	shalt  }
0x57: {  	_ =	shalt  }
0x58: {  	_ =	shalt  }
0x59: {  	_ =	shalt  }
0x5a: {  	_ =	shalt  }
0x5b: {  	_ =	shalt  }
0x5c: {  	_ =	shalt  }
0x5d: {  	_ =	shalt  }
0x5e: {  	_ =	shalt  }
0x5f: {  	_ =	shalt  }
0x60: {  	_ =	shalt  }
0x61: {  	_ =	shalt  }
0x62: {  	_ =	shalt  }
0x63: {  	_ =	shalt  }
0x64: {  	_ =	shalt  }
0x65: {  	_ =	shalt  }
0x66: {  	_ =	shalt  }
0x67: {  	_ =	shalt  }
0x68: {  	_ =	shalt  }
0x69: {  	_ =	shalt  }
0x6a: {  	_ =	shalt  }
0x6b: {  	_ =	shalt  }
0x6c: {  	_ =	shalt  }
0x6d: {  	_ =	shalt  }
0x6e: {  	_ =	shalt  }
0x6f: {  	_ =	shalt  }
0x70: {  	_ =	shalt  }
0x71: {  	_ =	shalt  }
0x72: {  	_ =	shalt  }
0x73: {  	_ =	shalt  }
0x74: {  	_ =	shalt  }
0x75: {  	_ =	shalt  }
0x76: {  	_ =	shalt  }
0x77: {  	_ =	shalt  }
0x78: {  	_ =	shalt  }
0x79: {  	_ =	shalt  }
0x7a: {  	_ =	shalt  }
0x7b: {  	_ =	shalt  }
0x7c: {  	_ =	shalt  }
0x7d: {  	_ =	shalt  }
0x7e: {  	_ =	shalt  }
0x7f: {  	_ =	shalt  }
0x80: {  	_ =	shalt  }
0x81: {  	_ =	shalt  }
0x82: {  	_ =	shalt  }
0x83: {  	_ =	shalt  }
0x84: {  	_ =	shalt  }
0x85: {  	_ =	shalt  }
0x86: {  	_ =	shalt  }
0x87: {  	_ =	shalt  }
.Lfunc_end0:
.L_simem_size_0:
called_computation.1_lowered:
.L_overlay_start_0:
0x88: {  	s2 =	sld [smem:$0x3FD9]  }
0x89: {  	s3 =	sld [smem:$0x3FFE];
	_ =	sdelay $0x1  }
0x8a: {  	s1 =	srdreg.scid  }
0x8b: {  	s0 =	sand.u32 $0x1, s1  }
0x8c: {  	s17 =	sshll.u32 s0, $0xA;
	s2 =	sadd.s32 s3, s2  }
0x8d: {  	s2 =	sadd.s32 s2, s17  }
0x8e: {  	[smem:$0x3FC1] =	sst s2  }
0x8f: {  	_ = 	snop  }
0x90: {  	s2 =	sld [smem:$0x3FD0];
	(tm) =	ssettm $0x1  }
0x91: {  	s18 =	sld [smem:$0x3FFB];
	_ =	sdelay $0x3  }
0x92: {  	_ =	strace s18  }
0x93: {  	s3 =	sld [smem:$0x3FFC];
	_ =	sdelay $0x3  }
0x94: {  	_ =	strace s3  }
0x95: {  	s3 =	sld [smem:$0x3FFD];
	_ =	sdelay $0x3  }
0x96: {  	_ =	strace s3  }
0x97: {  	_ =	strace $0x8FFFFFFF  }
0x98: {  	s19 =	sld [smem:$0x3FDB];
	_ =	sdelay $0x1  }
0x99: {  	s4 =	simm.s32 $_scs_section_size  }
0x9a: {  	s5 =	simm.s32 $_size__tile_overlayer_lowered;
	s6 =	simm.s32 $_tile_overlayer_lowered  }
0x9b: {  	s22 =	simm.s32 $0x1BFF;
	s21 =	sshll.u32 s6, $0x1;
	s3 =	sadd.s32 s4, s19  }
0x9c: {  	s7 =	simm.s32 $0x0;
	s20 =	sshll.u32 s5, $0x1;
	s5 =	sadd.s32 s21, s3  }
0x9d: {  	[timem:s7], [sflag:s22] =	dma.local [hbm:s5], s20  }
0x9e: {  	_ =	swait.ge [sflag:s22], s20  }
0x9f: {  	s4 =	ssub.s32 $0x0, s20;
	[sflag:s22] =	ssyncset.done $0x0  }
0xa0: {  	[sflag:s22] =	ssyncadd.s32 s4;
	_ =	sdelay $0x1  }
0xa1: {  	s23 =	simm.s32 $0x1B8B  }
0xa2: {  	_ =	swait.ge [sflag:s23], $0x1  }
0xa3: {  	[sflag:s23] =	ssyncset.done $0x0  }
0xa4: {  	s25 =	simm.s32 $0x1B8E;
	s24 =	sld [smem:$0x3FFE];
	[sflag:s23] =	ssyncadd.s32 $0xFFFFFFFF  }
0xa5: {  	s26 =	simm.s32 $execute0_lowered;
	[smem:$0x3FD2] =	sst s25  }
0xa6: {  	s5 =	sshll.u32 s26, $0x1;
	_ =	strace $0x80000049;
	[dreg:$0x1] =	wrdreg $0xFFFFFFFF  }
0xa7: {  	s28 =	simm.s32 $_size_execute0_lowered;
	s3 =	sadd.s32 s3, s5;
	[dreg:$0x0] =	wrdreg $0x0  }
0xa8: {  	s5 =	sshll.u32 s28, $0x1;
	[dreg:$0x2] =	wrdreg s3  }
0xa9: {  	[dreg:$0x3] =	wrdreg s5  }
0xaa: {  	[dreg:$0x4] =	wrdreg $0xC0  }
0xab: {  	_ =	task [dreg:s7], $0x5FFFF  }
0xac: {  	[dreg:$0x1] =	wrdreg $0xFFFFFFFF  }
0xad: {  	[dreg:$0x0] =	wrdreg $0x60  }
0xae: {  	[dreg:$0x2] =	wrdreg s24  }
0xaf: {  	[dreg:$0x3] =	wrdreg s2  }
0xb0: {  	[dreg:$0x4] =	wrdreg $0x16B200  }
0xb1: {  	[dreg:$0x5] =	wrdreg $0x11D000  }
0xb2: {  	[dreg:$0x6] =	wrdreg $0x9  }
0xb3: {  	_ =	task.clear_ibuf [dreg:s7], $0x7FFFF;
	_ =	strace $0x90000049  }
0xb4: {  	s29 =	simm.s32 $0x9;
	_ =	strace $0x8000004B  }
0xb5: {  	_ =	swait.ge [sflag:s29], $0x1  }
0xb6: {  	[sflag:s29] =	ssyncadd.s32 $0xFFFFFFFF  }
0xb7: {  	_ =	strace $0x9000004B  }
0xb8: {  	_ =	sfence  }
0xb9: {  	s30 =	sld [smem:$0x0];
	_ =	sdelay $0x2  }
0xba: {  	s31 =	sshll.u32 s1, $0xD;
	s1 =	sshrl.u32 s1, $0x2  }
0xbb: {  	s3 =	sand.u32 $0x4000, s31;
	s1 =	sadd.s32 s1, s30  }
0xbc: {  	s0 =	sor.u32 s3, s0;
	s1 =	sshll.u32 s1, $0x11  }
0xbd: {  	s0 =	sor.u32 s1, s0  }
0xbe: {  	s0 =	sadd.s32 $0x8F2B, s0  }
0xbf: {  	[sflag:s0] =	ssyncadd.remote.s32 $0x1  }
0xc0: {  	_ =	sfence.sel $0xFFFF  }
0xc1: {  	[dreg:$0x0] =	wrdreg $0xFFFFFFFF;
	(pc) =	sbr.abs _section_cstart, $3  }
0xc2: {  	[dreg:$0x1] =	wrdreg $0xFFFFFFFF  }
0xc3: {  	_ =	task.clear_ibuf [dreg:s7], $0x2FFFF;
	_ =	strace $0x9FFFFFFF  }
0xc4: {  	(tm) =	ssettm $0x7FFFFFFF  }
0xc5: {  	_ =	shalt  }
tec
execute0_lowered:
.L_overlay_start_1:
0x0: {  	(tag) =	ssettag $0x1  }
0x1: {  	s0 =	rddreg [dreg:$0x0]  }
0x2: {  	s3 =	rddreg [dreg:$0x2]  }
0x3: {  	s4 =	rddreg [dreg:$0x3];
	s11 =	stileid.u32  }
0x4: {  	s2 =	srdreg.scid;
	s6 =	simm.s32 $0x0;
	s10 =	simm.s32 $0x3D000  }
0x5: {  	s28 =	simm.s32 $0xCEE0;
	s30 =	simm.s32 $0xDE80;
	s1 =	smul.u32 $0xA00, s11  }
0x6: {  	s29 =	simm.s32 $0x2;
	s31 =	simm.s32 $0x3;
	s5 =	smul.u32 $0x4E20, s11  }
0x7: {  	s2 =	sand.u32 $0x1, s2;
	[smem:$0x7FF] =	sst s6;
	s9 =	smul.u32 $0x13880, s11  }
0x8: {  	s21 =	sshll.u32 s11, $0x6;
	s11 =	simm.s32 $0x11;
	s14 =	smul.u32 $0x4E200, s2  }
0x9: {  	_ =	strace $0x8000004A;
	s7 =	ssub.s32 $0x2, s2;
	p0 =	seq.s32 s2, $0x1  }
0xa: {  	s1 =	sadd.s32 s1, s0;
	s8 =	sshrl.u32 s7, $0x1;
	s16 =	sshrl.u32 s9, $0x2  }
0xb: {  	s17 =	sadd.s32 s5, s3;
	s18 =	sshrl.u32 s5, $0x3;
	s10 =	simm.s32 @!p0 $0x33200  }
0xc: {  	s9 =	simm.s32 $0x9;
	s6 =	sadd.s32 s5, s14;
	s7 =	ssub.s32 s7, s8  }
0xd: {  	s15 =	sadd.s32 $0x64600, s1;
	s1 =	sadd.s32 $0x5A600, s1;
	s5 =	sadd.s32 s5, s4  }
0xe: {  	s22 =	sshrl.u32 s17, $0x3;
	s8 =	simm.s32 $0x8;
	s14 =	simm.s32 $0xB  }
0xf: {  	s17 =	simm.s32 $0xD;
	s6 =	sshrl.u32 s6, $0x3;
	[dreg:$0x5] =	wrdreg s15  }
0x10: {  	[dreg:$0x6] =	wrdreg s1;
	s1 =	sadd.s32 s16, s4;
	s20 =	smax.u32 s7, $0x1  }
0x11: {  	s15 =	sor.u32 $0x1C11, s21;
	[dreg:$0xb] =	wrdreg s22;
	s21 =	sshrl.u32 s5, $0x3  }
0x12: {  	s22 =	simm.s32 $0x5;
	s7 =	simm.s32 $0x7;
	s16 =	simm.s32 $0xC  }
0x13: {  	s5 =	simm.s32 $0x10;
	s6 =	sadd.s32 s6, s0;
	s19 =	sadd.s32 $0x1000, s1  }
0x14: {  	s12 =	sadd.s32 $0x2000, s1;
	s13 =	sadd.s32 $0x3000, s1;
	[dreg:$0x8] =	wrdreg s20  }
0x15: {  	s1 =	sadd.s32 $0x4000, s1;
	s0 =	sadd.s32 s10, s0;
	[dreg:$0xa] =	wrdreg s15  }
0x16: {  	s20 =	simm.s32 $0x7D;
	[dreg:$0xc] =	wrdreg s21;
	s6 =	sadd.s32 $0x6E600, s6  }
0x17: {  	s10 =	simm.s32 $0xA;
	s0 =	sadd.s32 s0, s18;
	[dreg:$0x7] =	wrdreg s6  }
0x18: {  	s23 =	sshrl.u32 s19, $0x3;
	s24 =	sshrl.u32 s12, $0x3;
	[dreg:$0x9] =	wrdreg s0  }
0x19: {  	s25 =	sshrl.u32 s13, $0x3;
	s26 =	sshrl.u32 s1, $0x3;
	[dreg:$0xd] =	wrdreg s23  }
.Ltmp0:
0x1a: {  	s12 =	simm.s32 $0xFDC0;
	[dreg:$0xe] =	wrdreg s24;
	(pc) =	sbr.rel .LBB2_1-.Ltmp0, $4  }
0x1b: {  	s1 =	simm.s32 $0x4;
	s18 =	simm.s32 $0xE;
	[dreg:$0xf] =	wrdreg s25  }
0x1c: {  	s19 =	simm.s32 $0xF;
	s13 =	simm.s32 $0x0;
	[dreg:$0x10] =	wrdreg s26  }
0x1d: {  	s23 =	simm.s32 $0xAFA0;
	s25 =	simm.s32 $0xBF40;
	s0 =	simm.s32 $0xEE20  }
0x1e: {  	s24 =	simm.s32 $0x10D60;
	s26 =	simm.s32 $0x1;
	s6 =	simm.s32 $0x6  }
.LBB2_4:
0x1f: {  	_ =	swait.ge [sflag:s10], $0xFA0  }
0x20: {  	[sflag:s10] =	ssyncset.done $0x0  }
0x21: {  	[sflag:s10] =	ssyncadd.s32 $0xFFFFF060  }
0x22: {  	_ =	swait.ge [sflag:s14], $0xFA0  }
0x23: {  	[sflag:s14] =	ssyncset.done $0x0  }
0x24: {  	[sflag:s14] =	ssyncadd.s32 $0xFFFFF060  }
0x25: {  	_ =	swait.ge [sflag:s16], $0xFA0  }
0x26: {  	[sflag:s16] =	ssyncset.done $0x0  }
0x27: {  	[sflag:s16] =	ssyncadd.s32 $0xFFFFF060  }
0x28: {  	_ =	swait.ge [sflag:s17], $0xFA0  }
0x29: {  	[sflag:s17] =	ssyncset.done $0x0  }
0x2a: {  	[sflag:s17] =	ssyncadd.s32 $0xFFFFF060  }
0x2b: {  	_ =	swait.ge [sflag:s18], $0xFA0  }
0x2c: {  	[sflag:s18] =	ssyncset.done $0x0  }
0x2d: {  	[sflag:s18] =	ssyncadd.s32 $0xFFFFF060  }
0x2e: {  	_ =	swait.ge [sflag:s19], $0xFA0  }
0x2f: {  	[sflag:s19] =	ssyncset.done $0x0  }
0x30: {  	[sflag:s19] =	ssyncadd.s32 $0xFFFFF060  }
0x31: {  	_ =	swait.ge [sflag:s5], $0xFA0  }
0x32: {  	[sflag:s5] =	ssyncset.done $0x0  }
0x33: {  	[sflag:s5] =	ssyncadd.s32 $0xFFFFF060  }
0x34: {  	[bflag:$0x0] =	sbarrier.arrive $0xFFFF  }
0x35: {  	s2 =	rddreg [dreg:$0x7]  }
0x36: {  	s15 =	rddreg [dreg:$0xa]  }
0x37: {  	s21 =	rddreg [dreg:$0xc]  }
0x38: {  	[hbm:s2], [sflag:s15] =	dma.local [spmem:s21], $0x9C4  }
0x39: {  	_ =	swait.ge [sflag:s11], $0x9C4  }
0x3a: {  	s13 =	rddreg [dreg:$0x11]  }
0x3b: {  	s21 =	rddreg [dreg:$0x8];
	s13 =	sadd.s32 $0x1, s13  }
0x3c: {  	p0 =	sne.s32 s13, s21  }
.Ltmp1:
0x3d: {  	_ = 	snop;
	(pc) =	sbr.rel @!p0 .LBB2_5-.Ltmp1, $3  }
0x3e: {  	_ =	sdelay $0x1  }
0x3f: {  	[sflag:s11] =	ssyncset.done $0x0  }
0x40: {  	[sflag:s11] =	ssyncadd.s32 $0xFFFFF63C  }
.LBB2_1:
0x41: {  	[dreg:$0x11] =	wrdreg s13  }
0x42: {  	s21 =	simm.s32 $0x0;
	s2 =	rddreg [dreg:$0x5]  }
0x43: {  	[tilespmem:s21], [sflag:$0x11] =	stream.linear.gather [hbm4b:s2+s21], $0x5000, $0x38;
	[tilespmem:$0x1B940] =	vst v63  }
0x44: {  	s13 =	simm.s32 $0x0;
	_ =	swait.ge [sflag:s11], $0x5000  }
0x45: {  	s21 =	simm.s32 $0x11;
	[sflag:s11] =	ssyncset.done $0x0;
	s2 =	rddreg [dreg:$0x6]  }
0x46: {  	[sflag:s11] =	ssyncadd.s32 $0xFFFFB000;
	s11 =	smov.u32 s15;
	s15 =	simm.s32 $0x5000  }
0x47: {  	[tilespmem:s15], [sflag:$0x11] =	stream.linear.gather [hbm4b:s2+s13], $0x5000, $0x38;
	[tilespmem:$0x1B940] =	vst v63  }
0x48: {  	_ =	swait.ge [sflag:s21], $0x5000  }
0x49: {  	[sflag:s21] =	ssyncset.done $0x0;
	s15 =	rddreg [dreg:$0x9]  }
0x4a: {  	s13 =	rddreg [dreg:$0xb];
	[sflag:s21] =	ssyncadd.s32 $0xFFFFB000  }
0x4b: {  	[spmem:s13], [sflag:s11] =	dma.local [hbm:s15], $0x9C4  }
0x4c: {  	_ =	swait.ge [sflag:s21], $0x9C4  }
0x4d: {  	[sflag:s21] =	ssyncset.done $0x0  }
0x4e: {  	s15 =	rddreg [dreg:$0xc];
	[sflag:s21] =	ssyncadd.s32 $0xFFFFF63C  }
0x4f: {  	s2 =	rddreg [dreg:$0x1]  }
0x50: {  	[spmem:s15], [sflag:s11] =	dma.local [hbm:s2], $0x200  }
0x51: {  	_ =	swait.ge [sflag:s21], $0x200  }
0x52: {  	[sflag:s21] =	ssyncset.done $0x0  }
0x53: {  	s15 =	rddreg [dreg:$0xd];
	[sflag:s21] =	ssyncadd.s32 $0xFFFFFE00  }
0x54: {  	[spmem:s15], [sflag:s11] =	dma.local [hbm:s2], $0x200  }
0x55: {  	_ =	swait.ge [sflag:s21], $0x200  }
0x56: {  	[sflag:s21] =	ssyncset.done $0x0  }
0x57: {  	s15 =	rddreg [dreg:$0xe];
	[sflag:s21] =	ssyncadd.s32 $0xFFFFFE00  }
0x58: {  	[spmem:s15], [sflag:s11] =	dma.local [hbm:s2], $0x200  }
0x59: {  	_ =	swait.ge [sflag:s21], $0x200  }
0x5a: {  	[sflag:s21] =	ssyncset.done $0x0  }
0x5b: {  	s15 =	rddreg [dreg:$0xf];
	[sflag:s21] =	ssyncadd.s32 $0xFFFFFE00  }
0x5c: {  	[spmem:s15], [sflag:s11] =	dma.local [hbm:s2], $0x200  }
0x5d: {  	_ =	swait.ge [sflag:s21], $0x200  }
0x5e: {  	[sflag:s21] =	ssyncset.done $0x0  }
0x5f: {  	[sflag:s21] =	ssyncadd.s32 $0xFFFFFE00;
	s21 =	rddreg [dreg:$0x10]  }
0x60: {  	[spmem:s21], [sflag:s11] =	dma.local [hbm:s2], $0x1C4  }
0x61: {  	s11 =	simm.s32 $0x11  }
0x62: {  	_ =	swait.ge [sflag:s11], $0x1C4  }
0x63: {  	[sflag:s11] =	ssyncset.done $0x0  }
0x64: {  	[sflag:s11] =	ssyncadd.s32 $0xFFFFFE3C  }
0x65: {  	s13 =	simm.s32 $0x0;
	s21 =	simm.s32 $0xA000;
	[bflag:$0x0] =	sbarrier.arrive $0xFFFF  }
0x66: {  	[tilespmem:s21], [sflag:$0x1] =	stream.indirect.gather [spmem:s3], $0x20, s13, s20, $0xb8;
	[tilespmem:$0x1B940] =	vst v63  }
0x67: {  	s15 =	simm.s32 $0x80  }
0x68: {  	[tilespmem:s23], [sflag:$0x2] =	stream.indirect.gather [spmem:s3], $0x20, s15, s20, $0xb8;
	[tilespmem:$0x1B940] =	vst v63  }
0x69: {  	s13 =	simm.s32 $0x100  }
0x6a: {  	[tilespmem:s25], [sflag:$0x3] =	stream.indirect.gather [spmem:s3], $0x20, s13, s20, $0xb8;
	[tilespmem:$0x1B940] =	vst v63  }
0x6b: {  	s15 =	simm.s32 $0x180  }
0x6c: {  	[tilespmem:s28], [sflag:$0x4] =	stream.indirect.gather [spmem:s3], $0x20, s15, s20, $0xb8;
	[tilespmem:$0x1B940] =	vst v63  }
0x6d: {  	s13 =	simm.s32 $0x200  }
0x6e: {  	[tilespmem:s30], [sflag:$0x5] =	stream.indirect.gather [spmem:s3], $0x20, s13, s20, $0xb8;
	[tilespmem:$0x1B940] =	vst v63  }
0x6f: {  	s15 =	simm.s32 $0x280  }
0x70: {  	[tilespmem:s0], [sflag:$0x6] =	stream.indirect.gather [spmem:s3], $0x20, s15, s20, $0xb8;
	[tilespmem:$0x1B940] =	vst v63  }
0x71: {  	s13 =	simm.s32 $0x300  }
0x72: {  	[tilespmem:s12], [sflag:$0x7] =	stream.indirect.gather [spmem:s3], $0x20, s13, s20, $0xb8;
	[tilespmem:$0x1B940] =	vst v63  }
0x73: {  	s2 =	simm.s32 $0x0;
	s15 =	simm.s32 $0x380  }
0x74: {  	[tilespmem:s24], [sflag:$0x8] =	stream.indirect.gather [spmem:s3], $0x20, s15, s20, $0xb8;
	[tilespmem:$0x1B940] =	vst v63  }
.LBB2_2:
0x75: {  	_ =	swait.ge [sflag:s26], $0xFA0  }
0x76: {  	s13 =	sshra.s32 s2, $0x2;
	[sflag:s26] =	ssyncset.done $0x0  }
0x77: {  	s15 =	sadd.s32 $0x5000, s13;
	[sflag:s26] =	ssyncadd.s32 $0xFFFFF060  }
0x78: {  	[spmem:s4] =	stream.indirect.scatter.add.f32 [tilespmem:s21], [sflag:$0x9], $0x20, s15, s20, $0xb8;
	[tilespmem:$0x1B940] =	vst v63  }
0x79: {  	_ =	swait.ge [sflag:s29], $0xFA0  }
0x7a: {  	[sflag:s29] =	ssyncset.done $0x0  }
0x7b: {  	s15 =	sadd.s32 $0x5080, s13;
	[sflag:s29] =	ssyncadd.s32 $0xFFFFF060  }
0x7c: {  	[spmem:s4] =	stream.indirect.scatter.add.f32 [tilespmem:s23], [sflag:$0xA], $0x20, s15, s20, $0xb8;
	[tilespmem:$0x1B940] =	vst v63  }
0x7d: {  	_ =	swait.ge [sflag:s31], $0xFA0  }
0x7e: {  	[sflag:s31] =	ssyncset.done $0x0  }
0x7f: {  	s15 =	sadd.s32 $0x5100, s13;
	[sflag:s31] =	ssyncadd.s32 $0xFFFFF060  }
0x80: {  	[spmem:s4] =	stream.indirect.scatter.add.f32 [tilespmem:s25], [sflag:$0xB], $0x20, s15, s20, $0xb8;
	[tilespmem:$0x1B940] =	vst v63  }
0x81: {  	_ =	swait.ge [sflag:s1], $0xFA0  }
0x82: {  	[sflag:s1] =	ssyncset.done $0x0  }
0x83: {  	s15 =	sadd.s32 $0x5180, s13;
	[sflag:s1] =	ssyncadd.s32 $0xFFFFF060  }
0x84: {  	[spmem:s4] =	stream.indirect.scatter.add.f32 [tilespmem:s28], [sflag:$0xC], $0x20, s15, s20, $0xb8;
	[tilespmem:$0x1B940] =	vst v63  }
0x85: {  	_ =	swait.ge [sflag:s22], $0xFA0  }
0x86: {  	[sflag:s22] =	ssyncset.done $0x0  }
0x87: {  	s15 =	sadd.s32 $0x5200, s13;
	[sflag:s22] =	ssyncadd.s32 $0xFFFFF060  }
0x88: {  	[spmem:s4] =	stream.indirect.scatter.add.f32 [tilespmem:s30], [sflag:$0xD], $0x20, s15, s20, $0xb8;
	[tilespmem:$0x1B940] =	vst v63  }
0x89: {  	_ =	swait.ge [sflag:s6], $0xFA0  }
0x8a: {  	[sflag:s6] =	ssyncset.done $0x0  }
0x8b: {  	s15 =	sadd.s32 $0x5280, s13;
	[sflag:s6] =	ssyncadd.s32 $0xFFFFF060  }
0x8c: {  	[spmem:s4] =	stream.indirect.scatter.add.f32 [tilespmem:s0], [sflag:$0xE], $0x20, s15, s20, $0xb8;
	[tilespmem:$0x1B940] =	vst v63  }
0x8d: {  	_ =	swait.ge [sflag:s7], $0xFA0  }
0x8e: {  	[sflag:s7] =	ssyncset.done $0x0  }
0x8f: {  	s15 =	sadd.s32 $0x5300, s13;
	[sflag:s7] =	ssyncadd.s32 $0xFFFFF060  }
0x90: {  	[spmem:s4] =	stream.indirect.scatter.add.f32 [tilespmem:s12], [sflag:$0xF], $0x20, s15, s20, $0xb8;
	[tilespmem:$0x1B940] =	vst v63  }
0x91: {  	_ =	swait.ge [sflag:s8], $0xFA0  }
0x92: {  	p0 =	seq.s32 s2, $0x13000;
	[sflag:s8] =	ssyncset.done $0x0  }
.Ltmp2:
0x93: {  	s15 =	sadd.s32 $0x5380, s13;
	[sflag:s8] =	ssyncadd.s32 $0xFFFFF060;
	(pc) =	sbr.rel @p0 .LBB2_4-.Ltmp2, $4  }
0x94: {  	[spmem:s4] =	stream.indirect.scatter.add.f32 [tilespmem:s24], [sflag:$0x10], $0x20, s15, s20, $0xb8;
	[tilespmem:$0x1B940] =	vst v63  }
0x95: {  	_ =	swait.ge [sflag:s9], $0xFA0  }
0x96: {  	[sflag:s9] =	ssyncset.done $0x0  }
0x97: {  	[sflag:s9] =	ssyncadd.s32 $0xFFFFF060  }
0x98: {  	s15 =	sadd.s32 $0x400, s13  }
0x99: {  	[tilespmem:s21], [sflag:$0x1] =	stream.indirect.gather [spmem:s3], $0x20, s15, s20, $0xb8;
	[tilespmem:$0x1B940] =	vst v63  }
0x9a: {  	_ =	swait.ge [sflag:s10], $0xFA0  }
0x9b: {  	[sflag:s10] =	ssyncset.done $0x0  }
0x9c: {  	s15 =	sadd.s32 $0x480, s13;
	[sflag:s10] =	ssyncadd.s32 $0xFFFFF060  }
0x9d: {  	[tilespmem:s23], [sflag:$0x2] =	stream.indirect.gather [spmem:s3], $0x20, s15, s20, $0xb8;
	[tilespmem:$0x1B940] =	vst v63  }
0x9e: {  	_ =	swait.ge [sflag:s14], $0xFA0  }
0x9f: {  	[sflag:s14] =	ssyncset.done $0x0  }
0xa0: {  	s15 =	sadd.s32 $0x500, s13;
	[sflag:s14] =	ssyncadd.s32 $0xFFFFF060  }
0xa1: {  	[tilespmem:s25], [sflag:$0x3] =	stream.indirect.gather [spmem:s3], $0x20, s15, s20, $0xb8;
	[tilespmem:$0x1B940] =	vst v63  }
0xa2: {  	_ =	swait.ge [sflag:s16], $0xFA0  }
0xa3: {  	[sflag:s16] =	ssyncset.done $0x0  }
0xa4: {  	s15 =	sadd.s32 $0x580, s13;
	[sflag:s16] =	ssyncadd.s32 $0xFFFFF060  }
0xa5: {  	[tilespmem:s28], [sflag:$0x4] =	stream.indirect.gather [spmem:s3], $0x20, s15, s20, $0xb8;
	[tilespmem:$0x1B940] =	vst v63  }
0xa6: {  	_ =	swait.ge [sflag:s17], $0xFA0  }
0xa7: {  	[sflag:s17] =	ssyncset.done $0x0  }
0xa8: {  	s15 =	sadd.s32 $0x600, s13;
	[sflag:s17] =	ssyncadd.s32 $0xFFFFF060  }
0xa9: {  	[tilespmem:s30], [sflag:$0x5] =	stream.indirect.gather [spmem:s3], $0x20, s15, s20, $0xb8;
	[tilespmem:$0x1B940] =	vst v63  }
0xaa: {  	_ =	swait.ge [sflag:s18], $0xFA0  }
0xab: {  	[sflag:s18] =	ssyncset.done $0x0  }
0xac: {  	s15 =	sadd.s32 $0x680, s13;
	[sflag:s18] =	ssyncadd.s32 $0xFFFFF060  }
0xad: {  	[tilespmem:s0], [sflag:$0x6] =	stream.indirect.gather [spmem:s3], $0x20, s15, s20, $0xb8;
	[tilespmem:$0x1B940] =	vst v63  }
0xae: {  	_ =	swait.ge [sflag:s19], $0xFA0  }
0xaf: {  	[sflag:s19] =	ssyncset.done $0x0  }
0xb0: {  	s15 =	sadd.s32 $0x700, s13;
	[sflag:s19] =	ssyncadd.s32 $0xFFFFF060  }
0xb1: {  	[tilespmem:s12], [sflag:$0x7] =	stream.indirect.gather [spmem:s3], $0x20, s15, s20, $0xb8;
	[tilespmem:$0x1B940] =	vst v63  }
.Ltmp3:
0xb2: {  	_ = 	snop;
	(pc) =	sbr.rel .LBB2_2-.Ltmp3, $4  }
0xb3: {  	_ =	swait.ge [sflag:s5], $0xFA0  }
0xb4: {  	[sflag:s5] =	ssyncset.done $0x0  }
0xb5: {  	s2 =	sadd.s32 $0x1000, s2;
	s15 =	sadd.s32 $0x780, s13;
	[sflag:s5] =	ssyncadd.s32 $0xFFFFF060  }
0xb6: {  	[tilespmem:s24], [sflag:$0x8] =	stream.indirect.gather [spmem:s3], $0x20, s15, s20, $0xb8;
	[tilespmem:$0x1B940] =	vst v63  }
.LBB2_5:
0xb7: {  	_ =	sfence.sel $0x180000  }
0xb8: {  	[bflag:$0x0] =	sbarrier.arrive $0xFFFF  }
0xb9: {  	_ =	strace $0x9000004A  }
0xba: {  	s0 =	stileid.u32;
	[bflag:$0x2] =	sbarrier.arrive $0xFFFF  }
0xbb: {  	p0 =	sne.s32 s0, $0x0;
	s0 =	rddreg [dreg:$0x4]  }
0xbc: {  	s0 =	sadd.s32 @!p0 $0x100000, s0  }
0xbd: {  	[sflag:s0] =	ssyncadd.tile.s32 @!p0 $0x1;
	_ =	shalt  }
.Lfunc_end2:
_tile_overlayer_lowered:
.L_overlay_start_2:
0xbe: {  	(tag) =	ssettag $0x2  }
0xbf: {  	s0 =	rddreg [dreg:$0x0];
	s2 =	stileid.u32  }
0xc0: {  	s1 =	rddreg [dreg:$0x1];
	p0 =	sne.s32 s2, $0x0  }
0xc1: {  	s3 =	rddreg [dreg:$0x2];
	[bflag:$0x3] =	sbarrier.arrive $0xFFFF;
	s2 =	simm.s32 @!p0 $0x1C11  }
0xc2: {  	[timem:s3], [sflag:s2] =	dma.local @!p0 [hbm:s0], s1  }
0xc3: {  	s0 =	simm.s32 @!p0 $0x11  }
0xc4: {  	_ =	swait.ge @!p0 [sflag:s0], s1  }
0xc5: {  	s1 =	ssub.s32 @!p0 $0x0, s1;
	[sflag:s0] =	ssyncset.done @!p0 $0x0  }
0xc6: {  	[sflag:s0] =	ssyncadd.s32 @!p0 s1  }
0xc7: {  	[bflag:$0x3] =	sbarrier.arrive $0xFFFF  }
0xc8: {  	_ =	shalt  }

// kernel: kernel.14.cloned.1.call-start
scs
__scs_entry_jumppad:
0x0: {  	(pc) =	sbr.rel $0x88, $3  }
0x1: {  	(tag) =	ssettag $0x0;
	lr =	simm.s32 $0x1  }
0x2: {  	[smem:$0x3F9A] =	sst lr;
	_ =	strace $0xD0000000  }
0x3: {  	_ = 	snop  }
0x4: {  	_ = 	snop  }
0x5: {  	_ = 	snop  }
0x6: {  	_ = 	snop  }
0x7: {  	_ = 	snop  }
__scs_overlays_trampoline_lowered:
0x8: {  	[smem:$0x3FA9] =	sst s0  }
0x9: {  	[smem:$0x3FAA] =	sst s1  }
0xa: {  	[smem:$0x3FAB] =	sst s2  }
0xb: {  	[smem:$0x3FAC] =	sst s3  }
0xc: {  	[smem:$0x3FAD] =	sst s4  }
0xd: {  	[smem:$0x3FAE] =	sst s5  }
0xe: {  	[smem:$0x3FAF] =	sst s6  }
0xf: {  	[smem:$0x3FB0] =	sst s7  }
0x10: {  	[smem:$0x3FB1] =	sst s8  }
0x11: {  	[smem:$0x3FB2] =	sst s9;
	s0 =	simm.s32 @!p0 $0x0  }
0x12: {  	s1 =	sld [smem:$0x3F98];
	s0 =	simm.s32 @p0 $0x1  }
0x13: {  	[smem:$0x3FB3] =	sst s0;
	s0 =	simm.s32 @!p1 $0x0  }
0x14: {  	s2 =	sld [smem:$0x3F97];
	s0 =	simm.s32 @p1 $0x1  }
0x15: {  	[smem:$0x3FB4] =	sst s0;
	s0 =	simm.s32 @!p2 $0x0  }
0x16: {  	s3 =	sld [smem:$0x3FDB];
	s0 =	simm.s32 @p2 $0x1  }
0x17: {  	s4 =	simm.s32 $0x1BF5;
	[smem:$0x3FB6] =	sst s0  }
0x18: {  	s0 =	sld [smem:$0x3F99];
	_ =	swait.ge [sflag:s4], $0x0  }
0x19: {  	s7 =	sld [smem:$0x3F9A]  }
0x1a: {  	s8 =	sadd.s32 $0xFFFFE003, lr  }
0x1b: {  	s9 =	sadd.s32 $0xFFFFFEF7, lr;
	s5 =	simm.s32 $0xFFFFFFFF;
	p2 =	slt.u32 s8, $0xFFFFF086  }
0x1c: {  	p1 =	slt.u32 s9, $0xF7A;
	s5 =	simm.s32 @!p2 $0x0  }
0x1d: {  	s5 =	simm.s32 @p1 $0x1;
	p0 =	seq.s32 s7, s2  }
0x1e: {  	s7 =	smul.u32 @!p0 $0xF7A, s2;
	p2 =	seq.s32 @!p0 s5, $0x0  }
0x1f: {  	s9 =	smul.u32 $0xF7A, s1;
	s8 =	simm.s32 @!p0 $0x1BF5;
	p2 =	por !p2, p0  }
0x20: {  	[sflag:s8] =	ssyncset.s32 @!p0 $0xFFFFF086;
	s6 =	sadd.s32 @!p0 s3, s7;
	s7 =	simm.s32 @!p0 $0x108  }
0x21: {  	s3 =	sadd.s32 s3, s9;
	s6 =	sadd.s32 @!p0 $0x88, s6;
	s7 =	simm.s32 @p2 $0x1082  }
0x22: {  	[simem:s7], [sflag:s8] =	dma.local @!p0 [hbm:s6], $0xF7A  }
0x23: {  	s9 =	sor.u32 $0xD0000000, s2;
	s6 =	simm.s32 $0x108;
	_ =	swait.ge @!p0 [sflag:s8], $0x0  }
0x24: {  	s3 =	sadd.s32 $0x88, s3;
	s6 =	simm.s32 @!p1 $0x1082;
	[sflag:s4] =	ssyncset.s32 $0xFFFFF086  }
0x25: {  	[simem:s6], [sflag:s4] =	dma.local [hbm:s3], $0xF7A  }
0x26: {  	[smem:$0x3F9A] =	sst s1;
	(tag) =	ssettag s2;
	_ =	strace s9  }
0x27: {  	s1 =	sld [smem:$0x3FAA]  }
0x28: {  	s2 =	sld [smem:$0x3FAB]  }
0x29: {  	s4 =	sld [smem:$0x3FAD]  }
0x2a: {  	p0 =	seq.s32 s5, $0x0;
	s5 =	sld [smem:$0x3FAE]  }
0x2b: {  	s6 =	sld [smem:$0x3FAF]  }
0x2c: {  	s7 =	sld [smem:$0x3FB0]  }
0x2d: {  	s3 =	simm.s32 $0x108;
	s8 =	sld [smem:$0x3FB1]  }
0x2e: {  	s3 =	simm.s32 @!p0 $0x1082;
	s9 =	sld [smem:$0x3FB2]  }
0x2f: {  	lr =	sadd.s32 s0, s3;
	s0 =	sld [smem:$0x3FA9]  }
0x30: {  	s3 =	sld [smem:$0x3FAC]  }
0x31: {  	[smem:$0x3FB5] =	sst s10  }
0x32: {  	s10 =	sld [smem:$0x3FB3];
	_ =	sdelay $0x3  }
0x33: {  	p0 =	seq.s32 s10, $0x1;
	s10 =	sld [smem:$0x3FB5];
	_ =	sdelay $0x3  }
0x34: {  	[smem:$0x3FB5] =	sst s10  }
0x35: {  	s10 =	sld [smem:$0x3FB4];
	_ =	sdelay $0x3  }
0x36: {  	p1 =	seq.s32 s10, $0x1;
	s10 =	sld [smem:$0x3FB5];
	_ =	sdelay $0x3  }
0x37: {  	[smem:$0x3FB5] =	sst s10  }
0x38: {  	s10 =	sld [smem:$0x3FB6]  }
0x39: {  	_ = 	snop;
	(pc) =	sbr.ind lr, $3  }
0x3a: {  	_ = 	snop  }
0x3b: {  	_ = 	snop  }
0x3c: {  	p2 =	seq.s32 s10, $0x1;
	s10 =	sld [smem:$0x3FB5]  }
0x3d: {  	_ =	shalt  }
0x3e: {  	_ =	shalt  }
0x3f: {  	_ =	shalt  }
0x40: {  	_ =	shalt  }
0x41: {  	_ =	shalt  }
0x42: {  	_ =	shalt  }
0x43: {  	_ =	shalt  }
0x44: {  	_ =	shalt  }
0x45: {  	_ =	shalt  }
0x46: {  	_ =	shalt  }
0x47: {  	_ =	shalt  }
0x48: {  	_ =	shalt  }
0x49: {  	_ =	shalt  }
0x4a: {  	_ =	shalt  }
0x4b: {  	_ =	shalt  }
0x4c: {  	_ =	shalt  }
0x4d: {  	_ =	shalt  }
0x4e: {  	_ =	shalt  }
0x4f: {  	_ =	shalt  }
0x50: {  	_ =	shalt  }
0x51: {  	_ =	shalt  }
0x52: {  	_ =	shalt  }
0x53: {  	_ =	shalt  }
0x54: {  	_ =	shalt  }
0x55: {  	_ =	shalt  }
0x56: {  	_ =	shalt  }
0x57: {  	_ =	shalt  }
0x58: {  	_ =	shalt  }
0x59: {  	_ =	shalt  }
0x5a: {  	_ =	shalt  }
0x5b: {  	_ =	shalt  }
0x5c: {  	_ =	shalt  }
0x5d: {  	_ =	shalt  }
0x5e: {  	_ =	shalt  }
0x5f: {  	_ =	shalt  }
0x60: {  	_ =	shalt  }
0x61: {  	_ =	shalt  }
0x62: {  	_ =	shalt  }
0x63: {  	_ =	shalt  }
0x64: {  	_ =	shalt  }
0x65: {  	_ =	shalt  }
0x66: {  	_ =	shalt  }
0x67: {  	_ =	shalt  }
0x68: {  	_ =	shalt  }
0x69: {  	_ =	shalt  }
0x6a: {  	_ =	shalt  }
0x6b: {  	_ =	shalt  }
0x6c: {  	_ =	shalt  }
0x6d: {  	_ =	shalt  }
0x6e: {  	_ =	shalt  }
0x6f: {  	_ =	shalt  }
0x70: {  	_ =	shalt  }
0x71: {  	_ =	shalt  }
0x72: {  	_ =	shalt  }
0x73: {  	_ =	shalt  }
0x74: {  	_ =	shalt  }
0x75: {  	_ =	shalt  }
0x76: {  	_ =	shalt  }
0x77: {  	_ =	shalt  }
0x78: {  	_ =	shalt  }
0x79: {  	_ =	shalt  }
0x7a: {  	_ =	shalt  }
0x7b: {  	_ =	shalt  }
0x7c: {  	_ =	shalt  }
0x7d: {  	_ =	shalt  }
0x7e: {  	_ =	shalt  }
0x7f: {  	_ =	shalt  }
0x80: {  	_ =	shalt  }
0x81: {  	_ =	shalt  }
0x82: {  	_ =	shalt  }
0x83: {  	_ =	shalt  }
0x84: {  	_ =	shalt  }
0x85: {  	_ =	shalt  }
0x86: {  	_ =	shalt  }
0x87: {  	_ =	shalt  }
.Lfunc_end0:
.L_simem_size_0:
called_computation.2_lowered:
.L_overlay_start_0:
0x88: {  	s2 =	sld [smem:$0x3FD9]  }
0x89: {  	s3 =	sld [smem:$0x3FFE];
	_ =	sdelay $0x1  }
0x8a: {  	s1 =	srdreg.scid  }
0x8b: {  	s0 =	sand.u32 $0x1, s1  }
0x8c: {  	s17 =	sshll.u32 s0, $0xA;
	s2 =	sadd.s32 s3, s2  }
0x8d: {  	s2 =	sadd.s32 s2, s17  }
0x8e: {  	[smem:$0x3FC1] =	sst s2  }
0x8f: {  	_ = 	snop  }
0x90: {  	s2 =	sld [smem:$0x3FD0];
	(tm) =	ssettm $0x1  }
0x91: {  	s18 =	sld [smem:$0x3FFB];
	_ =	sdelay $0x3  }
0x92: {  	_ =	strace s18  }
0x93: {  	s3 =	sld [smem:$0x3FFC];
	_ =	sdelay $0x3  }
0x94: {  	_ =	strace s3  }
0x95: {  	s3 =	sld [smem:$0x3FFD];
	_ =	sdelay $0x3  }
0x96: {  	_ =	strace s3  }
0x97: {  	_ =	strace $0x8FFFFFFF  }
0x98: {  	s19 =	sld [smem:$0x3FDB];
	_ =	sdelay $0x1  }
0x99: {  	s4 =	simm.s32 $_scs_section_size  }
0x9a: {  	s5 =	simm.s32 $_size__tile_overlayer_lowered;
	s6 =	simm.s32 $_tile_overlayer_lowered  }
0x9b: {  	s22 =	simm.s32 $0x1BFF;
	s21 =	sshll.u32 s6, $0x1;
	s3 =	sadd.s32 s4, s19  }
0x9c: {  	s7 =	simm.s32 $0x0;
	s20 =	sshll.u32 s5, $0x1;
	s5 =	sadd.s32 s21, s3  }
0x9d: {  	[timem:s7], [sflag:s22] =	dma.local [hbm:s5], s20  }
0x9e: {  	_ =	swait.ge [sflag:s22], s20  }
0x9f: {  	s4 =	ssub.s32 $0x0, s20;
	[sflag:s22] =	ssyncset.done $0x0  }
0xa0: {  	[sflag:s22] =	ssyncadd.s32 s4;
	_ =	sdelay $0x1  }
0xa1: {  	s23 =	simm.s32 $0x1B8B  }
0xa2: {  	_ =	swait.ge [sflag:s23], $0x1  }
0xa3: {  	[sflag:s23] =	ssyncset.done $0x0  }
0xa4: {  	s25 =	simm.s32 $0x1B8E;
	s24 =	sld [smem:$0x3FFE];
	[sflag:s23] =	ssyncadd.s32 $0xFFFFFFFF  }
0xa5: {  	s26 =	simm.s32 $execute0_lowered;
	[smem:$0x3FD2] =	sst s25  }
0xa6: {  	s5 =	sshll.u32 s26, $0x1;
	_ =	strace $0x8000004C;
	[dreg:$0x1] =	wrdreg $0xFFFFFFFF  }
0xa7: {  	s28 =	simm.s32 $_size_execute0_lowered;
	s3 =	sadd.s32 s3, s5;
	[dreg:$0x0] =	wrdreg $0x0  }
0xa8: {  	s5 =	sshll.u32 s28, $0x1;
	[dreg:$0x2] =	wrdreg s3  }
0xa9: {  	[dreg:$0x3] =	wrdreg s5  }
0xaa: {  	[dreg:$0x4] =	wrdreg $0xC0  }
0xab: {  	_ =	task [dreg:s7], $0x5FFFF  }
0xac: {  	[dreg:$0x1] =	wrdreg $0xFFFFFFFF  }
0xad: {  	[dreg:$0x0] =	wrdreg $0x60  }
0xae: {  	[dreg:$0x2] =	wrdreg s2  }
0xaf: {  	[dreg:$0x3] =	wrdreg s24  }
0xb0: {  	[dreg:$0x4] =	wrdreg $0xB5900  }
0xb1: {  	[dreg:$0x5] =	wrdreg $0x8E800  }
0xb2: {  	[dreg:$0x6] =	wrdreg $0x9  }
0xb3: {  	_ =	task.clear_ibuf [dreg:s7], $0x7FFFF;
	_ =	strace $0x9000004C  }
0xb4: {  	s29 =	simm.s32 $0x9;
	_ =	strace $0x8000004E  }
0xb5: {  	_ =	swait.ge [sflag:s29], $0x1  }
0xb6: {  	[sflag:s29] =	ssyncadd.s32 $0xFFFFFFFF  }
0xb7: {  	_ =	strace $0x9000004E  }
0xb8: {  	_ =	sfence  }
0xb9: {  	s30 =	sld [smem:$0x0];
	_ =	sdelay $0x2  }
0xba: {  	s31 =	sshll.u32 s1, $0xD;
	s1 =	sshrl.u32 s1, $0x2  }
0xbb: {  	s3 =	sand.u32 $0x4000, s31;
	s1 =	sadd.s32 s1, s30  }
0xbc: {  	s0 =	sor.u32 s3, s0;
	s1 =	sshll.u32 s1, $0x11  }
0xbd: {  	s0 =	sor.u32 s1, s0  }
0xbe: {  	s0 =	sadd.s32 $0x8F2B, s0  }
0xbf: {  	[sflag:s0] =	ssyncadd.remote.s32 $0x1  }
0xc0: {  	_ =	sfence.sel $0xFFFF  }
0xc1: {  	[dreg:$0x0] =	wrdreg $0xFFFFFFFF;
	(pc) =	sbr.abs _section_cstart, $3  }
0xc2: {  	[dreg:$0x1] =	wrdreg $0xFFFFFFFF  }
0xc3: {  	_ =	task.clear_ibuf [dreg:s7], $0x2FFFF;
	_ =	strace $0x9FFFFFFF  }
0xc4: {  	(tm) =	ssettm $0x7FFFFFFF  }
0xc5: {  	_ =	shalt  }
tec
execute0_lowered:
.L_overlay_start_1:
0x0: {  	(tag) =	ssettag $0x1  }
0x1: {  	s0 =	rddreg [dreg:$0x0]  }
0x2: {  	s1 =	srdreg.scid;
	s4 =	rddreg [dreg:$0x1]  }
0x3: {  	s10 =	stileid.u32;
	s2 =	rddreg [dreg:$0x2]  }
0x4: {  	s7 =	simm.s32 $0x0;
	s28 =	simm.s32 $0x6770;
	s30 =	simm.s32 $0x6F40  }
0x5: {  	s29 =	simm.s32 $0x2;
	s31 =	simm.s32 $0x3;
	s21 =	simm.s32 $0x0  }
0x6: {  	s1 =	sand.u32 $0x1, s1;
	s3 =	sshll.u32 s10, $0x1;
	s6 =	smul.u32 $0x2710, s10  }
0x7: {  	[smem:$0x7FF] =	sst s7;
	s9 =	smul.u32 $0x9C40, s10;
	s11 =	sadd.s32 $0x33200, s4  }
0x8: {  	s16 =	sshll.u32 s10, $0x6;
	s10 =	simm.s32 $0xA;
	s5 =	sor.u32 s1, s3  }
0x9: {  	s3 =	rddreg [dreg:$0x3];
	s22 =	smul.u32 $0x27100, s1;
	_ =	strace $0x8000004D  }
0xa: {  	s1 =	ssub.s32 $0x2, s1;
	[dreg:$0x5] =	wrdreg s11;
	s15 =	sor.u32 $0x1C11, s16  }
0xb: {  	s16 =	simm.s32 $0xC;
	[dreg:$0x12] =	wrdreg s21;
	s5 =	smul.u32 $0x500, s5  }
0xc: {  	s8 =	sshrl.u32 s1, $0x1;
	s24 =	sshrl.u32 s6, $0x3;
	s25 =	sshrl.u32 s9, $0x2  }
0xd: {  	s26 =	sadd.s32 s6, s2;
	s12 =	sadd.s32 s6, s3;
	s9 =	simm.s32 $0x9  }
0xe: {  	[dreg:$0xb] =	wrdreg s15;
	s7 =	sadd.s32 s6, s22;
	s1 =	ssub.s32 s1, s8  }
0xf: {  	s0 =	sadd.s32 s0, s24;
	s11 =	sadd.s32 s25, s3;
	s17 =	sshrl.u32 s26, $0x3  }
0x10: {  	s12 =	sshrl.u32 s12, $0x3;
	s25 =	simm.s32 $0x5FA0;
	s24 =	simm.s32 $0x86B0  }
0x11: {  	s26 =	simm.s32 $0x1;
	s22 =	simm.s32 $0x5;
	s6 =	simm.s32 $0x6  }
0x12: {  	s5 =	sadd.s32 s5, s4;
	s7 =	sshrl.u32 s7, $0x3;
	[dreg:$0x7] =	wrdreg s0  }
0x13: {  	s13 =	sadd.s32 $0x800, s11;
	s14 =	sadd.s32 $0x1000, s11;
	s8 =	sadd.s32 $0x1800, s11  }
0x14: {  	s0 =	sadd.s32 $0x2000, s11;
	s1 =	smax.u32 s1, $0x1;
	[dreg:$0xc] =	wrdreg s17  }
0x15: {  	s17 =	simm.s32 $0xD;
	[dreg:$0xd] =	wrdreg s12;
	s4 =	sadd.s32 s7, s4  }
0x16: {  	s23 =	sadd.s32 $0x46E00, s5;
	s5 =	sadd.s32 $0x2000, s5;
	[dreg:$0xa] =	wrdreg s1  }
0x17: {  	s18 =	sshrl.u32 s13, $0x3;
	s19 =	sshrl.u32 s14, $0x3;
	[dreg:$0x6] =	wrdreg s23  }
0x18: {  	s20 =	sshrl.u32 s8, $0x3;
	s0 =	sshrl.u32 s0, $0x3;
	[dreg:$0x8] =	wrdreg s5  }
0x19: {  	s1 =	simm.s32 $0x7710;
	s14 =	simm.s32 $0x7EE0;
	[dreg:$0xe] =	wrdreg s18  }
.Ltmp0:
0x1a: {  	s7 =	simm.s32 $0x7;
	[dreg:$0xf] =	wrdreg s19;
	(pc) =	sbr.rel .LBB2_1-.Ltmp0, $4  }
0x1b: {  	s8 =	simm.s32 $0x8;
	s13 =	simm.s32 $0xB;
	[dreg:$0x10] =	wrdreg s20  }
0x1c: {  	s4 =	sadd.s32 $0x33400, s4;
	[dreg:$0x11] =	wrdreg s0;
	s20 =	simm.s32 $0x7D  }
0x1d: {  	s23 =	simm.s32 $0x57D0;
	s0 =	simm.s32 $0x4;
	s18 =	simm.s32 $0xE  }
0x1e: {  	s19 =	simm.s32 $0xF;
	[dreg:$0x9] =	wrdreg s4;
	s4 =	simm.s32 $0x10  }
.LBB2_4:
0x1f: {  	_ =	swait.ge [sflag:s10], $0x7D0  }
0x20: {  	[sflag:s10] =	ssyncset.done $0x0  }
0x21: {  	[sflag:s10] =	ssyncadd.s32 $0xFFFFF830  }
0x22: {  	_ =	swait.ge [sflag:s13], $0x7D0  }
0x23: {  	[sflag:s13] =	ssyncset.done $0x0  }
0x24: {  	[sflag:s13] =	ssyncadd.s32 $0xFFFFF830  }
0x25: {  	_ =	swait.ge [sflag:s16], $0x7D0  }
0x26: {  	[sflag:s16] =	ssyncset.done $0x0  }
0x27: {  	[sflag:s16] =	ssyncadd.s32 $0xFFFFF830  }
0x28: {  	_ =	swait.ge [sflag:s17], $0x7D0  }
0x29: {  	[sflag:s17] =	ssyncset.done $0x0  }
0x2a: {  	[sflag:s17] =	ssyncadd.s32 $0xFFFFF830  }
0x2b: {  	_ =	swait.ge [sflag:s18], $0x7D0  }
0x2c: {  	[sflag:s18] =	ssyncset.done $0x0  }
0x2d: {  	[sflag:s18] =	ssyncadd.s32 $0xFFFFF830  }
0x2e: {  	_ =	swait.ge [sflag:s19], $0x7D0  }
0x2f: {  	[sflag:s19] =	ssyncset.done $0x0  }
0x30: {  	[sflag:s19] =	ssyncadd.s32 $0xFFFFF830  }
0x31: {  	_ =	swait.ge [sflag:s4], $0x7D0  }
0x32: {  	[sflag:s4] =	ssyncset.done $0x0  }
0x33: {  	[sflag:s4] =	ssyncadd.s32 $0xFFFFF830  }
0x34: {  	[bflag:$0x0] =	sbarrier.arrive $0xFFFF  }
0x35: {  	s5 =	rddreg [dreg:$0x9]  }
0x36: {  	s15 =	rddreg [dreg:$0xb]  }
0x37: {  	s12 =	rddreg [dreg:$0xd]  }
0x38: {  	[hbm:s5], [sflag:s15] =	dma.local [spmem:s12], $0x4E2  }
0x39: {  	_ =	swait.ge [sflag:s11], $0x4E2  }
0x3a: {  	s11 =	rddreg [dreg:$0x12]  }
0x3b: {  	s12 =	rddreg [dreg:$0xa];
	s11 =	sadd.s32 $0x1, s11  }
0x3c: {  	p0 =	sne.s32 s11, s12  }
.Ltmp1:
0x3d: {  	_ = 	snop;
	(pc) =	sbr.rel @!p0 .LBB2_5-.Ltmp1, $4  }
0x3e: {  	_ = 	snop  }
0x3f: {  	s21 =	simm.s32 $0x11  }
0x40: {  	[sflag:s21] =	ssyncset.done $0x0  }
0x41: {  	[sflag:s21] =	ssyncadd.s32 $0xFFFFFB1E;
	[dreg:$0x12] =	wrdreg s11  }
.LBB2_1:
0x42: {  	s5 =	simm.s32 $0x0;
	s11 =	simm.s32 $0x11;
	s12 =	rddreg [dreg:$0x6]  }
0x43: {  	[tilespmem:s5], [sflag:$0x11] =	stream.linear.gather [hbm4b:s12+s5], $0x2800, $0x38;
	[tilespmem:$0xDCA0] =	vst v63  }
0x44: {  	_ =	swait.ge [sflag:s11], $0x2800  }
0x45: {  	[sflag:s11] =	ssyncset.done $0x0;
	s5 =	rddreg [dreg:$0x7]  }
0x46: {  	s21 =	rddreg [dreg:$0xc];
	[sflag:s11] =	ssyncadd.s32 $0xFFFFD800  }
0x47: {  	[spmem:s21], [sflag:s15] =	dma.local [hbm:s5], $0x4E2  }
0x48: {  	_ =	swait.ge [sflag:s11], $0x4E2  }
0x49: {  	s5 =	simm.s32 $0x2800;
	s21 =	smov.u32 s15;
	[sflag:s11] =	ssyncset.done $0x0  }
0x4a: {  	s15 =	simm.s32 $0x0;
	s12 =	rddreg [dreg:$0x8];
	[sflag:s11] =	ssyncadd.s32 $0xFFFFFB1E  }
0x4b: {  	[tilespmem:s5], [sflag:$0x11] =	stream.linear.gather [hbm4b:s12+s15], $0x2800, $0x38;
	[tilespmem:$0xDCA0] =	vst v63  }
0x4c: {  	_ =	swait.ge [sflag:s11], $0x2800  }
0x4d: {  	[sflag:s11] =	ssyncset.done $0x0;
	s12 =	rddreg [dreg:$0x5]  }
0x4e: {  	[sflag:s11] =	ssyncadd.s32 $0xFFFFD800;
	s11 =	rddreg [dreg:$0xd]  }
0x4f: {  	[spmem:s11], [sflag:s21] =	dma.local [hbm:s12], $0x100  }
0x50: {  	s11 =	simm.s32 $0x11  }
0x51: {  	_ =	swait.ge [sflag:s11], $0x100  }
0x52: {  	[sflag:s11] =	ssyncset.done $0x0  }
0x53: {  	s15 =	rddreg [dreg:$0xe];
	[sflag:s11] =	ssyncadd.s32 $0xFFFFFF00  }
0x54: {  	[spmem:s15], [sflag:s21] =	dma.local [hbm:s12], $0x100  }
0x55: {  	_ =	swait.ge [sflag:s11], $0x100  }
0x56: {  	[sflag:s11] =	ssyncset.done $0x0  }
0x57: {  	s15 =	rddreg [dreg:$0xf];
	[sflag:s11] =	ssyncadd.s32 $0xFFFFFF00  }
0x58: {  	[spmem:s15], [sflag:s21] =	dma.local [hbm:s12], $0x100  }
0x59: {  	_ =	swait.ge [sflag:s11], $0x100  }
0x5a: {  	[sflag:s11] =	ssyncset.done $0x0  }
0x5b: {  	s15 =	rddreg [dreg:$0x10];
	[sflag:s11] =	ssyncadd.s32 $0xFFFFFF00  }
0x5c: {  	[spmem:s15], [sflag:s21] =	dma.local [hbm:s12], $0x100  }
0x5d: {  	_ =	swait.ge [sflag:s11], $0x100  }
0x5e: {  	[sflag:s11] =	ssyncset.done $0x0  }
0x5f: {  	s15 =	rddreg [dreg:$0x11];
	[sflag:s11] =	ssyncadd.s32 $0xFFFFFF00  }
0x60: {  	[spmem:s15], [sflag:s21] =	dma.local [hbm:s12], $0xE2  }
0x61: {  	_ =	swait.ge [sflag:s11], $0xE2  }
0x62: {  	[sflag:s11] =	ssyncset.done $0x0  }
0x63: {  	[sflag:s11] =	ssyncadd.s32 $0xFFFFFF1E  }
0x64: {  	s21 =	simm.s32 $0x5000;
	s12 =	simm.s32 $0x0;
	[bflag:$0x0] =	sbarrier.arrive $0xFFFF  }
0x65: {  	[tilespmem:s21], [sflag:$0x1] =	stream.indirect.gather [spmem:s2], $0x10, s12, s20, $0xb8;
	[tilespmem:$0xDCA0] =	vst v63  }
0x66: {  	s15 =	simm.s32 $0x80  }
0x67: {  	[tilespmem:s23], [sflag:$0x2] =	stream.indirect.gather [spmem:s2], $0x10, s15, s20, $0xb8;
	[tilespmem:$0xDCA0] =	vst v63  }
0x68: {  	s12 =	simm.s32 $0x100  }
0x69: {  	[tilespmem:s25], [sflag:$0x3] =	stream.indirect.gather [spmem:s2], $0x10, s12, s20, $0xb8;
	[tilespmem:$0xDCA0] =	vst v63  }
0x6a: {  	s15 =	simm.s32 $0x180  }
0x6b: {  	[tilespmem:s28], [sflag:$0x4] =	stream.indirect.gather [spmem:s2], $0x10, s15, s20, $0xb8;
	[tilespmem:$0xDCA0] =	vst v63  }
0x6c: {  	s12 =	simm.s32 $0x200  }
0x6d: {  	[tilespmem:s30], [sflag:$0x5] =	stream.indirect.gather [spmem:s2], $0x10, s12, s20, $0xb8;
	[tilespmem:$0xDCA0] =	vst v63  }
0x6e: {  	s15 =	simm.s32 $0x280  }
0x6f: {  	[tilespmem:s1], [sflag:$0x6] =	stream.indirect.gather [spmem:s2], $0x10, s15, s20, $0xb8;
	[tilespmem:$0xDCA0] =	vst v63  }
0x70: {  	s12 =	simm.s32 $0x300  }
0x71: {  	[tilespmem:s14], [sflag:$0x7] =	stream.indirect.gather [spmem:s2], $0x10, s12, s20, $0xb8;
	[tilespmem:$0xDCA0] =	vst v63  }
0x72: {  	s5 =	simm.s32 $0x0;
	s15 =	simm.s32 $0x380  }
0x73: {  	[tilespmem:s24], [sflag:$0x8] =	stream.indirect.gather [spmem:s2], $0x10, s15, s20, $0xb8;
	[tilespmem:$0xDCA0] =	vst v63  }
.LBB2_2:
0x74: {  	_ =	swait.ge [sflag:s26], $0x7D0  }
0x75: {  	s12 =	sshra.s32 s5, $0x2;
	[sflag:s26] =	ssyncset.done $0x0  }
0x76: {  	s15 =	sadd.s32 $0x2800, s12;
	[sflag:s26] =	ssyncadd.s32 $0xFFFFF830  }
0x77: {  	[spmem:s3] =	stream.indirect.scatter.add.f32 [tilespmem:s21], [sflag:$0x9], $0x10, s15, s20, $0xb8;
	[tilespmem:$0xDCA0] =	vst v63  }
0x78: {  	_ =	swait.ge [sflag:s29], $0x7D0  }
0x79: {  	[sflag:s29] =	ssyncset.done $0x0  }
0x7a: {  	s15 =	sadd.s32 $0x2880, s12;
	[sflag:s29] =	ssyncadd.s32 $0xFFFFF830  }
0x7b: {  	[spmem:s3] =	stream.indirect.scatter.add.f32 [tilespmem:s23], [sflag:$0xA], $0x10, s15, s20, $0xb8;
	[tilespmem:$0xDCA0] =	vst v63  }
0x7c: {  	_ =	swait.ge [sflag:s31], $0x7D0  }
0x7d: {  	[sflag:s31] =	ssyncset.done $0x0  }
0x7e: {  	s15 =	sadd.s32 $0x2900, s12;
	[sflag:s31] =	ssyncadd.s32 $0xFFFFF830  }
0x7f: {  	[spmem:s3] =	stream.indirect.scatter.add.f32 [tilespmem:s25], [sflag:$0xB], $0x10, s15, s20, $0xb8;
	[tilespmem:$0xDCA0] =	vst v63  }
0x80: {  	_ =	swait.ge [sflag:s0], $0x7D0  }
0x81: {  	[sflag:s0] =	ssyncset.done $0x0  }
0x82: {  	s15 =	sadd.s32 $0x2980, s12;
	[sflag:s0] =	ssyncadd.s32 $0xFFFFF830  }
0x83: {  	[spmem:s3] =	stream.indirect.scatter.add.f32 [tilespmem:s28], [sflag:$0xC], $0x10, s15, s20, $0xb8;
	[tilespmem:$0xDCA0] =	vst v63  }
0x84: {  	_ =	swait.ge [sflag:s22], $0x7D0  }
0x85: {  	[sflag:s22] =	ssyncset.done $0x0  }
0x86: {  	s15 =	sadd.s32 $0x2A00, s12;
	[sflag:s22] =	ssyncadd.s32 $0xFFFFF830  }
0x87: {  	[spmem:s3] =	stream.indirect.scatter.add.f32 [tilespmem:s30], [sflag:$0xD], $0x10, s15, s20, $0xb8;
	[tilespmem:$0xDCA0] =	vst v63  }
0x88: {  	_ =	swait.ge [sflag:s6], $0x7D0  }
0x89: {  	[sflag:s6] =	ssyncset.done $0x0  }
0x8a: {  	s15 =	sadd.s32 $0x2A80, s12;
	[sflag:s6] =	ssyncadd.s32 $0xFFFFF830  }
0x8b: {  	[spmem:s3] =	stream.indirect.scatter.add.f32 [tilespmem:s1], [sflag:$0xE], $0x10, s15, s20, $0xb8;
	[tilespmem:$0xDCA0] =	vst v63  }
0x8c: {  	_ =	swait.ge [sflag:s7], $0x7D0  }
0x8d: {  	[sflag:s7] =	ssyncset.done $0x0  }
0x8e: {  	s15 =	sadd.s32 $0x2B00, s12;
	[sflag:s7] =	ssyncadd.s32 $0xFFFFF830  }
0x8f: {  	[spmem:s3] =	stream.indirect.scatter.add.f32 [tilespmem:s14], [sflag:$0xF], $0x10, s15, s20, $0xb8;
	[tilespmem:$0xDCA0] =	vst v63  }
0x90: {  	_ =	swait.ge [sflag:s8], $0x7D0  }
0x91: {  	p0 =	seq.s32 s5, $0x9000;
	[sflag:s8] =	ssyncset.done $0x0  }
.Ltmp2:
0x92: {  	s15 =	sadd.s32 $0x2B80, s12;
	[sflag:s8] =	ssyncadd.s32 $0xFFFFF830;
	(pc) =	sbr.rel @p0 .LBB2_4-.Ltmp2, $4  }
0x93: {  	[spmem:s3] =	stream.indirect.scatter.add.f32 [tilespmem:s24], [sflag:$0x10], $0x10, s15, s20, $0xb8;
	[tilespmem:$0xDCA0] =	vst v63  }
0x94: {  	_ =	swait.ge [sflag:s9], $0x7D0  }
0x95: {  	[sflag:s9] =	ssyncset.done $0x0  }
0x96: {  	[sflag:s9] =	ssyncadd.s32 $0xFFFFF830  }
0x97: {  	s15 =	sadd.s32 $0x400, s12  }
0x98: {  	[tilespmem:s21], [sflag:$0x1] =	stream.indirect.gather [spmem:s2], $0x10, s15, s20, $0xb8;
	[tilespmem:$0xDCA0] =	vst v63  }
0x99: {  	_ =	swait.ge [sflag:s10], $0x7D0  }
0x9a: {  	[sflag:s10] =	ssyncset.done $0x0  }
0x9b: {  	s15 =	sadd.s32 $0x480, s12;
	[sflag:s10] =	ssyncadd.s32 $0xFFFFF830  }
0x9c: {  	[tilespmem:s23], [sflag:$0x2] =	stream.indirect.gather [spmem:s2], $0x10, s15, s20, $0xb8;
	[tilespmem:$0xDCA0] =	vst v63  }
0x9d: {  	_ =	swait.ge [sflag:s13], $0x7D0  }
0x9e: {  	[sflag:s13] =	ssyncset.done $0x0  }
0x9f: {  	s15 =	sadd.s32 $0x500, s12;
	[sflag:s13] =	ssyncadd.s32 $0xFFFFF830  }
0xa0: {  	[tilespmem:s25], [sflag:$0x3] =	stream.indirect.gather [spmem:s2], $0x10, s15, s20, $0xb8;
	[tilespmem:$0xDCA0] =	vst v63  }
0xa1: {  	_ =	swait.ge [sflag:s16], $0x7D0  }
0xa2: {  	[sflag:s16] =	ssyncset.done $0x0  }
0xa3: {  	s15 =	sadd.s32 $0x580, s12;
	[sflag:s16] =	ssyncadd.s32 $0xFFFFF830  }
0xa4: {  	[tilespmem:s28], [sflag:$0x4] =	stream.indirect.gather [spmem:s2], $0x10, s15, s20, $0xb8;
	[tilespmem:$0xDCA0] =	vst v63  }
0xa5: {  	_ =	swait.ge [sflag:s17], $0x7D0  }
0xa6: {  	[sflag:s17] =	ssyncset.done $0x0  }
0xa7: {  	s15 =	sadd.s32 $0x600, s12;
	[sflag:s17] =	ssyncadd.s32 $0xFFFFF830  }
0xa8: {  	[tilespmem:s30], [sflag:$0x5] =	stream.indirect.gather [spmem:s2], $0x10, s15, s20, $0xb8;
	[tilespmem:$0xDCA0] =	vst v63  }
0xa9: {  	_ =	swait.ge [sflag:s18], $0x7D0  }
0xaa: {  	[sflag:s18] =	ssyncset.done $0x0  }
0xab: {  	s15 =	sadd.s32 $0x680, s12;
	[sflag:s18] =	ssyncadd.s32 $0xFFFFF830  }
0xac: {  	[tilespmem:s1], [sflag:$0x6] =	stream.indirect.gather [spmem:s2], $0x10, s15, s20, $0xb8;
	[tilespmem:$0xDCA0] =	vst v63  }
0xad: {  	_ =	swait.ge [sflag:s19], $0x7D0  }
0xae: {  	[sflag:s19] =	ssyncset.done $0x0  }
0xaf: {  	s15 =	sadd.s32 $0x700, s12;
	[sflag:s19] =	ssyncadd.s32 $0xFFFFF830  }
0xb0: {  	[tilespmem:s14], [sflag:$0x7] =	stream.indirect.gather [spmem:s2], $0x10, s15, s20, $0xb8;
	[tilespmem:$0xDCA0] =	vst v63  }
.Ltmp3:
0xb1: {  	_ = 	snop;
	(pc) =	sbr.rel .LBB2_2-.Ltmp3, $4  }
0xb2: {  	_ =	swait.ge [sflag:s4], $0x7D0  }
0xb3: {  	[sflag:s4] =	ssyncset.done $0x0  }
0xb4: {  	s5 =	sadd.s32 $0x1000, s5;
	s15 =	sadd.s32 $0x780, s12;
	[sflag:s4] =	ssyncadd.s32 $0xFFFFF830  }
0xb5: {  	[tilespmem:s24], [sflag:$0x8] =	stream.indirect.gather [spmem:s2], $0x10, s15, s20, $0xb8;
	[tilespmem:$0xDCA0] =	vst v63  }
.LBB2_5:
0xb6: {  	_ =	sfence.sel $0x180000  }
0xb7: {  	[bflag:$0x0] =	sbarrier.arrive $0xFFFF  }
0xb8: {  	_ =	strace $0x9000004D  }
0xb9: {  	s0 =	stileid.u32;
	[bflag:$0x2] =	sbarrier.arrive $0xFFFF  }
0xba: {  	p0 =	sne.s32 s0, $0x0;
	s0 =	rddreg [dreg:$0x4]  }
0xbb: {  	s0 =	sadd.s32 @!p0 $0x100000, s0  }
0xbc: {  	[sflag:s0] =	ssyncadd.tile.s32 @!p0 $0x1;
	_ =	shalt  }
.Lfunc_end2:
_tile_overlayer_lowered:
.L_overlay_start_2:
0xbd: {  	(tag) =	ssettag $0x2  }
0xbe: {  	s0 =	rddreg [dreg:$0x0];
	s2 =	stileid.u32  }
0xbf: {  	s1 =	rddreg [dreg:$0x1];
	p0 =	sne.s32 s2, $0x0  }
0xc0: {  	s3 =	rddreg [dreg:$0x2];
	[bflag:$0x3] =	sbarrier.arrive $0xFFFF;
	s2 =	simm.s32 @!p0 $0x1C11  }
0xc1: {  	[timem:s3], [sflag:s2] =	dma.local @!p0 [hbm:s0], s1  }
0xc2: {  	s0 =	simm.s32 @!p0 $0x11  }
0xc3: {  	_ =	swait.ge @!p0 [sflag:s0], s1  }
0xc4: {  	s1 =	ssub.s32 @!p0 $0x0, s1;
	[sflag:s0] =	ssyncset.done @!p0 $0x0  }
0xc5: {  	[sflag:s0] =	ssyncadd.s32 @!p0 s1  }
0xc6: {  	[bflag:$0x3] =	sbarrier.arrive $0xFFFF  }
0xc7: {  	_ =	shalt  }

// kernel: kernel.8.cloned.1.call-start
scs
__scs_entry_jumppad:
0x0: {  	(pc) =	sbr.rel $0x88, $3  }
0x1: {  	(tag) =	ssettag $0x0;
	lr =	simm.s32 $0x1  }
0x2: {  	[smem:$0x3F9A] =	sst lr;
	_ =	strace $0xD0000000  }
0x3: {  	_ = 	snop  }
0x4: {  	_ = 	snop  }
0x5: {  	_ = 	snop  }
0x6: {  	_ = 	snop  }
0x7: {  	_ = 	snop  }
__scs_overlays_trampoline_lowered:
0x8: {  	[smem:$0x3FA9] =	sst s0  }
0x9: {  	[smem:$0x3FAA] =	sst s1  }
0xa: {  	[smem:$0x3FAB] =	sst s2  }
0xb: {  	[smem:$0x3FAC] =	sst s3  }
0xc: {  	[smem:$0x3FAD] =	sst s4  }
0xd: {  	[smem:$0x3FAE] =	sst s5  }
0xe: {  	[smem:$0x3FAF] =	sst s6  }
0xf: {  	[smem:$0x3FB0] =	sst s7  }
0x10: {  	[smem:$0x3FB1] =	sst s8  }
0x11: {  	[smem:$0x3FB2] =	sst s9;
	s0 =	simm.s32 @!p0 $0x0  }
0x12: {  	s1 =	sld [smem:$0x3F98];
	s0 =	simm.s32 @p0 $0x1  }
0x13: {  	[smem:$0x3FB3] =	sst s0;
	s0 =	simm.s32 @!p1 $0x0  }
0x14: {  	s2 =	sld [smem:$0x3F97];
	s0 =	simm.s32 @p1 $0x1  }
0x15: {  	[smem:$0x3FB4] =	sst s0;
	s0 =	simm.s32 @!p2 $0x0  }
0x16: {  	s3 =	sld [smem:$0x3FDB];
	s0 =	simm.s32 @p2 $0x1  }
0x17: {  	s4 =	simm.s32 $0x1BF5;
	[smem:$0x3FB6] =	sst s0  }
0x18: {  	s0 =	sld [smem:$0x3F99];
	_ =	swait.ge [sflag:s4], $0x0  }
0x19: {  	s7 =	sld [smem:$0x3F9A]  }
0x1a: {  	s8 =	sadd.s32 $0xFFFFE003, lr  }
0x1b: {  	s9 =	sadd.s32 $0xFFFFFEF7, lr;
	s5 =	simm.s32 $0xFFFFFFFF;
	p2 =	slt.u32 s8, $0xFFFFF086  }
0x1c: {  	p1 =	slt.u32 s9, $0xF7A;
	s5 =	simm.s32 @!p2 $0x0  }
0x1d: {  	s5 =	simm.s32 @p1 $0x1;
	p0 =	seq.s32 s7, s2  }
0x1e: {  	s7 =	smul.u32 @!p0 $0xF7A, s2;
	p2 =	seq.s32 @!p0 s5, $0x0  }
0x1f: {  	s9 =	smul.u32 $0xF7A, s1;
	s8 =	simm.s32 @!p0 $0x1BF5;
	p2 =	por !p2, p0  }
0x20: {  	[sflag:s8] =	ssyncset.s32 @!p0 $0xFFFFF086;
	s6 =	sadd.s32 @!p0 s3, s7;
	s7 =	simm.s32 @!p0 $0x108  }
0x21: {  	s3 =	sadd.s32 s3, s9;
	s6 =	sadd.s32 @!p0 $0x88, s6;
	s7 =	simm.s32 @p2 $0x1082  }
0x22: {  	[simem:s7], [sflag:s8] =	dma.local @!p0 [hbm:s6], $0xF7A  }
0x23: {  	s9 =	sor.u32 $0xD0000000, s2;
	s6 =	simm.s32 $0x108;
	_ =	swait.ge @!p0 [sflag:s8], $0x0  }
0x24: {  	s3 =	sadd.s32 $0x88, s3;
	s6 =	simm.s32 @!p1 $0x1082;
	[sflag:s4] =	ssyncset.s32 $0xFFFFF086  }
0x25: {  	[simem:s6], [sflag:s4] =	dma.local [hbm:s3], $0xF7A  }
0x26: {  	[smem:$0x3F9A] =	sst s1;
	(tag) =	ssettag s2;
	_ =	strace s9  }
0x27: {  	s1 =	sld [smem:$0x3FAA]  }
0x28: {  	s2 =	sld [smem:$0x3FAB]  }
0x29: {  	s4 =	sld [smem:$0x3FAD]  }
0x2a: {  	p0 =	seq.s32 s5, $0x0;
	s5 =	sld [smem:$0x3FAE]  }
0x2b: {  	s6 =	sld [smem:$0x3FAF]  }
0x2c: {  	s7 =	sld [smem:$0x3FB0]  }
0x2d: {  	s3 =	simm.s32 $0x108;
	s8 =	sld [smem:$0x3FB1]  }
0x2e: {  	s3 =	simm.s32 @!p0 $0x1082;
	s9 =	sld [smem:$0x3FB2]  }
0x2f: {  	lr =	sadd.s32 s0, s3;
	s0 =	sld [smem:$0x3FA9]  }
0x30: {  	s3 =	sld [smem:$0x3FAC]  }
0x31: {  	[smem:$0x3FB5] =	sst s10  }
0x32: {  	s10 =	sld [smem:$0x3FB3];
	_ =	sdelay $0x3  }
0x33: {  	p0 =	seq.s32 s10, $0x1;
	s10 =	sld [smem:$0x3FB5];
	_ =	sdelay $0x3  }
0x34: {  	[smem:$0x3FB5] =	sst s10  }
0x35: {  	s10 =	sld [smem:$0x3FB4];
	_ =	sdelay $0x3  }
0x36: {  	p1 =	seq.s32 s10, $0x1;
	s10 =	sld [smem:$0x3FB5];
	_ =	sdelay $0x3  }
0x37: {  	[smem:$0x3FB5] =	sst s10  }
0x38: {  	s10 =	sld [smem:$0x3FB6]  }
0x39: {  	_ = 	snop;
	(pc) =	sbr.ind lr, $3  }
0x3a: {  	_ = 	snop  }
0x3b: {  	_ = 	snop  }
0x3c: {  	p2 =	seq.s32 s10, $0x1;
	s10 =	sld [smem:$0x3FB5]  }
0x3d: {  	_ =	shalt  }
0x3e: {  	_ =	shalt  }
0x3f: {  	_ =	shalt  }
0x40: {  	_ =	shalt  }
0x41: {  	_ =	shalt  }
0x42: {  	_ =	shalt  }
0x43: {  	_ =	shalt  }
0x44: {  	_ =	shalt  }
0x45: {  	_ =	shalt  }
0x46: {  	_ =	shalt  }
0x47: {  	_ =	shalt  }
0x48: {  	_ =	shalt  }
0x49: {  	_ =	shalt  }
0x4a: {  	_ =	shalt  }
0x4b: {  	_ =	shalt  }
0x4c: {  	_ =	shalt  }
0x4d: {  	_ =	shalt  }
0x4e: {  	_ =	shalt  }
0x4f: {  	_ =	shalt  }
0x50: {  	_ =	shalt  }
0x51: {  	_ =	shalt  }
0x52: {  	_ =	shalt  }
0x53: {  	_ =	shalt  }
0x54: {  	_ =	shalt  }
0x55: {  	_ =	shalt  }
0x56: {  	_ =	shalt  }
0x57: {  	_ =	shalt  }
0x58: {  	_ =	shalt  }
0x59: {  	_ =	shalt  }
0x5a: {  	_ =	shalt  }
0x5b: {  	_ =	shalt  }
0x5c: {  	_ =	shalt  }
0x5d: {  	_ =	shalt  }
0x5e: {  	_ =	shalt  }
0x5f: {  	_ =	shalt  }
0x60: {  	_ =	shalt  }
0x61: {  	_ =	shalt  }
0x62: {  	_ =	shalt  }
0x63: {  	_ =	shalt  }
0x64: {  	_ =	shalt  }
0x65: {  	_ =	shalt  }
0x66: {  	_ =	shalt  }
0x67: {  	_ =	shalt  }
0x68: {  	_ =	shalt  }
0x69: {  	_ =	shalt  }
0x6a: {  	_ =	shalt  }
0x6b: {  	_ =	shalt  }
0x6c: {  	_ =	shalt  }
0x6d: {  	_ =	shalt  }
0x6e: {  	_ =	shalt  }
0x6f: {  	_ =	shalt  }
0x70: {  	_ =	shalt  }
0x71: {  	_ =	shalt  }
0x72: {  	_ =	shalt  }
0x73: {  	_ =	shalt  }
0x74: {  	_ =	shalt  }
0x75: {  	_ =	shalt  }
0x76: {  	_ =	shalt  }
0x77: {  	_ =	shalt  }
0x78: {  	_ =	shalt  }
0x79: {  	_ =	shalt  }
0x7a: {  	_ =	shalt  }
0x7b: {  	_ =	shalt  }
0x7c: {  	_ =	shalt  }
0x7d: {  	_ =	shalt  }
0x7e: {  	_ =	shalt  }
0x7f: {  	_ =	shalt  }
0x80: {  	_ =	shalt  }
0x81: {  	_ =	shalt  }
0x82: {  	_ =	shalt  }
0x83: {  	_ =	shalt  }
0x84: {  	_ =	shalt  }
0x85: {  	_ =	shalt  }
0x86: {  	_ =	shalt  }
0x87: {  	_ =	shalt  }
.Lfunc_end0:
.L_simem_size_0:
called_computation_lowered:
.L_overlay_start_0:
0x88: {  	s2 =	sld [smem:$0x3FD9]  }
0x89: {  	s3 =	sld [smem:$0x3FFE];
	_ =	sdelay $0x1  }
0x8a: {  	s1 =	srdreg.scid  }
0x8b: {  	s0 =	sand.u32 $0x1, s1  }
0x8c: {  	s17 =	sshll.u32 s0, $0xA;
	s2 =	sadd.s32 s3, s2  }
0x8d: {  	s2 =	sadd.s32 s2, s17  }
0x8e: {  	[smem:$0x3FC1] =	sst s2  }
0x8f: {  	_ = 	snop  }
0x90: {  	s2 =	sld [smem:$0x3FD0];
	(tm) =	ssettm $0x1  }
0x91: {  	s18 =	sld [smem:$0x3FFB];
	_ =	sdelay $0x3  }
0x92: {  	_ =	strace s18  }
0x93: {  	s3 =	sld [smem:$0x3FFC];
	_ =	sdelay $0x3  }
0x94: {  	_ =	strace s3  }
0x95: {  	s3 =	sld [smem:$0x3FFD];
	_ =	sdelay $0x3  }
0x96: {  	_ =	strace s3  }
0x97: {  	_ =	strace $0x8FFFFFFF  }
0x98: {  	s19 =	sld [smem:$0x3FDB];
	_ =	sdelay $0x1  }
0x99: {  	s4 =	simm.s32 $_scs_section_size  }
0x9a: {  	s5 =	simm.s32 $_size__tile_overlayer_lowered;
	s6 =	simm.s32 $_tile_overlayer_lowered  }
0x9b: {  	s22 =	simm.s32 $0x1BFF;
	s21 =	sshll.u32 s6, $0x1;
	s3 =	sadd.s32 s4, s19  }
0x9c: {  	s7 =	simm.s32 $0x0;
	s20 =	sshll.u32 s5, $0x1;
	s5 =	sadd.s32 s21, s3  }
0x9d: {  	[timem:s7], [sflag:s22] =	dma.local [hbm:s5], s20  }
0x9e: {  	_ =	swait.ge [sflag:s22], s20  }
0x9f: {  	s4 =	ssub.s32 $0x0, s20;
	[sflag:s22] =	ssyncset.done $0x0  }
0xa0: {  	[sflag:s22] =	ssyncadd.s32 s4;
	_ =	sdelay $0x1  }
0xa1: {  	s23 =	simm.s32 $0x1B8B  }
0xa2: {  	_ =	swait.ge [sflag:s23], $0x1  }
0xa3: {  	[sflag:s23] =	ssyncset.done $0x0  }
0xa4: {  	s25 =	simm.s32 $0x1B8E;
	s24 =	sld [smem:$0x3FFE];
	[sflag:s23] =	ssyncadd.s32 $0xFFFFFFFF  }
0xa5: {  	s26 =	simm.s32 $execute0_lowered;
	[smem:$0x3FD2] =	sst s25  }
0xa6: {  	s5 =	sshll.u32 s26, $0x1;
	_ =	strace $0x80000046;
	[dreg:$0x1] =	wrdreg $0xFFFFFFFF  }
0xa7: {  	s28 =	simm.s32 $_size_execute0_lowered;
	s3 =	sadd.s32 s3, s5;
	[dreg:$0x0] =	wrdreg $0x0  }
0xa8: {  	s5 =	sshll.u32 s28, $0x1;
	[dreg:$0x2] =	wrdreg s3  }
0xa9: {  	[dreg:$0x3] =	wrdreg s5  }
0xaa: {  	[dreg:$0x4] =	wrdreg $0xC0  }
0xab: {  	_ =	task [dreg:s7], $0x5FFFF  }
0xac: {  	[dreg:$0x1] =	wrdreg $0xFFFFFFFF  }
0xad: {  	[dreg:$0x0] =	wrdreg $0x60  }
0xae: {  	[dreg:$0x2] =	wrdreg s24  }
0xaf: {  	[dreg:$0x3] =	wrdreg s2  }
0xb0: {  	[dreg:$0x4] =	wrdreg $0x47400  }
0xb1: {  	[dreg:$0x5] =	wrdreg $0x9  }
0xb2: {  	_ =	task.clear_ibuf [dreg:s7], $0x6FFFF;
	_ =	strace $0x90000046  }
0xb3: {  	s29 =	simm.s32 $0x9;
	_ =	strace $0x80000048  }
0xb4: {  	_ =	swait.ge [sflag:s29], $0x1  }
0xb5: {  	[sflag:s29] =	ssyncadd.s32 $0xFFFFFFFF  }
0xb6: {  	_ =	strace $0x90000048  }
0xb7: {  	_ =	sfence  }
0xb8: {  	s30 =	sld [smem:$0x0];
	_ =	sdelay $0x2  }
0xb9: {  	s31 =	sshll.u32 s1, $0xD;
	s1 =	sshrl.u32 s1, $0x2  }
0xba: {  	s3 =	sand.u32 $0x4000, s31;
	s1 =	sadd.s32 s1, s30  }
0xbb: {  	s0 =	sor.u32 s3, s0;
	s1 =	sshll.u32 s1, $0x11  }
0xbc: {  	s0 =	sor.u32 s1, s0  }
0xbd: {  	s0 =	sadd.s32 $0x8F2B, s0  }
0xbe: {  	[sflag:s0] =	ssyncadd.remote.s32 $0x1  }
0xbf: {  	_ =	sfence.sel $0xFFFF  }
0xc0: {  	[dreg:$0x0] =	wrdreg $0xFFFFFFFF;
	(pc) =	sbr.abs _section_cstart, $3  }
0xc1: {  	[dreg:$0x1] =	wrdreg $0xFFFFFFFF  }
0xc2: {  	_ =	task.clear_ibuf [dreg:s7], $0x2FFFF;
	_ =	strace $0x9FFFFFFF  }
0xc3: {  	(tm) =	ssettm $0x7FFFFFFF  }
tec
execute0_lowered:
.L_overlay_start_1:
0x0: {  	(tag) =	ssettag $0x1  }
0x1: {  	s0 =	rddreg [dreg:$0x0]  }
0x2: {  	s1 =	rddreg [dreg:$0x1]  }
0x3: {  	s3 =	srdreg.scid;
	s17 =	stileid.u32  }
0x4: {  	s2 =	rddreg [dreg:$0x2];
	s22 =	simm.s32 $0x280;
	s23 =	simm.s32 $0x300  }
0x5: {  	s28 =	simm.s32 $0x3;
	s29 =	simm.s32 $0x4;
	s30 =	simm.s32 $0x5  }
0x6: {  	s31 =	simm.s32 $0x6;
	s18 =	simm.s32 $0x0;
	s6 =	sand.u32 $0x1, s3  }
0x7: {  	s4 =	sshll.u32 s17, $0x1;
	s3 =	simm.s32 $0x0;
	s7 =	smul.u32 $0x1388, s17  }
0x8: {  	s10 =	smul.u32 $0x4E20, s17;
	s26 =	sshll.u32 s17, $0x6;
	s17 =	simm.s32 $0x7D  }
0x9: {  	s4 =	sor.u32 s6, s4;
	[smem:$0x7FF] =	sst s3;
	s11 =	smul.u32 $0x13880, s6  }
0xa: {  	s9 =	ssub.s32 $0x2, s6;
	s5 =	smul.u32 $0x500, s4;
	_ =	strace $0x80000047  }
0xb: {  	s4 =	sadd.s32 $0xC200, s0;
	s24 =	sshrl.u32 s9, $0x1;
	s25 =	sshrl.u32 s10, $0x2  }
0xc: {  	s12 =	sadd.s32 s7, s2;
	s10 =	simm.s32 $0x9;
	s7 =	sadd.s32 s7, s11  }
0xd: {  	s11 =	sor.u32 $0x1C09, s26;
	s12 =	sshrl.u32 s12, $0x3;
	s26 =	simm.s32 $0x2  }
0xe: {  	s8 =	sadd.s32 s5, s0;
	s5 =	sadd.s32 $0xC000, s0;
	s0 =	ssub.s32 s9, s24  }
0xf: {  	s7 =	sshrl.u32 s7, $0x3;
	s9 =	simm.s32 $0x2800;
	s24 =	simm.s32 $0x380  }
0x10: {  	s6 =	sadd.s32 $0x2000, s8;
	s8 =	sadd.s32 s25, s2;
	s7 =	sadd.s32 s1, s7  }
0x11: {  	s25 =	simm.s32 $0x1;
	s1 =	simm.s32 $0x7;
	s13 =	sadd.s32 $0x400, s8  }
0x12: {  	s14 =	sadd.s32 $0x800, s8;
	s15 =	sadd.s32 $0xC00, s8;
	s16 =	sadd.s32 $0x1000, s8  }
0x13: {  	s8 =	smax.u32 s0, $0x1;
	s0 =	simm.s32 $0x8;
	s13 =	sshrl.u32 s13, $0x3  }
0x14: {  	s14 =	sshrl.u32 s14, $0x3;
	s15 =	sshrl.u32 s15, $0x3;
	s16 =	sshrl.u32 s16, $0x3  }
.LBB2_1:
0x15: {  	[tilespmem:s9], [sflag:$0x9] =	stream.linear.gather [hbm4b:s4+s3], $0x3E8, $0x38;
	[tilespmem:$0x5AC8] =	vst v63  }
0x16: {  	_ =	swait.ge [sflag:s10], $0x3E8  }
0x17: {  	[sflag:s10] =	ssyncset.done $0x0  }
0x18: {  	[sflag:s10] =	ssyncadd.s32 $0xFFFFFC18  }
0x19: {  	[tilespmem:s3], [sflag:$0x9] =	stream.linear.gather [hbm4b:s6+s3], $0x2800, $0x38;
	[tilespmem:$0x5AC8] =	vst v63  }
0x1a: {  	_ =	swait.ge [sflag:s10], $0x2800  }
0x1b: {  	[sflag:s10] =	ssyncset.done $0x0  }
0x1c: {  	[sflag:s10] =	ssyncadd.s32 $0xFFFFD800  }
0x1d: {  	[spmem:s12], [sflag:s11] =	dma.local [hbm:s5], $0x80  }
0x1e: {  	_ =	swait.ge [sflag:s10], $0x80  }
0x1f: {  	[sflag:s10] =	ssyncset.done $0x0  }
0x20: {  	[sflag:s10] =	ssyncadd.s32 $0xFFFFFF80  }
0x21: {  	[spmem:s13], [sflag:s11] =	dma.local [hbm:s5], $0x80  }
0x22: {  	_ =	swait.ge [sflag:s10], $0x80  }
0x23: {  	[sflag:s10] =	ssyncset.done $0x0  }
0x24: {  	[sflag:s10] =	ssyncadd.s32 $0xFFFFFF80  }
0x25: {  	[spmem:s14], [sflag:s11] =	dma.local [hbm:s5], $0x80  }
0x26: {  	_ =	swait.ge [sflag:s10], $0x80  }
0x27: {  	[sflag:s10] =	ssyncset.done $0x0  }
0x28: {  	[sflag:s10] =	ssyncadd.s32 $0xFFFFFF80  }
0x29: {  	[spmem:s15], [sflag:s11] =	dma.local [hbm:s5], $0x80  }
0x2a: {  	_ =	swait.ge [sflag:s10], $0x80  }
0x2b: {  	[sflag:s10] =	ssyncset.done $0x0  }
0x2c: {  	[sflag:s10] =	ssyncadd.s32 $0xFFFFFF80  }
0x2d: {  	[spmem:s16], [sflag:s11] =	dma.local [hbm:s5], $0x71  }
0x2e: {  	_ =	swait.ge [sflag:s10], $0x71  }
0x2f: {  	[sflag:s10] =	ssyncset.done $0x0  }
0x30: {  	[sflag:s10] =	ssyncadd.s32 $0xFFFFFF8F  }
0x31: {  	[bflag:$0x0] =	sbarrier.arrive $0xFFFF  }
0x32: {  	[spmem:s2] =	stream.indirect.scatter.add.f32 [tilespmem:s9], [sflag:$0x1], $0x8, s3, s17, $0xb8;
	[tilespmem:$0x5AC8] =	vst v63  }
0x33: {  	s19 =	simm.s32 $0x80  }
0x34: {  	[spmem:s2] =	stream.indirect.scatter.add.f32 [tilespmem:s9], [sflag:$0x2], $0x8, s19, s17, $0xb8;
	[tilespmem:$0x5AC8] =	vst v63  }
0x35: {  	s20 =	simm.s32 $0x100  }
0x36: {  	[spmem:s2] =	stream.indirect.scatter.add.f32 [tilespmem:s9], [sflag:$0x3], $0x8, s20, s17, $0xb8;
	[tilespmem:$0x5AC8] =	vst v63  }
0x37: {  	s21 =	simm.s32 $0x180  }
0x38: {  	[spmem:s2] =	stream.indirect.scatter.add.f32 [tilespmem:s9], [sflag:$0x4], $0x8, s21, s17, $0xb8;
	[tilespmem:$0x5AC8] =	vst v63  }
0x39: {  	s20 =	simm.s32 $0x200  }
0x3a: {  	[spmem:s2] =	stream.indirect.scatter.add.f32 [tilespmem:s9], [sflag:$0x5], $0x8, s20, s17, $0xb8;
	[tilespmem:$0x5AC8] =	vst v63  }
0x3b: {  	_ = 	snop  }
0x3c: {  	[spmem:s2] =	stream.indirect.scatter.add.f32 [tilespmem:s9], [sflag:$0x6], $0x8, s22, s17, $0xb8;
	[tilespmem:$0x5AC8] =	vst v63  }
0x3d: {  	_ = 	snop  }
0x3e: {  	[spmem:s2] =	stream.indirect.scatter.add.f32 [tilespmem:s9], [sflag:$0x7], $0x8, s23, s17, $0xb8;
	[tilespmem:$0x5AC8] =	vst v63  }
0x3f: {  	_ = 	snop  }
0x40: {  	[spmem:s2] =	stream.indirect.scatter.add.f32 [tilespmem:s9], [sflag:$0x8], $0x8, s24, s17, $0xb8;
	[tilespmem:$0x5AC8] =	vst v63  }
0x41: {  	_ =	swait.ge [sflag:s25], $0x3E8  }
0x42: {  	[sflag:s25] =	ssyncset.done $0x0  }
0x43: {  	s21 =	simm.s32 $0x400;
	[sflag:s25] =	ssyncadd.s32 $0xFFFFFC18  }
0x44: {  	[spmem:s2] =	stream.indirect.scatter.add.f32 [tilespmem:s9], [sflag:$0x1], $0x8, s21, s17, $0xb8;
	[tilespmem:$0x5AC8] =	vst v63  }
0x45: {  	_ =	swait.ge [sflag:s26], $0x3E8  }
0x46: {  	[sflag:s26] =	ssyncset.done $0x0  }
0x47: {  	s20 =	simm.s32 $0x480;
	[sflag:s26] =	ssyncadd.s32 $0xFFFFFC18  }
0x48: {  	[spmem:s2] =	stream.indirect.scatter.add.f32 [tilespmem:s9], [sflag:$0x2], $0x8, s20, s17, $0xb8;
	[tilespmem:$0x5AC8] =	vst v63  }
0x49: {  	_ =	swait.ge [sflag:s28], $0x3E8  }
0x4a: {  	[sflag:s28] =	ssyncset.done $0x0  }
0x4b: {  	s21 =	simm.s32 $0x500;
	[sflag:s28] =	ssyncadd.s32 $0xFFFFFC18  }
0x4c: {  	[spmem:s2] =	stream.indirect.scatter.add.f32 [tilespmem:s9], [sflag:$0x3], $0x8, s21, s17, $0xb8;
	[tilespmem:$0x5AC8] =	vst v63  }
0x4d: {  	_ =	swait.ge [sflag:s29], $0x3E8  }
0x4e: {  	[sflag:s29] =	ssyncset.done $0x0  }
0x4f: {  	s20 =	simm.s32 $0x580;
	[sflag:s29] =	ssyncadd.s32 $0xFFFFFC18  }
0x50: {  	[spmem:s2] =	stream.indirect.scatter.add.f32 [tilespmem:s9], [sflag:$0x4], $0x8, s20, s17, $0xb8;
	[tilespmem:$0x5AC8] =	vst v63  }
0x51: {  	_ =	swait.ge [sflag:s30], $0x3E8  }
0x52: {  	[sflag:s30] =	ssyncset.done $0x0  }
0x53: {  	s21 =	simm.s32 $0x600;
	[sflag:s30] =	ssyncadd.s32 $0xFFFFFC18  }
0x54: {  	[spmem:s2] =	stream.indirect.scatter.add.f32 [tilespmem:s9], [sflag:$0x5], $0x8, s21, s17, $0xb8;
	[tilespmem:$0x5AC8] =	vst v63  }
0x55: {  	_ =	swait.ge [sflag:s31], $0x3E8  }
0x56: {  	[sflag:s31] =	ssyncset.done $0x0  }
0x57: {  	s20 =	simm.s32 $0x680;
	[sflag:s31] =	ssyncadd.s32 $0xFFFFFC18  }
0x58: {  	[spmem:s2] =	stream.indirect.scatter.add.f32 [tilespmem:s9], [sflag:$0x6], $0x8, s20, s17, $0xb8;
	[tilespmem:$0x5AC8] =	vst v63  }
0x59: {  	_ =	swait.ge [sflag:s1], $0x3E8  }
0x5a: {  	[sflag:s1] =	ssyncset.done $0x0  }
0x5b: {  	s21 =	simm.s32 $0x700;
	[sflag:s1] =	ssyncadd.s32 $0xFFFFFC18  }
0x5c: {  	[spmem:s2] =	stream.indirect.scatter.add.f32 [tilespmem:s9], [sflag:$0x7], $0x8, s21, s17, $0xb8;
	[tilespmem:$0x5AC8] =	vst v63  }
0x5d: {  	_ =	swait.ge [sflag:s0], $0x3E8  }
0x5e: {  	[sflag:s0] =	ssyncset.done $0x0  }
0x5f: {  	s19 =	simm.s32 $0x1000;
	s20 =	simm.s32 $0x780;
	[sflag:s0] =	ssyncadd.s32 $0xFFFFFC18  }
.LBB2_2:
0x60: {  	[spmem:s2] =	stream.indirect.scatter.add.f32 [tilespmem:s9], [sflag:$0x8], $0x8, s20, s17, $0xb8;
	[tilespmem:$0x5AC8] =	vst v63  }
0x61: {  	s20 =	smov.u32 s19  }
0x62: {  	p0 =	sne.s32 s19, $0x8000;
	s19 =	sadd.s32 $0x1000, s19;
	_ =	swait.ge [sflag:s25], $0x3E8  }
0x63: {  	s20 =	sshra.s32 s20, $0x2;
	[sflag:s25] =	ssyncset.done $0x0  }
0x64: {  	s21 =	sadd.s32 $0x400, s20;
	[sflag:s25] =	ssyncadd.s32 $0xFFFFFC18  }
0x65: {  	[spmem:s2] =	stream.indirect.scatter.add.f32 [tilespmem:s9], [sflag:$0x1], $0x8, s21, s17, $0xb8;
	[tilespmem:$0x5AC8] =	vst v63  }
0x66: {  	_ =	swait.ge [sflag:s26], $0x3E8  }
0x67: {  	[sflag:s26] =	ssyncset.done $0x0  }
0x68: {  	s21 =	sadd.s32 $0x480, s20;
	[sflag:s26] =	ssyncadd.s32 $0xFFFFFC18  }
0x69: {  	[spmem:s2] =	stream.indirect.scatter.add.f32 [tilespmem:s9], [sflag:$0x2], $0x8, s21, s17, $0xb8;
	[tilespmem:$0x5AC8] =	vst v63  }
0x6a: {  	_ =	swait.ge [sflag:s28], $0x3E8  }
0x6b: {  	[sflag:s28] =	ssyncset.done $0x0  }
0x6c: {  	s21 =	sadd.s32 $0x500, s20;
	[sflag:s28] =	ssyncadd.s32 $0xFFFFFC18  }
0x6d: {  	[spmem:s2] =	stream.indirect.scatter.add.f32 [tilespmem:s9], [sflag:$0x3], $0x8, s21, s17, $0xb8;
	[tilespmem:$0x5AC8] =	vst v63  }
0x6e: {  	_ =	swait.ge [sflag:s29], $0x3E8  }
0x6f: {  	[sflag:s29] =	ssyncset.done $0x0  }
0x70: {  	s21 =	sadd.s32 $0x580, s20;
	[sflag:s29] =	ssyncadd.s32 $0xFFFFFC18  }
0x71: {  	[spmem:s2] =	stream.indirect.scatter.add.f32 [tilespmem:s9], [sflag:$0x4], $0x8, s21, s17, $0xb8;
	[tilespmem:$0x5AC8] =	vst v63  }
0x72: {  	_ =	swait.ge [sflag:s30], $0x3E8  }
0x73: {  	[sflag:s30] =	ssyncset.done $0x0  }
0x74: {  	s21 =	sadd.s32 $0x600, s20;
	[sflag:s30] =	ssyncadd.s32 $0xFFFFFC18  }
0x75: {  	[spmem:s2] =	stream.indirect.scatter.add.f32 [tilespmem:s9], [sflag:$0x5], $0x8, s21, s17, $0xb8;
	[tilespmem:$0x5AC8] =	vst v63  }
0x76: {  	_ =	swait.ge [sflag:s31], $0x3E8  }
0x77: {  	[sflag:s31] =	ssyncset.done $0x0  }
0x78: {  	s21 =	sadd.s32 $0x680, s20;
	[sflag:s31] =	ssyncadd.s32 $0xFFFFFC18  }
0x79: {  	[spmem:s2] =	stream.indirect.scatter.add.f32 [tilespmem:s9], [sflag:$0x6], $0x8, s21, s17, $0xb8;
	[tilespmem:$0x5AC8] =	vst v63  }
0x7a: {  	_ =	swait.ge [sflag:s1], $0x3E8  }
0x7b: {  	[sflag:s1] =	ssyncset.done $0x0  }
.Ltmp0:
0x7c: {  	s21 =	sadd.s32 $0x700, s20;
	[sflag:s1] =	ssyncadd.s32 $0xFFFFFC18;
	(pc) =	sbr.rel @p0 .LBB2_2-.Ltmp0, $4  }
0x7d: {  	[spmem:s2] =	stream.indirect.scatter.add.f32 [tilespmem:s9], [sflag:$0x7], $0x8, s21, s17, $0xb8;
	[tilespmem:$0x5AC8] =	vst v63  }
0x7e: {  	_ =	swait.ge [sflag:s0], $0x3E8  }
0x7f: {  	[sflag:s0] =	ssyncset.done $0x0  }
0x80: {  	s20 =	sadd.s32 $0x780, s20;
	[sflag:s0] =	ssyncadd.s32 $0xFFFFFC18  }
0x81: {  	[spmem:s2] =	stream.indirect.scatter.add.f32 [tilespmem:s9], [sflag:$0x8], $0x8, s20, s17, $0xb8;
	[tilespmem:$0x5AC8] =	vst v63  }
0x82: {  	_ =	swait.ge [sflag:s25], $0x3E8  }
0x83: {  	[sflag:s25] =	ssyncset.done $0x0  }
0x84: {  	[sflag:s25] =	ssyncadd.s32 $0xFFFFFC18  }
0x85: {  	_ =	swait.ge [sflag:s26], $0x3E8  }
0x86: {  	[sflag:s26] =	ssyncset.done $0x0  }
0x87: {  	[sflag:s26] =	ssyncadd.s32 $0xFFFFFC18  }
0x88: {  	_ =	swait.ge [sflag:s28], $0x3E8  }
0x89: {  	[sflag:s28] =	ssyncset.done $0x0  }
0x8a: {  	[sflag:s28] =	ssyncadd.s32 $0xFFFFFC18  }
0x8b: {  	_ =	swait.ge [sflag:s29], $0x3E8  }
0x8c: {  	[sflag:s29] =	ssyncset.done $0x0  }
0x8d: {  	[sflag:s29] =	ssyncadd.s32 $0xFFFFFC18  }
0x8e: {  	_ =	swait.ge [sflag:s30], $0x3E8  }
0x8f: {  	[sflag:s30] =	ssyncset.done $0x0  }
0x90: {  	[sflag:s30] =	ssyncadd.s32 $0xFFFFFC18  }
0x91: {  	_ =	swait.ge [sflag:s31], $0x3E8  }
0x92: {  	[sflag:s31] =	ssyncset.done $0x0  }
0x93: {  	[sflag:s31] =	ssyncadd.s32 $0xFFFFFC18  }
0x94: {  	_ =	swait.ge [sflag:s1], $0x3E8  }
0x95: {  	[sflag:s1] =	ssyncset.done $0x0  }
0x96: {  	[sflag:s1] =	ssyncadd.s32 $0xFFFFFC18  }
0x97: {  	_ =	swait.ge [sflag:s0], $0x3E8  }
0x98: {  	s18 =	sadd.s32 $0x1, s18;
	[sflag:s0] =	ssyncset.done $0x0  }
0x99: {  	p0 =	sne.s32 s18, s8;
	[sflag:s0] =	ssyncadd.s32 $0xFFFFFC18  }
.Ltmp1:
0x9a: {  	[bflag:$0x0] =	sbarrier.arrive $0xFFFF;
	(pc) =	sbr.rel @p0 .LBB2_1-.Ltmp1, $4  }
0x9b: {  	[hbm:s7], [sflag:s11] =	dma.local [spmem:s12], $0x271  }
0x9c: {  	_ =	swait.ge [sflag:s10], $0x271  }
0x9d: {  	[sflag:s10] =	ssyncset.done $0x0  }
0x9e: {  	[sflag:s10] =	ssyncadd.s32 $0xFFFFFD8F  }
0x9f: {  	_ =	sfence.sel $0x180000  }
0xa0: {  	[bflag:$0x0] =	sbarrier.arrive $0xFFFF  }
0xa1: {  	_ =	strace $0x90000047  }
0xa2: {  	s0 =	stileid.u32;
	[bflag:$0x2] =	sbarrier.arrive $0xFFFF  }
0xa3: {  	p0 =	sne.s32 s0, $0x0;
	s0 =	rddreg [dreg:$0x3]  }
0xa4: {  	s0 =	sadd.s32 @!p0 $0x100000, s0  }
0xa5: {  	[sflag:s0] =	ssyncadd.tile.s32 @!p0 $0x1;
	_ =	shalt  }
.Lfunc_end2:
_tile_overlayer_lowered:
.L_overlay_start_2:
0xa6: {  	(tag) =	ssettag $0x2  }
0xa7: {  	s0 =	rddreg [dreg:$0x0];
	s2 =	stileid.u32  }
0xa8: {  	s1 =	rddreg [dreg:$0x1];
	p0 =	sne.s32 s2, $0x0  }
0xa9: {  	s3 =	rddreg [dreg:$0x2];
	[bflag:$0x3] =	sbarrier.arrive $0xFFFF;
	s2 =	simm.s32 @!p0 $0x1C09  }
0xaa: {  	[timem:s3], [sflag:s2] =	dma.local @!p0 [hbm:s0], s1  }
0xab: {  	s0 =	simm.s32 @!p0 $0x9  }
0xac: {  	_ =	swait.ge @!p0 [sflag:s0], s1  }
0xad: {  	s1 =	ssub.s32 @!p0 $0x0, s1;
	[sflag:s0] =	ssyncset.done @!p0 $0x0  }
0xae: {  	[sflag:s0] =	ssyncadd.s32 @!p0 s1  }
0xaf: {  	[bflag:$0x3] =	sbarrier.arrive $0xFFFF  }
0xb0: {  	_ =	shalt  }

</sc_bundles>
